<compile_context>
chip_gen: v7x
topology: tpu7x:2x2x1
jax: 0.10.2.dev20260603
libtpu: 0.0.44.dev20260713+nightly
codegen_flags: <defaults>
</compile_context>

<pallas_src>
import jax
import jax.numpy as jnp
from jax import lax
from jax.experimental import pallas as pl
from jax.experimental.pallas import tpu as pltpu
from jax.experimental.pallas import tpu_sc as plsc

N = 16
P = 65536
F_DIM = 32
HIDDEN = 64
C_DIM = 32
RESO = 16
S = RESO ** 3
PADDING = 0.02
NPTS = N * P
SH = S // 128

NBG = P // 128
NSPLIT = 2
HALF = NBG // NSPLIT
GC = 64


def _mlp_body(pts_ref, feat_ref, fc0w_ref, fc0b_ref, fc1w_ref, fc1b_ref,
              scw_ref, ht_ref, idx2_ref, idxout_ref):
    hi = lax.Precision.HIGHEST
    featT = feat_ref[...].transpose(1, 0, 2).reshape(F_DIM, N * 128)
    relu_f = jnp.maximum(featT, 0.0)
    netT = lax.dot_general(fc0w_ref[...], relu_f, (((1,), (0,)), ((), ())),
                           precision=hi, preferred_element_type=jnp.float32)
    netT = netT + fc0b_ref[...].reshape(F_DIM, 1)
    relu_n = jnp.maximum(netT, 0.0)
    dxT = lax.dot_general(fc1w_ref[...], relu_n, (((1,), (0,)), ((), ())),
                          precision=hi, preferred_element_type=jnp.float32)
    dxT = dxT + fc1b_ref[...].reshape(HIDDEN, 1)
    xsT = lax.dot_general(scw_ref[...], featT, (((1,), (0,)), ((), ())),
                          precision=hi, preferred_element_type=jnp.float32)
    ht = xsT + dxT
    ht_ref[...] = (ht.reshape(8, 8, N, 128).transpose(0, 2, 1, 3)
                   .reshape(8, 1, N, 8, 128))

    pts = pts_ref[...]
    coord = (pts - 0.5) / (1.0 + PADDING) + 0.5
    coord = jnp.clip(coord, 0.0, 1.0 - 1e-6)
    i3 = jnp.clip(jnp.floor(coord * RESO).astype(jnp.int32), 0, RESO - 1)
    idx = (i3[0:1] + RESO * i3[1:2] + (RESO * RESO) * i3[2:3])
    idx2_ref[...] = idx.reshape(1, N, 128)
    idxout_ref[...] = idx.reshape(N, 1, 128)


def _mlp_stage(pts3, feat3, fc0_w, fc0_b, fc1_w, fc1_b, sc_w, off):
    return pl.pallas_call(
        _mlp_body,
        grid=(HALF,),
        in_specs=[
            pl.BlockSpec((3, N, 128), lambda g: (0, 0, g + off)),
            pl.BlockSpec((N, F_DIM, 128), lambda g: (0, 0, g + off)),
            pl.BlockSpec((F_DIM, F_DIM), lambda g: (0, 0)),
            pl.BlockSpec((1, F_DIM), lambda g: (0, 0)),
            pl.BlockSpec((HIDDEN, F_DIM), lambda g: (0, 0)),
            pl.BlockSpec((1, HIDDEN), lambda g: (0, 0)),
            pl.BlockSpec((HIDDEN, F_DIM), lambda g: (0, 0)),
        ],
        out_specs=[
            pl.BlockSpec((8, 1, N, 8, 128), lambda g: (0, g, 0, 0, 0)),
            pl.BlockSpec((1, N, 128), lambda g: (g, 0, 0)),
            pl.BlockSpec((N, 1, 128), lambda g: (0, 0, g)),
        ],
        out_shape=[
            jax.ShapeDtypeStruct((8, HALF, N, 8, 128), jnp.float32),
            jax.ShapeDtypeStruct((HALF, N, 128), jnp.int32),
            jax.ShapeDtypeStruct((N, 1, HALF * 128), jnp.int32),
        ],
        compiler_params=pltpu.CompilerParams(
            dimension_semantics=("arbitrary",)),
    )(pts3, feat3, fc0_w, fc0_b.reshape(1, F_DIM), fc1_w,
      fc1_b.reshape(1, HIDDEN), sc_w)


BANKS = 8
BS = BANKS * S


CH = HALF // GC
NCH = N * CH


def _scatter_max_body(ht_hbm, idx_hbm, out_hbm, acc0, acc1, idxbuf, vbuf,
                      outbuf0, outbuf1, sem):
    cid = lax.axis_index("c")
    sid = lax.axis_index("s")
    wid = sid * 2 + cid
    dh = wid // 4
    dl0 = (wid % 4) * 2
    neg = jnp.full((16,), -jnp.inf, dtype=jnp.float32)
    lane = lax.iota(jnp.int32, 16)
    bankoff = jnp.minimum(lane, 15 - lane) * S

    def _slices(t):
        par = t % 2
        tn = t // CH
        g0 = (t % CH) * GC
        return (par, idx_hbm.at[pl.ds(g0, GC), tn, :],
                ht_hbm.at[dh, pl.ds(g0, GC), tn, pl.ds(dl0, 2), :])

    def issue(t):
        par, isrc, vsrc = _slices(t)
        pltpu.async_copy(isrc, idxbuf.at[par], sem.at[par])
        pltpu.async_copy(vsrc, vbuf.at[par], sem.at[par])

    def wait(t):
        par, isrc, vsrc = _slices(t)
        pltpu.make_async_copy(isrc, idxbuf.at[par], sem.at[par]).wait()
        pltpu.make_async_copy(vsrc, vbuf.at[par], sem.at[par]).wait()
        return par

    issue(0)

    def batch_body(n, _):
        def init_body(j, _):
            for k in range(8):
                sl = pl.ds(j * 128 + k * 16, 16)
                acc0[sl] = neg
                acc1[sl] = neg
            return 0
        lax.fori_loop(0, BS // 128, init_body, 0)

        def chunk_body(cc, _):
            t = n * CH + cc

            @pl.when(t + 1 < NCH)
            def _():
                issue(t + 1)

            par = wait(t)

            def ph_body(ph, _):
                for j in range(8):
                    sl = pl.ds(j * 16, 16)
                    idxv = idxbuf[par, ph, sl]
                    v0 = vbuf[par, ph, 0, sl]
                    v1 = vbuf[par, ph, 1, sl]
                    eq = jnp.flip(idxv) == idxv
                    v0 = jnp.where(eq, jnp.maximum(v0, jnp.flip(v0)), v0)
                    v1 = jnp.where(eq, jnp.maximum(v1, jnp.flip(v1)), v1)
                    addr = idxv + bankoff
                    c0 = plsc.load_gather(acc0, [addr])
                    c1 = plsc.load_gather(acc1, [addr])
                    plsc.store_scatter(acc0, [addr], jnp.maximum(c0, v0))
                    plsc.store_scatter(acc1, [addr], jnp.maximum(c1, v1))
                return 0

            lax.fori_loop(0, GC, ph_body, 0)
            return 0

        lax.fori_loop(0, CH, chunk_body, 0)

        def red_body(sh, _):
            for j in range(8):
                pos = sh * 128 + j * 16
                m0 = acc0[pl.ds(pos, 16)]
                m1 = acc1[pl.ds(pos, 16)]
                for b in range(1, BANKS):
                    m0 = jnp.maximum(m0, acc0[pl.ds(b * S + pos, 16)])
                    m1 = jnp.maximum(m1, acc1[pl.ds(b * S + pos, 16)])
                outbuf0[sh, pl.ds(j * 16, 16)] = m0
                outbuf1[sh, pl.ds(j * 16, 16)] = m1
            return 0
        lax.fori_loop(0, SH, red_body, 0)
        pltpu.sync_copy(outbuf0, out_hbm.at[n, dh, :, dl0, :])
        pltpu.sync_copy(outbuf1, out_hbm.at[n, dh, :, dl0 + 1, :])
        return 0

    lax.fori_loop(0, N, batch_body, 0)


def _scatter_max_stage(ht5, idx3):
    mesh = plsc.VectorSubcoreMesh(core_axis_name="c", subcore_axis_name="s")
    f = pl.kernel(
        _scatter_max_body,
        out_type=jax.ShapeDtypeStruct((N, 8, SH, 8, 128), jnp.float32),
        mesh=mesh,
        scratch_types=[
            pltpu.VMEM((BS,), jnp.float32),
            pltpu.VMEM((BS,), jnp.float32),
            pltpu.VMEM((2, GC, 128), jnp.int32),
            pltpu.VMEM((2, GC, 2, 128), jnp.float32),
            pltpu.VMEM((SH, 128), jnp.float32),
            pltpu.VMEM((SH, 128), jnp.float32),
            pltpu.SemaphoreType.DMA((2,)),
        ],
        compiler_params=pltpu.CompilerParams(needs_layout_passes=False),
    )
    return f(ht5, idx3)


def _conv_body(pa_ref, pb_ref, convw_ref, convb_ref, out_ref):
    blk = jnp.maximum(pa_ref[...], pb_ref[...])
    p = blk.reshape(8, SH, 8, 128).transpose(0, 2, 1, 3).reshape(HIDDEN, S)
    p = jnp.where(p == -jnp.inf, 0.0, p)
    g = lax.dot_general(convw_ref[...], p, (((1,), (0,)), ((), ())),
                        precision=lax.Precision.HIGHEST,
                        preferred_element_type=jnp.float32)
    g = g + convb_ref[...].reshape(C_DIM, 1)
    out_ref[...] = g.reshape(1, C_DIM, S)


def _conv_stage(pooled_parts, conv_w, conv_b):
    pspec = pl.BlockSpec((1, 8, SH, 8, 128), lambda n: (n, 0, 0, 0, 0))
    return pl.pallas_call(
        _conv_body,
        grid=(N,),
        in_specs=[
            pspec, pspec,
            pl.BlockSpec((C_DIM, HIDDEN), lambda n: (0, 0)),
            pl.BlockSpec((1, C_DIM), lambda n: (0, 0)),
        ],
        out_specs=pl.BlockSpec((1, C_DIM, S), lambda n: (n, 0, 0)),
        out_shape=jax.ShapeDtypeStruct((N, C_DIM, S), jnp.float32),
        compiler_params=pltpu.CompilerParams(
            dimension_semantics=("arbitrary",)),
    )(*pooled_parts, conv_w, conv_b.reshape(1, C_DIM))


def kernel(normalized_points, feature, fc0_w, fc0_b, fc1_w, fc1_b, sc_w,
           conv_w, conv_b):
    pts3 = jnp.transpose(normalized_points, (2, 0, 1))
    feat3 = jnp.transpose(feature, (0, 2, 1))
    pooled_parts, ios = [], []
    for q in range(NSPLIT):
        ht_q, idx_q, io_q = _mlp_stage(pts3, feat3, fc0_w, fc0_b, fc1_w,
                                       fc1_b, sc_w, q * HALF)
        pooled_parts.append(_scatter_max_stage(ht_q, idx_q))
        ios.append(io_q)
    grid = _conv_stage(pooled_parts, conv_w, conv_b)
    index_out = jnp.concatenate(ios, axis=2)
    return (index_out, grid.reshape(N, C_DIM, RESO, RESO, RESO))

# --- scband reference (transcript-rebuilt; emitter-appended) ---
"""Pipeline reference for scband-local-pool-base-encoder-32057635897380 (READ-ONLY COPY).

The authoritative reference and input builder live on the scoring server;
editing this copy changes nothing except your own understanding.
"""

import jax, jax.numpy as jnp
import numpy as np

N = 16
P = 65536
F_DIM = 32
HIDDEN = 64
C_DIM = 32
RESO = 16
PADDING = 0.02
SIZE_H = min(F_DIM, HIDDEN)


def setup_inputs(seed: int = 0) -> dict:
    key = jax.random.key(seed)
    ks = jax.random.split(key, 9)
    normalized_points = jax.random.uniform(ks[0], (N, P, 3), dtype=jnp.float32)
    feature = jax.random.normal(ks[1], (N, P, F_DIM), dtype=jnp.float32)
    fc0_w = jax.random.normal(ks[2], (SIZE_H, F_DIM), dtype=jnp.float32) * 0.1
    fc0_b = jnp.zeros((SIZE_H,), dtype=jnp.float32)
    fc1_w = jax.random.normal(ks[3], (HIDDEN, SIZE_H), dtype=jnp.float32) * 0.1
    fc1_b = jnp.zeros((HIDDEN,), dtype=jnp.float32)
    sc_w = jax.random.normal(ks[4], (HIDDEN, F_DIM), dtype=jnp.float32) * 0.1
    conv_w = jax.random.normal(ks[5], (C_DIM, HIDDEN), dtype=jnp.float32) * 0.1
    conv_b = jnp.zeros((C_DIM,), dtype=jnp.float32)
    return {
        'normalized_points': normalized_points,
        'feature': feature,
        'fc0_w': fc0_w, 'fc0_b': fc0_b,
        'fc1_w': fc1_w, 'fc1_b': fc1_b,
        'sc_w': sc_w,
        'conv_w': conv_w, 'conv_b': conv_b,
    }


def _compute_index(normalized_points):
    # pad_and_crop_coordinate3d: shrink toward center by (1+padding), clamp to [0, 1)
    coord = (normalized_points - 0.5) / (1.0 + PADDING) + 0.5
    coord = jnp.clip(coord, 0.0, 1.0 - 1e-6)
    coord = jax.lax.stop_gradient(coord)
    # coordinate3d_to_index
    idx3 = jnp.clip(jnp.floor(coord * RESO).astype(jnp.int32), 0, RESO - 1)
    index = idx3[..., 0] + RESO * (idx3[..., 1] + RESO * idx3[..., 2])  # [N, P]
    return index


def reference(normalized_points, feature, fc0_w, fc0_b, fc1_w, fc1_b, sc_w, conv_w, conv_b):
    index = _compute_index(normalized_points)  # [N, P]
    # ResnetBlockFC(f_dim -> hidden_dim), size_h = min(f_dim, hidden_dim)
    x_s = feature @ sc_w.T                                # shortcut (no bias)
    net = jnp.maximum(feature, 0.0) @ fc0_w.T + fc0_b
    dx = jnp.maximum(net, 0.0) @ fc1_w.T + fc1_b
    h = x_s + dx                                          # [N, P, HIDDEN]
    S = RESO ** 3
    # scatter_max over points into S voxel bins, per batch element
    pooled = jax.vmap(
        lambda hh, ii: jax.ops.segment_max(hh, ii, num_segments=S)
    )(h, index)                                           # [N, S, HIDDEN]
    # torch_scatter.scatter_max leaves empty bins at 0
    pooled = jnp.where(jnp.isneginf(pooled), 0.0, pooled)
    pooled = jnp.transpose(pooled, (0, 2, 1))             # [N, HIDDEN, S]
    # Conv3d 1x1x1 == per-voxel linear
    grid = jnp.einsum('oh,nhs->nos', conv_w, pooled) + conv_b[None, :, None]
    grid = grid.reshape(N, C_DIM, RESO, RESO, RESO)
    return (index[:, None, :], grid)

if __name__ == "__main__":
    import jax
    _d = setup_inputs()
    print(jax.jit(kernel)(*tuple(_d.values())))

</pallas_src>

<mosaic_0001>
#map = affine_map<(d0, d1) -> (0, 0, 0, 0, 0)>
#map1 = affine_map<(d0, d1) -> (0, 0, 0)>
module attributes {stable_mosaic.version = 14 : i64} {
  func.func @_scatter_max_body(%arg0: i32, %arg1: i32, %arg2: memref<8x256x16x8x128xf32, #tpu.memory_space<hbm>>, %arg3: memref<256x16x128xi32, #tpu.memory_space<hbm>>, %arg4: memref<16x8x32x8x128xf32, #tpu.memory_space<hbm>>, %arg5: memref<32768xf32, #tpu.memory_space<vmem>>, %arg6: memref<32768xf32, #tpu.memory_space<vmem>>, %arg7: memref<2x64x128xi32, #tpu.memory_space<vmem>>, %arg8: memref<2x64x2x128xf32, #tpu.memory_space<vmem>>, %arg9: memref<32x128xf32, #tpu.memory_space<vmem>>, %arg10: memref<32x128xf32, #tpu.memory_space<vmem>>, %arg11: memref<2x!tpu.dma_semaphore, #tpu.memory_space<semaphore_mem>>) attributes {dimension_semantics = [#tpu.dimension_semantics<core_parallel>, #tpu.dimension_semantics<subcore_parallel>], iteration_bounds = array<i64: 2, 16>, scalar_prefetch = 0 : i64, scratch_operands = 7 : i64, tpu.core_type = #tpu.core_type<sc_vector_subcore>, window_params = [{transform_indices = #map}, {transform_indices = #map1}, {transform_indices = #map}]} {
    %mul3A = arith.constant 2 : i32
    %mul3A_0 = arith.muli %arg1, %mul3A : i32
    %add3A = arith.addi %mul3A_0, %arg0 : i32
    %jit3A = arith.constant 4 : i32
    %div3A = arith.divsi %add3A, %jit3A : i32
    %sign3A = arith.constant 0 : i32
    %sign3A_1 = arith.cmpi sgt, %add3A, %sign3A : i32
    %sign3A_2 = arith.extui %sign3A_1 : i1 to i32
    %sign3A_3 = arith.constant 0 : i32
    %sign3A_4 = arith.cmpi slt, %add3A, %sign3A_3 : i32
    %sign3A_5 = arith.extui %sign3A_4 : i1 to i32
    %sign3A_6 = arith.subi %sign3A_2, %sign3A_5 : i32
    %sign3A_7 = arith.constant 0 : i32
    %sign3A_8 = arith.cmpi sgt, %jit3A, %sign3A_7 : i32
    %sign3A_9 = arith.extui %sign3A_8 : i1 to i32
    %sign3A_10 = arith.constant 0 : i32
    %sign3A_11 = arith.cmpi slt, %jit3A, %sign3A_10 : i32
    %sign3A_12 = arith.extui %sign3A_11 : i1 to i32
    %sign3A_13 = arith.subi %sign3A_9, %sign3A_12 : i32
    %ne3A = arith.cmpi ne, %sign3A_6, %sign3A_13 : i32
    %rem3A = arith.remsi %add3A, %jit3A : i32
    %ne3A_14 = arith.constant 0 : i32
    %ne3A_15 = arith.cmpi ne, %rem3A, %ne3A_14 : i32
    %and3A = arith.andi %ne3A, %ne3A_15 : i1
    %sub3A = arith.constant 1 : i32
    %sub3A_16 = arith.subi %div3A, %sub3A : i32
    %select_n3A = arith.select %and3A, %sub3A_16, %div3A : i32
    %jit3A_17 = arith.constant 4 : i32
    %eq3A = arith.constant 0 : i32
    %eq3A_18 = arith.cmpi eq, %jit3A_17, %eq3A : i32
    %jit3A_19 = arith.constant 1 : i32
    %select_n3A_20 = arith.select %eq3A_18, %jit3A_19, %jit3A_17 : i32
    %rem3A_21 = arith.remsi %add3A, %select_n3A_20 : i32
    %ne3A_22 = arith.constant 0 : i32
    %ne3A_23 = arith.cmpi ne, %rem3A_21, %ne3A_22 : i32
    %lt3A = arith.constant 0 : i32
    %lt3A_24 = arith.cmpi slt, %rem3A_21, %lt3A : i32
    %lt3A_25 = arith.constant 0 : i32
    %lt3A_26 = arith.cmpi slt, %select_n3A_20, %lt3A_25 : i32
    %ne3A_27 = arith.xori %lt3A_24, %lt3A_26 : i1
    %and3A_28 = arith.andi %ne3A_27, %ne3A_23 : i1
    %add3A_29 = arith.addi %rem3A_21, %select_n3A_20 : i32
    %select_n3A_30 = arith.select %and3A_28, %add3A_29, %rem3A_21 : i32
    %mul3A_31 = arith.constant 2 : i32
    %mul3A_32 = arith.muli %select_n3A_30, %mul3A_31 : i32
    %broadcast_in_dim3A = arith.constant 0xFF800000 : f32
    %broadcast_in_dim3A_33 = vector.broadcast %broadcast_in_dim3A : f32 to vector<16xf32>
    %iota3A = tpu.iota {dimensions = array<i32: 0>} : vector<16xi32>
    %sub3A_34 = arith.constant 15 : i32
    %sub3A_35 = vector.broadcast %sub3A_34 : i32 to vector<16xi32>
    %sub3A_36 = arith.subi %sub3A_35, %iota3A : vector<16xi32>
    %min3A = arith.minsi %iota3A, %sub3A_36 : vector<16xi32>
    %mul3A_37 = arith.constant 4096 : i32
    %mul3A_38 = vector.broadcast %mul3A_37 : i32 to vector<16xi32>
    %mul3A_39 = arith.muli %min3A, %mul3A_38 : vector<16xi32>
    %dma_start3A = arith.constant 0 : i32
    %dma_start3A_40 = arith.constant 0 : i32
    %dma_start3A_41 = arith.constant 0 : i32
    %dma_start3A_42 = arith.constant 0 : i32
    %dma_start3A_43 = arith.constant 0 : i32
    %dma_start3A_44 = tpu.memref_slice %arg7[%dma_start3A_40, %dma_start3A_42, %dma_start3A_43] : memref<2x64x128xi32, #tpu.memory_space<vmem>> -> memref<1x64x128xi32, #tpu.memory_space<vmem>>
    %dma_start3A_45 = tpu.memref_squeeze %dma_start3A_44 : memref<1x64x128xi32, #tpu.memory_space<vmem>> -> memref<64x128xi32, #tpu.memory_space<vmem>>
    %dma_start3A_46 = arith.constant 0 : i32
    %dma_start3A_47 = arith.constant 0 : i32
    %dma_start3A_48 = tpu.memref_slice %arg3[%dma_start3A_46, %dma_start3A, %dma_start3A_47] : memref<256x16x128xi32, #tpu.memory_space<hbm>> -> memref<64x1x128xi32, #tpu.memory_space<hbm>>
    %dma_start3A_49 = tpu.memref_squeeze %dma_start3A_48 : memref<64x1x128xi32, #tpu.memory_space<hbm>> -> memref<64x128xi32, #tpu.memory_space<hbm>>
    %dma_start3A_50 = tpu.memref_slice %arg11[%dma_start3A_41] : memref<2x!tpu.dma_semaphore, #tpu.memory_space<semaphore_mem>> -> memref<1x!tpu.dma_semaphore, #tpu.memory_space<semaphore_mem>>
    %dma_start3A_51 = tpu.memref_squeeze %dma_start3A_50 : memref<1x!tpu.dma_semaphore, #tpu.memory_space<semaphore_mem>> -> memref<!tpu.dma_semaphore, #tpu.memory_space<semaphore_mem>>
    %dma_start3A_52 = arith.constant 0 : i32
    %dma_start3A_53 = arith.constant 0 : i32
    %dma_start3A_54 = tpu.memref_slice %arg7[%dma_start3A_40, %dma_start3A_52, %dma_start3A_53] : memref<2x64x128xi32, #tpu.memory_space<vmem>> -> memref<1x64x128xi32, #tpu.memory_space<vmem>>
    %dma_start3A_55 = tpu.memref_squeeze %dma_start3A_54 : memref<1x64x128xi32, #tpu.memory_space<vmem>> -> memref<64x128xi32, #tpu.memory_space<vmem>>
    %dma_start3A_56 = arith.constant 0 : i32
    %dma_start3A_57 = arith.constant 0 : i32
    %dma_start3A_58 = tpu.memref_slice %arg3[%dma_start3A_56, %dma_start3A, %dma_start3A_57] : memref<256x16x128xi32, #tpu.memory_space<hbm>> -> memref<64x1x128xi32, #tpu.memory_space<hbm>>
    %dma_start3A_59 = tpu.memref_squeeze %dma_start3A_58 : memref<64x1x128xi32, #tpu.memory_space<hbm>> -> memref<64x128xi32, #tpu.memory_space<hbm>>
    tpu.enqueue_dma source(%dma_start3A_59 : memref<64x128xi32, #tpu.memory_space<hbm>>) target(%dma_start3A_55 : memref<64x128xi32, #tpu.memory_space<vmem>>) target_semaphore(%dma_start3A_51 : memref<!tpu.dma_semaphore, #tpu.memory_space<semaphore_mem>>)
    %dma_start3A_60 = arith.constant 0 : i32
    %dma_start3A_61 = arith.constant 0 : i32
    %dma_start3A_62 = arith.constant 0 : i32
    %dma_start3A_63 = arith.constant 0 : i32
    %dma_start3A_64 = arith.constant 0 : i32
    %dma_start3A_65 = arith.constant 0 : i32
    %dma_start3A_66 = tpu.memref_slice %arg8[%dma_start3A_61, %dma_start3A_63, %dma_start3A_64, %dma_start3A_65] : memref<2x64x2x128xf32, #tpu.memory_space<vmem>> -> memref<1x64x2x128xf32, #tpu.memory_space<vmem>>
    %dma_start3A_67 = tpu.memref_squeeze %dma_start3A_66 : memref<1x64x2x128xf32, #tpu.memory_space<vmem>> -> memref<64x2x128xf32, #tpu.memory_space<vmem>>
    %dma_start3A_68 = arith.constant 0 : i32
    %dma_start3A_69 = arith.constant 0 : i32
    %dma_start3A_70 = tpu.memref_slice %arg2[%select_n3A, %dma_start3A_68, %dma_start3A_60, %mul3A_32, %dma_start3A_69] : memref<8x256x16x8x128xf32, #tpu.memory_space<hbm>> -> memref<1x64x1x2x128xf32, #tpu.memory_space<hbm>>
    %dma_start3A_71 = tpu.memref_squeeze %dma_start3A_70 : memref<1x64x1x2x128xf32, #tpu.memory_space<hbm>> -> memref<64x2x128xf32, #tpu.memory_space<hbm>>
    %dma_start3A_72 = tpu.memref_slice %arg11[%dma_start3A_62] : memref<2x!tpu.dma_semaphore, #tpu.memory_space<semaphore_mem>> -> memref<1x!tpu.dma_semaphore, #tpu.memory_space<semaphore_mem>>
    %dma_start3A_73 = tpu.memref_squeeze %dma_start3A_72 : memref<1x!tpu.dma_semaphore, #tpu.memory_space<semaphore_mem>> -> memref<!tpu.dma_semaphore, #tpu.memory_space<semaphore_mem>>
    %dma_start3A_74 = arith.constant 0 : i32
    %dma_start3A_75 = arith.constant 0 : i32
    %dma_start3A_76 = arith.constant 0 : i32
    %dma_start3A_77 = tpu.memref_slice %arg8[%dma_start3A_61, %dma_start3A_74, %dma_start3A_75, %dma_start3A_76] : memref<2x64x2x128xf32, #tpu.memory_space<vmem>> -> memref<1x64x2x128xf32, #tpu.memory_space<vmem>>
    %dma_start3A_78 = tpu.memref_squeeze %dma_start3A_77 : memref<1x64x2x128xf32, #tpu.memory_space<vmem>> -> memref<64x2x128xf32, #tpu.memory_space<vmem>>
    %dma_start3A_79 = arith.constant 0 : i32
    %dma_start3A_80 = arith.constant 0 : i32
    %dma_start3A_81 = tpu.memref_slice %arg2[%select_n3A, %dma_start3A_79, %dma_start3A_60, %mul3A_32, %dma_start3A_80] : memref<8x256x16x8x128xf32, #tpu.memory_space<hbm>> -> memref<1x64x1x2x128xf32, #tpu.memory_space<hbm>>
    %dma_start3A_82 = tpu.memref_squeeze %dma_start3A_81 : memref<1x64x1x2x128xf32, #tpu.memory_space<hbm>> -> memref<64x2x128xf32, #tpu.memory_space<hbm>>
    tpu.enqueue_dma source(%dma_start3A_82 : memref<64x2x128xf32, #tpu.memory_space<hbm>>) target(%dma_start3A_78 : memref<64x2x128xf32, #tpu.memory_space<vmem>>) target_semaphore(%dma_start3A_73 : memref<!tpu.dma_semaphore, #tpu.memory_space<semaphore_mem>>)
    %scan3A = arith.constant 0 : i32
    %scan3A_83 = arith.constant 0 : i32
    %scan3A_84 = arith.constant 16 : i32
    %scan3A_85 = arith.addi %scan3A_83, %scan3A_84 : i32
    %scan3A_86 = arith.constant 1 : i32
    %scan3A_87 = scf.for %scan3A_89 = %scan3A_83 to %scan3A_85 step %scan3A_86 iter_args(%scan3A_90 = %scan3A) -> (i32)  : i32 {
      %scan3A_91 = arith.constant 0 : i32
      %scan3A_92 = arith.constant 0 : i32
      %scan3A_93 = arith.constant 256 : i32
      %scan3A_94 = arith.addi %scan3A_92, %scan3A_93 : i32
      %scan3A_95 = arith.constant 1 : i32
      %scan3A_96 = scf.for %scan3A_115 = %scan3A_92 to %scan3A_94 step %scan3A_95 iter_args(%scan3A_116 = %scan3A_91) -> (i32)  : i32 {
        %mul3A_117 = arith.constant 128 : i32
        %mul3A_118 = arith.muli %scan3A_115, %mul3A_117 : i32
        %add3A_119 = arith.constant 0 : i32
        %add3A_120 = arith.addi %mul3A_118, %add3A_119 : i32
        %swap3A = arith.index_cast %add3A_120 : i32 to index
        %swap3A_121 = tpu.vector_load %arg5[%swap3A] {strides = array<i32>} : memref<32768xf32, #tpu.memory_space<vmem>>, vector<16xf32>,
        tpu.vector_store %arg5[%swap3A], %broadcast_in_dim3A_33 {strides = array<i32>} : memref<32768xf32, #tpu.memory_space<vmem>>, vector<16xf32>,
        %swap3A_122 = arith.index_cast %add3A_120 : i32 to index
        %swap3A_123 = tpu.vector_load %arg6[%swap3A_122] {strides = array<i32>} : memref<32768xf32, #tpu.memory_space<vmem>>, vector<16xf32>,
        tpu.vector_store %arg6[%swap3A_122], %broadcast_in_dim3A_33 {strides = array<i32>} : memref<32768xf32, #tpu.memory_space<vmem>>, vector<16xf32>,
        %mul3A_124 = arith.constant 128 : i32
        %mul3A_125 = arith.muli %scan3A_115, %mul3A_124 : i32
        %add3A_126 = arith.constant 16 : i32
        %add3A_127 = arith.addi %mul3A_125, %add3A_126 : i32
        %swap3A_128 = arith.index_cast %add3A_127 : i32 to index
        %swap3A_129 = tpu.vector_load %arg5[%swap3A_128] {strides = array<i32>} : memref<32768xf32, #tpu.memory_space<vmem>>, vector<16xf32>,
        tpu.vector_store %arg5[%swap3A_128], %broadcast_in_dim3A_33 {strides = array<i32>} : memref<32768xf32, #tpu.memory_space<vmem>>, vector<16xf32>,
        %swap3A_130 = arith.index_cast %add3A_127 : i32 to index
        %swap3A_131 = tpu.vector_load %arg6[%swap3A_130] {strides = array<i32>} : memref<32768xf32, #tpu.memory_space<vmem>>, vector<16xf32>,
        tpu.vector_store %arg6[%swap3A_130], %broadcast_in_dim3A_33 {strides = array<i32>} : memref<32768xf32, #tpu.memory_space<vmem>>, vector<16xf32>,
        %mul3A_132 = arith.constant 128 : i32
        %mul3A_133 = arith.muli %scan3A_115, %mul3A_132 : i32
        %add3A_134 = arith.constant 32 : i32
        %add3A_135 = arith.addi %mul3A_133, %add3A_134 : i32
        %swap3A_136 = arith.index_cast %add3A_135 : i32 to index
        %swap3A_137 = tpu.vector_load %arg5[%swap3A_136] {strides = array<i32>} : memref<32768xf32, #tpu.memory_space<vmem>>, vector<16xf32>,
        tpu.vector_store %arg5[%swap3A_136], %broadcast_in_dim3A_33 {strides = array<i32>} : memref<32768xf32, #tpu.memory_space<vmem>>, vector<16xf32>,
        %swap3A_138 = arith.index_cast %add3A_135 : i32 to index
        %swap3A_139 = tpu.vector_load %arg6[%swap3A_138] {strides = array<i32>} : memref<32768xf32, #tpu.memory_space<vmem>>, vector<16xf32>,
        tpu.vector_store %arg6[%swap3A_138], %broadcast_in_dim3A_33 {strides = array<i32>} : memref<32768xf32, #tpu.memory_space<vmem>>, vector<16xf32>,
        %mul3A_140 = arith.constant 128 : i32
        %mul3A_141 = arith.muli %scan3A_115, %mul3A_140 : i32
        %add3A_142 = arith.constant 48 : i32
        %add3A_143 = arith.addi %mul3A_141, %add3A_142 : i32
        %swap3A_144 = arith.index_cast %add3A_143 : i32 to index
        %swap3A_145 = tpu.vector_load %arg5[%swap3A_144] {strides = array<i32>} : memref<32768xf32, #tpu.memory_space<vmem>>, vector<16xf32>,
        tpu.vector_store %arg5[%swap3A_144], %broadcast_in_dim3A_33 {strides = array<i32>} : memref<32768xf32, #tpu.memory_space<vmem>>, vector<16xf32>,
        %swap3A_146 = arith.index_cast %add3A_143 : i32 to index
        %swap3A_147 = tpu.vector_load %arg6[%swap3A_146] {strides = array<i32>} : memref<32768xf32, #tpu.memory_space<vmem>>, vector<16xf32>,
        tpu.vector_store %arg6[%swap3A_146], %broadcast_in_dim3A_33 {strides = array<i32>} : memref<32768xf32, #tpu.memory_space<vmem>>, vector<16xf32>,
        %mul3A_148 = arith.constant 128 : i32
        %mul3A_149 = arith.muli %scan3A_115, %mul3A_148 : i32
        %add3A_150 = arith.constant 64 : i32
        %add3A_151 = arith.addi %mul3A_149, %add3A_150 : i32
        %swap3A_152 = arith.index_cast %add3A_151 : i32 to index
        %swap3A_153 = tpu.vector_load %arg5[%swap3A_152] {strides = array<i32>} : memref<32768xf32, #tpu.memory_space<vmem>>, vector<16xf32>,
        tpu.vector_store %arg5[%swap3A_152], %broadcast_in_dim3A_33 {strides = array<i32>} : memref<32768xf32, #tpu.memory_space<vmem>>, vector<16xf32>,
        %swap3A_154 = arith.index_cast %add3A_151 : i32 to index
        %swap3A_155 = tpu.vector_load %arg6[%swap3A_154] {strides = array<i32>} : memref<32768xf32, #tpu.memory_space<vmem>>, vector<16xf32>,
        tpu.vector_store %arg6[%swap3A_154], %broadcast_in_dim3A_33 {strides = array<i32>} : memref<32768xf32, #tpu.memory_space<vmem>>, vector<16xf32>,
        %mul3A_156 = arith.constant 128 : i32
        %mul3A_157 = arith.muli %scan3A_115, %mul3A_156 : i32
        %add3A_158 = arith.constant 80 : i32
        %add3A_159 = arith.addi %mul3A_157, %add3A_158 : i32
        %swap3A_160 = arith.index_cast %add3A_159 : i32 to index
        %swap3A_161 = tpu.vector_load %arg5[%swap3A_160] {strides = array<i32>} : memref<32768xf32, #tpu.memory_space<vmem>>, vector<16xf32>,
        tpu.vector_store %arg5[%swap3A_160], %broadcast_in_dim3A_33 {strides = array<i32>} : memref<32768xf32, #tpu.memory_space<vmem>>, vector<16xf32>,
        %swap3A_162 = arith.index_cast %add3A_159 : i32 to index
        %swap3A_163 = tpu.vector_load %arg6[%swap3A_162] {strides = array<i32>} : memref<32768xf32, #tpu.memory_space<vmem>>, vector<16xf32>,
        tpu.vector_store %arg6[%swap3A_162], %broadcast_in_dim3A_33 {strides = array<i32>} : memref<32768xf32, #tpu.memory_space<vmem>>, vector<16xf32>,
        %mul3A_164 = arith.constant 128 : i32
        %mul3A_165 = arith.muli %scan3A_115, %mul3A_164 : i32
        %add3A_166 = arith.constant 96 : i32
        %add3A_167 = arith.addi %mul3A_165, %add3A_166 : i32
        %swap3A_168 = arith.index_cast %add3A_167 : i32 to index
        %swap3A_169 = tpu.vector_load %arg5[%swap3A_168] {strides = array<i32>} : memref<32768xf32, #tpu.memory_space<vmem>>, vector<16xf32>,
        tpu.vector_store %arg5[%swap3A_168], %broadcast_in_dim3A_33 {strides = array<i32>} : memref<32768xf32, #tpu.memory_space<vmem>>, vector<16xf32>,
        %swap3A_170 = arith.index_cast %add3A_167 : i32 to index
        %swap3A_171 = tpu.vector_load %arg6[%swap3A_170] {strides = array<i32>} : memref<32768xf32, #tpu.memory_space<vmem>>, vector<16xf32>,
        tpu.vector_store %arg6[%swap3A_170], %broadcast_in_dim3A_33 {strides = array<i32>} : memref<32768xf32, #tpu.memory_space<vmem>>, vector<16xf32>,
        %mul3A_172 = arith.constant 128 : i32
        %mul3A_173 = arith.muli %scan3A_115, %mul3A_172 : i32
        %add3A_174 = arith.constant 112 : i32
        %add3A_175 = arith.addi %mul3A_173, %add3A_174 : i32
        %swap3A_176 = arith.index_cast %add3A_175 : i32 to index
        %swap3A_177 = tpu.vector_load %arg5[%swap3A_176] {strides = array<i32>} : memref<32768xf32, #tpu.memory_space<vmem>>, vector<16xf32>,
        tpu.vector_store %arg5[%swap3A_176], %broadcast_in_dim3A_33 {strides = array<i32>} : memref<32768xf32, #tpu.memory_space<vmem>>, vector<16xf32>,
        %swap3A_178 = arith.index_cast %add3A_175 : i32 to index
        %swap3A_179 = tpu.vector_load %arg6[%swap3A_178] {strides = array<i32>} : memref<32768xf32, #tpu.memory_space<vmem>>, vector<16xf32>,
        tpu.vector_store %arg6[%swap3A_178], %broadcast_in_dim3A_33 {strides = array<i32>} : memref<32768xf32, #tpu.memory_space<vmem>>, vector<16xf32>,
        %scan3A_180 = arith.constant 0 : i32
        scf.yield %scan3A_180 : i32
      }
      %scan3A_97 = arith.constant 256 : i32
      %scan3A_98 = arith.constant 0 : i32
      %scan3A_99 = arith.constant 0 : i32
      %scan3A_100 = arith.constant 4 : i32
      %scan3A_101 = arith.addi %scan3A_99, %scan3A_100 : i32
      %scan3A_102 = arith.constant 1 : i32
      %scan3A_103 = scf.for %scan3A_115 = %scan3A_99 to %scan3A_101 step %scan3A_102 iter_args(%scan3A_116 = %scan3A_98) -> (i32)  : i32 {
        %mul3A_117 = arith.constant 4 : i32
        %mul3A_118 = arith.muli %scan3A_89, %mul3A_117 : i32
        %add3A_119 = arith.addi %mul3A_118, %scan3A_115 : i32
        %add3A_120 = arith.constant 1 : i32
        %add3A_121 = arith.addi %add3A_119, %add3A_120 : i32
        %lt3A_122 = arith.constant 64 : i32
        %lt3A_123 = arith.cmpi slt, %add3A_121, %lt3A_122 : i32
        %convert_element_type3A = arith.extui %lt3A_123 : i1 to i32
        %cond3A = arith.constant 0 : i32
        %cond3A_124 = arith.cmpi ne, %convert_element_type3A, %cond3A : i32
        scf.if %cond3A_124 {
          %add3A_224 = arith.constant 1 : i32
          %add3A_225 = arith.addi %add3A_119, %add3A_224 : i32
          %jit3A_226 = arith.constant 2 : i32
          %eq3A_227 = arith.constant 0 : i32
          %eq3A_228 = arith.cmpi eq, %jit3A_226, %eq3A_227 : i32
          %jit3A_229 = arith.constant 1 : i32
          %select_n3A_230 = arith.select %eq3A_228, %jit3A_229, %jit3A_226 : i32
          %rem3A_231 = arith.remsi %add3A_225, %select_n3A_230 : i32
          %ne3A_232 = arith.constant 0 : i32
          %ne3A_233 = arith.cmpi ne, %rem3A_231, %ne3A_232 : i32
          %lt3A_234 = arith.constant 0 : i32
          %lt3A_235 = arith.cmpi slt, %rem3A_231, %lt3A_234 : i32
          %lt3A_236 = arith.constant 0 : i32
          %lt3A_237 = arith.cmpi slt, %select_n3A_230, %lt3A_236 : i32
          %ne3A_238 = arith.xori %lt3A_235, %lt3A_237 : i1
          %and3A_239 = arith.andi %ne3A_238, %ne3A_233 : i1
          %add3A_240 = arith.addi %rem3A_231, %select_n3A_230 : i32
          %select_n3A_241 = arith.select %and3A_239, %add3A_240, %rem3A_231 : i32
          %jit3A_242 = arith.constant 4 : i32
          %div3A_243 = arith.divsi %add3A_225, %jit3A_242 : i32
          %sign3A_244 = arith.constant 0 : i32
          %sign3A_245 = arith.cmpi sgt, %add3A_225, %sign3A_244 : i32
          %sign3A_246 = arith.extui %sign3A_245 : i1 to i32
          %sign3A_247 = arith.constant 0 : i32
          %sign3A_248 = arith.cmpi slt, %add3A_225, %sign3A_247 : i32
          %sign3A_249 = arith.extui %sign3A_248 : i1 to i32
          %sign3A_250 = arith.subi %sign3A_246, %sign3A_249 : i32
          %sign3A_251 = arith.constant 0 : i32
          %sign3A_252 = arith.cmpi sgt, %jit3A_242, %sign3A_251 : i32
          %sign3A_253 = arith.extui %sign3A_252 : i1 to i32
          %sign3A_254 = arith.constant 0 : i32
          %sign3A_255 = arith.cmpi slt, %jit3A_242, %sign3A_254 : i32
          %sign3A_256 = arith.extui %sign3A_255 : i1 to i32
          %sign3A_257 = arith.subi %sign3A_253, %sign3A_256 : i32
          %ne3A_258 = arith.cmpi ne, %sign3A_250, %sign3A_257 : i32
          %rem3A_259 = arith.remsi %add3A_225, %jit3A_242 : i32
          %ne3A_260 = arith.constant 0 : i32
          %ne3A_261 = arith.cmpi ne, %rem3A_259, %ne3A_260 : i32
          %and3A_262 = arith.andi %ne3A_258, %ne3A_261 : i1
          %sub3A_263 = arith.constant 1 : i32
          %sub3A_264 = arith.subi %div3A_243, %sub3A_263 : i32
          %select_n3A_265 = arith.select %and3A_262, %sub3A_264, %div3A_243 : i32
          %jit3A_266 = arith.constant 4 : i32
          %eq3A_267 = arith.constant 0 : i32
          %eq3A_268 = arith.cmpi eq, %jit3A_266, %eq3A_267 : i32
          %jit3A_269 = arith.constant 1 : i32
          %select_n3A_270 = arith.select %eq3A_268, %jit3A_269, %jit3A_266 : i32
          %rem3A_271 = arith.remsi %add3A_225, %select_n3A_270 : i32
          %ne3A_272 = arith.constant 0 : i32
          %ne3A_273 = arith.cmpi ne, %rem3A_271, %ne3A_272 : i32
          %lt3A_274 = arith.constant 0 : i32
          %lt3A_275 = arith.cmpi slt, %rem3A_271, %lt3A_274 : i32
          %lt3A_276 = arith.constant 0 : i32
          %lt3A_277 = arith.cmpi slt, %select_n3A_270, %lt3A_276 : i32
          %ne3A_278 = arith.xori %lt3A_275, %lt3A_277 : i1
          %and3A_279 = arith.andi %ne3A_278, %ne3A_273 : i1
          %add3A_280 = arith.addi %rem3A_271, %select_n3A_270 : i32
          %select_n3A_281 = arith.select %and3A_279, %add3A_280, %rem3A_271 : i32
          %mul3A_282 = arith.constant 64 : i32
          %mul3A_283 = arith.muli %select_n3A_281, %mul3A_282 : i32
          %dma_start3A_284 = arith.constant 0 : i32
          %dma_start3A_285 = arith.constant 0 : i32
          %dma_start3A_286 = tpu.memref_slice %arg7[%select_n3A_241, %dma_start3A_284, %dma_start3A_285] : memref<2x64x128xi32, #tpu.memory_space<vmem>> -> memref<1x64x128xi32, #tpu.memory_space<vmem>>
          %dma_start3A_287 = tpu.memref_squeeze %dma_start3A_286 : memref<1x64x128xi32, #tpu.memory_space<vmem>> -> memref<64x128xi32, #tpu.memory_space<vmem>>
          %dma_start3A_288 = arith.constant 0 : i32
          %dma_start3A_289 = tpu.memref_slice %arg3[%mul3A_283, %select_n3A_265, %dma_start3A_288] : memref<256x16x128xi32, #tpu.memory_space<hbm>> -> memref<64x1x128xi32, #tpu.memory_space<hbm>>
          %dma_start3A_290 = tpu.memref_squeeze %dma_start3A_289 : memref<64x1x128xi32, #tpu.memory_space<hbm>> -> memref<64x128xi32, #tpu.memory_space<hbm>>
          %dma_start3A_291 = tpu.memref_slice %arg11[%select_n3A_241] : memref<2x!tpu.dma_semaphore, #tpu.memory_space<semaphore_mem>> -> memref<1x!tpu.dma_semaphore, #tpu.memory_space<semaphore_mem>>
          %dma_start3A_292 = tpu.memref_squeeze %dma_start3A_291 : memref<1x!tpu.dma_semaphore, #tpu.memory_space<semaphore_mem>> -> memref<!tpu.dma_semaphore, #tpu.memory_space<semaphore_mem>>
          %dma_start3A_293 = arith.constant 0 : i32
          %dma_start3A_294 = arith.constant 0 : i32
          %dma_start3A_295 = tpu.memref_slice %arg7[%select_n3A_241, %dma_start3A_293, %dma_start3A_294] : memref<2x64x128xi32, #tpu.memory_space<vmem>> -> memref<1x64x128xi32, #tpu.memory_space<vmem>>
          %dma_start3A_296 = tpu.memref_squeeze %dma_start3A_295 : memref<1x64x128xi32, #tpu.memory_space<vmem>> -> memref<64x128xi32, #tpu.memory_space<vmem>>
          %dma_start3A_297 = arith.constant 0 : i32
          %dma_start3A_298 = tpu.memref_slice %arg3[%mul3A_283, %select_n3A_265, %dma_start3A_297] : memref<256x16x128xi32, #tpu.memory_space<hbm>> -> memref<64x1x128xi32, #tpu.memory_space<hbm>>
          %dma_start3A_299 = tpu.memref_squeeze %dma_start3A_298 : memref<64x1x128xi32, #tpu.memory_space<hbm>> -> memref<64x128xi32, #tpu.memory_space<hbm>>
          tpu.enqueue_dma source(%dma_start3A_299 : memref<64x128xi32, #tpu.memory_space<hbm>>) target(%dma_start3A_296 : memref<64x128xi32, #tpu.memory_space<vmem>>) target_semaphore(%dma_start3A_292 : memref<!tpu.dma_semaphore, #tpu.memory_space<semaphore_mem>>)
          %dma_start3A_300 = arith.constant 0 : i32
          %dma_start3A_301 = arith.constant 0 : i32
          %dma_start3A_302 = arith.constant 0 : i32
          %dma_start3A_303 = tpu.memref_slice %arg8[%select_n3A_241, %dma_start3A_300, %dma_start3A_301, %dma_start3A_302] : memref<2x64x2x128xf32, #tpu.memory_space<vmem>> -> memref<1x64x2x128xf32, #tpu.memory_space<vmem>>
          %dma_start3A_304 = tpu.memref_squeeze %dma_start3A_303 : memref<1x64x2x128xf32, #tpu.memory_space<vmem>> -> memref<64x2x128xf32, #tpu.memory_space<vmem>>
          %dma_start3A_305 = arith.constant 0 : i32
          %dma_start3A_306 = tpu.memref_slice %arg2[%select_n3A, %mul3A_283, %select_n3A_265, %mul3A_32, %dma_start3A_305] : memref<8x256x16x8x128xf32, #tpu.memory_space<hbm>> -> memref<1x64x1x2x128xf32, #tpu.memory_space<hbm>>
          %dma_start3A_307 = tpu.memref_squeeze %dma_start3A_306 : memref<1x64x1x2x128xf32, #tpu.memory_space<hbm>> -> memref<64x2x128xf32, #tpu.memory_space<hbm>>
          %dma_start3A_308 = tpu.memref_slice %arg11[%select_n3A_241] : memref<2x!tpu.dma_semaphore, #tpu.memory_space<semaphore_mem>> -> memref<1x!tpu.dma_semaphore, #tpu.memory_space<semaphore_mem>>
          %dma_start3A_309 = tpu.memref_squeeze %dma_start3A_308 : memref<1x!tpu.dma_semaphore, #tpu.memory_space<semaphore_mem>> -> memref<!tpu.dma_semaphore, #tpu.memory_space<semaphore_mem>>
          %dma_start3A_310 = arith.constant 0 : i32
          %dma_start3A_311 = arith.constant 0 : i32
          %dma_start3A_312 = arith.constant 0 : i32
          %dma_start3A_313 = tpu.memref_slice %arg8[%select_n3A_241, %dma_start3A_310, %dma_start3A_311, %dma_start3A_312] : memref<2x64x2x128xf32, #tpu.memory_space<vmem>> -> memref<1x64x2x128xf32, #tpu.memory_space<vmem>>
          %dma_start3A_314 = tpu.memref_squeeze %dma_start3A_313 : memref<1x64x2x128xf32, #tpu.memory_space<vmem>> -> memref<64x2x128xf32, #tpu.memory_space<vmem>>
          %dma_start3A_315 = arith.constant 0 : i32
          %dma_start3A_316 = tpu.memref_slice %arg2[%select_n3A, %mul3A_283, %select_n3A_265, %mul3A_32, %dma_start3A_315] : memref<8x256x16x8x128xf32, #tpu.memory_space<hbm>> -> memref<1x64x1x2x128xf32, #tpu.memory_space<hbm>>
          %dma_start3A_317 = tpu.memref_squeeze %dma_start3A_316 : memref<1x64x1x2x128xf32, #tpu.memory_space<hbm>> -> memref<64x2x128xf32, #tpu.memory_space<hbm>>
          tpu.enqueue_dma source(%dma_start3A_317 : memref<64x2x128xf32, #tpu.memory_space<hbm>>) target(%dma_start3A_314 : memref<64x2x128xf32, #tpu.memory_space<vmem>>) target_semaphore(%dma_start3A_309 : memref<!tpu.dma_semaphore, #tpu.memory_space<semaphore_mem>>)
        } else {
        }
        %jit3A_125 = arith.constant 2 : i32
        %eq3A_126 = arith.constant 0 : i32
        %eq3A_127 = arith.cmpi eq, %jit3A_125, %eq3A_126 : i32
        %jit3A_128 = arith.constant 1 : i32
        %select_n3A_129 = arith.select %eq3A_127, %jit3A_128, %jit3A_125 : i32
        %rem3A_130 = arith.remsi %add3A_119, %select_n3A_129 : i32
        %ne3A_131 = arith.constant 0 : i32
        %ne3A_132 = arith.cmpi ne, %rem3A_130, %ne3A_131 : i32
        %lt3A_133 = arith.constant 0 : i32
        %lt3A_134 = arith.cmpi slt, %rem3A_130, %lt3A_133 : i32
        %lt3A_135 = arith.constant 0 : i32
        %lt3A_136 = arith.cmpi slt, %select_n3A_129, %lt3A_135 : i32
        %ne3A_137 = arith.xori %lt3A_134, %lt3A_136 : i1
        %and3A_138 = arith.andi %ne3A_137, %ne3A_132 : i1
        %add3A_139 = arith.addi %rem3A_130, %select_n3A_129 : i32
        %select_n3A_140 = arith.select %and3A_138, %add3A_139, %rem3A_130 : i32
        %jit3A_141 = arith.constant 4 : i32
        %div3A_142 = arith.divsi %add3A_119, %jit3A_141 : i32
        %sign3A_143 = arith.constant 0 : i32
        %sign3A_144 = arith.cmpi sgt, %add3A_119, %sign3A_143 : i32
        %sign3A_145 = arith.extui %sign3A_144 : i1 to i32
        %sign3A_146 = arith.constant 0 : i32
        %sign3A_147 = arith.cmpi slt, %add3A_119, %sign3A_146 : i32
        %sign3A_148 = arith.extui %sign3A_147 : i1 to i32
        %sign3A_149 = arith.subi %sign3A_145, %sign3A_148 : i32
        %sign3A_150 = arith.constant 0 : i32
        %sign3A_151 = arith.cmpi sgt, %jit3A_141, %sign3A_150 : i32
        %sign3A_152 = arith.extui %sign3A_151 : i1 to i32
        %sign3A_153 = arith.constant 0 : i32
        %sign3A_154 = arith.cmpi slt, %jit3A_141, %sign3A_153 : i32
        %sign3A_155 = arith.extui %sign3A_154 : i1 to i32
        %sign3A_156 = arith.subi %sign3A_152, %sign3A_155 : i32
        %ne3A_157 = arith.cmpi ne, %sign3A_149, %sign3A_156 : i32
        %rem3A_158 = arith.remsi %add3A_119, %jit3A_141 : i32
        %ne3A_159 = arith.constant 0 : i32
        %ne3A_160 = arith.cmpi ne, %rem3A_158, %ne3A_159 : i32
        %and3A_161 = arith.andi %ne3A_157, %ne3A_160 : i1
        %sub3A_162 = arith.constant 1 : i32
        %sub3A_163 = arith.subi %div3A_142, %sub3A_162 : i32
        %select_n3A_164 = arith.select %and3A_161, %sub3A_163, %div3A_142 : i32
        %jit3A_165 = arith.constant 4 : i32
        %eq3A_166 = arith.constant 0 : i32
        %eq3A_167 = arith.cmpi eq, %jit3A_165, %eq3A_166 : i32
        %jit3A_168 = arith.constant 1 : i32
        %select_n3A_169 = arith.select %eq3A_167, %jit3A_168, %jit3A_165 : i32
        %rem3A_170 = arith.remsi %add3A_119, %select_n3A_169 : i32
        %ne3A_171 = arith.constant 0 : i32
        %ne3A_172 = arith.cmpi ne, %rem3A_170, %ne3A_171 : i32
        %lt3A_173 = arith.constant 0 : i32
        %lt3A_174 = arith.cmpi slt, %rem3A_170, %lt3A_173 : i32
        %lt3A_175 = arith.constant 0 : i32
        %lt3A_176 = arith.cmpi slt, %select_n3A_169, %lt3A_175 : i32
        %ne3A_177 = arith.xori %lt3A_174, %lt3A_176 : i1
        %and3A_178 = arith.andi %ne3A_177, %ne3A_172 : i1
        %add3A_179 = arith.addi %rem3A_170, %select_n3A_169 : i32
        %select_n3A_180 = arith.select %and3A_178, %add3A_179, %rem3A_170 : i32
        %mul3A_181 = arith.constant 64 : i32
        %mul3A_182 = arith.muli %select_n3A_180, %mul3A_181 : i32
        %dma_wait3A = arith.constant 0 : i32
        %dma_wait3A_183 = arith.constant 0 : i32
        %dma_wait3A_184 = tpu.memref_slice %arg7[%select_n3A_140, %dma_wait3A, %dma_wait3A_183] : memref<2x64x128xi32, #tpu.memory_space<vmem>> -> memref<1x64x128xi32, #tpu.memory_space<vmem>>
        %dma_wait3A_185 = tpu.memref_squeeze %dma_wait3A_184 : memref<1x64x128xi32, #tpu.memory_space<vmem>> -> memref<64x128xi32, #tpu.memory_space<vmem>>
        %dma_wait3A_186 = arith.constant 0 : i32
        %dma_wait3A_187 = tpu.memref_slice %arg3[%mul3A_182, %select_n3A_164, %dma_wait3A_186] : memref<256x16x128xi32, #tpu.memory_space<hbm>> -> memref<64x1x128xi32, #tpu.memory_space<hbm>>
        %dma_wait3A_188 = tpu.memref_squeeze %dma_wait3A_187 : memref<64x1x128xi32, #tpu.memory_space<hbm>> -> memref<64x128xi32, #tpu.memory_space<hbm>>
        %dma_wait3A_189 = tpu.memref_slice %arg11[%select_n3A_140] : memref<2x!tpu.dma_semaphore, #tpu.memory_space<semaphore_mem>> -> memref<1x!tpu.dma_semaphore, #tpu.memory_space<semaphore_mem>>
        %dma_wait3A_190 = tpu.memref_squeeze %dma_wait3A_189 : memref<1x!tpu.dma_semaphore, #tpu.memory_space<semaphore_mem>> -> memref<!tpu.dma_semaphore, #tpu.memory_space<semaphore_mem>>
        %dma_wait3A_191 = arith.constant 0 : i32
        %dma_wait3A_192 = arith.constant 0 : i32
        %dma_wait3A_193 = tpu.memref_slice %arg7[%select_n3A_140, %dma_wait3A_191, %dma_wait3A_192] : memref<2x64x128xi32, #tpu.memory_space<vmem>> -> memref<1x64x128xi32, #tpu.memory_space<vmem>>
        %dma_wait3A_194 = tpu.memref_squeeze %dma_wait3A_193 : memref<1x64x128xi32, #tpu.memory_space<vmem>> -> memref<64x128xi32, #tpu.memory_space<vmem>>
        %dma_wait3A_195 = arith.constant 0 : i32
        %dma_wait3A_196 = tpu.memref_slice %arg3[%mul3A_182, %select_n3A_164, %dma_wait3A_195] : memref<256x16x128xi32, #tpu.memory_space<hbm>> -> memref<64x1x128xi32, #tpu.memory_space<hbm>>
        %dma_wait3A_197 = tpu.memref_squeeze %dma_wait3A_196 : memref<64x1x128xi32, #tpu.memory_space<hbm>> -> memref<64x128xi32, #tpu.memory_space<hbm>>
        tpu.wait_dma2 semaphore(%dma_wait3A_190 : memref<!tpu.dma_semaphore, #tpu.memory_space<semaphore_mem>>) src(%dma_wait3A_197 : memref<64x128xi32, #tpu.memory_space<hbm>>) dst(%dma_wait3A_194 : memref<64x128xi32, #tpu.memory_space<vmem>>)
        %dma_wait3A_198 = arith.constant 0 : i32
        %dma_wait3A_199 = arith.constant 0 : i32
        %dma_wait3A_200 = arith.constant 0 : i32
        %dma_wait3A_201 = tpu.memref_slice %arg8[%select_n3A_140, %dma_wait3A_198, %dma_wait3A_199, %dma_wait3A_200] : memref<2x64x2x128xf32, #tpu.memory_space<vmem>> -> memref<1x64x2x128xf32, #tpu.memory_space<vmem>>
        %dma_wait3A_202 = tpu.memref_squeeze %dma_wait3A_201 : memref<1x64x2x128xf32, #tpu.memory_space<vmem>> -> memref<64x2x128xf32, #tpu.memory_space<vmem>>
        %dma_wait3A_203 = arith.constant 0 : i32
        %dma_wait3A_204 = tpu.memref_slice %arg2[%select_n3A, %mul3A_182, %select_n3A_164, %mul3A_32, %dma_wait3A_203] : memref<8x256x16x8x128xf32, #tpu.memory_space<hbm>> -> memref<1x64x1x2x128xf32, #tpu.memory_space<hbm>>
        %dma_wait3A_205 = tpu.memref_squeeze %dma_wait3A_204 : memref<1x64x1x2x128xf32, #tpu.memory_space<hbm>> -> memref<64x2x128xf32, #tpu.memory_space<hbm>>
        %dma_wait3A_206 = tpu.memref_slice %arg11[%select_n3A_140] : memref<2x!tpu.dma_semaphore, #tpu.memory_space<semaphore_mem>> -> memref<1x!tpu.dma_semaphore, #tpu.memory_space<semaphore_mem>>
        %dma_wait3A_207 = tpu.memref_squeeze %dma_wait3A_206 : memref<1x!tpu.dma_semaphore, #tpu.memory_space<semaphore_mem>> -> memref<!tpu.dma_semaphore, #tpu.memory_space<semaphore_mem>>
        %dma_wait3A_208 = arith.constant 0 : i32
        %dma_wait3A_209 = arith.constant 0 : i32
        %dma_wait3A_210 = arith.constant 0 : i32
        %dma_wait3A_211 = tpu.memref_slice %arg8[%select_n3A_140, %dma_wait3A_208, %dma_wait3A_209, %dma_wait3A_210] : memref<2x64x2x128xf32, #tpu.memory_space<vmem>> -> memref<1x64x2x128xf32, #tpu.memory_space<vmem>>
        %dma_wait3A_212 = tpu.memref_squeeze %dma_wait3A_211 : memref<1x64x2x128xf32, #tpu.memory_space<vmem>> -> memref<64x2x128xf32, #tpu.memory_space<vmem>>
        %dma_wait3A_213 = arith.constant 0 : i32
        %dma_wait3A_214 = tpu.memref_slice %arg2[%select_n3A, %mul3A_182, %select_n3A_164, %mul3A_32, %dma_wait3A_213] : memref<8x256x16x8x128xf32, #tpu.memory_space<hbm>> -> memref<1x64x1x2x128xf32, #tpu.memory_space<hbm>>
        %dma_wait3A_215 = tpu.memref_squeeze %dma_wait3A_214 : memref<1x64x1x2x128xf32, #tpu.memory_space<hbm>> -> memref<64x2x128xf32, #tpu.memory_space<hbm>>
        tpu.wait_dma2 semaphore(%dma_wait3A_207 : memref<!tpu.dma_semaphore, #tpu.memory_space<semaphore_mem>>) src(%dma_wait3A_215 : memref<64x2x128xf32, #tpu.memory_space<hbm>>) dst(%dma_wait3A_212 : memref<64x2x128xf32, #tpu.memory_space<vmem>>)
        %scan3A_216 = arith.constant 0 : i32
        %scan3A_217 = arith.constant 0 : i32
        %scan3A_218 = arith.constant 64 : i32
        %scan3A_219 = arith.addi %scan3A_217, %scan3A_218 : i32
        %scan3A_220 = arith.constant 1 : i32
        %scan3A_221 = scf.for %scan3A_224 = %scan3A_217 to %scan3A_219 step %scan3A_220 iter_args(%scan3A_225 = %scan3A_216) -> (i32)  : i32 {
          %get3A = arith.index_cast %select_n3A_140 : i32 to index
          %get3A_226 = arith.index_cast %scan3A_224 : i32 to index
          %get3A_227 = arith.constant 0 : index
          %get3A_228 = tpu.vector_load %arg7[%get3A, %get3A_226, %get3A_227] {strides = array<i32>} : memref<2x64x128xi32, #tpu.memory_space<vmem>>, vector<16xi32>,
          %get3A_229 = arith.constant 0 : i32
          %get3A_230 = arith.index_cast %select_n3A_140 : i32 to index
          %get3A_231 = arith.index_cast %scan3A_224 : i32 to index
          %get3A_232 = arith.index_cast %get3A_229 : i32 to index
          %get3A_233 = arith.constant 0 : index
          %get3A_234 = tpu.vector_load %arg8[%get3A_230, %get3A_231, %get3A_232, %get3A_233] {strides = array<i32>} : memref<2x64x2x128xf32, #tpu.memory_space<vmem>>, vector<16xf32>,
          %get3A_235 = arith.constant 1 : i32
          %get3A_236 = arith.index_cast %select_n3A_140 : i32 to index
          %get3A_237 = arith.index_cast %scan3A_224 : i32 to index
          %get3A_238 = arith.index_cast %get3A_235 : i32 to index
          %get3A_239 = arith.constant 0 : index
          %get3A_240 = tpu.vector_load %arg8[%get3A_236, %get3A_237, %get3A_238, %get3A_239] {strides = array<i32>} : memref<2x64x2x128xf32, #tpu.memory_space<vmem>>, vector<16xf32>,
          %rev3A = arith.constant 15 : i32
          %rev3A_241 = vector.broadcast %rev3A : i32 to vector<16xi32>
          %rev3A_242 = tpu.iota {dimensions = array<i32: 0>} : vector<16xi32>
          %rev3A_243 = arith.subi %rev3A_241, %rev3A_242 : vector<16xi32>
          %rev3A_244 = tpu.dynamic_gather %get3A_228[%rev3A_243] in [0] : vector<16xi32>, vector<16xi32> -> vector<16xi32>
          %eq3A_245 = arith.cmpi eq, %rev3A_244, %get3A_228 : vector<16xi32>
          %rev3A_246 = arith.constant 15 : i32
          %rev3A_247 = vector.broadcast %rev3A_246 : i32 to vector<16xi32>
          %rev3A_248 = tpu.iota {dimensions = array<i32: 0>} : vector<16xi32>
          %rev3A_249 = arith.subi %rev3A_247, %rev3A_248 : vector<16xi32>
          %rev3A_250 = tpu.dynamic_gather %get3A_234[%rev3A_249] in [0] : vector<16xf32>, vector<16xi32> -> vector<16xf32>
          %max3A = arith.maximumf %get3A_234, %rev3A_250 : vector<16xf32>
          %select_n3A_251 = arith.select %eq3A_245, %max3A, %get3A_234 : vector<16xi1>, vector<16xf32>
          %rev3A_252 = arith.constant 15 : i32
          %rev3A_253 = vector.broadcast %rev3A_252 : i32 to vector<16xi32>
          %rev3A_254 = tpu.iota {dimensions = array<i32: 0>} : vector<16xi32>
          %rev3A_255 = arith.subi %rev3A_253, %rev3A_254 : vector<16xi32>
          %rev3A_256 = tpu.dynamic_gather %get3A_240[%rev3A_255] in [0] : vector<16xf32>, vector<16xi32> -> vector<16xf32>
          %max3A_257 = arith.maximumf %get3A_240, %rev3A_256 : vector<16xf32>
          %select_n3A_258 = arith.select %eq3A_245, %max3A_257, %get3A_240 : vector<16xi1>, vector<16xf32>
          %add3A_259 = arith.addi %get3A_228, %mul3A_39 : vector<16xi32>
          %gather3A = tpu.vector_load_idx %arg5[%add3A_259] : memref<32768xf32, #tpu.memory_space<vmem>>[vector<16xi32>], vector<16xf32>,
          %gather3A_260 = tpu.vector_load_idx %arg6[%add3A_259] : memref<32768xf32, #tpu.memory_space<vmem>>[vector<16xi32>], vector<16xf32>,
          %max3A_261 = arith.maximumf %gather3A, %select_n3A_251 : vector<16xf32>
          tpu.vector_store_idx %arg5[%add3A_259], %max3A_261 : memref<32768xf32, #tpu.memory_space<vmem>>[vector<16xi32>], vector<16xf32>,
          %max3A_262 = arith.maximumf %gather3A_260, %select_n3A_258 : vector<16xf32>
          tpu.vector_store_idx %arg6[%add3A_259], %max3A_262 : memref<32768xf32, #tpu.memory_space<vmem>>[vector<16xi32>], vector<16xf32>,
          %get3A_263 = arith.index_cast %select_n3A_140 : i32 to index
          %get3A_264 = arith.index_cast %scan3A_224 : i32 to index
          %get3A_265 = arith.constant 16 : index
          %get3A_266 = tpu.vector_load %arg7[%get3A_263, %get3A_264, %get3A_265] {strides = array<i32>} : memref<2x64x128xi32, #tpu.memory_space<vmem>>, vector<16xi32>,
          %get3A_267 = arith.constant 0 : i32
          %get3A_268 = arith.index_cast %select_n3A_140 : i32 to index
          %get3A_269 = arith.index_cast %scan3A_224 : i32 to index
          %get3A_270 = arith.index_cast %get3A_267 : i32 to index
          %get3A_271 = arith.constant 16 : index
          %get3A_272 = tpu.vector_load %arg8[%get3A_268, %get3A_269, %get3A_270, %get3A_271] {strides = array<i32>} : memref<2x64x2x128xf32, #tpu.memory_space<vmem>>, vector<16xf32>,
          %get3A_273 = arith.constant 1 : i32
          %get3A_274 = arith.index_cast %select_n3A_140 : i32 to index
          %get3A_275 = arith.index_cast %scan3A_224 : i32 to index
          %get3A_276 = arith.index_cast %get3A_273 : i32 to index
          %get3A_277 = arith.constant 16 : index
          %get3A_278 = tpu.vector_load %arg8[%get3A_274, %get3A_275, %get3A_276, %get3A_277] {strides = array<i32>} : memref<2x64x2x128xf32, #tpu.memory_space<vmem>>, vector<16xf32>,
          %rev3A_279 = arith.constant 15 : i32
          %rev3A_280 = vector.broadcast %rev3A_279 : i32 to vector<16xi32>
          %rev3A_281 = tpu.iota {dimensions = array<i32: 0>} : vector<16xi32>
          %rev3A_282 = arith.subi %rev3A_280, %rev3A_281 : vector<16xi32>
          %rev3A_283 = tpu.dynamic_gather %get3A_266[%rev3A_282] in [0] : vector<16xi32>, vector<16xi32> -> vector<16xi32>
          %eq3A_284 = arith.cmpi eq, %rev3A_283, %get3A_266 : vector<16xi32>
          %rev3A_285 = arith.constant 15 : i32
          %rev3A_286 = vector.broadcast %rev3A_285 : i32 to vector<16xi32>
          %rev3A_287 = tpu.iota {dimensions = array<i32: 0>} : vector<16xi32>
          %rev3A_288 = arith.subi %rev3A_286, %rev3A_287 : vector<16xi32>
          %rev3A_289 = tpu.dynamic_gather %get3A_272[%rev3A_288] in [0] : vector<16xf32>, vector<16xi32> -> vector<16xf32>
          %max3A_290 = arith.maximumf %get3A_272, %rev3A_289 : vector<16xf32>
          %select_n3A_291 = arith.select %eq3A_284, %max3A_290, %get3A_272 : vector<16xi1>, vector<16xf32>
          %rev3A_292 = arith.constant 15 : i32
          %rev3A_293 = vector.broadcast %rev3A_292 : i32 to vector<16xi32>
          %rev3A_294 = tpu.iota {dimensions = array<i32: 0>} : vector<16xi32>
          %rev3A_295 = arith.subi %rev3A_293, %rev3A_294 : vector<16xi32>
          %rev3A_296 = tpu.dynamic_gather %get3A_278[%rev3A_295] in [0] : vector<16xf32>, vector<16xi32> -> vector<16xf32>
          %max3A_297 = arith.maximumf %get3A_278, %rev3A_296 : vector<16xf32>
          %select_n3A_298 = arith.select %eq3A_284, %max3A_297, %get3A_278 : vector<16xi1>, vector<16xf32>
          %add3A_299 = arith.addi %get3A_266, %mul3A_39 : vector<16xi32>
          %gather3A_300 = tpu.vector_load_idx %arg5[%add3A_299] : memref<32768xf32, #tpu.memory_space<vmem>>[vector<16xi32>], vector<16xf32>,
          %gather3A_301 = tpu.vector_load_idx %arg6[%add3A_299] : memref<32768xf32, #tpu.memory_space<vmem>>[vector<16xi32>], vector<16xf32>,
          %max3A_302 = arith.maximumf %gather3A_300, %select_n3A_291 : vector<16xf32>
          tpu.vector_store_idx %arg5[%add3A_299], %max3A_302 : memref<32768xf32, #tpu.memory_space<vmem>>[vector<16xi32>], vector<16xf32>,
          %max3A_303 = arith.maximumf %gather3A_301, %select_n3A_298 : vector<16xf32>
          tpu.vector_store_idx %arg6[%add3A_299], %max3A_303 : memref<32768xf32, #tpu.memory_space<vmem>>[vector<16xi32>], vector<16xf32>,
          %get3A_304 = arith.index_cast %select_n3A_140 : i32 to index
          %get3A_305 = arith.index_cast %scan3A_224 : i32 to index
          %get3A_306 = arith.constant 32 : index
          %get3A_307 = tpu.vector_load %arg7[%get3A_304, %get3A_305, %get3A_306] {strides = array<i32>} : memref<2x64x128xi32, #tpu.memory_space<vmem>>, vector<16xi32>,
          %get3A_308 = arith.constant 0 : i32
          %get3A_309 = arith.index_cast %select_n3A_140 : i32 to index
          %get3A_310 = arith.index_cast %scan3A_224 : i32 to index
          %get3A_311 = arith.index_cast %get3A_308 : i32 to index
          %get3A_312 = arith.constant 32 : index
          %get3A_313 = tpu.vector_load %arg8[%get3A_309, %get3A_310, %get3A_311, %get3A_312] {strides = array<i32>} : memref<2x64x2x128xf32, #tpu.memory_space<vmem>>, vector<16xf32>,
          %get3A_314 = arith.constant 1 : i32
          %get3A_315 = arith.index_cast %select_n3A_140 : i32 to index
          %get3A_316 = arith.index_cast %scan3A_224 : i32 to index
          %get3A_317 = arith.index_cast %get3A_314 : i32 to index
          %get3A_318 = arith.constant 32 : index
          %get3A_319 = tpu.vector_load %arg8[%get3A_315, %get3A_316, %get3A_317, %get3A_318] {strides = array<i32>} : memref<2x64x2x128xf32, #tpu.memory_space<vmem>>, vector<16xf32>,
          %rev3A_320 = arith.constant 15 : i32
          %rev3A_321 = vector.broadcast %rev3A_320 : i32 to vector<16xi32>
          %rev3A_322 = tpu.iota {dimensions = array<i32: 0>} : vector<16xi32>
          %rev3A_323 = arith.subi %rev3A_321, %rev3A_322 : vector<16xi32>
          %rev3A_324 = tpu.dynamic_gather %get3A_307[%rev3A_323] in [0] : vector<16xi32>, vector<16xi32> -> vector<16xi32>
          %eq3A_325 = arith.cmpi eq, %rev3A_324, %get3A_307 : vector<16xi32>
          %rev3A_326 = arith.constant 15 : i32
          %rev3A_327 = vector.broadcast %rev3A_326 : i32 to vector<16xi32>
          %rev3A_328 = tpu.iota {dimensions = array<i32: 0>} : vector<16xi32>
          %rev3A_329 = arith.subi %rev3A_327, %rev3A_328 : vector<16xi32>
          %rev3A_330 = tpu.dynamic_gather %get3A_313[%rev3A_329] in [0] : vector<16xf32>, vector<16xi32> -> vector<16xf32>
          %max3A_331 = arith.maximumf %get3A_313, %rev3A_330 : vector<16xf32>
          %select_n3A_332 = arith.select %eq3A_325, %max3A_331, %get3A_313 : vector<16xi1>, vector<16xf32>
          %rev3A_333 = arith.constant 15 : i32
          %rev3A_334 = vector.broadcast %rev3A_333 : i32 to vector<16xi32>
          %rev3A_335 = tpu.iota {dimensions = array<i32: 0>} : vector<16xi32>
          %rev3A_336 = arith.subi %rev3A_334, %rev3A_335 : vector<16xi32>
          %rev3A_337 = tpu.dynamic_gather %get3A_319[%rev3A_336] in [0] : vector<16xf32>, vector<16xi32> -> vector<16xf32>
          %max3A_338 = arith.maximumf %get3A_319, %rev3A_337 : vector<16xf32>
          %select_n3A_339 = arith.select %eq3A_325, %max3A_338, %get3A_319 : vector<16xi1>, vector<16xf32>
          %add3A_340 = arith.addi %get3A_307, %mul3A_39 : vector<16xi32>
          %gather3A_341 = tpu.vector_load_idx %arg5[%add3A_340] : memref<32768xf32, #tpu.memory_space<vmem>>[vector<16xi32>], vector<16xf32>,
          %gather3A_342 = tpu.vector_load_idx %arg6[%add3A_340] : memref<32768xf32, #tpu.memory_space<vmem>>[vector<16xi32>], vector<16xf32>,
          %max3A_343 = arith.maximumf %gather3A_341, %select_n3A_332 : vector<16xf32>
          tpu.vector_store_idx %arg5[%add3A_340], %max3A_343 : memref<32768xf32, #tpu.memory_space<vmem>>[vector<16xi32>], vector<16xf32>,
          %max3A_344 = arith.maximumf %gather3A_342, %select_n3A_339 : vector<16xf32>
          tpu.vector_store_idx %arg6[%add3A_340], %max3A_344 : memref<32768xf32, #tpu.memory_space<vmem>>[vector<16xi32>], vector<16xf32>,
          %get3A_345 = arith.index_cast %select_n3A_140 : i32 to index
          %get3A_346 = arith.index_cast %scan3A_224 : i32 to index
          %get3A_347 = arith.constant 48 : index
          %get3A_348 = tpu.vector_load %arg7[%get3A_345, %get3A_346, %get3A_347] {strides = array<i32>} : memref<2x64x128xi32, #tpu.memory_space<vmem>>, vector<16xi32>,
          %get3A_349 = arith.constant 0 : i32
          %get3A_350 = arith.index_cast %select_n3A_140 : i32 to index
          %get3A_351 = arith.index_cast %scan3A_224 : i32 to index
          %get3A_352 = arith.index_cast %get3A_349 : i32 to index
          %get3A_353 = arith.constant 48 : index
          %get3A_354 = tpu.vector_load %arg8[%get3A_350, %get3A_351, %get3A_352, %get3A_353] {strides = array<i32>} : memref<2x64x2x128xf32, #tpu.memory_space<vmem>>, vector<16xf32>,
          %get3A_355 = arith.constant 1 : i32
          %get3A_356 = arith.index_cast %select_n3A_140 : i32 to index
          %get3A_357 = arith.index_cast %scan3A_224 : i32 to index
          %get3A_358 = arith.index_cast %get3A_355 : i32 to index
          %get3A_359 = arith.constant 48 : index
          %get3A_360 = tpu.vector_load %arg8[%get3A_356, %get3A_357, %get3A_358, %get3A_359] {strides = array<i32>} : memref<2x64x2x128xf32, #tpu.memory_space<vmem>>, vector<16xf32>,
          %rev3A_361 = arith.constant 15 : i32
          %rev3A_362 = vector.broadcast %rev3A_361 : i32 to vector<16xi32>
          %rev3A_363 = tpu.iota {dimensions = array<i32: 0>} : vector<16xi32>
          %rev3A_364 = arith.subi %rev3A_362, %rev3A_363 : vector<16xi32>
          %rev3A_365 = tpu.dynamic_gather %get3A_348[%rev3A_364] in [0] : vector<16xi32>, vector<16xi32> -> vector<16xi32>
          %eq3A_366 = arith.cmpi eq, %rev3A_365, %get3A_348 : vector<16xi32>
          %rev3A_367 = arith.constant 15 : i32
          %rev3A_368 = vector.broadcast %rev3A_367 : i32 to vector<16xi32>
          %rev3A_369 = tpu.iota {dimensions = array<i32: 0>} : vector<16xi32>
          %rev3A_370 = arith.subi %rev3A_368, %rev3A_369 : vector<16xi32>
          %rev3A_371 = tpu.dynamic_gather %get3A_354[%rev3A_370] in [0] : vector<16xf32>, vector<16xi32> -> vector<16xf32>
          %max3A_372 = arith.maximumf %get3A_354, %rev3A_371 : vector<16xf32>
          %select_n3A_373 = arith.select %eq3A_366, %max3A_372, %get3A_354 : vector<16xi1>, vector<16xf32>
          %rev3A_374 = arith.constant 15 : i32
          %rev3A_375 = vector.broadcast %rev3A_374 : i32 to vector<16xi32>
          %rev3A_376 = tpu.iota {dimensions = array<i32: 0>} : vector<16xi32>
          %rev3A_377 = arith.subi %rev3A_375, %rev3A_376 : vector<16xi32>
          %rev3A_378 = tpu.dynamic_gather %get3A_360[%rev3A_377] in [0] : vector<16xf32>, vector<16xi32> -> vector<16xf32>
          %max3A_379 = arith.maximumf %get3A_360, %rev3A_378 : vector<16xf32>
          %select_n3A_380 = arith.select %eq3A_366, %max3A_379, %get3A_360 : vector<16xi1>, vector<16xf32>
          %add3A_381 = arith.addi %get3A_348, %mul3A_39 : vector<16xi32>
          %gather3A_382 = tpu.vector_load_idx %arg5[%add3A_381] : memref<32768xf32, #tpu.memory_space<vmem>>[vector<16xi32>], vector<16xf32>,
          %gather3A_383 = tpu.vector_load_idx %arg6[%add3A_381] : memref<32768xf32, #tpu.memory_space<vmem>>[vector<16xi32>], vector<16xf32>,
          %max3A_384 = arith.maximumf %gather3A_382, %select_n3A_373 : vector<16xf32>
          tpu.vector_store_idx %arg5[%add3A_381], %max3A_384 : memref<32768xf32, #tpu.memory_space<vmem>>[vector<16xi32>], vector<16xf32>,
          %max3A_385 = arith.maximumf %gather3A_383, %select_n3A_380 : vector<16xf32>
          tpu.vector_store_idx %arg6[%add3A_381], %max3A_385 : memref<32768xf32, #tpu.memory_space<vmem>>[vector<16xi32>], vector<16xf32>,
          %get3A_386 = arith.index_cast %select_n3A_140 : i32 to index
          %get3A_387 = arith.index_cast %scan3A_224 : i32 to index
          %get3A_388 = arith.constant 64 : index
          %get3A_389 = tpu.vector_load %arg7[%get3A_386, %get3A_387, %get3A_388] {strides = array<i32>} : memref<2x64x128xi32, #tpu.memory_space<vmem>>, vector<16xi32>,
          %get3A_390 = arith.constant 0 : i32
          %get3A_391 = arith.index_cast %select_n3A_140 : i32 to index
          %get3A_392 = arith.index_cast %scan3A_224 : i32 to index
          %get3A_393 = arith.index_cast %get3A_390 : i32 to index
          %get3A_394 = arith.constant 64 : index
          %get3A_395 = tpu.vector_load %arg8[%get3A_391, %get3A_392, %get3A_393, %get3A_394] {strides = array<i32>} : memref<2x64x2x128xf32, #tpu.memory_space<vmem>>, vector<16xf32>,
          %get3A_396 = arith.constant 1 : i32
          %get3A_397 = arith.index_cast %select_n3A_140 : i32 to index
          %get3A_398 = arith.index_cast %scan3A_224 : i32 to index
          %get3A_399 = arith.index_cast %get3A_396 : i32 to index
          %get3A_400 = arith.constant 64 : index
          %get3A_401 = tpu.vector_load %arg8[%get3A_397, %get3A_398, %get3A_399, %get3A_400] {strides = array<i32>} : memref<2x64x2x128xf32, #tpu.memory_space<vmem>>, vector<16xf32>,
          %rev3A_402 = arith.constant 15 : i32
          %rev3A_403 = vector.broadcast %rev3A_402 : i32 to vector<16xi32>
          %rev3A_404 = tpu.iota {dimensions = array<i32: 0>} : vector<16xi32>
          %rev3A_405 = arith.subi %rev3A_403, %rev3A_404 : vector<16xi32>
          %rev3A_406 = tpu.dynamic_gather %get3A_389[%rev3A_405] in [0] : vector<16xi32>, vector<16xi32> -> vector<16xi32>
          %eq3A_407 = arith.cmpi eq, %rev3A_406, %get3A_389 : vector<16xi32>
          %rev3A_408 = arith.constant 15 : i32
          %rev3A_409 = vector.broadcast %rev3A_408 : i32 to vector<16xi32>
          %rev3A_410 = tpu.iota {dimensions = array<i32: 0>} : vector<16xi32>
          %rev3A_411 = arith.subi %rev3A_409, %rev3A_410 : vector<16xi32>
          %rev3A_412 = tpu.dynamic_gather %get3A_395[%rev3A_411] in [0] : vector<16xf32>, vector<16xi32> -> vector<16xf32>
          %max3A_413 = arith.maximumf %get3A_395, %rev3A_412 : vector<16xf32>
          %select_n3A_414 = arith.select %eq3A_407, %max3A_413, %get3A_395 : vector<16xi1>, vector<16xf32>
          %rev3A_415 = arith.constant 15 : i32
          %rev3A_416 = vector.broadcast %rev3A_415 : i32 to vector<16xi32>
          %rev3A_417 = tpu.iota {dimensions = array<i32: 0>} : vector<16xi32>
          %rev3A_418 = arith.subi %rev3A_416, %rev3A_417 : vector<16xi32>
          %rev3A_419 = tpu.dynamic_gather %get3A_401[%rev3A_418] in [0] : vector<16xf32>, vector<16xi32> -> vector<16xf32>
          %max3A_420 = arith.maximumf %get3A_401, %rev3A_419 : vector<16xf32>
          %select_n3A_421 = arith.select %eq3A_407, %max3A_420, %get3A_401 : vector<16xi1>, vector<16xf32>
          %add3A_422 = arith.addi %get3A_389, %mul3A_39 : vector<16xi32>
          %gather3A_423 = tpu.vector_load_idx %arg5[%add3A_422] : memref<32768xf32, #tpu.memory_space<vmem>>[vector<16xi32>], vector<16xf32>,
          %gather3A_424 = tpu.vector_load_idx %arg6[%add3A_422] : memref<32768xf32, #tpu.memory_space<vmem>>[vector<16xi32>], vector<16xf32>,
          %max3A_425 = arith.maximumf %gather3A_423, %select_n3A_414 : vector<16xf32>
          tpu.vector_store_idx %arg5[%add3A_422], %max3A_425 : memref<32768xf32, #tpu.memory_space<vmem>>[vector<16xi32>], vector<16xf32>,
          %max3A_426 = arith.maximumf %gather3A_424, %select_n3A_421 : vector<16xf32>
          tpu.vector_store_idx %arg6[%add3A_422], %max3A_426 : memref<32768xf32, #tpu.memory_space<vmem>>[vector<16xi32>], vector<16xf32>,
          %get3A_427 = arith.index_cast %select_n3A_140 : i32 to index
          %get3A_428 = arith.index_cast %scan3A_224 : i32 to index
          %get3A_429 = arith.constant 80 : index
          %get3A_430 = tpu.vector_load %arg7[%get3A_427, %get3A_428, %get3A_429] {strides = array<i32>} : memref<2x64x128xi32, #tpu.memory_space<vmem>>, vector<16xi32>,
          %get3A_431 = arith.constant 0 : i32
          %get3A_432 = arith.index_cast %select_n3A_140 : i32 to index
          %get3A_433 = arith.index_cast %scan3A_224 : i32 to index
          %get3A_434 = arith.index_cast %get3A_431 : i32 to index
          %get3A_435 = arith.constant 80 : index
          %get3A_436 = tpu.vector_load %arg8[%get3A_432, %get3A_433, %get3A_434, %get3A_435] {strides = array<i32>} : memref<2x64x2x128xf32, #tpu.memory_space<vmem>>, vector<16xf32>,
          %get3A_437 = arith.constant 1 : i32
          %get3A_438 = arith.index_cast %select_n3A_140 : i32 to index
          %get3A_439 = arith.index_cast %scan3A_224 : i32 to index
          %get3A_440 = arith.index_cast %get3A_437 : i32 to index
          %get3A_441 = arith.constant 80 : index
          %get3A_442 = tpu.vector_load %arg8[%get3A_438, %get3A_439, %get3A_440, %get3A_441] {strides = array<i32>} : memref<2x64x2x128xf32, #tpu.memory_space<vmem>>, vector<16xf32>,
          %rev3A_443 = arith.constant 15 : i32
          %rev3A_444 = vector.broadcast %rev3A_443 : i32 to vector<16xi32>
          %rev3A_445 = tpu.iota {dimensions = array<i32: 0>} : vector<16xi32>
          %rev3A_446 = arith.subi %rev3A_444, %rev3A_445 : vector<16xi32>
          %rev3A_447 = tpu.dynamic_gather %get3A_430[%rev3A_446] in [0] : vector<16xi32>, vector<16xi32> -> vector<16xi32>
          %eq3A_448 = arith.cmpi eq, %rev3A_447, %get3A_430 : vector<16xi32>
          %rev3A_449 = arith.constant 15 : i32
          %rev3A_450 = vector.broadcast %rev3A_449 : i32 to vector<16xi32>
          %rev3A_451 = tpu.iota {dimensions = array<i32: 0>} : vector<16xi32>
          %rev3A_452 = arith.subi %rev3A_450, %rev3A_451 : vector<16xi32>
          %rev3A_453 = tpu.dynamic_gather %get3A_436[%rev3A_452] in [0] : vector<16xf32>, vector<16xi32> -> vector<16xf32>
          %max3A_454 = arith.maximumf %get3A_436, %rev3A_453 : vector<16xf32>
          %select_n3A_455 = arith.select %eq3A_448, %max3A_454, %get3A_436 : vector<16xi1>, vector<16xf32>
          %rev3A_456 = arith.constant 15 : i32
          %rev3A_457 = vector.broadcast %rev3A_456 : i32 to vector<16xi32>
          %rev3A_458 = tpu.iota {dimensions = array<i32: 0>} : vector<16xi32>
          %rev3A_459 = arith.subi %rev3A_457, %rev3A_458 : vector<16xi32>
          %rev3A_460 = tpu.dynamic_gather %get3A_442[%rev3A_459] in [0] : vector<16xf32>, vector<16xi32> -> vector<16xf32>
          %max3A_461 = arith.maximumf %get3A_442, %rev3A_460 : vector<16xf32>
          %select_n3A_462 = arith.select %eq3A_448, %max3A_461, %get3A_442 : vector<16xi1>, vector<16xf32>
          %add3A_463 = arith.addi %get3A_430, %mul3A_39 : vector<16xi32>
          %gather3A_464 = tpu.vector_load_idx %arg5[%add3A_463] : memref<32768xf32, #tpu.memory_space<vmem>>[vector<16xi32>], vector<16xf32>,
          %gather3A_465 = tpu.vector_load_idx %arg6[%add3A_463] : memref<32768xf32, #tpu.memory_space<vmem>>[vector<16xi32>], vector<16xf32>,
          %max3A_466 = arith.maximumf %gather3A_464, %select_n3A_455 : vector<16xf32>
          tpu.vector_store_idx %arg5[%add3A_463], %max3A_466 : memref<32768xf32, #tpu.memory_space<vmem>>[vector<16xi32>], vector<16xf32>,
          %max3A_467 = arith.maximumf %gather3A_465, %select_n3A_462 : vector<16xf32>
          tpu.vector_store_idx %arg6[%add3A_463], %max3A_467 : memref<32768xf32, #tpu.memory_space<vmem>>[vector<16xi32>], vector<16xf32>,
          %get3A_468 = arith.index_cast %select_n3A_140 : i32 to index
          %get3A_469 = arith.index_cast %scan3A_224 : i32 to index
          %get3A_470 = arith.constant 96 : index
          %get3A_471 = tpu.vector_load %arg7[%get3A_468, %get3A_469, %get3A_470] {strides = array<i32>} : memref<2x64x128xi32, #tpu.memory_space<vmem>>, vector<16xi32>,
          %get3A_472 = arith.constant 0 : i32
          %get3A_473 = arith.index_cast %select_n3A_140 : i32 to index
          %get3A_474 = arith.index_cast %scan3A_224 : i32 to index
          %get3A_475 = arith.index_cast %get3A_472 : i32 to index
          %get3A_476 = arith.constant 96 : index
          %get3A_477 = tpu.vector_load %arg8[%get3A_473, %get3A_474, %get3A_475, %get3A_476] {strides = array<i32>} : memref<2x64x2x128xf32, #tpu.memory_space<vmem>>, vector<16xf32>,
          %get3A_478 = arith.constant 1 : i32
          %get3A_479 = arith.index_cast %select_n3A_140 : i32 to index
          %get3A_480 = arith.index_cast %scan3A_224 : i32 to index
          %get3A_481 = arith.index_cast %get3A_478 : i32 to index
          %get3A_482 = arith.constant 96 : index
          %get3A_483 = tpu.vector_load %arg8[%get3A_479, %get3A_480, %get3A_481, %get3A_482] {strides = array<i32>} : memref<2x64x2x128xf32, #tpu.memory_space<vmem>>, vector<16xf32>,
          %rev3A_484 = arith.constant 15 : i32
          %rev3A_485 = vector.broadcast %rev3A_484 : i32 to vector<16xi32>
          %rev3A_486 = tpu.iota {dimensions = array<i32: 0>} : vector<16xi32>
          %rev3A_487 = arith.subi %rev3A_485, %rev3A_486 : vector<16xi32>
          %rev3A_488 = tpu.dynamic_gather %get3A_471[%rev3A_487] in [0] : vector<16xi32>, vector<16xi32> -> vector<16xi32>
          %eq3A_489 = arith.cmpi eq, %rev3A_488, %get3A_471 : vector<16xi32>
          %rev3A_490 = arith.constant 15 : i32
          %rev3A_491 = vector.broadcast %rev3A_490 : i32 to vector<16xi32>
          %rev3A_492 = tpu.iota {dimensions = array<i32: 0>} : vector<16xi32>
          %rev3A_493 = arith.subi %rev3A_491, %rev3A_492 : vector<16xi32>
          %rev3A_494 = tpu.dynamic_gather %get3A_477[%rev3A_493] in [0] : vector<16xf32>, vector<16xi32> -> vector<16xf32>
          %max3A_495 = arith.maximumf %get3A_477, %rev3A_494 : vector<16xf32>
          %select_n3A_496 = arith.select %eq3A_489, %max3A_495, %get3A_477 : vector<16xi1>, vector<16xf32>
          %rev3A_497 = arith.constant 15 : i32
          %rev3A_498 = vector.broadcast %rev3A_497 : i32 to vector<16xi32>
          %rev3A_499 = tpu.iota {dimensions = array<i32: 0>} : vector<16xi32>
          %rev3A_500 = arith.subi %rev3A_498, %rev3A_499 : vector<16xi32>
          %rev3A_501 = tpu.dynamic_gather %get3A_483[%rev3A_500] in [0] : vector<16xf32>, vector<16xi32> -> vector<16xf32>
          %max3A_502 = arith.maximumf %get3A_483, %rev3A_501 : vector<16xf32>
          %select_n3A_503 = arith.select %eq3A_489, %max3A_502, %get3A_483 : vector<16xi1>, vector<16xf32>
          %add3A_504 = arith.addi %get3A_471, %mul3A_39 : vector<16xi32>
          %gather3A_505 = tpu.vector_load_idx %arg5[%add3A_504] : memref<32768xf32, #tpu.memory_space<vmem>>[vector<16xi32>], vector<16xf32>,
          %gather3A_506 = tpu.vector_load_idx %arg6[%add3A_504] : memref<32768xf32, #tpu.memory_space<vmem>>[vector<16xi32>], vector<16xf32>,
          %max3A_507 = arith.maximumf %gather3A_505, %select_n3A_496 : vector<16xf32>
          tpu.vector_store_idx %arg5[%add3A_504], %max3A_507 : memref<32768xf32, #tpu.memory_space<vmem>>[vector<16xi32>], vector<16xf32>,
          %max3A_508 = arith.maximumf %gather3A_506, %select_n3A_503 : vector<16xf32>
          tpu.vector_store_idx %arg6[%add3A_504], %max3A_508 : memref<32768xf32, #tpu.memory_space<vmem>>[vector<16xi32>], vector<16xf32>,
          %get3A_509 = arith.index_cast %select_n3A_140 : i32 to index
          %get3A_510 = arith.index_cast %scan3A_224 : i32 to index
          %get3A_511 = arith.constant 112 : index
          %get3A_512 = tpu.vector_load %arg7[%get3A_509, %get3A_510, %get3A_511] {strides = array<i32>} : memref<2x64x128xi32, #tpu.memory_space<vmem>>, vector<16xi32>,
          %get3A_513 = arith.constant 0 : i32
          %get3A_514 = arith.index_cast %select_n3A_140 : i32 to index
          %get3A_515 = arith.index_cast %scan3A_224 : i32 to index
          %get3A_516 = arith.index_cast %get3A_513 : i32 to index
          %get3A_517 = arith.constant 112 : index
          %get3A_518 = tpu.vector_load %arg8[%get3A_514, %get3A_515, %get3A_516, %get3A_517] {strides = array<i32>} : memref<2x64x2x128xf32, #tpu.memory_space<vmem>>, vector<16xf32>,
          %get3A_519 = arith.constant 1 : i32
          %get3A_520 = arith.index_cast %select_n3A_140 : i32 to index
          %get3A_521 = arith.index_cast %scan3A_224 : i32 to index
          %get3A_522 = arith.index_cast %get3A_519 : i32 to index
          %get3A_523 = arith.constant 112 : index
          %get3A_524 = tpu.vector_load %arg8[%get3A_520, %get3A_521, %get3A_522, %get3A_523] {strides = array<i32>} : memref<2x64x2x128xf32, #tpu.memory_space<vmem>>, vector<16xf32>,
          %rev3A_525 = arith.constant 15 : i32
          %rev3A_526 = vector.broadcast %rev3A_525 : i32 to vector<16xi32>
          %rev3A_527 = tpu.iota {dimensions = array<i32: 0>} : vector<16xi32>
          %rev3A_528 = arith.subi %rev3A_526, %rev3A_527 : vector<16xi32>
          %rev3A_529 = tpu.dynamic_gather %get3A_512[%rev3A_528] in [0] : vector<16xi32>, vector<16xi32> -> vector<16xi32>
          %eq3A_530 = arith.cmpi eq, %rev3A_529, %get3A_512 : vector<16xi32>
          %rev3A_531 = arith.constant 15 : i32
          %rev3A_532 = vector.broadcast %rev3A_531 : i32 to vector<16xi32>
          %rev3A_533 = tpu.iota {dimensions = array<i32: 0>} : vector<16xi32>
          %rev3A_534 = arith.subi %rev3A_532, %rev3A_533 : vector<16xi32>
          %rev3A_535 = tpu.dynamic_gather %get3A_518[%rev3A_534] in [0] : vector<16xf32>, vector<16xi32> -> vector<16xf32>
          %max3A_536 = arith.maximumf %get3A_518, %rev3A_535 : vector<16xf32>
          %select_n3A_537 = arith.select %eq3A_530, %max3A_536, %get3A_518 : vector<16xi1>, vector<16xf32>
          %rev3A_538 = arith.constant 15 : i32
          %rev3A_539 = vector.broadcast %rev3A_538 : i32 to vector<16xi32>
          %rev3A_540 = tpu.iota {dimensions = array<i32: 0>} : vector<16xi32>
          %rev3A_541 = arith.subi %rev3A_539, %rev3A_540 : vector<16xi32>
          %rev3A_542 = tpu.dynamic_gather %get3A_524[%rev3A_541] in [0] : vector<16xf32>, vector<16xi32> -> vector<16xf32>
          %max3A_543 = arith.maximumf %get3A_524, %rev3A_542 : vector<16xf32>
          %select_n3A_544 = arith.select %eq3A_530, %max3A_543, %get3A_524 : vector<16xi1>, vector<16xf32>
          %add3A_545 = arith.addi %get3A_512, %mul3A_39 : vector<16xi32>
          %gather3A_546 = tpu.vector_load_idx %arg5[%add3A_545] : memref<32768xf32, #tpu.memory_space<vmem>>[vector<16xi32>], vector<16xf32>,
          %gather3A_547 = tpu.vector_load_idx %arg6[%add3A_545] : memref<32768xf32, #tpu.memory_space<vmem>>[vector<16xi32>], vector<16xf32>,
          %max3A_548 = arith.maximumf %gather3A_546, %select_n3A_537 : vector<16xf32>
          tpu.vector_store_idx %arg5[%add3A_545], %max3A_548 : memref<32768xf32, #tpu.memory_space<vmem>>[vector<16xi32>], vector<16xf32>,
          %max3A_549 = arith.maximumf %gather3A_547, %select_n3A_544 : vector<16xf32>
          tpu.vector_store_idx %arg6[%add3A_545], %max3A_549 : memref<32768xf32, #tpu.memory_space<vmem>>[vector<16xi32>], vector<16xf32>,
          %scan3A_550 = arith.constant 0 : i32
          scf.yield %scan3A_550 : i32
        }
        %scan3A_222 = arith.constant 64 : i32
        %scan3A_223 = arith.constant 0 : i32
        scf.yield %scan3A_223 : i32
      }
      %scan3A_104 = arith.constant 4 : i32
      %scan3A_105 = arith.constant 0 : i32
      %scan3A_106 = arith.constant 0 : i32
      %scan3A_107 = arith.constant 32 : i32
      %scan3A_108 = arith.addi %scan3A_106, %scan3A_107 : i32
      %scan3A_109 = arith.constant 1 : i32
      %scan3A_110 = scf.for %scan3A_115 = %scan3A_106 to %scan3A_108 step %scan3A_109 iter_args(%scan3A_116 = %scan3A_105) -> (i32)  : i32 {
        %mul3A_117 = arith.constant 128 : i32
        %mul3A_118 = arith.muli %scan3A_115, %mul3A_117 : i32
        %add3A_119 = arith.constant 0 : i32
        %add3A_120 = arith.addi %mul3A_118, %add3A_119 : i32
        %get3A = arith.index_cast %add3A_120 : i32 to index
        %get3A_121 = tpu.vector_load %arg5[%get3A] {strides = array<i32>} : memref<32768xf32, #tpu.memory_space<vmem>>, vector<16xf32>,
        %get3A_122 = arith.index_cast %add3A_120 : i32 to index
        %get3A_123 = tpu.vector_load %arg6[%get3A_122] {strides = array<i32>} : memref<32768xf32, #tpu.memory_space<vmem>>, vector<16xf32>,
        %add3A_124 = arith.constant 4096 : i32
        %add3A_125 = arith.addi %add3A_124, %add3A_120 : i32
        %get3A_126 = arith.index_cast %add3A_125 : i32 to index
        %get3A_127 = tpu.vector_load %arg5[%get3A_126] {strides = array<i32>} : memref<32768xf32, #tpu.memory_space<vmem>>, vector<16xf32>,
        %max3A = arith.maximumf %get3A_121, %get3A_127 : vector<16xf32>
        %add3A_128 = arith.constant 4096 : i32
        %add3A_129 = arith.addi %add3A_128, %add3A_120 : i32
        %get3A_130 = arith.index_cast %add3A_129 : i32 to index
        %get3A_131 = tpu.vector_load %arg6[%get3A_130] {strides = array<i32>} : memref<32768xf32, #tpu.memory_space<vmem>>, vector<16xf32>,
        %max3A_132 = arith.maximumf %get3A_123, %get3A_131 : vector<16xf32>
        %add3A_133 = arith.constant 8192 : i32
        %add3A_134 = arith.addi %add3A_133, %add3A_120 : i32
        %get3A_135 = arith.index_cast %add3A_134 : i32 to index
        %get3A_136 = tpu.vector_load %arg5[%get3A_135] {strides = array<i32>} : memref<32768xf32, #tpu.memory_space<vmem>>, vector<16xf32>,
        %max3A_137 = arith.maximumf %max3A, %get3A_136 : vector<16xf32>
        %add3A_138 = arith.constant 8192 : i32
        %add3A_139 = arith.addi %add3A_138, %add3A_120 : i32
        %get3A_140 = arith.index_cast %add3A_139 : i32 to index
        %get3A_141 = tpu.vector_load %arg6[%get3A_140] {strides = array<i32>} : memref<32768xf32, #tpu.memory_space<vmem>>, vector<16xf32>,
        %max3A_142 = arith.maximumf %max3A_132, %get3A_141 : vector<16xf32>
        %add3A_143 = arith.constant 12288 : i32
        %add3A_144 = arith.addi %add3A_143, %add3A_120 : i32
        %get3A_145 = arith.index_cast %add3A_144 : i32 to index
        %get3A_146 = tpu.vector_load %arg5[%get3A_145] {strides = array<i32>} : memref<32768xf32, #tpu.memory_space<vmem>>, vector<16xf32>,
        %max3A_147 = arith.maximumf %max3A_137, %get3A_146 : vector<16xf32>
        %add3A_148 = arith.constant 12288 : i32
        %add3A_149 = arith.addi %add3A_148, %add3A_120 : i32
        %get3A_150 = arith.index_cast %add3A_149 : i32 to index
        %get3A_151 = tpu.vector_load %arg6[%get3A_150] {strides = array<i32>} : memref<32768xf32, #tpu.memory_space<vmem>>, vector<16xf32>,
        %max3A_152 = arith.maximumf %max3A_142, %get3A_151 : vector<16xf32>
        %add3A_153 = arith.constant 16384 : i32
        %add3A_154 = arith.addi %add3A_153, %add3A_120 : i32
        %get3A_155 = arith.index_cast %add3A_154 : i32 to index
        %get3A_156 = tpu.vector_load %arg5[%get3A_155] {strides = array<i32>} : memref<32768xf32, #tpu.memory_space<vmem>>, vector<16xf32>,
        %max3A_157 = arith.maximumf %max3A_147, %get3A_156 : vector<16xf32>
        %add3A_158 = arith.constant 16384 : i32
        %add3A_159 = arith.addi %add3A_158, %add3A_120 : i32
        %get3A_160 = arith.index_cast %add3A_159 : i32 to index
        %get3A_161 = tpu.vector_load %arg6[%get3A_160] {strides = array<i32>} : memref<32768xf32, #tpu.memory_space<vmem>>, vector<16xf32>,
        %max3A_162 = arith.maximumf %max3A_152, %get3A_161 : vector<16xf32>
        %add3A_163 = arith.constant 20480 : i32
        %add3A_164 = arith.addi %add3A_163, %add3A_120 : i32
        %get3A_165 = arith.index_cast %add3A_164 : i32 to index
        %get3A_166 = tpu.vector_load %arg5[%get3A_165] {strides = array<i32>} : memref<32768xf32, #tpu.memory_space<vmem>>, vector<16xf32>,
        %max3A_167 = arith.maximumf %max3A_157, %get3A_166 : vector<16xf32>
        %add3A_168 = arith.constant 20480 : i32
        %add3A_169 = arith.addi %add3A_168, %add3A_120 : i32
        %get3A_170 = arith.index_cast %add3A_169 : i32 to index
        %get3A_171 = tpu.vector_load %arg6[%get3A_170] {strides = array<i32>} : memref<32768xf32, #tpu.memory_space<vmem>>, vector<16xf32>,
        %max3A_172 = arith.maximumf %max3A_162, %get3A_171 : vector<16xf32>
        %add3A_173 = arith.constant 24576 : i32
        %add3A_174 = arith.addi %add3A_173, %add3A_120 : i32
        %get3A_175 = arith.index_cast %add3A_174 : i32 to index
        %get3A_176 = tpu.vector_load %arg5[%get3A_175] {strides = array<i32>} : memref<32768xf32, #tpu.memory_space<vmem>>, vector<16xf32>,
        %max3A_177 = arith.maximumf %max3A_167, %get3A_176 : vector<16xf32>
        %add3A_178 = arith.constant 24576 : i32
        %add3A_179 = arith.addi %add3A_178, %add3A_120 : i32
        %get3A_180 = arith.index_cast %add3A_179 : i32 to index
        %get3A_181 = tpu.vector_load %arg6[%get3A_180] {strides = array<i32>} : memref<32768xf32, #tpu.memory_space<vmem>>, vector<16xf32>,
        %max3A_182 = arith.maximumf %max3A_172, %get3A_181 : vector<16xf32>
        %add3A_183 = arith.constant 28672 : i32
        %add3A_184 = arith.addi %add3A_183, %add3A_120 : i32
        %get3A_185 = arith.index_cast %add3A_184 : i32 to index
        %get3A_186 = tpu.vector_load %arg5[%get3A_185] {strides = array<i32>} : memref<32768xf32, #tpu.memory_space<vmem>>, vector<16xf32>,
        %max3A_187 = arith.maximumf %max3A_177, %get3A_186 : vector<16xf32>
        %add3A_188 = arith.constant 28672 : i32
        %add3A_189 = arith.addi %add3A_188, %add3A_120 : i32
        %get3A_190 = arith.index_cast %add3A_189 : i32 to index
        %get3A_191 = tpu.vector_load %arg6[%get3A_190] {strides = array<i32>} : memref<32768xf32, #tpu.memory_space<vmem>>, vector<16xf32>,
        %max3A_192 = arith.maximumf %max3A_182, %get3A_191 : vector<16xf32>
        %swap3A = arith.index_cast %scan3A_115 : i32 to index
        %swap3A_193 = arith.constant 0 : index
        %swap3A_194 = tpu.vector_load %arg9[%swap3A, %swap3A_193] {strides = array<i32>} : memref<32x128xf32, #tpu.memory_space<vmem>>, vector<16xf32>,
        tpu.vector_store %arg9[%swap3A, %swap3A_193], %max3A_187 {strides = array<i32>} : memref<32x128xf32, #tpu.memory_space<vmem>>, vector<16xf32>,
        %swap3A_195 = arith.index_cast %scan3A_115 : i32 to index
        %swap3A_196 = arith.constant 0 : index
        %swap3A_197 = tpu.vector_load %arg10[%swap3A_195, %swap3A_196] {strides = array<i32>} : memref<32x128xf32, #tpu.memory_space<vmem>>, vector<16xf32>,
        tpu.vector_store %arg10[%swap3A_195, %swap3A_196], %max3A_192 {strides = array<i32>} : memref<32x128xf32, #tpu.memory_space<vmem>>, vector<16xf32>,
        %mul3A_198 = arith.constant 128 : i32
        %mul3A_199 = arith.muli %scan3A_115, %mul3A_198 : i32
        %add3A_200 = arith.constant 16 : i32
        %add3A_201 = arith.addi %mul3A_199, %add3A_200 : i32
        %get3A_202 = arith.index_cast %add3A_201 : i32 to index
        %get3A_203 = tpu.vector_load %arg5[%get3A_202] {strides = array<i32>} : memref<32768xf32, #tpu.memory_space<vmem>>, vector<16xf32>,
        %get3A_204 = arith.index_cast %add3A_201 : i32 to index
        %get3A_205 = tpu.vector_load %arg6[%get3A_204] {strides = array<i32>} : memref<32768xf32, #tpu.memory_space<vmem>>, vector<16xf32>,
        %add3A_206 = arith.constant 4096 : i32
        %add3A_207 = arith.addi %add3A_206, %add3A_201 : i32
        %get3A_208 = arith.index_cast %add3A_207 : i32 to index
        %get3A_209 = tpu.vector_load %arg5[%get3A_208] {strides = array<i32>} : memref<32768xf32, #tpu.memory_space<vmem>>, vector<16xf32>,
        %max3A_210 = arith.maximumf %get3A_203, %get3A_209 : vector<16xf32>
        %add3A_211 = arith.constant 4096 : i32
        %add3A_212 = arith.addi %add3A_211, %add3A_201 : i32
        %get3A_213 = arith.index_cast %add3A_212 : i32 to index
        %get3A_214 = tpu.vector_load %arg6[%get3A_213] {strides = array<i32>} : memref<32768xf32, #tpu.memory_space<vmem>>, vector<16xf32>,
        %max3A_215 = arith.maximumf %get3A_205, %get3A_214 : vector<16xf32>
        %add3A_216 = arith.constant 8192 : i32
        %add3A_217 = arith.addi %add3A_216, %add3A_201 : i32
        %get3A_218 = arith.index_cast %add3A_217 : i32 to index
        %get3A_219 = tpu.vector_load %arg5[%get3A_218] {strides = array<i32>} : memref<32768xf32, #tpu.memory_space<vmem>>, vector<16xf32>,
        %max3A_220 = arith.maximumf %max3A_210, %get3A_219 : vector<16xf32>
        %add3A_221 = arith.constant 8192 : i32
        %add3A_222 = arith.addi %add3A_221, %add3A_201 : i32
        %get3A_223 = arith.index_cast %add3A_222 : i32 to index
        %get3A_224 = tpu.vector_load %arg6[%get3A_223] {strides = array<i32>} : memref<32768xf32, #tpu.memory_space<vmem>>, vector<16xf32>,
        %max3A_225 = arith.maximumf %max3A_215, %get3A_224 : vector<16xf32>
        %add3A_226 = arith.constant 12288 : i32
        %add3A_227 = arith.addi %add3A_226, %add3A_201 : i32
        %get3A_228 = arith.index_cast %add3A_227 : i32 to index
        %get3A_229 = tpu.vector_load %arg5[%get3A_228] {strides = array<i32>} : memref<32768xf32, #tpu.memory_space<vmem>>, vector<16xf32>,
        %max3A_230 = arith.maximumf %max3A_220, %get3A_229 : vector<16xf32>
        %add3A_231 = arith.constant 12288 : i32
        %add3A_232 = arith.addi %add3A_231, %add3A_201 : i32
        %get3A_233 = arith.index_cast %add3A_232 : i32 to index
        %get3A_234 = tpu.vector_load %arg6[%get3A_233] {strides = array<i32>} : memref<32768xf32, #tpu.memory_space<vmem>>, vector<16xf32>,
        %max3A_235 = arith.maximumf %max3A_225, %get3A_234 : vector<16xf32>
        %add3A_236 = arith.constant 16384 : i32
        %add3A_237 = arith.addi %add3A_236, %add3A_201 : i32
        %get3A_238 = arith.index_cast %add3A_237 : i32 to index
        %get3A_239 = tpu.vector_load %arg5[%get3A_238] {strides = array<i32>} : memref<32768xf32, #tpu.memory_space<vmem>>, vector<16xf32>,
        %max3A_240 = arith.maximumf %max3A_230, %get3A_239 : vector<16xf32>
        %add3A_241 = arith.constant 16384 : i32
        %add3A_242 = arith.addi %add3A_241, %add3A_201 : i32
        %get3A_243 = arith.index_cast %add3A_242 : i32 to index
        %get3A_244 = tpu.vector_load %arg6[%get3A_243] {strides = array<i32>} : memref<32768xf32, #tpu.memory_space<vmem>>, vector<16xf32>,
        %max3A_245 = arith.maximumf %max3A_235, %get3A_244 : vector<16xf32>
        %add3A_246 = arith.constant 20480 : i32
        %add3A_247 = arith.addi %add3A_246, %add3A_201 : i32
        %get3A_248 = arith.index_cast %add3A_247 : i32 to index
        %get3A_249 = tpu.vector_load %arg5[%get3A_248] {strides = array<i32>} : memref<32768xf32, #tpu.memory_space<vmem>>, vector<16xf32>,
        %max3A_250 = arith.maximumf %max3A_240, %get3A_249 : vector<16xf32>
        %add3A_251 = arith.constant 20480 : i32
        %add3A_252 = arith.addi %add3A_251, %add3A_201 : i32
        %get3A_253 = arith.index_cast %add3A_252 : i32 to index
        %get3A_254 = tpu.vector_load %arg6[%get3A_253] {strides = array<i32>} : memref<32768xf32, #tpu.memory_space<vmem>>, vector<16xf32>,
        %max3A_255 = arith.maximumf %max3A_245, %get3A_254 : vector<16xf32>
        %add3A_256 = arith.constant 24576 : i32
        %add3A_257 = arith.addi %add3A_256, %add3A_201 : i32
        %get3A_258 = arith.index_cast %add3A_257 : i32 to index
        %get3A_259 = tpu.vector_load %arg5[%get3A_258] {strides = array<i32>} : memref<32768xf32, #tpu.memory_space<vmem>>, vector<16xf32>,
        %max3A_260 = arith.maximumf %max3A_250, %get3A_259 : vector<16xf32>
        %add3A_261 = arith.constant 24576 : i32
        %add3A_262 = arith.addi %add3A_261, %add3A_201 : i32
        %get3A_263 = arith.index_cast %add3A_262 : i32 to index
        %get3A_264 = tpu.vector_load %arg6[%get3A_263] {strides = array<i32>} : memref<32768xf32, #tpu.memory_space<vmem>>, vector<16xf32>,
        %max3A_265 = arith.maximumf %max3A_255, %get3A_264 : vector<16xf32>
        %add3A_266 = arith.constant 28672 : i32
        %add3A_267 = arith.addi %add3A_266, %add3A_201 : i32
        %get3A_268 = arith.index_cast %add3A_267 : i32 to index
        %get3A_269 = tpu.vector_load %arg5[%get3A_268] {strides = array<i32>} : memref<32768xf32, #tpu.memory_space<vmem>>, vector<16xf32>,
        %max3A_270 = arith.maximumf %max3A_260, %get3A_269 : vector<16xf32>
        %add3A_271 = arith.constant 28672 : i32
        %add3A_272 = arith.addi %add3A_271, %add3A_201 : i32
        %get3A_273 = arith.index_cast %add3A_272 : i32 to index
        %get3A_274 = tpu.vector_load %arg6[%get3A_273] {strides = array<i32>} : memref<32768xf32, #tpu.memory_space<vmem>>, vector<16xf32>,
        %max3A_275 = arith.maximumf %max3A_265, %get3A_274 : vector<16xf32>
        %swap3A_276 = arith.index_cast %scan3A_115 : i32 to index
        %swap3A_277 = arith.constant 16 : index
        %swap3A_278 = tpu.vector_load %arg9[%swap3A_276, %swap3A_277] {strides = array<i32>} : memref<32x128xf32, #tpu.memory_space<vmem>>, vector<16xf32>,
        tpu.vector_store %arg9[%swap3A_276, %swap3A_277], %max3A_270 {strides = array<i32>} : memref<32x128xf32, #tpu.memory_space<vmem>>, vector<16xf32>,
        %swap3A_279 = arith.index_cast %scan3A_115 : i32 to index
        %swap3A_280 = arith.constant 16 : index
        %swap3A_281 = tpu.vector_load %arg10[%swap3A_279, %swap3A_280] {strides = array<i32>} : memref<32x128xf32, #tpu.memory_space<vmem>>, vector<16xf32>,
        tpu.vector_store %arg10[%swap3A_279, %swap3A_280], %max3A_275 {strides = array<i32>} : memref<32x128xf32, #tpu.memory_space<vmem>>, vector<16xf32>,
        %mul3A_282 = arith.constant 128 : i32
        %mul3A_283 = arith.muli %scan3A_115, %mul3A_282 : i32
        %add3A_284 = arith.constant 32 : i32
        %add3A_285 = arith.addi %mul3A_283, %add3A_284 : i32
        %get3A_286 = arith.index_cast %add3A_285 : i32 to index
        %get3A_287 = tpu.vector_load %arg5[%get3A_286] {strides = array<i32>} : memref<32768xf32, #tpu.memory_space<vmem>>, vector<16xf32>,
        %get3A_288 = arith.index_cast %add3A_285 : i32 to index
        %get3A_289 = tpu.vector_load %arg6[%get3A_288] {strides = array<i32>} : memref<32768xf32, #tpu.memory_space<vmem>>, vector<16xf32>,
        %add3A_290 = arith.constant 4096 : i32
        %add3A_291 = arith.addi %add3A_290, %add3A_285 : i32
        %get3A_292 = arith.index_cast %add3A_291 : i32 to index
        %get3A_293 = tpu.vector_load %arg5[%get3A_292] {strides = array<i32>} : memref<32768xf32, #tpu.memory_space<vmem>>, vector<16xf32>,
        %max3A_294 = arith.maximumf %get3A_287, %get3A_293 : vector<16xf32>
        %add3A_295 = arith.constant 4096 : i32
        %add3A_296 = arith.addi %add3A_295, %add3A_285 : i32
        %get3A_297 = arith.index_cast %add3A_296 : i32 to index
        %get3A_298 = tpu.vector_load %arg6[%get3A_297] {strides = array<i32>} : memref<32768xf32, #tpu.memory_space<vmem>>, vector<16xf32>,
        %max3A_299 = arith.maximumf %get3A_289, %get3A_298 : vector<16xf32>
        %add3A_300 = arith.constant 8192 : i32
        %add3A_301 = arith.addi %add3A_300, %add3A_285 : i32
        %get3A_302 = arith.index_cast %add3A_301 : i32 to index
        %get3A_303 = tpu.vector_load %arg5[%get3A_302] {strides = array<i32>} : memref<32768xf32, #tpu.memory_space<vmem>>, vector<16xf32>,
        %max3A_304 = arith.maximumf %max3A_294, %get3A_303 : vector<16xf32>
        %add3A_305 = arith.constant 8192 : i32
        %add3A_306 = arith.addi %add3A_305, %add3A_285 : i32
        %get3A_307 = arith.index_cast %add3A_306 : i32 to index
        %get3A_308 = tpu.vector_load %arg6[%get3A_307] {strides = array<i32>} : memref<32768xf32, #tpu.memory_space<vmem>>, vector<16xf32>,
        %max3A_309 = arith.maximumf %max3A_299, %get3A_308 : vector<16xf32>
        %add3A_310 = arith.constant 12288 : i32
        %add3A_311 = arith.addi %add3A_310, %add3A_285 : i32
        %get3A_312 = arith.index_cast %add3A_311 : i32 to index
        %get3A_313 = tpu.vector_load %arg5[%get3A_312] {strides = array<i32>} : memref<32768xf32, #tpu.memory_space<vmem>>, vector<16xf32>,
        %max3A_314 = arith.maximumf %max3A_304, %get3A_313 : vector<16xf32>
        %add3A_315 = arith.constant 12288 : i32
        %add3A_316 = arith.addi %add3A_315, %add3A_285 : i32
        %get3A_317 = arith.index_cast %add3A_316 : i32 to index
        %get3A_318 = tpu.vector_load %arg6[%get3A_317] {strides = array<i32>} : memref<32768xf32, #tpu.memory_space<vmem>>, vector<16xf32>,
        %max3A_319 = arith.maximumf %max3A_309, %get3A_318 : vector<16xf32>
        %add3A_320 = arith.constant 16384 : i32
        %add3A_321 = arith.addi %add3A_320, %add3A_285 : i32
        %get3A_322 = arith.index_cast %add3A_321 : i32 to index
        %get3A_323 = tpu.vector_load %arg5[%get3A_322] {strides = array<i32>} : memref<32768xf32, #tpu.memory_space<vmem>>, vector<16xf32>,
        %max3A_324 = arith.maximumf %max3A_314, %get3A_323 : vector<16xf32>
        %add3A_325 = arith.constant 16384 : i32
        %add3A_326 = arith.addi %add3A_325, %add3A_285 : i32
        %get3A_327 = arith.index_cast %add3A_326 : i32 to index
        %get3A_328 = tpu.vector_load %arg6[%get3A_327] {strides = array<i32>} : memref<32768xf32, #tpu.memory_space<vmem>>, vector<16xf32>,
        %max3A_329 = arith.maximumf %max3A_319, %get3A_328 : vector<16xf32>
        %add3A_330 = arith.constant 20480 : i32
        %add3A_331 = arith.addi %add3A_330, %add3A_285 : i32
        %get3A_332 = arith.index_cast %add3A_331 : i32 to index
        %get3A_333 = tpu.vector_load %arg5[%get3A_332] {strides = array<i32>} : memref<32768xf32, #tpu.memory_space<vmem>>, vector<16xf32>,
        %max3A_334 = arith.maximumf %max3A_324, %get3A_333 : vector<16xf32>
        %add3A_335 = arith.constant 20480 : i32
        %add3A_336 = arith.addi %add3A_335, %add3A_285 : i32
        %get3A_337 = arith.index_cast %add3A_336 : i32 to index
        %get3A_338 = tpu.vector_load %arg6[%get3A_337] {strides = array<i32>} : memref<32768xf32, #tpu.memory_space<vmem>>, vector<16xf32>,
        %max3A_339 = arith.maximumf %max3A_329, %get3A_338 : vector<16xf32>
        %add3A_340 = arith.constant 24576 : i32
        %add3A_341 = arith.addi %add3A_340, %add3A_285 : i32
        %get3A_342 = arith.index_cast %add3A_341 : i32 to index
        %get3A_343 = tpu.vector_load %arg5[%get3A_342] {strides = array<i32>} : memref<32768xf32, #tpu.memory_space<vmem>>, vector<16xf32>,
        %max3A_344 = arith.maximumf %max3A_334, %get3A_343 : vector<16xf32>
        %add3A_345 = arith.constant 24576 : i32
        %add3A_346 = arith.addi %add3A_345, %add3A_285 : i32
        %get3A_347 = arith.index_cast %add3A_346 : i32 to index
        %get3A_348 = tpu.vector_load %arg6[%get3A_347] {strides = array<i32>} : memref<32768xf32, #tpu.memory_space<vmem>>, vector<16xf32>,
        %max3A_349 = arith.maximumf %max3A_339, %get3A_348 : vector<16xf32>
        %add3A_350 = arith.constant 28672 : i32
        %add3A_351 = arith.addi %add3A_350, %add3A_285 : i32
        %get3A_352 = arith.index_cast %add3A_351 : i32 to index
        %get3A_353 = tpu.vector_load %arg5[%get3A_352] {strides = array<i32>} : memref<32768xf32, #tpu.memory_space<vmem>>, vector<16xf32>,
        %max3A_354 = arith.maximumf %max3A_344, %get3A_353 : vector<16xf32>
        %add3A_355 = arith.constant 28672 : i32
        %add3A_356 = arith.addi %add3A_355, %add3A_285 : i32
        %get3A_357 = arith.index_cast %add3A_356 : i32 to index
        %get3A_358 = tpu.vector_load %arg6[%get3A_357] {strides = array<i32>} : memref<32768xf32, #tpu.memory_space<vmem>>, vector<16xf32>,
        %max3A_359 = arith.maximumf %max3A_349, %get3A_358 : vector<16xf32>
        %swap3A_360 = arith.index_cast %scan3A_115 : i32 to index
        %swap3A_361 = arith.constant 32 : index
        %swap3A_362 = tpu.vector_load %arg9[%swap3A_360, %swap3A_361] {strides = array<i32>} : memref<32x128xf32, #tpu.memory_space<vmem>>, vector<16xf32>,
        tpu.vector_store %arg9[%swap3A_360, %swap3A_361], %max3A_354 {strides = array<i32>} : memref<32x128xf32, #tpu.memory_space<vmem>>, vector<16xf32>,
        %swap3A_363 = arith.index_cast %scan3A_115 : i32 to index
        %swap3A_364 = arith.constant 32 : index
        %swap3A_365 = tpu.vector_load %arg10[%swap3A_363, %swap3A_364] {strides = array<i32>} : memref<32x128xf32, #tpu.memory_space<vmem>>, vector<16xf32>,
        tpu.vector_store %arg10[%swap3A_363, %swap3A_364], %max3A_359 {strides = array<i32>} : memref<32x128xf32, #tpu.memory_space<vmem>>, vector<16xf32>,
        %mul3A_366 = arith.constant 128 : i32
        %mul3A_367 = arith.muli %scan3A_115, %mul3A_366 : i32
        %add3A_368 = arith.constant 48 : i32
        %add3A_369 = arith.addi %mul3A_367, %add3A_368 : i32
        %get3A_370 = arith.index_cast %add3A_369 : i32 to index
        %get3A_371 = tpu.vector_load %arg5[%get3A_370] {strides = array<i32>} : memref<32768xf32, #tpu.memory_space<vmem>>, vector<16xf32>,
        %get3A_372 = arith.index_cast %add3A_369 : i32 to index
        %get3A_373 = tpu.vector_load %arg6[%get3A_372] {strides = array<i32>} : memref<32768xf32, #tpu.memory_space<vmem>>, vector<16xf32>,
        %add3A_374 = arith.constant 4096 : i32
        %add3A_375 = arith.addi %add3A_374, %add3A_369 : i32
        %get3A_376 = arith.index_cast %add3A_375 : i32 to index
        %get3A_377 = tpu.vector_load %arg5[%get3A_376] {strides = array<i32>} : memref<32768xf32, #tpu.memory_space<vmem>>, vector<16xf32>,
        %max3A_378 = arith.maximumf %get3A_371, %get3A_377 : vector<16xf32>
        %add3A_379 = arith.constant 4096 : i32
        %add3A_380 = arith.addi %add3A_379, %add3A_369 : i32
        %get3A_381 = arith.index_cast %add3A_380 : i32 to index
        %get3A_382 = tpu.vector_load %arg6[%get3A_381] {strides = array<i32>} : memref<32768xf32, #tpu.memory_space<vmem>>, vector<16xf32>,
        %max3A_383 = arith.maximumf %get3A_373, %get3A_382 : vector<16xf32>
        %add3A_384 = arith.constant 8192 : i32
        %add3A_385 = arith.addi %add3A_384, %add3A_369 : i32
        %get3A_386 = arith.index_cast %add3A_385 : i32 to index
        %get3A_387 = tpu.vector_load %arg5[%get3A_386] {strides = array<i32>} : memref<32768xf32, #tpu.memory_space<vmem>>, vector<16xf32>,
        %max3A_388 = arith.maximumf %max3A_378, %get3A_387 : vector<16xf32>
        %add3A_389 = arith.constant 8192 : i32
        %add3A_390 = arith.addi %add3A_389, %add3A_369 : i32
        %get3A_391 = arith.index_cast %add3A_390 : i32 to index
        %get3A_392 = tpu.vector_load %arg6[%get3A_391] {strides = array<i32>} : memref<32768xf32, #tpu.memory_space<vmem>>, vector<16xf32>,
        %max3A_393 = arith.maximumf %max3A_383, %get3A_392 : vector<16xf32>
        %add3A_394 = arith.constant 12288 : i32
        %add3A_395 = arith.addi %add3A_394, %add3A_369 : i32
        %get3A_396 = arith.index_cast %add3A_395 : i32 to index
        %get3A_397 = tpu.vector_load %arg5[%get3A_396] {strides = array<i32>} : memref<32768xf32, #tpu.memory_space<vmem>>, vector<16xf32>,
        %max3A_398 = arith.maximumf %max3A_388, %get3A_397 : vector<16xf32>
        %add3A_399 = arith.constant 12288 : i32
        %add3A_400 = arith.addi %add3A_399, %add3A_369 : i32
        %get3A_401 = arith.index_cast %add3A_400 : i32 to index
        %get3A_402 = tpu.vector_load %arg6[%get3A_401] {strides = array<i32>} : memref<32768xf32, #tpu.memory_space<vmem>>, vector<16xf32>,
        %max3A_403 = arith.maximumf %max3A_393, %get3A_402 : vector<16xf32>
        %add3A_404 = arith.constant 16384 : i32
        %add3A_405 = arith.addi %add3A_404, %add3A_369 : i32
        %get3A_406 = arith.index_cast %add3A_405 : i32 to index
        %get3A_407 = tpu.vector_load %arg5[%get3A_406] {strides = array<i32>} : memref<32768xf32, #tpu.memory_space<vmem>>, vector<16xf32>,
        %max3A_408 = arith.maximumf %max3A_398, %get3A_407 : vector<16xf32>
        %add3A_409 = arith.constant 16384 : i32
        %add3A_410 = arith.addi %add3A_409, %add3A_369 : i32
        %get3A_411 = arith.index_cast %add3A_410 : i32 to index
        %get3A_412 = tpu.vector_load %arg6[%get3A_411] {strides = array<i32>} : memref<32768xf32, #tpu.memory_space<vmem>>, vector<16xf32>,
        %max3A_413 = arith.maximumf %max3A_403, %get3A_412 : vector<16xf32>
        %add3A_414 = arith.constant 20480 : i32
        %add3A_415 = arith.addi %add3A_414, %add3A_369 : i32
        %get3A_416 = arith.index_cast %add3A_415 : i32 to index
        %get3A_417 = tpu.vector_load %arg5[%get3A_416] {strides = array<i32>} : memref<32768xf32, #tpu.memory_space<vmem>>, vector<16xf32>,
        %max3A_418 = arith.maximumf %max3A_408, %get3A_417 : vector<16xf32>
        %add3A_419 = arith.constant 20480 : i32
        %add3A_420 = arith.addi %add3A_419, %add3A_369 : i32
        %get3A_421 = arith.index_cast %add3A_420 : i32 to index
        %get3A_422 = tpu.vector_load %arg6[%get3A_421] {strides = array<i32>} : memref<32768xf32, #tpu.memory_space<vmem>>, vector<16xf32>,
        %max3A_423 = arith.maximumf %max3A_413, %get3A_422 : vector<16xf32>
        %add3A_424 = arith.constant 24576 : i32
        %add3A_425 = arith.addi %add3A_424, %add3A_369 : i32
        %get3A_426 = arith.index_cast %add3A_425 : i32 to index
        %get3A_427 = tpu.vector_load %arg5[%get3A_426] {strides = array<i32>} : memref<32768xf32, #tpu.memory_space<vmem>>, vector<16xf32>,
        %max3A_428 = arith.maximumf %max3A_418, %get3A_427 : vector<16xf32>
        %add3A_429 = arith.constant 24576 : i32
        %add3A_430 = arith.addi %add3A_429, %add3A_369 : i32
        %get3A_431 = arith.index_cast %add3A_430 : i32 to index
        %get3A_432 = tpu.vector_load %arg6[%get3A_431] {strides = array<i32>} : memref<32768xf32, #tpu.memory_space<vmem>>, vector<16xf32>,
        %max3A_433 = arith.maximumf %max3A_423, %get3A_432 : vector<16xf32>
        %add3A_434 = arith.constant 28672 : i32
        %add3A_435 = arith.addi %add3A_434, %add3A_369 : i32
        %get3A_436 = arith.index_cast %add3A_435 : i32 to index
        %get3A_437 = tpu.vector_load %arg5[%get3A_436] {strides = array<i32>} : memref<32768xf32, #tpu.memory_space<vmem>>, vector<16xf32>,
        %max3A_438 = arith.maximumf %max3A_428, %get3A_437 : vector<16xf32>
        %add3A_439 = arith.constant 28672 : i32
        %add3A_440 = arith.addi %add3A_439, %add3A_369 : i32
        %get3A_441 = arith.index_cast %add3A_440 : i32 to index
        %get3A_442 = tpu.vector_load %arg6[%get3A_441] {strides = array<i32>} : memref<32768xf32, #tpu.memory_space<vmem>>, vector<16xf32>,
        %max3A_443 = arith.maximumf %max3A_433, %get3A_442 : vector<16xf32>
        %swap3A_444 = arith.index_cast %scan3A_115 : i32 to index
        %swap3A_445 = arith.constant 48 : index
        %swap3A_446 = tpu.vector_load %arg9[%swap3A_444, %swap3A_445] {strides = array<i32>} : memref<32x128xf32, #tpu.memory_space<vmem>>, vector<16xf32>,
        tpu.vector_store %arg9[%swap3A_444, %swap3A_445], %max3A_438 {strides = array<i32>} : memref<32x128xf32, #tpu.memory_space<vmem>>, vector<16xf32>,
        %swap3A_447 = arith.index_cast %scan3A_115 : i32 to index
        %swap3A_448 = arith.constant 48 : index
        %swap3A_449 = tpu.vector_load %arg10[%swap3A_447, %swap3A_448] {strides = array<i32>} : memref<32x128xf32, #tpu.memory_space<vmem>>, vector<16xf32>,
        tpu.vector_store %arg10[%swap3A_447, %swap3A_448], %max3A_443 {strides = array<i32>} : memref<32x128xf32, #tpu.memory_space<vmem>>, vector<16xf32>,
        %mul3A_450 = arith.constant 128 : i32
        %mul3A_451 = arith.muli %scan3A_115, %mul3A_450 : i32
        %add3A_452 = arith.constant 64 : i32
        %add3A_453 = arith.addi %mul3A_451, %add3A_452 : i32
        %get3A_454 = arith.index_cast %add3A_453 : i32 to index
        %get3A_455 = tpu.vector_load %arg5[%get3A_454] {strides = array<i32>} : memref<32768xf32, #tpu.memory_space<vmem>>, vector<16xf32>,
        %get3A_456 = arith.index_cast %add3A_453 : i32 to index
        %get3A_457 = tpu.vector_load %arg6[%get3A_456] {strides = array<i32>} : memref<32768xf32, #tpu.memory_space<vmem>>, vector<16xf32>,
        %add3A_458 = arith.constant 4096 : i32
        %add3A_459 = arith.addi %add3A_458, %add3A_453 : i32
        %get3A_460 = arith.index_cast %add3A_459 : i32 to index
        %get3A_461 = tpu.vector_load %arg5[%get3A_460] {strides = array<i32>} : memref<32768xf32, #tpu.memory_space<vmem>>, vector<16xf32>,
        %max3A_462 = arith.maximumf %get3A_455, %get3A_461 : vector<16xf32>
        %add3A_463 = arith.constant 4096 : i32
        %add3A_464 = arith.addi %add3A_463, %add3A_453 : i32
        %get3A_465 = arith.index_cast %add3A_464 : i32 to index
        %get3A_466 = tpu.vector_load %arg6[%get3A_465] {strides = array<i32>} : memref<32768xf32, #tpu.memory_space<vmem>>, vector<16xf32>,
        %max3A_467 = arith.maximumf %get3A_457, %get3A_466 : vector<16xf32>
        %add3A_468 = arith.constant 8192 : i32
        %add3A_469 = arith.addi %add3A_468, %add3A_453 : i32
        %get3A_470 = arith.index_cast %add3A_469 : i32 to index
        %get3A_471 = tpu.vector_load %arg5[%get3A_470] {strides = array<i32>} : memref<32768xf32, #tpu.memory_space<vmem>>, vector<16xf32>,
        %max3A_472 = arith.maximumf %max3A_462, %get3A_471 : vector<16xf32>
        %add3A_473 = arith.constant 8192 : i32
        %add3A_474 = arith.addi %add3A_473, %add3A_453 : i32
        %get3A_475 = arith.index_cast %add3A_474 : i32 to index
        %get3A_476 = tpu.vector_load %arg6[%get3A_475] {strides = array<i32>} : memref<32768xf32, #tpu.memory_space<vmem>>, vector<16xf32>,
        %max3A_477 = arith.maximumf %max3A_467, %get3A_476 : vector<16xf32>
        %add3A_478 = arith.constant 12288 : i32
        %add3A_479 = arith.addi %add3A_478, %add3A_453 : i32
        %get3A_480 = arith.index_cast %add3A_479 : i32 to index
        %get3A_481 = tpu.vector_load %arg5[%get3A_480] {strides = array<i32>} : memref<32768xf32, #tpu.memory_space<vmem>>, vector<16xf32>,
        %max3A_482 = arith.maximumf %max3A_472, %get3A_481 : vector<16xf32>
        %add3A_483 = arith.constant 12288 : i32
        %add3A_484 = arith.addi %add3A_483, %add3A_453 : i32
        %get3A_485 = arith.index_cast %add3A_484 : i32 to index
        %get3A_486 = tpu.vector_load %arg6[%get3A_485] {strides = array<i32>} : memref<32768xf32, #tpu.memory_space<vmem>>, vector<16xf32>,
        %max3A_487 = arith.maximumf %max3A_477, %get3A_486 : vector<16xf32>
        %add3A_488 = arith.constant 16384 : i32
        %add3A_489 = arith.addi %add3A_488, %add3A_453 : i32
        %get3A_490 = arith.index_cast %add3A_489 : i32 to index
        %get3A_491 = tpu.vector_load %arg5[%get3A_490] {strides = array<i32>} : memref<32768xf32, #tpu.memory_space<vmem>>, vector<16xf32>,
        %max3A_492 = arith.maximumf %max3A_482, %get3A_491 : vector<16xf32>
        %add3A_493 = arith.constant 16384 : i32
        %add3A_494 = arith.addi %add3A_493, %add3A_453 : i32
        %get3A_495 = arith.index_cast %add3A_494 : i32 to index
        %get3A_496 = tpu.vector_load %arg6[%get3A_495] {strides = array<i32>} : memref<32768xf32, #tpu.memory_space<vmem>>, vector<16xf32>,
        %max3A_497 = arith.maximumf %max3A_487, %get3A_496 : vector<16xf32>
        %add3A_498 = arith.constant 20480 : i32
        %add3A_499 = arith.addi %add3A_498, %add3A_453 : i32
        %get3A_500 = arith.index_cast %add3A_499 : i32 to index
        %get3A_501 = tpu.vector_load %arg5[%get3A_500] {strides = array<i32>} : memref<32768xf32, #tpu.memory_space<vmem>>, vector<16xf32>,
        %max3A_502 = arith.maximumf %max3A_492, %get3A_501 : vector<16xf32>
        %add3A_503 = arith.constant 20480 : i32
        %add3A_504 = arith.addi %add3A_503, %add3A_453 : i32
        %get3A_505 = arith.index_cast %add3A_504 : i32 to index
        %get3A_506 = tpu.vector_load %arg6[%get3A_505] {strides = array<i32>} : memref<32768xf32, #tpu.memory_space<vmem>>, vector<16xf32>,
        %max3A_507 = arith.maximumf %max3A_497, %get3A_506 : vector<16xf32>
        %add3A_508 = arith.constant 24576 : i32
        %add3A_509 = arith.addi %add3A_508, %add3A_453 : i32
        %get3A_510 = arith.index_cast %add3A_509 : i32 to index
        %get3A_511 = tpu.vector_load %arg5[%get3A_510] {strides = array<i32>} : memref<32768xf32, #tpu.memory_space<vmem>>, vector<16xf32>,
        %max3A_512 = arith.maximumf %max3A_502, %get3A_511 : vector<16xf32>
        %add3A_513 = arith.constant 24576 : i32
        %add3A_514 = arith.addi %add3A_513, %add3A_453 : i32
        %get3A_515 = arith.index_cast %add3A_514 : i32 to index
        %get3A_516 = tpu.vector_load %arg6[%get3A_515] {strides = array<i32>} : memref<32768xf32, #tpu.memory_space<vmem>>, vector<16xf32>,
        %max3A_517 = arith.maximumf %max3A_507, %get3A_516 : vector<16xf32>
        %add3A_518 = arith.constant 28672 : i32
        %add3A_519 = arith.addi %add3A_518, %add3A_453 : i32
        %get3A_520 = arith.index_cast %add3A_519 : i32 to index
        %get3A_521 = tpu.vector_load %arg5[%get3A_520] {strides = array<i32>} : memref<32768xf32, #tpu.memory_space<vmem>>, vector<16xf32>,
        %max3A_522 = arith.maximumf %max3A_512, %get3A_521 : vector<16xf32>
        %add3A_523 = arith.constant 28672 : i32
        %add3A_524 = arith.addi %add3A_523, %add3A_453 : i32
        %get3A_525 = arith.index_cast %add3A_524 : i32 to index
        %get3A_526 = tpu.vector_load %arg6[%get3A_525] {strides = array<i32>} : memref<32768xf32, #tpu.memory_space<vmem>>, vector<16xf32>,
        %max3A_527 = arith.maximumf %max3A_517, %get3A_526 : vector<16xf32>
        %swap3A_528 = arith.index_cast %scan3A_115 : i32 to index
        %swap3A_529 = arith.constant 64 : index
        %swap3A_530 = tpu.vector_load %arg9[%swap3A_528, %swap3A_529] {strides = array<i32>} : memref<32x128xf32, #tpu.memory_space<vmem>>, vector<16xf32>,
        tpu.vector_store %arg9[%swap3A_528, %swap3A_529], %max3A_522 {strides = array<i32>} : memref<32x128xf32, #tpu.memory_space<vmem>>, vector<16xf32>,
        %swap3A_531 = arith.index_cast %scan3A_115 : i32 to index
        %swap3A_532 = arith.constant 64 : index
        %swap3A_533 = tpu.vector_load %arg10[%swap3A_531, %swap3A_532] {strides = array<i32>} : memref<32x128xf32, #tpu.memory_space<vmem>>, vector<16xf32>,
        tpu.vector_store %arg10[%swap3A_531, %swap3A_532], %max3A_527 {strides = array<i32>} : memref<32x128xf32, #tpu.memory_space<vmem>>, vector<16xf32>,
        %mul3A_534 = arith.constant 128 : i32
        %mul3A_535 = arith.muli %scan3A_115, %mul3A_534 : i32
        %add3A_536 = arith.constant 80 : i32
        %add3A_537 = arith.addi %mul3A_535, %add3A_536 : i32
        %get3A_538 = arith.index_cast %add3A_537 : i32 to index
        %get3A_539 = tpu.vector_load %arg5[%get3A_538] {strides = array<i32>} : memref<32768xf32, #tpu.memory_space<vmem>>, vector<16xf32>,
        %get3A_540 = arith.index_cast %add3A_537 : i32 to index
        %get3A_541 = tpu.vector_load %arg6[%get3A_540] {strides = array<i32>} : memref<32768xf32, #tpu.memory_space<vmem>>, vector<16xf32>,
        %add3A_542 = arith.constant 4096 : i32
        %add3A_543 = arith.addi %add3A_542, %add3A_537 : i32
        %get3A_544 = arith.index_cast %add3A_543 : i32 to index
        %get3A_545 = tpu.vector_load %arg5[%get3A_544] {strides = array<i32>} : memref<32768xf32, #tpu.memory_space<vmem>>, vector<16xf32>,
        %max3A_546 = arith.maximumf %get3A_539, %get3A_545 : vector<16xf32>
        %add3A_547 = arith.constant 4096 : i32
        %add3A_548 = arith.addi %add3A_547, %add3A_537 : i32
        %get3A_549 = arith.index_cast %add3A_548 : i32 to index
        %get3A_550 = tpu.vector_load %arg6[%get3A_549] {strides = array<i32>} : memref<32768xf32, #tpu.memory_space<vmem>>, vector<16xf32>,
        %max3A_551 = arith.maximumf %get3A_541, %get3A_550 : vector<16xf32>
        %add3A_552 = arith.constant 8192 : i32
        %add3A_553 = arith.addi %add3A_552, %add3A_537 : i32
        %get3A_554 = arith.index_cast %add3A_553 : i32 to index
        %get3A_555 = tpu.vector_load %arg5[%get3A_554] {strides = array<i32>} : memref<32768xf32, #tpu.memory_space<vmem>>, vector<16xf32>,
        %max3A_556 = arith.maximumf %max3A_546, %get3A_555 : vector<16xf32>
        %add3A_557 = arith.constant 8192 : i32
        %add3A_558 = arith.addi %add3A_557, %add3A_537 : i32
        %get3A_559 = arith.index_cast %add3A_558 : i32 to index
        %get3A_560 = tpu.vector_load %arg6[%get3A_559] {strides = array<i32>} : memref<32768xf32, #tpu.memory_space<vmem>>, vector<16xf32>,
        %max3A_561 = arith.maximumf %max3A_551, %get3A_560 : vector<16xf32>
        %add3A_562 = arith.constant 12288 : i32
        %add3A_563 = arith.addi %add3A_562, %add3A_537 : i32
        %get3A_564 = arith.index_cast %add3A_563 : i32 to index
        %get3A_565 = tpu.vector_load %arg5[%get3A_564] {strides = array<i32>} : memref<32768xf32, #tpu.memory_space<vmem>>, vector<16xf32>,
        %max3A_566 = arith.maximumf %max3A_556, %get3A_565 : vector<16xf32>
        %add3A_567 = arith.constant 12288 : i32
        %add3A_568 = arith.addi %add3A_567, %add3A_537 : i32
        %get3A_569 = arith.index_cast %add3A_568 : i32 to index
        %get3A_570 = tpu.vector_load %arg6[%get3A_569] {strides = array<i32>} : memref<32768xf32, #tpu.memory_space<vmem>>, vector<16xf32>,
        %max3A_571 = arith.maximumf %max3A_561, %get3A_570 : vector<16xf32>
        %add3A_572 = arith.constant 16384 : i32
        %add3A_573 = arith.addi %add3A_572, %add3A_537 : i32
        %get3A_574 = arith.index_cast %add3A_573 : i32 to index
        %get3A_575 = tpu.vector_load %arg5[%get3A_574] {strides = array<i32>} : memref<32768xf32, #tpu.memory_space<vmem>>, vector<16xf32>,
        %max3A_576 = arith.maximumf %max3A_566, %get3A_575 : vector<16xf32>
        %add3A_577 = arith.constant 16384 : i32
        %add3A_578 = arith.addi %add3A_577, %add3A_537 : i32
        %get3A_579 = arith.index_cast %add3A_578 : i32 to index
        %get3A_580 = tpu.vector_load %arg6[%get3A_579] {strides = array<i32>} : memref<32768xf32, #tpu.memory_space<vmem>>, vector<16xf32>,
        %max3A_581 = arith.maximumf %max3A_571, %get3A_580 : vector<16xf32>
        %add3A_582 = arith.constant 20480 : i32
        %add3A_583 = arith.addi %add3A_582, %add3A_537 : i32
        %get3A_584 = arith.index_cast %add3A_583 : i32 to index
        %get3A_585 = tpu.vector_load %arg5[%get3A_584] {strides = array<i32>} : memref<32768xf32, #tpu.memory_space<vmem>>, vector<16xf32>,
        %max3A_586 = arith.maximumf %max3A_576, %get3A_585 : vector<16xf32>
        %add3A_587 = arith.constant 20480 : i32
        %add3A_588 = arith.addi %add3A_587, %add3A_537 : i32
        %get3A_589 = arith.index_cast %add3A_588 : i32 to index
        %get3A_590 = tpu.vector_load %arg6[%get3A_589] {strides = array<i32>} : memref<32768xf32, #tpu.memory_space<vmem>>, vector<16xf32>,
        %max3A_591 = arith.maximumf %max3A_581, %get3A_590 : vector<16xf32>
        %add3A_592 = arith.constant 24576 : i32
        %add3A_593 = arith.addi %add3A_592, %add3A_537 : i32
        %get3A_594 = arith.index_cast %add3A_593 : i32 to index
        %get3A_595 = tpu.vector_load %arg5[%get3A_594] {strides = array<i32>} : memref<32768xf32, #tpu.memory_space<vmem>>, vector<16xf32>,
        %max3A_596 = arith.maximumf %max3A_586, %get3A_595 : vector<16xf32>
        %add3A_597 = arith.constant 24576 : i32
        %add3A_598 = arith.addi %add3A_597, %add3A_537 : i32
        %get3A_599 = arith.index_cast %add3A_598 : i32 to index
        %get3A_600 = tpu.vector_load %arg6[%get3A_599] {strides = array<i32>} : memref<32768xf32, #tpu.memory_space<vmem>>, vector<16xf32>,
        %max3A_601 = arith.maximumf %max3A_591, %get3A_600 : vector<16xf32>
        %add3A_602 = arith.constant 28672 : i32
        %add3A_603 = arith.addi %add3A_602, %add3A_537 : i32
        %get3A_604 = arith.index_cast %add3A_603 : i32 to index
        %get3A_605 = tpu.vector_load %arg5[%get3A_604] {strides = array<i32>} : memref<32768xf32, #tpu.memory_space<vmem>>, vector<16xf32>,
        %max3A_606 = arith.maximumf %max3A_596, %get3A_605 : vector<16xf32>
        %add3A_607 = arith.constant 28672 : i32
        %add3A_608 = arith.addi %add3A_607, %add3A_537 : i32
        %get3A_609 = arith.index_cast %add3A_608 : i32 to index
        %get3A_610 = tpu.vector_load %arg6[%get3A_609] {strides = array<i32>} : memref<32768xf32, #tpu.memory_space<vmem>>, vector<16xf32>,
        %max3A_611 = arith.maximumf %max3A_601, %get3A_610 : vector<16xf32>
        %swap3A_612 = arith.index_cast %scan3A_115 : i32 to index
        %swap3A_613 = arith.constant 80 : index
        %swap3A_614 = tpu.vector_load %arg9[%swap3A_612, %swap3A_613] {strides = array<i32>} : memref<32x128xf32, #tpu.memory_space<vmem>>, vector<16xf32>,
        tpu.vector_store %arg9[%swap3A_612, %swap3A_613], %max3A_606 {strides = array<i32>} : memref<32x128xf32, #tpu.memory_space<vmem>>, vector<16xf32>,
        %swap3A_615 = arith.index_cast %scan3A_115 : i32 to index
        %swap3A_616 = arith.constant 80 : index
        %swap3A_617 = tpu.vector_load %arg10[%swap3A_615, %swap3A_616] {strides = array<i32>} : memref<32x128xf32, #tpu.memory_space<vmem>>, vector<16xf32>,
        tpu.vector_store %arg10[%swap3A_615, %swap3A_616], %max3A_611 {strides = array<i32>} : memref<32x128xf32, #tpu.memory_space<vmem>>, vector<16xf32>,
        %mul3A_618 = arith.constant 128 : i32
        %mul3A_619 = arith.muli %scan3A_115, %mul3A_618 : i32
        %add3A_620 = arith.constant 96 : i32
        %add3A_621 = arith.addi %mul3A_619, %add3A_620 : i32
        %get3A_622 = arith.index_cast %add3A_621 : i32 to index
        %get3A_623 = tpu.vector_load %arg5[%get3A_622] {strides = array<i32>} : memref<32768xf32, #tpu.memory_space<vmem>>, vector<16xf32>,
        %get3A_624 = arith.index_cast %add3A_621 : i32 to index
        %get3A_625 = tpu.vector_load %arg6[%get3A_624] {strides = array<i32>} : memref<32768xf32, #tpu.memory_space<vmem>>, vector<16xf32>,
        %add3A_626 = arith.constant 4096 : i32
        %add3A_627 = arith.addi %add3A_626, %add3A_621 : i32
        %get3A_628 = arith.index_cast %add3A_627 : i32 to index
        %get3A_629 = tpu.vector_load %arg5[%get3A_628] {strides = array<i32>} : memref<32768xf32, #tpu.memory_space<vmem>>, vector<16xf32>,
        %max3A_630 = arith.maximumf %get3A_623, %get3A_629 : vector<16xf32>
        %add3A_631 = arith.constant 4096 : i32
        %add3A_632 = arith.addi %add3A_631, %add3A_621 : i32
        %get3A_633 = arith.index_cast %add3A_632 : i32 to index
        %get3A_634 = tpu.vector_load %arg6[%get3A_633] {strides = array<i32>} : memref<32768xf32, #tpu.memory_space<vmem>>, vector<16xf32>,
        %max3A_635 = arith.maximumf %get3A_625, %get3A_634 : vector<16xf32>
        %add3A_636 = arith.constant 8192 : i32
        %add3A_637 = arith.addi %add3A_636, %add3A_621 : i32
        %get3A_638 = arith.index_cast %add3A_637 : i32 to index
        %get3A_639 = tpu.vector_load %arg5[%get3A_638] {strides = array<i32>} : memref<32768xf32, #tpu.memory_space<vmem>>, vector<16xf32>,
        %max3A_640 = arith.maximumf %max3A_630, %get3A_639 : vector<16xf32>
        %add3A_641 = arith.constant 8192 : i32
        %add3A_642 = arith.addi %add3A_641, %add3A_621 : i32
        %get3A_643 = arith.index_cast %add3A_642 : i32 to index
        %get3A_644 = tpu.vector_load %arg6[%get3A_643] {strides = array<i32>} : memref<32768xf32, #tpu.memory_space<vmem>>, vector<16xf32>,
        %max3A_645 = arith.maximumf %max3A_635, %get3A_644 : vector<16xf32>
        %add3A_646 = arith.constant 12288 : i32
        %add3A_647 = arith.addi %add3A_646, %add3A_621 : i32
        %get3A_648 = arith.index_cast %add3A_647 : i32 to index
        %get3A_649 = tpu.vector_load %arg5[%get3A_648] {strides = array<i32>} : memref<32768xf32, #tpu.memory_space<vmem>>, vector<16xf32>,
        %max3A_650 = arith.maximumf %max3A_640, %get3A_649 : vector<16xf32>
        %add3A_651 = arith.constant 12288 : i32
        %add3A_652 = arith.addi %add3A_651, %add3A_621 : i32
        %get3A_653 = arith.index_cast %add3A_652 : i32 to index
        %get3A_654 = tpu.vector_load %arg6[%get3A_653] {strides = array<i32>} : memref<32768xf32, #tpu.memory_space<vmem>>, vector<16xf32>,
        %max3A_655 = arith.maximumf %max3A_645, %get3A_654 : vector<16xf32>
        %add3A_656 = arith.constant 16384 : i32
        %add3A_657 = arith.addi %add3A_656, %add3A_621 : i32
        %get3A_658 = arith.index_cast %add3A_657 : i32 to index
        %get3A_659 = tpu.vector_load %arg5[%get3A_658] {strides = array<i32>} : memref<32768xf32, #tpu.memory_space<vmem>>, vector<16xf32>,
        %max3A_660 = arith.maximumf %max3A_650, %get3A_659 : vector<16xf32>
        %add3A_661 = arith.constant 16384 : i32
        %add3A_662 = arith.addi %add3A_661, %add3A_621 : i32
        %get3A_663 = arith.index_cast %add3A_662 : i32 to index
        %get3A_664 = tpu.vector_load %arg6[%get3A_663] {strides = array<i32>} : memref<32768xf32, #tpu.memory_space<vmem>>, vector<16xf32>,
        %max3A_665 = arith.maximumf %max3A_655, %get3A_664 : vector<16xf32>
        %add3A_666 = arith.constant 20480 : i32
        %add3A_667 = arith.addi %add3A_666, %add3A_621 : i32
        %get3A_668 = arith.index_cast %add3A_667 : i32 to index
        %get3A_669 = tpu.vector_load %arg5[%get3A_668] {strides = array<i32>} : memref<32768xf32, #tpu.memory_space<vmem>>, vector<16xf32>,
        %max3A_670 = arith.maximumf %max3A_660, %get3A_669 : vector<16xf32>
        %add3A_671 = arith.constant 20480 : i32
        %add3A_672 = arith.addi %add3A_671, %add3A_621 : i32
        %get3A_673 = arith.index_cast %add3A_672 : i32 to index
        %get3A_674 = tpu.vector_load %arg6[%get3A_673] {strides = array<i32>} : memref<32768xf32, #tpu.memory_space<vmem>>, vector<16xf32>,
        %max3A_675 = arith.maximumf %max3A_665, %get3A_674 : vector<16xf32>
        %add3A_676 = arith.constant 24576 : i32
        %add3A_677 = arith.addi %add3A_676, %add3A_621 : i32
        %get3A_678 = arith.index_cast %add3A_677 : i32 to index
        %get3A_679 = tpu.vector_load %arg5[%get3A_678] {strides = array<i32>} : memref<32768xf32, #tpu.memory_space<vmem>>, vector<16xf32>,
        %max3A_680 = arith.maximumf %max3A_670, %get3A_679 : vector<16xf32>
        %add3A_681 = arith.constant 24576 : i32
        %add3A_682 = arith.addi %add3A_681, %add3A_621 : i32
        %get3A_683 = arith.index_cast %add3A_682 : i32 to index
        %get3A_684 = tpu.vector_load %arg6[%get3A_683] {strides = array<i32>} : memref<32768xf32, #tpu.memory_space<vmem>>, vector<16xf32>,
        %max3A_685 = arith.maximumf %max3A_675, %get3A_684 : vector<16xf32>
        %add3A_686 = arith.constant 28672 : i32
        %add3A_687 = arith.addi %add3A_686, %add3A_621 : i32
        %get3A_688 = arith.index_cast %add3A_687 : i32 to index
        %get3A_689 = tpu.vector_load %arg5[%get3A_688] {strides = array<i32>} : memref<32768xf32, #tpu.memory_space<vmem>>, vector<16xf32>,
        %max3A_690 = arith.maximumf %max3A_680, %get3A_689 : vector<16xf32>
        %add3A_691 = arith.constant 28672 : i32
        %add3A_692 = arith.addi %add3A_691, %add3A_621 : i32
        %get3A_693 = arith.index_cast %add3A_692 : i32 to index
        %get3A_694 = tpu.vector_load %arg6[%get3A_693] {strides = array<i32>} : memref<32768xf32, #tpu.memory_space<vmem>>, vector<16xf32>,
        %max3A_695 = arith.maximumf %max3A_685, %get3A_694 : vector<16xf32>
        %swap3A_696 = arith.index_cast %scan3A_115 : i32 to index
        %swap3A_697 = arith.constant 96 : index
        %swap3A_698 = tpu.vector_load %arg9[%swap3A_696, %swap3A_697] {strides = array<i32>} : memref<32x128xf32, #tpu.memory_space<vmem>>, vector<16xf32>,
        tpu.vector_store %arg9[%swap3A_696, %swap3A_697], %max3A_690 {strides = array<i32>} : memref<32x128xf32, #tpu.memory_space<vmem>>, vector<16xf32>,
        %swap3A_699 = arith.index_cast %scan3A_115 : i32 to index
        %swap3A_700 = arith.constant 96 : index
        %swap3A_701 = tpu.vector_load %arg10[%swap3A_699, %swap3A_700] {strides = array<i32>} : memref<32x128xf32, #tpu.memory_space<vmem>>, vector<16xf32>,
        tpu.vector_store %arg10[%swap3A_699, %swap3A_700], %max3A_695 {strides = array<i32>} : memref<32x128xf32, #tpu.memory_space<vmem>>, vector<16xf32>,
        %mul3A_702 = arith.constant 128 : i32
        %mul3A_703 = arith.muli %scan3A_115, %mul3A_702 : i32
        %add3A_704 = arith.constant 112 : i32
        %add3A_705 = arith.addi %mul3A_703, %add3A_704 : i32
        %get3A_706 = arith.index_cast %add3A_705 : i32 to index
        %get3A_707 = tpu.vector_load %arg5[%get3A_706] {strides = array<i32>} : memref<32768xf32, #tpu.memory_space<vmem>>, vector<16xf32>,
        %get3A_708 = arith.index_cast %add3A_705 : i32 to index
        %get3A_709 = tpu.vector_load %arg6[%get3A_708] {strides = array<i32>} : memref<32768xf32, #tpu.memory_space<vmem>>, vector<16xf32>,
        %add3A_710 = arith.constant 4096 : i32
        %add3A_711 = arith.addi %add3A_710, %add3A_705 : i32
        %get3A_712 = arith.index_cast %add3A_711 : i32 to index
        %get3A_713 = tpu.vector_load %arg5[%get3A_712] {strides = array<i32>} : memref<32768xf32, #tpu.memory_space<vmem>>, vector<16xf32>,
        %max3A_714 = arith.maximumf %get3A_707, %get3A_713 : vector<16xf32>
        %add3A_715 = arith.constant 4096 : i32
        %add3A_716 = arith.addi %add3A_715, %add3A_705 : i32
        %get3A_717 = arith.index_cast %add3A_716 : i32 to index
        %get3A_718 = tpu.vector_load %arg6[%get3A_717] {strides = array<i32>} : memref<32768xf32, #tpu.memory_space<vmem>>, vector<16xf32>,
        %max3A_719 = arith.maximumf %get3A_709, %get3A_718 : vector<16xf32>
        %add3A_720 = arith.constant 8192 : i32
        %add3A_721 = arith.addi %add3A_720, %add3A_705 : i32
        %get3A_722 = arith.index_cast %add3A_721 : i32 to index
        %get3A_723 = tpu.vector_load %arg5[%get3A_722] {strides = array<i32>} : memref<32768xf32, #tpu.memory_space<vmem>>, vector<16xf32>,
        %max3A_724 = arith.maximumf %max3A_714, %get3A_723 : vector<16xf32>
        %add3A_725 = arith.constant 8192 : i32
        %add3A_726 = arith.addi %add3A_725, %add3A_705 : i32
        %get3A_727 = arith.index_cast %add3A_726 : i32 to index
        %get3A_728 = tpu.vector_load %arg6[%get3A_727] {strides = array<i32>} : memref<32768xf32, #tpu.memory_space<vmem>>, vector<16xf32>,
        %max3A_729 = arith.maximumf %max3A_719, %get3A_728 : vector<16xf32>
        %add3A_730 = arith.constant 12288 : i32
        %add3A_731 = arith.addi %add3A_730, %add3A_705 : i32
        %get3A_732 = arith.index_cast %add3A_731 : i32 to index
        %get3A_733 = tpu.vector_load %arg5[%get3A_732] {strides = array<i32>} : memref<32768xf32, #tpu.memory_space<vmem>>, vector<16xf32>,
        %max3A_734 = arith.maximumf %max3A_724, %get3A_733 : vector<16xf32>
        %add3A_735 = arith.constant 12288 : i32
        %add3A_736 = arith.addi %add3A_735, %add3A_705 : i32
        %get3A_737 = arith.index_cast %add3A_736 : i32 to index
        %get3A_738 = tpu.vector_load %arg6[%get3A_737] {strides = array<i32>} : memref<32768xf32, #tpu.memory_space<vmem>>, vector<16xf32>,
        %max3A_739 = arith.maximumf %max3A_729, %get3A_738 : vector<16xf32>
        %add3A_740 = arith.constant 16384 : i32
        %add3A_741 = arith.addi %add3A_740, %add3A_705 : i32
        %get3A_742 = arith.index_cast %add3A_741 : i32 to index
        %get3A_743 = tpu.vector_load %arg5[%get3A_742] {strides = array<i32>} : memref<32768xf32, #tpu.memory_space<vmem>>, vector<16xf32>,
        %max3A_744 = arith.maximumf %max3A_734, %get3A_743 : vector<16xf32>
        %add3A_745 = arith.constant 16384 : i32
        %add3A_746 = arith.addi %add3A_745, %add3A_705 : i32
        %get3A_747 = arith.index_cast %add3A_746 : i32 to index
        %get3A_748 = tpu.vector_load %arg6[%get3A_747] {strides = array<i32>} : memref<32768xf32, #tpu.memory_space<vmem>>, vector<16xf32>,
        %max3A_749 = arith.maximumf %max3A_739, %get3A_748 : vector<16xf32>
        %add3A_750 = arith.constant 20480 : i32
        %add3A_751 = arith.addi %add3A_750, %add3A_705 : i32
        %get3A_752 = arith.index_cast %add3A_751 : i32 to index
        %get3A_753 = tpu.vector_load %arg5[%get3A_752] {strides = array<i32>} : memref<32768xf32, #tpu.memory_space<vmem>>, vector<16xf32>,
        %max3A_754 = arith.maximumf %max3A_744, %get3A_753 : vector<16xf32>
        %add3A_755 = arith.constant 20480 : i32
        %add3A_756 = arith.addi %add3A_755, %add3A_705 : i32
        %get3A_757 = arith.index_cast %add3A_756 : i32 to index
        %get3A_758 = tpu.vector_load %arg6[%get3A_757] {strides = array<i32>} : memref<32768xf32, #tpu.memory_space<vmem>>, vector<16xf32>,
        %max3A_759 = arith.maximumf %max3A_749, %get3A_758 : vector<16xf32>
        %add3A_760 = arith.constant 24576 : i32
        %add3A_761 = arith.addi %add3A_760, %add3A_705 : i32
        %get3A_762 = arith.index_cast %add3A_761 : i32 to index
        %get3A_763 = tpu.vector_load %arg5[%get3A_762] {strides = array<i32>} : memref<32768xf32, #tpu.memory_space<vmem>>, vector<16xf32>,
        %max3A_764 = arith.maximumf %max3A_754, %get3A_763 : vector<16xf32>
        %add3A_765 = arith.constant 24576 : i32
        %add3A_766 = arith.addi %add3A_765, %add3A_705 : i32
        %get3A_767 = arith.index_cast %add3A_766 : i32 to index
        %get3A_768 = tpu.vector_load %arg6[%get3A_767] {strides = array<i32>} : memref<32768xf32, #tpu.memory_space<vmem>>, vector<16xf32>,
        %max3A_769 = arith.maximumf %max3A_759, %get3A_768 : vector<16xf32>
        %add3A_770 = arith.constant 28672 : i32
        %add3A_771 = arith.addi %add3A_770, %add3A_705 : i32
        %get3A_772 = arith.index_cast %add3A_771 : i32 to index
        %get3A_773 = tpu.vector_load %arg5[%get3A_772] {strides = array<i32>} : memref<32768xf32, #tpu.memory_space<vmem>>, vector<16xf32>,
        %max3A_774 = arith.maximumf %max3A_764, %get3A_773 : vector<16xf32>
        %add3A_775 = arith.constant 28672 : i32
        %add3A_776 = arith.addi %add3A_775, %add3A_705 : i32
        %get3A_777 = arith.index_cast %add3A_776 : i32 to index
        %get3A_778 = tpu.vector_load %arg6[%get3A_777] {strides = array<i32>} : memref<32768xf32, #tpu.memory_space<vmem>>, vector<16xf32>,
        %max3A_779 = arith.maximumf %max3A_769, %get3A_778 : vector<16xf32>
        %swap3A_780 = arith.index_cast %scan3A_115 : i32 to index
        %swap3A_781 = arith.constant 112 : index
        %swap3A_782 = tpu.vector_load %arg9[%swap3A_780, %swap3A_781] {strides = array<i32>} : memref<32x128xf32, #tpu.memory_space<vmem>>, vector<16xf32>,
        tpu.vector_store %arg9[%swap3A_780, %swap3A_781], %max3A_774 {strides = array<i32>} : memref<32x128xf32, #tpu.memory_space<vmem>>, vector<16xf32>,
        %swap3A_783 = arith.index_cast %scan3A_115 : i32 to index
        %swap3A_784 = arith.constant 112 : index
        %swap3A_785 = tpu.vector_load %arg10[%swap3A_783, %swap3A_784] {strides = array<i32>} : memref<32x128xf32, #tpu.memory_space<vmem>>, vector<16xf32>,
        tpu.vector_store %arg10[%swap3A_783, %swap3A_784], %max3A_779 {strides = array<i32>} : memref<32x128xf32, #tpu.memory_space<vmem>>, vector<16xf32>,
        %scan3A_786 = arith.constant 0 : i32
        scf.yield %scan3A_786 : i32
      }
      %scan3A_111 = arith.constant 32 : i32
      "tpu.region"() ({
        %run_scoped3A = tpu.sem_alloc : memref<!tpu.dma_semaphore, #tpu.memory_space<semaphore_mem>>
        %dma_start3A_115 = arith.constant 0 : i32
        %dma_start3A_116 = arith.constant 0 : i32
        %dma_start3A_117 = tpu.memref_slice %arg4[%scan3A_89, %select_n3A, %dma_start3A_115, %mul3A_32, %dma_start3A_116] : memref<16x8x32x8x128xf32, #tpu.memory_space<hbm>> -> memref<1x1x32x1x128xf32, #tpu.memory_space<hbm>>
        %dma_start3A_118 = tpu.memref_squeeze %dma_start3A_117 : memref<1x1x32x1x128xf32, #tpu.memory_space<hbm>> -> memref<32x128xf32, #tpu.memory_space<hbm>>
        %dma_start3A_119 = arith.constant 0 : i32
        %dma_start3A_120 = arith.constant 0 : i32
        %dma_start3A_121 = tpu.memref_slice %arg4[%scan3A_89, %select_n3A, %dma_start3A_119, %mul3A_32, %dma_start3A_120] : memref<16x8x32x8x128xf32, #tpu.memory_space<hbm>> -> memref<1x1x32x1x128xf32, #tpu.memory_space<hbm>>
        %dma_start3A_122 = tpu.memref_squeeze %dma_start3A_121 : memref<1x1x32x1x128xf32, #tpu.memory_space<hbm>> -> memref<32x128xf32, #tpu.memory_space<hbm>>
        tpu.enqueue_dma source(%arg9 : memref<32x128xf32, #tpu.memory_space<vmem>>) target(%dma_start3A_122 : memref<32x128xf32, #tpu.memory_space<hbm>>) target_semaphore(%run_scoped3A : memref<!tpu.dma_semaphore, #tpu.memory_space<semaphore_mem>>)
        %dma_wait3A = arith.constant 0 : i32
        %dma_wait3A_123 = arith.constant 0 : i32
        %dma_wait3A_124 = tpu.memref_slice %arg4[%scan3A_89, %select_n3A, %dma_wait3A, %mul3A_32, %dma_wait3A_123] : memref<16x8x32x8x128xf32, #tpu.memory_space<hbm>> -> memref<1x1x32x1x128xf32, #tpu.memory_space<hbm>>
        %dma_wait3A_125 = tpu.memref_squeeze %dma_wait3A_124 : memref<1x1x32x1x128xf32, #tpu.memory_space<hbm>> -> memref<32x128xf32, #tpu.memory_space<hbm>>
        %dma_wait3A_126 = arith.constant 0 : i32
        %dma_wait3A_127 = arith.constant 0 : i32
        %dma_wait3A_128 = tpu.memref_slice %arg4[%scan3A_89, %select_n3A, %dma_wait3A_126, %mul3A_32, %dma_wait3A_127] : memref<16x8x32x8x128xf32, #tpu.memory_space<hbm>> -> memref<1x1x32x1x128xf32, #tpu.memory_space<hbm>>
        %dma_wait3A_129 = tpu.memref_squeeze %dma_wait3A_128 : memref<1x1x32x1x128xf32, #tpu.memory_space<hbm>> -> memref<32x128xf32, #tpu.memory_space<hbm>>
        tpu.wait_dma2 semaphore(%run_scoped3A : memref<!tpu.dma_semaphore, #tpu.memory_space<semaphore_mem>>) src(%arg9 : memref<32x128xf32, #tpu.memory_space<vmem>>) dst(%dma_wait3A_129 : memref<32x128xf32, #tpu.memory_space<hbm>>)
        tpu.yield
      }) : () -> ()
      %add3A_112 = arith.constant 1 : i32
      %add3A_113 = arith.addi %mul3A_32, %add3A_112 : i32
      "tpu.region"() ({
        %run_scoped3A = tpu.sem_alloc : memref<!tpu.dma_semaphore, #tpu.memory_space<semaphore_mem>>
        %dma_start3A_115 = arith.constant 0 : i32
        %dma_start3A_116 = arith.constant 0 : i32
        %dma_start3A_117 = tpu.memref_slice %arg4[%scan3A_89, %select_n3A, %dma_start3A_115, %add3A_113, %dma_start3A_116] : memref<16x8x32x8x128xf32, #tpu.memory_space<hbm>> -> memref<1x1x32x1x128xf32, #tpu.memory_space<hbm>>
        %dma_start3A_118 = tpu.memref_squeeze %dma_start3A_117 : memref<1x1x32x1x128xf32, #tpu.memory_space<hbm>> -> memref<32x128xf32, #tpu.memory_space<hbm>>
        %dma_start3A_119 = arith.constant 0 : i32
        %dma_start3A_120 = arith.constant 0 : i32
        %dma_start3A_121 = tpu.memref_slice %arg4[%scan3A_89, %select_n3A, %dma_start3A_119, %add3A_113, %dma_start3A_120] : memref<16x8x32x8x128xf32, #tpu.memory_space<hbm>> -> memref<1x1x32x1x128xf32, #tpu.memory_space<hbm>>
        %dma_start3A_122 = tpu.memref_squeeze %dma_start3A_121 : memref<1x1x32x1x128xf32, #tpu.memory_space<hbm>> -> memref<32x128xf32, #tpu.memory_space<hbm>>
        tpu.enqueue_dma source(%arg10 : memref<32x128xf32, #tpu.memory_space<vmem>>) target(%dma_start3A_122 : memref<32x128xf32, #tpu.memory_space<hbm>>) target_semaphore(%run_scoped3A : memref<!tpu.dma_semaphore, #tpu.memory_space<semaphore_mem>>)
        %dma_wait3A = arith.constant 0 : i32
        %dma_wait3A_123 = arith.constant 0 : i32
        %dma_wait3A_124 = tpu.memref_slice %arg4[%scan3A_89, %select_n3A, %dma_wait3A, %add3A_113, %dma_wait3A_123] : memref<16x8x32x8x128xf32, #tpu.memory_space<hbm>> -> memref<1x1x32x1x128xf32, #tpu.memory_space<hbm>>
        %dma_wait3A_125 = tpu.memref_squeeze %dma_wait3A_124 : memref<1x1x32x1x128xf32, #tpu.memory_space<hbm>> -> memref<32x128xf32, #tpu.memory_space<hbm>>
        %dma_wait3A_126 = arith.constant 0 : i32
        %dma_wait3A_127 = arith.constant 0 : i32
        %dma_wait3A_128 = tpu.memref_slice %arg4[%scan3A_89, %select_n3A, %dma_wait3A_126, %add3A_113, %dma_wait3A_127] : memref<16x8x32x8x128xf32, #tpu.memory_space<hbm>> -> memref<1x1x32x1x128xf32, #tpu.memory_space<hbm>>
        %dma_wait3A_129 = tpu.memref_squeeze %dma_wait3A_128 : memref<1x1x32x1x128xf32, #tpu.memory_space<hbm>> -> memref<32x128xf32, #tpu.memory_space<hbm>>
        tpu.wait_dma2 semaphore(%run_scoped3A : memref<!tpu.dma_semaphore, #tpu.memory_space<semaphore_mem>>) src(%arg10 : memref<32x128xf32, #tpu.memory_space<vmem>>) dst(%dma_wait3A_129 : memref<32x128xf32, #tpu.memory_space<hbm>>)
        tpu.yield
      }) : () -> ()
      %scan3A_114 = arith.constant 0 : i32
      scf.yield %scan3A_114 : i32
    }
    %scan3A_88 = arith.constant 16 : i32
    return
  }
}

#map = affine_map<(d0, d1) -> (0, 0, 0, 0, 0)>
#map1 = affine_map<(d0, d1) -> (0, 0, 0)>
module attributes {stable_mosaic.version = 14 : i64} {
  func.func @_scatter_max_body(%arg0: i32, %arg1: i32, %arg2: memref<8x256x16x8x128xf32, #tpu.memory_space<hbm>>, %arg3: memref<256x16x128xi32, #tpu.memory_space<hbm>>, %arg4: memref<16x8x32x8x128xf32, #tpu.memory_space<hbm>>, %arg5: memref<32768xf32, #tpu.memory_space<vmem>>, %arg6: memref<32768xf32, #tpu.memory_space<vmem>>, %arg7: memref<2x64x128xi32, #tpu.memory_space<vmem>>, %arg8: memref<2x64x2x128xf32, #tpu.memory_space<vmem>>, %arg9: memref<32x128xf32, #tpu.memory_space<vmem>>, %arg10: memref<32x128xf32, #tpu.memory_space<vmem>>, %arg11: memref<2x!tpu.dma_semaphore, #tpu.memory_space<semaphore_mem>>) attributes {dimension_semantics = [#tpu.dimension_semantics<core_parallel>, #tpu.dimension_semantics<subcore_parallel>], iteration_bounds = array<i64: 2, 16>, scalar_prefetch = 0 : i64, scratch_operands = 7 : i64, tpu.core_type = #tpu.core_type<sc_vector_subcore>, window_params = [{transform_indices = #map}, {transform_indices = #map1}, {transform_indices = #map}]} {
    %mul3A = arith.constant 2 : i32
    %mul3A_0 = arith.muli %arg1, %mul3A : i32
    %add3A = arith.addi %mul3A_0, %arg0 : i32
    %jit3A = arith.constant 4 : i32
    %div3A = arith.divsi %add3A, %jit3A : i32
    %sign3A = arith.constant 0 : i32
    %sign3A_1 = arith.cmpi sgt, %add3A, %sign3A : i32
    %sign3A_2 = arith.extui %sign3A_1 : i1 to i32
    %sign3A_3 = arith.constant 0 : i32
    %sign3A_4 = arith.cmpi slt, %add3A, %sign3A_3 : i32
    %sign3A_5 = arith.extui %sign3A_4 : i1 to i32
    %sign3A_6 = arith.subi %sign3A_2, %sign3A_5 : i32
    %sign3A_7 = arith.constant 0 : i32
    %sign3A_8 = arith.cmpi sgt, %jit3A, %sign3A_7 : i32
    %sign3A_9 = arith.extui %sign3A_8 : i1 to i32
    %sign3A_10 = arith.constant 0 : i32
    %sign3A_11 = arith.cmpi slt, %jit3A, %sign3A_10 : i32
    %sign3A_12 = arith.extui %sign3A_11 : i1 to i32
    %sign3A_13 = arith.subi %sign3A_9, %sign3A_12 : i32
    %ne3A = arith.cmpi ne, %sign3A_6, %sign3A_13 : i32
    %rem3A = arith.remsi %add3A, %jit3A : i32
    %ne3A_14 = arith.constant 0 : i32
    %ne3A_15 = arith.cmpi ne, %rem3A, %ne3A_14 : i32
    %and3A = arith.andi %ne3A, %ne3A_15 : i1
    %sub3A = arith.constant 1 : i32
    %sub3A_16 = arith.subi %div3A, %sub3A : i32
    %select_n3A = arith.select %and3A, %sub3A_16, %div3A : i32
    %jit3A_17 = arith.constant 4 : i32
    %eq3A = arith.constant 0 : i32
    %eq3A_18 = arith.cmpi eq, %jit3A_17, %eq3A : i32
    %jit3A_19 = arith.constant 1 : i32
    %select_n3A_20 = arith.select %eq3A_18, %jit3A_19, %jit3A_17 : i32
    %rem3A_21 = arith.remsi %add3A, %select_n3A_20 : i32
    %ne3A_22 = arith.constant 0 : i32
    %ne3A_23 = arith.cmpi ne, %rem3A_21, %ne3A_22 : i32
    %lt3A = arith.constant 0 : i32
    %lt3A_24 = arith.cmpi slt, %rem3A_21, %lt3A : i32
    %lt3A_25 = arith.constant 0 : i32
    %lt3A_26 = arith.cmpi slt, %select_n3A_20, %lt3A_25 : i32
    %ne3A_27 = arith.xori %lt3A_24, %lt3A_26 : i1
    %and3A_28 = arith.andi %ne3A_27, %ne3A_23 : i1
    %add3A_29 = arith.addi %rem3A_21, %select_n3A_20 : i32
    %select_n3A_30 = arith.select %and3A_28, %add3A_29, %rem3A_21 : i32
    %mul3A_31 = arith.constant 2 : i32
    %mul3A_32 = arith.muli %select_n3A_30, %mul3A_31 : i32
    %broadcast_in_dim3A = arith.constant 0xFF800000 : f32
    %broadcast_in_dim3A_33 = vector.broadcast %broadcast_in_dim3A : f32 to vector<16xf32>
    %iota3A = tpu.iota {dimensions = array<i32: 0>} : vector<16xi32>
    %sub3A_34 = arith.constant 15 : i32
    %sub3A_35 = vector.broadcast %sub3A_34 : i32 to vector<16xi32>
    %sub3A_36 = arith.subi %sub3A_35, %iota3A : vector<16xi32>
    %min3A = arith.minsi %iota3A, %sub3A_36 : vector<16xi32>
    %mul3A_37 = arith.constant 4096 : i32
    %mul3A_38 = vector.broadcast %mul3A_37 : i32 to vector<16xi32>
    %mul3A_39 = arith.muli %min3A, %mul3A_38 : vector<16xi32>
    %dma_start3A = arith.constant 0 : i32
    %dma_start3A_40 = arith.constant 0 : i32
    %dma_start3A_41 = arith.constant 0 : i32
    %dma_start3A_42 = arith.constant 0 : i32
    %dma_start3A_43 = arith.constant 0 : i32
    %dma_start3A_44 = tpu.memref_slice %arg7[%dma_start3A_40, %dma_start3A_42, %dma_start3A_43] : memref<2x64x128xi32, #tpu.memory_space<vmem>> -> memref<1x64x128xi32, #tpu.memory_space<vmem>>
    %dma_start3A_45 = tpu.memref_squeeze %dma_start3A_44 : memref<1x64x128xi32, #tpu.memory_space<vmem>> -> memref<64x128xi32, #tpu.memory_space<vmem>>
    %dma_start3A_46 = arith.constant 0 : i32
    %dma_start3A_47 = arith.constant 0 : i32
    %dma_start3A_48 = tpu.memref_slice %arg3[%dma_start3A_46, %dma_start3A, %dma_start3A_47] : memref<256x16x128xi32, #tpu.memory_space<hbm>> -> memref<64x1x128xi32, #tpu.memory_space<hbm>>
    %dma_start3A_49 = tpu.memref_squeeze %dma_start3A_48 : memref<64x1x128xi32, #tpu.memory_space<hbm>> -> memref<64x128xi32, #tpu.memory_space<hbm>>
    %dma_start3A_50 = tpu.memref_slice %arg11[%dma_start3A_41] : memref<2x!tpu.dma_semaphore, #tpu.memory_space<semaphore_mem>> -> memref<1x!tpu.dma_semaphore, #tpu.memory_space<semaphore_mem>>
    %dma_start3A_51 = tpu.memref_squeeze %dma_start3A_50 : memref<1x!tpu.dma_semaphore, #tpu.memory_space<semaphore_mem>> -> memref<!tpu.dma_semaphore, #tpu.memory_space<semaphore_mem>>
    %dma_start3A_52 = arith.constant 0 : i32
    %dma_start3A_53 = arith.constant 0 : i32
    %dma_start3A_54 = tpu.memref_slice %arg7[%dma_start3A_40, %dma_start3A_52, %dma_start3A_53] : memref<2x64x128xi32, #tpu.memory_space<vmem>> -> memref<1x64x128xi32, #tpu.memory_space<vmem>>
    %dma_start3A_55 = tpu.memref_squeeze %dma_start3A_54 : memref<1x64x128xi32, #tpu.memory_space<vmem>> -> memref<64x128xi32, #tpu.memory_space<vmem>>
    %dma_start3A_56 = arith.constant 0 : i32
    %dma_start3A_57 = arith.constant 0 : i32
    %dma_start3A_58 = tpu.memref_slice %arg3[%dma_start3A_56, %dma_start3A, %dma_start3A_57] : memref<256x16x128xi32, #tpu.memory_space<hbm>> -> memref<64x1x128xi32, #tpu.memory_space<hbm>>
    %dma_start3A_59 = tpu.memref_squeeze %dma_start3A_58 : memref<64x1x128xi32, #tpu.memory_space<hbm>> -> memref<64x128xi32, #tpu.memory_space<hbm>>
    tpu.enqueue_dma source(%dma_start3A_59 : memref<64x128xi32, #tpu.memory_space<hbm>>) target(%dma_start3A_55 : memref<64x128xi32, #tpu.memory_space<vmem>>) target_semaphore(%dma_start3A_51 : memref<!tpu.dma_semaphore, #tpu.memory_space<semaphore_mem>>)
    %dma_start3A_60 = arith.constant 0 : i32
    %dma_start3A_61 = arith.constant 0 : i32
    %dma_start3A_62 = arith.constant 0 : i32
    %dma_start3A_63 = arith.constant 0 : i32
    %dma_start3A_64 = arith.constant 0 : i32
    %dma_start3A_65 = arith.constant 0 : i32
    %dma_start3A_66 = tpu.memref_slice %arg8[%dma_start3A_61, %dma_start3A_63, %dma_start3A_64, %dma_start3A_65] : memref<2x64x2x128xf32, #tpu.memory_space<vmem>> -> memref<1x64x2x128xf32, #tpu.memory_space<vmem>>
    %dma_start3A_67 = tpu.memref_squeeze %dma_start3A_66 : memref<1x64x2x128xf32, #tpu.memory_space<vmem>> -> memref<64x2x128xf32, #tpu.memory_space<vmem>>
    %dma_start3A_68 = arith.constant 0 : i32
    %dma_start3A_69 = arith.constant 0 : i32
    %dma_start3A_70 = tpu.memref_slice %arg2[%select_n3A, %dma_start3A_68, %dma_start3A_60, %mul3A_32, %dma_start3A_69] : memref<8x256x16x8x128xf32, #tpu.memory_space<hbm>> -> memref<1x64x1x2x128xf32, #tpu.memory_space<hbm>>
    %dma_start3A_71 = tpu.memref_squeeze %dma_start3A_70 : memref<1x64x1x2x128xf32, #tpu.memory_space<hbm>> -> memref<64x2x128xf32, #tpu.memory_space<hbm>>
    %dma_start3A_72 = tpu.memref_slice %arg11[%dma_start3A_62] : memref<2x!tpu.dma_semaphore, #tpu.memory_space<semaphore_mem>> -> memref<1x!tpu.dma_semaphore, #tpu.memory_space<semaphore_mem>>
    %dma_start3A_73 = tpu.memref_squeeze %dma_start3A_72 : memref<1x!tpu.dma_semaphore, #tpu.memory_space<semaphore_mem>> -> memref<!tpu.dma_semaphore, #tpu.memory_space<semaphore_mem>>
    %dma_start3A_74 = arith.constant 0 : i32
    %dma_start3A_75 = arith.constant 0 : i32
    %dma_start3A_76 = arith.constant 0 : i32
    %dma_start3A_77 = tpu.memref_slice %arg8[%dma_start3A_61, %dma_start3A_74, %dma_start3A_75, %dma_start3A_76] : memref<2x64x2x128xf32, #tpu.memory_space<vmem>> -> memref<1x64x2x128xf32, #tpu.memory_space<vmem>>
    %dma_start3A_78 = tpu.memref_squeeze %dma_start3A_77 : memref<1x64x2x128xf32, #tpu.memory_space<vmem>> -> memref<64x2x128xf32, #tpu.memory_space<vmem>>
    %dma_start3A_79 = arith.constant 0 : i32
    %dma_start3A_80 = arith.constant 0 : i32
    %dma_start3A_81 = tpu.memref_slice %arg2[%select_n3A, %dma_start3A_79, %dma_start3A_60, %mul3A_32, %dma_start3A_80] : memref<8x256x16x8x128xf32, #tpu.memory_space<hbm>> -> memref<1x64x1x2x128xf32, #tpu.memory_space<hbm>>
    %dma_start3A_82 = tpu.memref_squeeze %dma_start3A_81 : memref<1x64x1x2x128xf32, #tpu.memory_space<hbm>> -> memref<64x2x128xf32, #tpu.memory_space<hbm>>
    tpu.enqueue_dma source(%dma_start3A_82 : memref<64x2x128xf32, #tpu.memory_space<hbm>>) target(%dma_start3A_78 : memref<64x2x128xf32, #tpu.memory_space<vmem>>) target_semaphore(%dma_start3A_73 : memref<!tpu.dma_semaphore, #tpu.memory_space<semaphore_mem>>)
    %scan3A = arith.constant 0 : i32
    %scan3A_83 = arith.constant 0 : i32
    %scan3A_84 = arith.constant 16 : i32
    %scan3A_85 = arith.addi %scan3A_83, %scan3A_84 : i32
    %scan3A_86 = arith.constant 1 : i32
    %scan3A_87 = scf.for %scan3A_89 = %scan3A_83 to %scan3A_85 step %scan3A_86 iter_args(%scan3A_90 = %scan3A) -> (i32)  : i32 {
      %scan3A_91 = arith.constant 0 : i32
      %scan3A_92 = arith.constant 0 : i32
      %scan3A_93 = arith.constant 256 : i32
      %scan3A_94 = arith.addi %scan3A_92, %scan3A_93 : i32
      %scan3A_95 = arith.constant 1 : i32
      %scan3A_96 = scf.for %scan3A_115 = %scan3A_92 to %scan3A_94 step %scan3A_95 iter_args(%scan3A_116 = %scan3A_91) -> (i32)  : i32 {
        %mul3A_117 = arith.constant 128 : i32
        %mul3A_118 = arith.muli %scan3A_115, %mul3A_117 : i32
        %add3A_119 = arith.constant 0 : i32
        %add3A_120 = arith.addi %mul3A_118, %add3A_119 : i32
        %swap3A = arith.index_cast %add3A_120 : i32 to index
        %swap3A_121 = tpu.vector_load %arg5[%swap3A] {strides = array<i32>} : memref<32768xf32, #tpu.memory_space<vmem>>, vector<16xf32>,
        tpu.vector_store %arg5[%swap3A], %broadcast_in_dim3A_33 {strides = array<i32>} : memref<32768xf32, #tpu.memory_space<vmem>>, vector<16xf32>,
        %swap3A_122 = arith.index_cast %add3A_120 : i32 to index
        %swap3A_123 = tpu.vector_load %arg6[%swap3A_122] {strides = array<i32>} : memref<32768xf32, #tpu.memory_space<vmem>>, vector<16xf32>,
        tpu.vector_store %arg6[%swap3A_122], %broadcast_in_dim3A_33 {strides = array<i32>} : memref<32768xf32, #tpu.memory_space<vmem>>, vector<16xf32>,
        %mul3A_124 = arith.constant 128 : i32
        %mul3A_125 = arith.muli %scan3A_115, %mul3A_124 : i32
        %add3A_126 = arith.constant 16 : i32
        %add3A_127 = arith.addi %mul3A_125, %add3A_126 : i32
        %swap3A_128 = arith.index_cast %add3A_127 : i32 to index
        %swap3A_129 = tpu.vector_load %arg5[%swap3A_128] {strides = array<i32>} : memref<32768xf32, #tpu.memory_space<vmem>>, vector<16xf32>,
        tpu.vector_store %arg5[%swap3A_128], %broadcast_in_dim3A_33 {strides = array<i32>} : memref<32768xf32, #tpu.memory_space<vmem>>, vector<16xf32>,
        %swap3A_130 = arith.index_cast %add3A_127 : i32 to index
        %swap3A_131 = tpu.vector_load %arg6[%swap3A_130] {strides = array<i32>} : memref<32768xf32, #tpu.memory_space<vmem>>, vector<16xf32>,
        tpu.vector_store %arg6[%swap3A_130], %broadcast_in_dim3A_33 {strides = array<i32>} : memref<32768xf32, #tpu.memory_space<vmem>>, vector<16xf32>,
        %mul3A_132 = arith.constant 128 : i32
        %mul3A_133 = arith.muli %scan3A_115, %mul3A_132 : i32
        %add3A_134 = arith.constant 32 : i32
        %add3A_135 = arith.addi %mul3A_133, %add3A_134 : i32
        %swap3A_136 = arith.index_cast %add3A_135 : i32 to index
        %swap3A_137 = tpu.vector_load %arg5[%swap3A_136] {strides = array<i32>} : memref<32768xf32, #tpu.memory_space<vmem>>, vector<16xf32>,
        tpu.vector_store %arg5[%swap3A_136], %broadcast_in_dim3A_33 {strides = array<i32>} : memref<32768xf32, #tpu.memory_space<vmem>>, vector<16xf32>,
        %swap3A_138 = arith.index_cast %add3A_135 : i32 to index
        %swap3A_139 = tpu.vector_load %arg6[%swap3A_138] {strides = array<i32>} : memref<32768xf32, #tpu.memory_space<vmem>>, vector<16xf32>,
        tpu.vector_store %arg6[%swap3A_138], %broadcast_in_dim3A_33 {strides = array<i32>} : memref<32768xf32, #tpu.memory_space<vmem>>, vector<16xf32>,
        %mul3A_140 = arith.constant 128 : i32
        %mul3A_141 = arith.muli %scan3A_115, %mul3A_140 : i32
        %add3A_142 = arith.constant 48 : i32
        %add3A_143 = arith.addi %mul3A_141, %add3A_142 : i32
        %swap3A_144 = arith.index_cast %add3A_143 : i32 to index
        %swap3A_145 = tpu.vector_load %arg5[%swap3A_144] {strides = array<i32>} : memref<32768xf32, #tpu.memory_space<vmem>>, vector<16xf32>,
        tpu.vector_store %arg5[%swap3A_144], %broadcast_in_dim3A_33 {strides = array<i32>} : memref<32768xf32, #tpu.memory_space<vmem>>, vector<16xf32>,
        %swap3A_146 = arith.index_cast %add3A_143 : i32 to index
        %swap3A_147 = tpu.vector_load %arg6[%swap3A_146] {strides = array<i32>} : memref<32768xf32, #tpu.memory_space<vmem>>, vector<16xf32>,
        tpu.vector_store %arg6[%swap3A_146], %broadcast_in_dim3A_33 {strides = array<i32>} : memref<32768xf32, #tpu.memory_space<vmem>>, vector<16xf32>,
        %mul3A_148 = arith.constant 128 : i32
        %mul3A_149 = arith.muli %scan3A_115, %mul3A_148 : i32
        %add3A_150 = arith.constant 64 : i32
        %add3A_151 = arith.addi %mul3A_149, %add3A_150 : i32
        %swap3A_152 = arith.index_cast %add3A_151 : i32 to index
        %swap3A_153 = tpu.vector_load %arg5[%swap3A_152] {strides = array<i32>} : memref<32768xf32, #tpu.memory_space<vmem>>, vector<16xf32>,
        tpu.vector_store %arg5[%swap3A_152], %broadcast_in_dim3A_33 {strides = array<i32>} : memref<32768xf32, #tpu.memory_space<vmem>>, vector<16xf32>,
        %swap3A_154 = arith.index_cast %add3A_151 : i32 to index
        %swap3A_155 = tpu.vector_load %arg6[%swap3A_154] {strides = array<i32>} : memref<32768xf32, #tpu.memory_space<vmem>>, vector<16xf32>,
        tpu.vector_store %arg6[%swap3A_154], %broadcast_in_dim3A_33 {strides = array<i32>} : memref<32768xf32, #tpu.memory_space<vmem>>, vector<16xf32>,
        %mul3A_156 = arith.constant 128 : i32
        %mul3A_157 = arith.muli %scan3A_115, %mul3A_156 : i32
        %add3A_158 = arith.constant 80 : i32
        %add3A_159 = arith.addi %mul3A_157, %add3A_158 : i32
        %swap3A_160 = arith.index_cast %add3A_159 : i32 to index
        %swap3A_161 = tpu.vector_load %arg5[%swap3A_160] {strides = array<i32>} : memref<32768xf32, #tpu.memory_space<vmem>>, vector<16xf32>,
        tpu.vector_store %arg5[%swap3A_160], %broadcast_in_dim3A_33 {strides = array<i32>} : memref<32768xf32, #tpu.memory_space<vmem>>, vector<16xf32>,
        %swap3A_162 = arith.index_cast %add3A_159 : i32 to index
        %swap3A_163 = tpu.vector_load %arg6[%swap3A_162] {strides = array<i32>} : memref<32768xf32, #tpu.memory_space<vmem>>, vector<16xf32>,
        tpu.vector_store %arg6[%swap3A_162], %broadcast_in_dim3A_33 {strides = array<i32>} : memref<32768xf32, #tpu.memory_space<vmem>>, vector<16xf32>,
        %mul3A_164 = arith.constant 128 : i32
        %mul3A_165 = arith.muli %scan3A_115, %mul3A_164 : i32
        %add3A_166 = arith.constant 96 : i32
        %add3A_167 = arith.addi %mul3A_165, %add3A_166 : i32
        %swap3A_168 = arith.index_cast %add3A_167 : i32 to index
        %swap3A_169 = tpu.vector_load %arg5[%swap3A_168] {strides = array<i32>} : memref<32768xf32, #tpu.memory_space<vmem>>, vector<16xf32>,
        tpu.vector_store %arg5[%swap3A_168], %broadcast_in_dim3A_33 {strides = array<i32>} : memref<32768xf32, #tpu.memory_space<vmem>>, vector<16xf32>,
        %swap3A_170 = arith.index_cast %add3A_167 : i32 to index
        %swap3A_171 = tpu.vector_load %arg6[%swap3A_170] {strides = array<i32>} : memref<32768xf32, #tpu.memory_space<vmem>>, vector<16xf32>,
        tpu.vector_store %arg6[%swap3A_170], %broadcast_in_dim3A_33 {strides = array<i32>} : memref<32768xf32, #tpu.memory_space<vmem>>, vector<16xf32>,
        %mul3A_172 = arith.constant 128 : i32
        %mul3A_173 = arith.muli %scan3A_115, %mul3A_172 : i32
        %add3A_174 = arith.constant 112 : i32
        %add3A_175 = arith.addi %mul3A_173, %add3A_174 : i32
        %swap3A_176 = arith.index_cast %add3A_175 : i32 to index
        %swap3A_177 = tpu.vector_load %arg5[%swap3A_176] {strides = array<i32>} : memref<32768xf32, #tpu.memory_space<vmem>>, vector<16xf32>,
        tpu.vector_store %arg5[%swap3A_176], %broadcast_in_dim3A_33 {strides = array<i32>} : memref<32768xf32, #tpu.memory_space<vmem>>, vector<16xf32>,
        %swap3A_178 = arith.index_cast %add3A_175 : i32 to index
        %swap3A_179 = tpu.vector_load %arg6[%swap3A_178] {strides = array<i32>} : memref<32768xf32, #tpu.memory_space<vmem>>, vector<16xf32>,
        tpu.vector_store %arg6[%swap3A_178], %broadcast_in_dim3A_33 {strides = array<i32>} : memref<32768xf32, #tpu.memory_space<vmem>>, vector<16xf32>,
        %scan3A_180 = arith.constant 0 : i32
        scf.yield %scan3A_180 : i32
      }
      %scan3A_97 = arith.constant 256 : i32
      %scan3A_98 = arith.constant 0 : i32
      %scan3A_99 = arith.constant 0 : i32
      %scan3A_100 = arith.constant 4 : i32
      %scan3A_101 = arith.addi %scan3A_99, %scan3A_100 : i32
      %scan3A_102 = arith.constant 1 : i32
      %scan3A_103 = scf.for %scan3A_115 = %scan3A_99 to %scan3A_101 step %scan3A_102 iter_args(%scan3A_116 = %scan3A_98) -> (i32)  : i32 {
        %mul3A_117 = arith.constant 4 : i32
        %mul3A_118 = arith.muli %scan3A_89, %mul3A_117 : i32
        %add3A_119 = arith.addi %mul3A_118, %scan3A_115 : i32
        %add3A_120 = arith.constant 1 : i32
        %add3A_121 = arith.addi %add3A_119, %add3A_120 : i32
        %lt3A_122 = arith.constant 64 : i32
        %lt3A_123 = arith.cmpi slt, %add3A_121, %lt3A_122 : i32
        %convert_element_type3A = arith.extui %lt3A_123 : i1 to i32
        %cond3A = arith.constant 0 : i32
        %cond3A_124 = arith.cmpi ne, %convert_element_type3A, %cond3A : i32
        scf.if %cond3A_124 {
          %add3A_224 = arith.constant 1 : i32
          %add3A_225 = arith.addi %add3A_119, %add3A_224 : i32
          %jit3A_226 = arith.constant 2 : i32
          %eq3A_227 = arith.constant 0 : i32
          %eq3A_228 = arith.cmpi eq, %jit3A_226, %eq3A_227 : i32
          %jit3A_229 = arith.constant 1 : i32
          %select_n3A_230 = arith.select %eq3A_228, %jit3A_229, %jit3A_226 : i32
          %rem3A_231 = arith.remsi %add3A_225, %select_n3A_230 : i32
          %ne3A_232 = arith.constant 0 : i32
          %ne3A_233 = arith.cmpi ne, %rem3A_231, %ne3A_232 : i32
          %lt3A_234 = arith.constant 0 : i32
          %lt3A_235 = arith.cmpi slt, %rem3A_231, %lt3A_234 : i32
          %lt3A_236 = arith.constant 0 : i32
          %lt3A_237 = arith.cmpi slt, %select_n3A_230, %lt3A_236 : i32
          %ne3A_238 = arith.xori %lt3A_235, %lt3A_237 : i1
          %and3A_239 = arith.andi %ne3A_238, %ne3A_233 : i1
          %add3A_240 = arith.addi %rem3A_231, %select_n3A_230 : i32
          %select_n3A_241 = arith.select %and3A_239, %add3A_240, %rem3A_231 : i32
          %jit3A_242 = arith.constant 4 : i32
          %div3A_243 = arith.divsi %add3A_225, %jit3A_242 : i32
          %sign3A_244 = arith.constant 0 : i32
          %sign3A_245 = arith.cmpi sgt, %add3A_225, %sign3A_244 : i32
          %sign3A_246 = arith.extui %sign3A_245 : i1 to i32
          %sign3A_247 = arith.constant 0 : i32
          %sign3A_248 = arith.cmpi slt, %add3A_225, %sign3A_247 : i32
          %sign3A_249 = arith.extui %sign3A_248 : i1 to i32
          %sign3A_250 = arith.subi %sign3A_246, %sign3A_249 : i32
          %sign3A_251 = arith.constant 0 : i32
          %sign3A_252 = arith.cmpi sgt, %jit3A_242, %sign3A_251 : i32
          %sign3A_253 = arith.extui %sign3A_252 : i1 to i32
          %sign3A_254 = arith.constant 0 : i32
          %sign3A_255 = arith.cmpi slt, %jit3A_242, %sign3A_254 : i32
          %sign3A_256 = arith.extui %sign3A_255 : i1 to i32
          %sign3A_257 = arith.subi %sign3A_253, %sign3A_256 : i32
          %ne3A_258 = arith.cmpi ne, %sign3A_250, %sign3A_257 : i32
          %rem3A_259 = arith.remsi %add3A_225, %jit3A_242 : i32
          %ne3A_260 = arith.constant 0 : i32
          %ne3A_261 = arith.cmpi ne, %rem3A_259, %ne3A_260 : i32
          %and3A_262 = arith.andi %ne3A_258, %ne3A_261 : i1
          %sub3A_263 = arith.constant 1 : i32
          %sub3A_264 = arith.subi %div3A_243, %sub3A_263 : i32
          %select_n3A_265 = arith.select %and3A_262, %sub3A_264, %div3A_243 : i32
          %jit3A_266 = arith.constant 4 : i32
          %eq3A_267 = arith.constant 0 : i32
          %eq3A_268 = arith.cmpi eq, %jit3A_266, %eq3A_267 : i32
          %jit3A_269 = arith.constant 1 : i32
          %select_n3A_270 = arith.select %eq3A_268, %jit3A_269, %jit3A_266 : i32
          %rem3A_271 = arith.remsi %add3A_225, %select_n3A_270 : i32
          %ne3A_272 = arith.constant 0 : i32
          %ne3A_273 = arith.cmpi ne, %rem3A_271, %ne3A_272 : i32
          %lt3A_274 = arith.constant 0 : i32
          %lt3A_275 = arith.cmpi slt, %rem3A_271, %lt3A_274 : i32
          %lt3A_276 = arith.constant 0 : i32
          %lt3A_277 = arith.cmpi slt, %select_n3A_270, %lt3A_276 : i32
          %ne3A_278 = arith.xori %lt3A_275, %lt3A_277 : i1
          %and3A_279 = arith.andi %ne3A_278, %ne3A_273 : i1
          %add3A_280 = arith.addi %rem3A_271, %select_n3A_270 : i32
          %select_n3A_281 = arith.select %and3A_279, %add3A_280, %rem3A_271 : i32
          %mul3A_282 = arith.constant 64 : i32
          %mul3A_283 = arith.muli %select_n3A_281, %mul3A_282 : i32
          %dma_start3A_284 = arith.constant 0 : i32
          %dma_start3A_285 = arith.constant 0 : i32
          %dma_start3A_286 = tpu.memref_slice %arg7[%select_n3A_241, %dma_start3A_284, %dma_start3A_285] : memref<2x64x128xi32, #tpu.memory_space<vmem>> -> memref<1x64x128xi32, #tpu.memory_space<vmem>>
          %dma_start3A_287 = tpu.memref_squeeze %dma_start3A_286 : memref<1x64x128xi32, #tpu.memory_space<vmem>> -> memref<64x128xi32, #tpu.memory_space<vmem>>
          %dma_start3A_288 = arith.constant 0 : i32
          %dma_start3A_289 = tpu.memref_slice %arg3[%mul3A_283, %select_n3A_265, %dma_start3A_288] : memref<256x16x128xi32, #tpu.memory_space<hbm>> -> memref<64x1x128xi32, #tpu.memory_space<hbm>>
          %dma_start3A_290 = tpu.memref_squeeze %dma_start3A_289 : memref<64x1x128xi32, #tpu.memory_space<hbm>> -> memref<64x128xi32, #tpu.memory_space<hbm>>
          %dma_start3A_291 = tpu.memref_slice %arg11[%select_n3A_241] : memref<2x!tpu.dma_semaphore, #tpu.memory_space<semaphore_mem>> -> memref<1x!tpu.dma_semaphore, #tpu.memory_space<semaphore_mem>>
          %dma_start3A_292 = tpu.memref_squeeze %dma_start3A_291 : memref<1x!tpu.dma_semaphore, #tpu.memory_space<semaphore_mem>> -> memref<!tpu.dma_semaphore, #tpu.memory_space<semaphore_mem>>
          %dma_start3A_293 = arith.constant 0 : i32
          %dma_start3A_294 = arith.constant 0 : i32
          %dma_start3A_295 = tpu.memref_slice %arg7[%select_n3A_241, %dma_start3A_293, %dma_start3A_294] : memref<2x64x128xi32, #tpu.memory_space<vmem>> -> memref<1x64x128xi32, #tpu.memory_space<vmem>>
          %dma_start3A_296 = tpu.memref_squeeze %dma_start3A_295 : memref<1x64x128xi32, #tpu.memory_space<vmem>> -> memref<64x128xi32, #tpu.memory_space<vmem>>
          %dma_start3A_297 = arith.constant 0 : i32
          %dma_start3A_298 = tpu.memref_slice %arg3[%mul3A_283, %select_n3A_265, %dma_start3A_297] : memref<256x16x128xi32, #tpu.memory_space<hbm>> -> memref<64x1x128xi32, #tpu.memory_space<hbm>>
          %dma_start3A_299 = tpu.memref_squeeze %dma_start3A_298 : memref<64x1x128xi32, #tpu.memory_space<hbm>> -> memref<64x128xi32, #tpu.memory_space<hbm>>
          tpu.enqueue_dma source(%dma_start3A_299 : memref<64x128xi32, #tpu.memory_space<hbm>>) target(%dma_start3A_296 : memref<64x128xi32, #tpu.memory_space<vmem>>) target_semaphore(%dma_start3A_292 : memref<!tpu.dma_semaphore, #tpu.memory_space<semaphore_mem>>)
          %dma_start3A_300 = arith.constant 0 : i32
          %dma_start3A_301 = arith.constant 0 : i32
          %dma_start3A_302 = arith.constant 0 : i32
          %dma_start3A_303 = tpu.memref_slice %arg8[%select_n3A_241, %dma_start3A_300, %dma_start3A_301, %dma_start3A_302] : memref<2x64x2x128xf32, #tpu.memory_space<vmem>> -> memref<1x64x2x128xf32, #tpu.memory_space<vmem>>
          %dma_start3A_304 = tpu.memref_squeeze %dma_start3A_303 : memref<1x64x2x128xf32, #tpu.memory_space<vmem>> -> memref<64x2x128xf32, #tpu.memory_space<vmem>>
          %dma_start3A_305 = arith.constant 0 : i32
          %dma_start3A_306 = tpu.memref_slice %arg2[%select_n3A, %mul3A_283, %select_n3A_265, %mul3A_32, %dma_start3A_305] : memref<8x256x16x8x128xf32, #tpu.memory_space<hbm>> -> memref<1x64x1x2x128xf32, #tpu.memory_space<hbm>>
          %dma_start3A_307 = tpu.memref_squeeze %dma_start3A_306 : memref<1x64x1x2x128xf32, #tpu.memory_space<hbm>> -> memref<64x2x128xf32, #tpu.memory_space<hbm>>
          %dma_start3A_308 = tpu.memref_slice %arg11[%select_n3A_241] : memref<2x!tpu.dma_semaphore, #tpu.memory_space<semaphore_mem>> -> memref<1x!tpu.dma_semaphore, #tpu.memory_space<semaphore_mem>>
          %dma_start3A_309 = tpu.memref_squeeze %dma_start3A_308 : memref<1x!tpu.dma_semaphore, #tpu.memory_space<semaphore_mem>> -> memref<!tpu.dma_semaphore, #tpu.memory_space<semaphore_mem>>
          %dma_start3A_310 = arith.constant 0 : i32
          %dma_start3A_311 = arith.constant 0 : i32
          %dma_start3A_312 = arith.constant 0 : i32
          %dma_start3A_313 = tpu.memref_slice %arg8[%select_n3A_241, %dma_start3A_310, %dma_start3A_311, %dma_start3A_312] : memref<2x64x2x128xf32, #tpu.memory_space<vmem>> -> memref<1x64x2x128xf32, #tpu.memory_space<vmem>>
          %dma_start3A_314 = tpu.memref_squeeze %dma_start3A_313 : memref<1x64x2x128xf32, #tpu.memory_space<vmem>> -> memref<64x2x128xf32, #tpu.memory_space<vmem>>
          %dma_start3A_315 = arith.constant 0 : i32
          %dma_start3A_316 = tpu.memref_slice %arg2[%select_n3A, %mul3A_283, %select_n3A_265, %mul3A_32, %dma_start3A_315] : memref<8x256x16x8x128xf32, #tpu.memory_space<hbm>> -> memref<1x64x1x2x128xf32, #tpu.memory_space<hbm>>
          %dma_start3A_317 = tpu.memref_squeeze %dma_start3A_316 : memref<1x64x1x2x128xf32, #tpu.memory_space<hbm>> -> memref<64x2x128xf32, #tpu.memory_space<hbm>>
          tpu.enqueue_dma source(%dma_start3A_317 : memref<64x2x128xf32, #tpu.memory_space<hbm>>) target(%dma_start3A_314 : memref<64x2x128xf32, #tpu.memory_space<vmem>>) target_semaphore(%dma_start3A_309 : memref<!tpu.dma_semaphore, #tpu.memory_space<semaphore_mem>>)
        } else {
        }
        %jit3A_125 = arith.constant 2 : i32
        %eq3A_126 = arith.constant 0 : i32
        %eq3A_127 = arith.cmpi eq, %jit3A_125, %eq3A_126 : i32
        %jit3A_128 = arith.constant 1 : i32
        %select_n3A_129 = arith.select %eq3A_127, %jit3A_128, %jit3A_125 : i32
        %rem3A_130 = arith.remsi %add3A_119, %select_n3A_129 : i32
        %ne3A_131 = arith.constant 0 : i32
        %ne3A_132 = arith.cmpi ne, %rem3A_130, %ne3A_131 : i32
        %lt3A_133 = arith.constant 0 : i32
        %lt3A_134 = arith.cmpi slt, %rem3A_130, %lt3A_133 : i32
        %lt3A_135 = arith.constant 0 : i32
        %lt3A_136 = arith.cmpi slt, %select_n3A_129, %lt3A_135 : i32
        %ne3A_137 = arith.xori %lt3A_134, %lt3A_136 : i1
        %and3A_138 = arith.andi %ne3A_137, %ne3A_132 : i1
        %add3A_139 = arith.addi %rem3A_130, %select_n3A_129 : i32
        %select_n3A_140 = arith.select %and3A_138, %add3A_139, %rem3A_130 : i32
        %jit3A_141 = arith.constant 4 : i32
        %div3A_142 = arith.divsi %add3A_119, %jit3A_141 : i32
        %sign3A_143 = arith.constant 0 : i32
        %sign3A_144 = arith.cmpi sgt, %add3A_119, %sign3A_143 : i32
        %sign3A_145 = arith.extui %sign3A_144 : i1 to i32
        %sign3A_146 = arith.constant 0 : i32
        %sign3A_147 = arith.cmpi slt, %add3A_119, %sign3A_146 : i32
        %sign3A_148 = arith.extui %sign3A_147 : i1 to i32
        %sign3A_149 = arith.subi %sign3A_145, %sign3A_148 : i32
        %sign3A_150 = arith.constant 0 : i32
        %sign3A_151 = arith.cmpi sgt, %jit3A_141, %sign3A_150 : i32
        %sign3A_152 = arith.extui %sign3A_151 : i1 to i32
        %sign3A_153 = arith.constant 0 : i32
        %sign3A_154 = arith.cmpi slt, %jit3A_141, %sign3A_153 : i32
        %sign3A_155 = arith.extui %sign3A_154 : i1 to i32
        %sign3A_156 = arith.subi %sign3A_152, %sign3A_155 : i32
        %ne3A_157 = arith.cmpi ne, %sign3A_149, %sign3A_156 : i32
        %rem3A_158 = arith.remsi %add3A_119, %jit3A_141 : i32
        %ne3A_159 = arith.constant 0 : i32
        %ne3A_160 = arith.cmpi ne, %rem3A_158, %ne3A_159 : i32
        %and3A_161 = arith.andi %ne3A_157, %ne3A_160 : i1
        %sub3A_162 = arith.constant 1 : i32
        %sub3A_163 = arith.subi %div3A_142, %sub3A_162 : i32
        %select_n3A_164 = arith.select %and3A_161, %sub3A_163, %div3A_142 : i32
        %jit3A_165 = arith.constant 4 : i32
        %eq3A_166 = arith.constant 0 : i32
        %eq3A_167 = arith.cmpi eq, %jit3A_165, %eq3A_166 : i32
        %jit3A_168 = arith.constant 1 : i32
        %select_n3A_169 = arith.select %eq3A_167, %jit3A_168, %jit3A_165 : i32
        %rem3A_170 = arith.remsi %add3A_119, %select_n3A_169 : i32
        %ne3A_171 = arith.constant 0 : i32
        %ne3A_172 = arith.cmpi ne, %rem3A_170, %ne3A_171 : i32
        %lt3A_173 = arith.constant 0 : i32
        %lt3A_174 = arith.cmpi slt, %rem3A_170, %lt3A_173 : i32
        %lt3A_175 = arith.constant 0 : i32
        %lt3A_176 = arith.cmpi slt, %select_n3A_169, %lt3A_175 : i32
        %ne3A_177 = arith.xori %lt3A_174, %lt3A_176 : i1
        %and3A_178 = arith.andi %ne3A_177, %ne3A_172 : i1
        %add3A_179 = arith.addi %rem3A_170, %select_n3A_169 : i32
        %select_n3A_180 = arith.select %and3A_178, %add3A_179, %rem3A_170 : i32
        %mul3A_181 = arith.constant 64 : i32
        %mul3A_182 = arith.muli %select_n3A_180, %mul3A_181 : i32
        %dma_wait3A = arith.constant 0 : i32
        %dma_wait3A_183 = arith.constant 0 : i32
        %dma_wait3A_184 = tpu.memref_slice %arg7[%select_n3A_140, %dma_wait3A, %dma_wait3A_183] : memref<2x64x128xi32, #tpu.memory_space<vmem>> -> memref<1x64x128xi32, #tpu.memory_space<vmem>>
        %dma_wait3A_185 = tpu.memref_squeeze %dma_wait3A_184 : memref<1x64x128xi32, #tpu.memory_space<vmem>> -> memref<64x128xi32, #tpu.memory_space<vmem>>
        %dma_wait3A_186 = arith.constant 0 : i32
        %dma_wait3A_187 = tpu.memref_slice %arg3[%mul3A_182, %select_n3A_164, %dma_wait3A_186] : memref<256x16x128xi32, #tpu.memory_space<hbm>> -> memref<64x1x128xi32, #tpu.memory_space<hbm>>
        %dma_wait3A_188 = tpu.memref_squeeze %dma_wait3A_187 : memref<64x1x128xi32, #tpu.memory_space<hbm>> -> memref<64x128xi32, #tpu.memory_space<hbm>>
        %dma_wait3A_189 = tpu.memref_slice %arg11[%select_n3A_140] : memref<2x!tpu.dma_semaphore, #tpu.memory_space<semaphore_mem>> -> memref<1x!tpu.dma_semaphore, #tpu.memory_space<semaphore_mem>>
        %dma_wait3A_190 = tpu.memref_squeeze %dma_wait3A_189 : memref<1x!tpu.dma_semaphore, #tpu.memory_space<semaphore_mem>> -> memref<!tpu.dma_semaphore, #tpu.memory_space<semaphore_mem>>
        %dma_wait3A_191 = arith.constant 0 : i32
        %dma_wait3A_192 = arith.constant 0 : i32
        %dma_wait3A_193 = tpu.memref_slice %arg7[%select_n3A_140, %dma_wait3A_191, %dma_wait3A_192] : memref<2x64x128xi32, #tpu.memory_space<vmem>> -> memref<1x64x128xi32, #tpu.memory_space<vmem>>
        %dma_wait3A_194 = tpu.memref_squeeze %dma_wait3A_193 : memref<1x64x128xi32, #tpu.memory_space<vmem>> -> memref<64x128xi32, #tpu.memory_space<vmem>>
        %dma_wait3A_195 = arith.constant 0 : i32
        %dma_wait3A_196 = tpu.memref_slice %arg3[%mul3A_182, %select_n3A_164, %dma_wait3A_195] : memref<256x16x128xi32, #tpu.memory_space<hbm>> -> memref<64x1x128xi32, #tpu.memory_space<hbm>>
        %dma_wait3A_197 = tpu.memref_squeeze %dma_wait3A_196 : memref<64x1x128xi32, #tpu.memory_space<hbm>> -> memref<64x128xi32, #tpu.memory_space<hbm>>
        tpu.wait_dma2 semaphore(%dma_wait3A_190 : memref<!tpu.dma_semaphore, #tpu.memory_space<semaphore_mem>>) src(%dma_wait3A_197 : memref<64x128xi32, #tpu.memory_space<hbm>>) dst(%dma_wait3A_194 : memref<64x128xi32, #tpu.memory_space<vmem>>)
        %dma_wait3A_198 = arith.constant 0 : i32
        %dma_wait3A_199 = arith.constant 0 : i32
        %dma_wait3A_200 = arith.constant 0 : i32
        %dma_wait3A_201 = tpu.memref_slice %arg8[%select_n3A_140, %dma_wait3A_198, %dma_wait3A_199, %dma_wait3A_200] : memref<2x64x2x128xf32, #tpu.memory_space<vmem>> -> memref<1x64x2x128xf32, #tpu.memory_space<vmem>>
        %dma_wait3A_202 = tpu.memref_squeeze %dma_wait3A_201 : memref<1x64x2x128xf32, #tpu.memory_space<vmem>> -> memref<64x2x128xf32, #tpu.memory_space<vmem>>
        %dma_wait3A_203 = arith.constant 0 : i32
        %dma_wait3A_204 = tpu.memref_slice %arg2[%select_n3A, %mul3A_182, %select_n3A_164, %mul3A_32, %dma_wait3A_203] : memref<8x256x16x8x128xf32, #tpu.memory_space<hbm>> -> memref<1x64x1x2x128xf32, #tpu.memory_space<hbm>>
        %dma_wait3A_205 = tpu.memref_squeeze %dma_wait3A_204 : memref<1x64x1x2x128xf32, #tpu.memory_space<hbm>> -> memref<64x2x128xf32, #tpu.memory_space<hbm>>
        %dma_wait3A_206 = tpu.memref_slice %arg11[%select_n3A_140] : memref<2x!tpu.dma_semaphore, #tpu.memory_space<semaphore_mem>> -> memref<1x!tpu.dma_semaphore, #tpu.memory_space<semaphore_mem>>
        %dma_wait3A_207 = tpu.memref_squeeze %dma_wait3A_206 : memref<1x!tpu.dma_semaphore, #tpu.memory_space<semaphore_mem>> -> memref<!tpu.dma_semaphore, #tpu.memory_space<semaphore_mem>>
        %dma_wait3A_208 = arith.constant 0 : i32
        %dma_wait3A_209 = arith.constant 0 : i32
        %dma_wait3A_210 = arith.constant 0 : i32
        %dma_wait3A_211 = tpu.memref_slice %arg8[%select_n3A_140, %dma_wait3A_208, %dma_wait3A_209, %dma_wait3A_210] : memref<2x64x2x128xf32, #tpu.memory_space<vmem>> -> memref<1x64x2x128xf32, #tpu.memory_space<vmem>>
        %dma_wait3A_212 = tpu.memref_squeeze %dma_wait3A_211 : memref<1x64x2x128xf32, #tpu.memory_space<vmem>> -> memref<64x2x128xf32, #tpu.memory_space<vmem>>
        %dma_wait3A_213 = arith.constant 0 : i32
        %dma_wait3A_214 = tpu.memref_slice %arg2[%select_n3A, %mul3A_182, %select_n3A_164, %mul3A_32, %dma_wait3A_213] : memref<8x256x16x8x128xf32, #tpu.memory_space<hbm>> -> memref<1x64x1x2x128xf32, #tpu.memory_space<hbm>>
        %dma_wait3A_215 = tpu.memref_squeeze %dma_wait3A_214 : memref<1x64x1x2x128xf32, #tpu.memory_space<hbm>> -> memref<64x2x128xf32, #tpu.memory_space<hbm>>
        tpu.wait_dma2 semaphore(%dma_wait3A_207 : memref<!tpu.dma_semaphore, #tpu.memory_space<semaphore_mem>>) src(%dma_wait3A_215 : memref<64x2x128xf32, #tpu.memory_space<hbm>>) dst(%dma_wait3A_212 : memref<64x2x128xf32, #tpu.memory_space<vmem>>)
        %scan3A_216 = arith.constant 0 : i32
        %scan3A_217 = arith.constant 0 : i32
        %scan3A_218 = arith.constant 64 : i32
        %scan3A_219 = arith.addi %scan3A_217, %scan3A_218 : i32
        %scan3A_220 = arith.constant 1 : i32
        %scan3A_221 = scf.for %scan3A_224 = %scan3A_217 to %scan3A_219 step %scan3A_220 iter_args(%scan3A_225 = %scan3A_216) -> (i32)  : i32 {
          %get3A = arith.index_cast %select_n3A_140 : i32 to index
          %get3A_226 = arith.index_cast %scan3A_224 : i32 to index
          %get3A_227 = arith.constant 0 : index
          %get3A_228 = tpu.vector_load %arg7[%get3A, %get3A_226, %get3A_227] {strides = array<i32>} : memref<2x64x128xi32, #tpu.memory_space<vmem>>, vector<16xi32>,
          %get3A_229 = arith.constant 0 : i32
          %get3A_230 = arith.index_cast %select_n3A_140 : i32 to index
          %get3A_231 = arith.index_cast %scan3A_224 : i32 to index
          %get3A_232 = arith.index_cast %get3A_229 : i32 to index
          %get3A_233 = arith.constant 0 : index
          %get3A_234 = tpu.vector_load %arg8[%get3A_230, %get3A_231, %get3A_232, %get3A_233] {strides = array<i32>} : memref<2x64x2x128xf32, #tpu.memory_space<vmem>>, vector<16xf32>,
          %get3A_235 = arith.constant 1 : i32
          %get3A_236 = arith.index_cast %select_n3A_140 : i32 to index
          %get3A_237 = arith.index_cast %scan3A_224 : i32 to index
          %get3A_238 = arith.index_cast %get3A_235 : i32 to index
          %get3A_239 = arith.constant 0 : index
          %get3A_240 = tpu.vector_load %arg8[%get3A_236, %get3A_237, %get3A_238, %get3A_239] {strides = array<i32>} : memref<2x64x2x128xf32, #tpu.memory_space<vmem>>, vector<16xf32>,
          %rev3A = arith.constant 15 : i32
          %rev3A_241 = vector.broadcast %rev3A : i32 to vector<16xi32>
          %rev3A_242 = tpu.iota {dimensions = array<i32: 0>} : vector<16xi32>
          %rev3A_243 = arith.subi %rev3A_241, %rev3A_242 : vector<16xi32>
          %rev3A_244 = tpu.dynamic_gather %get3A_228[%rev3A_243] in [0] : vector<16xi32>, vector<16xi32> -> vector<16xi32>
          %eq3A_245 = arith.cmpi eq, %rev3A_244, %get3A_228 : vector<16xi32>
          %rev3A_246 = arith.constant 15 : i32
          %rev3A_247 = vector.broadcast %rev3A_246 : i32 to vector<16xi32>
          %rev3A_248 = tpu.iota {dimensions = array<i32: 0>} : vector<16xi32>
          %rev3A_249 = arith.subi %rev3A_247, %rev3A_248 : vector<16xi32>
          %rev3A_250 = tpu.dynamic_gather %get3A_234[%rev3A_249] in [0] : vector<16xf32>, vector<16xi32> -> vector<16xf32>
          %max3A = arith.maximumf %get3A_234, %rev3A_250 : vector<16xf32>
          %select_n3A_251 = arith.select %eq3A_245, %max3A, %get3A_234 : vector<16xi1>, vector<16xf32>
          %rev3A_252 = arith.constant 15 : i32
          %rev3A_253 = vector.broadcast %rev3A_252 : i32 to vector<16xi32>
          %rev3A_254 = tpu.iota {dimensions = array<i32: 0>} : vector<16xi32>
          %rev3A_255 = arith.subi %rev3A_253, %rev3A_254 : vector<16xi32>
          %rev3A_256 = tpu.dynamic_gather %get3A_240[%rev3A_255] in [0] : vector<16xf32>, vector<16xi32> -> vector<16xf32>
          %max3A_257 = arith.maximumf %get3A_240, %rev3A_256 : vector<16xf32>
          %select_n3A_258 = arith.select %eq3A_245, %max3A_257, %get3A_240 : vector<16xi1>, vector<16xf32>
          %add3A_259 = arith.addi %get3A_228, %mul3A_39 : vector<16xi32>
          %gather3A = tpu.vector_load_idx %arg5[%add3A_259] : memref<32768xf32, #tpu.memory_space<vmem>>[vector<16xi32>], vector<16xf32>,
          %gather3A_260 = tpu.vector_load_idx %arg6[%add3A_259] : memref<32768xf32, #tpu.memory_space<vmem>>[vector<16xi32>], vector<16xf32>,
          %max3A_261 = arith.maximumf %gather3A, %select_n3A_251 : vector<16xf32>
          tpu.vector_store_idx %arg5[%add3A_259], %max3A_261 : memref<32768xf32, #tpu.memory_space<vmem>>[vector<16xi32>], vector<16xf32>,
          %max3A_262 = arith.maximumf %gather3A_260, %select_n3A_258 : vector<16xf32>
          tpu.vector_store_idx %arg6[%add3A_259], %max3A_262 : memref<32768xf32, #tpu.memory_space<vmem>>[vector<16xi32>], vector<16xf32>,
          %get3A_263 = arith.index_cast %select_n3A_140 : i32 to index
          %get3A_264 = arith.index_cast %scan3A_224 : i32 to index
          %get3A_265 = arith.constant 16 : index
          %get3A_266 = tpu.vector_load %arg7[%get3A_263, %get3A_264, %get3A_265] {strides = array<i32>} : memref<2x64x128xi32, #tpu.memory_space<vmem>>, vector<16xi32>,
          %get3A_267 = arith.constant 0 : i32
          %get3A_268 = arith.index_cast %select_n3A_140 : i32 to index
          %get3A_269 = arith.index_cast %scan3A_224 : i32 to index
          %get3A_270 = arith.index_cast %get3A_267 : i32 to index
          %get3A_271 = arith.constant 16 : index
          %get3A_272 = tpu.vector_load %arg8[%get3A_268, %get3A_269, %get3A_270, %get3A_271] {strides = array<i32>} : memref<2x64x2x128xf32, #tpu.memory_space<vmem>>, vector<16xf32>,
          %get3A_273 = arith.constant 1 : i32
          %get3A_274 = arith.index_cast %select_n3A_140 : i32 to index
          %get3A_275 = arith.index_cast %scan3A_224 : i32 to index
          %get3A_276 = arith.index_cast %get3A_273 : i32 to index
          %get3A_277 = arith.constant 16 : index
          %get3A_278 = tpu.vector_load %arg8[%get3A_274, %get3A_275, %get3A_276, %get3A_277] {strides = array<i32>} : memref<2x64x2x128xf32, #tpu.memory_space<vmem>>, vector<16xf32>,
          %rev3A_279 = arith.constant 15 : i32
          %rev3A_280 = vector.broadcast %rev3A_279 : i32 to vector<16xi32>
          %rev3A_281 = tpu.iota {dimensions = array<i32: 0>} : vector<16xi32>
          %rev3A_282 = arith.subi %rev3A_280, %rev3A_281 : vector<16xi32>
          %rev3A_283 = tpu.dynamic_gather %get3A_266[%rev3A_282] in [0] : vector<16xi32>, vector<16xi32> -> vector<16xi32>
          %eq3A_284 = arith.cmpi eq, %rev3A_283, %get3A_266 : vector<16xi32>
          %rev3A_285 = arith.constant 15 : i32
          %rev3A_286 = vector.broadcast %rev3A_285 : i32 to vector<16xi32>
          %rev3A_287 = tpu.iota {dimensions = array<i32: 0>} : vector<16xi32>
          %rev3A_288 = arith.subi %rev3A_286, %rev3A_287 : vector<16xi32>
          %rev3A_289 = tpu.dynamic_gather %get3A_272[%rev3A_288] in [0] : vector<16xf32>, vector<16xi32> -> vector<16xf32>
          %max3A_290 = arith.maximumf %get3A_272, %rev3A_289 : vector<16xf32>
          %select_n3A_291 = arith.select %eq3A_284, %max3A_290, %get3A_272 : vector<16xi1>, vector<16xf32>
          %rev3A_292 = arith.constant 15 : i32
          %rev3A_293 = vector.broadcast %rev3A_292 : i32 to vector<16xi32>
          %rev3A_294 = tpu.iota {dimensions = array<i32: 0>} : vector<16xi32>
          %rev3A_295 = arith.subi %rev3A_293, %rev3A_294 : vector<16xi32>
          %rev3A_296 = tpu.dynamic_gather %get3A_278[%rev3A_295] in [0] : vector<16xf32>, vector<16xi32> -> vector<16xf32>
          %max3A_297 = arith.maximumf %get3A_278, %rev3A_296 : vector<16xf32>
          %select_n3A_298 = arith.select %eq3A_284, %max3A_297, %get3A_278 : vector<16xi1>, vector<16xf32>
          %add3A_299 = arith.addi %get3A_266, %mul3A_39 : vector<16xi32>
          %gather3A_300 = tpu.vector_load_idx %arg5[%add3A_299] : memref<32768xf32, #tpu.memory_space<vmem>>[vector<16xi32>], vector<16xf32>,
          %gather3A_301 = tpu.vector_load_idx %arg6[%add3A_299] : memref<32768xf32, #tpu.memory_space<vmem>>[vector<16xi32>], vector<16xf32>,
          %max3A_302 = arith.maximumf %gather3A_300, %select_n3A_291 : vector<16xf32>
          tpu.vector_store_idx %arg5[%add3A_299], %max3A_302 : memref<32768xf32, #tpu.memory_space<vmem>>[vector<16xi32>], vector<16xf32>,
          %max3A_303 = arith.maximumf %gather3A_301, %select_n3A_298 : vector<16xf32>
          tpu.vector_store_idx %arg6[%add3A_299], %max3A_303 : memref<32768xf32, #tpu.memory_space<vmem>>[vector<16xi32>], vector<16xf32>,
          %get3A_304 = arith.index_cast %select_n3A_140 : i32 to index
          %get3A_305 = arith.index_cast %scan3A_224 : i32 to index
          %get3A_306 = arith.constant 32 : index
          %get3A_307 = tpu.vector_load %arg7[%get3A_304, %get3A_305, %get3A_306] {strides = array<i32>} : memref<2x64x128xi32, #tpu.memory_space<vmem>>, vector<16xi32>,
          %get3A_308 = arith.constant 0 : i32
          %get3A_309 = arith.index_cast %select_n3A_140 : i32 to index
          %get3A_310 = arith.index_cast %scan3A_224 : i32 to index
          %get3A_311 = arith.index_cast %get3A_308 : i32 to index
          %get3A_312 = arith.constant 32 : index
          %get3A_313 = tpu.vector_load %arg8[%get3A_309, %get3A_310, %get3A_311, %get3A_312] {strides = array<i32>} : memref<2x64x2x128xf32, #tpu.memory_space<vmem>>, vector<16xf32>,
          %get3A_314 = arith.constant 1 : i32
          %get3A_315 = arith.index_cast %select_n3A_140 : i32 to index
          %get3A_316 = arith.index_cast %scan3A_224 : i32 to index
          %get3A_317 = arith.index_cast %get3A_314 : i32 to index
          %get3A_318 = arith.constant 32 : index
          %get3A_319 = tpu.vector_load %arg8[%get3A_315, %get3A_316, %get3A_317, %get3A_318] {strides = array<i32>} : memref<2x64x2x128xf32, #tpu.memory_space<vmem>>, vector<16xf32>,
          %rev3A_320 = arith.constant 15 : i32
          %rev3A_321 = vector.broadcast %rev3A_320 : i32 to vector<16xi32>
          %rev3A_322 = tpu.iota {dimensions = array<i32: 0>} : vector<16xi32>
          %rev3A_323 = arith.subi %rev3A_321, %rev3A_322 : vector<16xi32>
          %rev3A_324 = tpu.dynamic_gather %get3A_307[%rev3A_323] in [0] : vector<16xi32>, vector<16xi32> -> vector<16xi32>
          %eq3A_325 = arith.cmpi eq, %rev3A_324, %get3A_307 : vector<16xi32>
          %rev3A_326 = arith.constant 15 : i32
          %rev3A_327 = vector.broadcast %rev3A_326 : i32 to vector<16xi32>
          %rev3A_328 = tpu.iota {dimensions = array<i32: 0>} : vector<16xi32>
          %rev3A_329 = arith.subi %rev3A_327, %rev3A_328 : vector<16xi32>
          %rev3A_330 = tpu.dynamic_gather %get3A_313[%rev3A_329] in [0] : vector<16xf32>, vector<16xi32> -> vector<16xf32>
          %max3A_331 = arith.maximumf %get3A_313, %rev3A_330 : vector<16xf32>
          %select_n3A_332 = arith.select %eq3A_325, %max3A_331, %get3A_313 : vector<16xi1>, vector<16xf32>
          %rev3A_333 = arith.constant 15 : i32
          %rev3A_334 = vector.broadcast %rev3A_333 : i32 to vector<16xi32>
          %rev3A_335 = tpu.iota {dimensions = array<i32: 0>} : vector<16xi32>
          %rev3A_336 = arith.subi %rev3A_334, %rev3A_335 : vector<16xi32>
          %rev3A_337 = tpu.dynamic_gather %get3A_319[%rev3A_336] in [0] : vector<16xf32>, vector<16xi32> -> vector<16xf32>
          %max3A_338 = arith.maximumf %get3A_319, %rev3A_337 : vector<16xf32>
          %select_n3A_339 = arith.select %eq3A_325, %max3A_338, %get3A_319 : vector<16xi1>, vector<16xf32>
          %add3A_340 = arith.addi %get3A_307, %mul3A_39 : vector<16xi32>
          %gather3A_341 = tpu.vector_load_idx %arg5[%add3A_340] : memref<32768xf32, #tpu.memory_space<vmem>>[vector<16xi32>], vector<16xf32>,
          %gather3A_342 = tpu.vector_load_idx %arg6[%add3A_340] : memref<32768xf32, #tpu.memory_space<vmem>>[vector<16xi32>], vector<16xf32>,
          %max3A_343 = arith.maximumf %gather3A_341, %select_n3A_332 : vector<16xf32>
          tpu.vector_store_idx %arg5[%add3A_340], %max3A_343 : memref<32768xf32, #tpu.memory_space<vmem>>[vector<16xi32>], vector<16xf32>,
          %max3A_344 = arith.maximumf %gather3A_342, %select_n3A_339 : vector<16xf32>
          tpu.vector_store_idx %arg6[%add3A_340], %max3A_344 : memref<32768xf32, #tpu.memory_space<vmem>>[vector<16xi32>], vector<16xf32>,
          %get3A_345 = arith.index_cast %select_n3A_140 : i32 to index
          %get3A_346 = arith.index_cast %scan3A_224 : i32 to index
          %get3A_347 = arith.constant 48 : index
          %get3A_348 = tpu.vector_load %arg7[%get3A_345, %get3A_346, %get3A_347] {strides = array<i32>} : memref<2x64x128xi32, #tpu.memory_space<vmem>>, vector<16xi32>,
          %get3A_349 = arith.constant 0 : i32
          %get3A_350 = arith.index_cast %select_n3A_140 : i32 to index
          %get3A_351 = arith.index_cast %scan3A_224 : i32 to index
          %get3A_352 = arith.index_cast %get3A_349 : i32 to index
          %get3A_353 = arith.constant 48 : index
          %get3A_354 = tpu.vector_load %arg8[%get3A_350, %get3A_351, %get3A_352, %get3A_353] {strides = array<i32>} : memref<2x64x2x128xf32, #tpu.memory_space<vmem>>, vector<16xf32>,
          %get3A_355 = arith.constant 1 : i32
          %get3A_356 = arith.index_cast %select_n3A_140 : i32 to index
          %get3A_357 = arith.index_cast %scan3A_224 : i32 to index
          %get3A_358 = arith.index_cast %get3A_355 : i32 to index
          %get3A_359 = arith.constant 48 : index
          %get3A_360 = tpu.vector_load %arg8[%get3A_356, %get3A_357, %get3A_358, %get3A_359] {strides = array<i32>} : memref<2x64x2x128xf32, #tpu.memory_space<vmem>>, vector<16xf32>,
          %rev3A_361 = arith.constant 15 : i32
          %rev3A_362 = vector.broadcast %rev3A_361 : i32 to vector<16xi32>
          %rev3A_363 = tpu.iota {dimensions = array<i32: 0>} : vector<16xi32>
          %rev3A_364 = arith.subi %rev3A_362, %rev3A_363 : vector<16xi32>
          %rev3A_365 = tpu.dynamic_gather %get3A_348[%rev3A_364] in [0] : vector<16xi32>, vector<16xi32> -> vector<16xi32>
          %eq3A_366 = arith.cmpi eq, %rev3A_365, %get3A_348 : vector<16xi32>
          %rev3A_367 = arith.constant 15 : i32
          %rev3A_368 = vector.broadcast %rev3A_367 : i32 to vector<16xi32>
          %rev3A_369 = tpu.iota {dimensions = array<i32: 0>} : vector<16xi32>
          %rev3A_370 = arith.subi %rev3A_368, %rev3A_369 : vector<16xi32>
          %rev3A_371 = tpu.dynamic_gather %get3A_354[%rev3A_370] in [0] : vector<16xf32>, vector<16xi32> -> vector<16xf32>
          %max3A_372 = arith.maximumf %get3A_354, %rev3A_371 : vector<16xf32>
          %select_n3A_373 = arith.select %eq3A_366, %max3A_372, %get3A_354 : vector<16xi1>, vector<16xf32>
          %rev3A_374 = arith.constant 15 : i32
          %rev3A_375 = vector.broadcast %rev3A_374 : i32 to vector<16xi32>
          %rev3A_376 = tpu.iota {dimensions = array<i32: 0>} : vector<16xi32>
          %rev3A_377 = arith.subi %rev3A_375, %rev3A_376 : vector<16xi32>
          %rev3A_378 = tpu.dynamic_gather %get3A_360[%rev3A_377] in [0] : vector<16xf32>, vector<16xi32> -> vector<16xf32>
          %max3A_379 = arith.maximumf %get3A_360, %rev3A_378 : vector<16xf32>
          %select_n3A_380 = arith.select %eq3A_366, %max3A_379, %get3A_360 : vector<16xi1>, vector<16xf32>
          %add3A_381 = arith.addi %get3A_348, %mul3A_39 : vector<16xi32>
          %gather3A_382 = tpu.vector_load_idx %arg5[%add3A_381] : memref<32768xf32, #tpu.memory_space<vmem>>[vector<16xi32>], vector<16xf32>,
          %gather3A_383 = tpu.vector_load_idx %arg6[%add3A_381] : memref<32768xf32, #tpu.memory_space<vmem>>[vector<16xi32>], vector<16xf32>,
          %max3A_384 = arith.maximumf %gather3A_382, %select_n3A_373 : vector<16xf32>
          tpu.vector_store_idx %arg5[%add3A_381], %max3A_384 : memref<32768xf32, #tpu.memory_space<vmem>>[vector<16xi32>], vector<16xf32>,
          %max3A_385 = arith.maximumf %gather3A_383, %select_n3A_380 : vector<16xf32>
          tpu.vector_store_idx %arg6[%add3A_381], %max3A_385 : memref<32768xf32, #tpu.memory_space<vmem>>[vector<16xi32>], vector<16xf32>,
          %get3A_386 = arith.index_cast %select_n3A_140 : i32 to index
          %get3A_387 = arith.index_cast %scan3A_224 : i32 to index
          %get3A_388 = arith.constant 64 : index
          %get3A_389 = tpu.vector_load %arg7[%get3A_386, %get3A_387, %get3A_388] {strides = array<i32>} : memref<2x64x128xi32, #tpu.memory_space<vmem>>, vector<16xi32>,
          %get3A_390 = arith.constant 0 : i32
          %get3A_391 = arith.index_cast %select_n3A_140 : i32 to index
          %get3A_392 = arith.index_cast %scan3A_224 : i32 to index
          %get3A_393 = arith.index_cast %get3A_390 : i32 to index
          %get3A_394 = arith.constant 64 : index
          %get3A_395 = tpu.vector_load %arg8[%get3A_391, %get3A_392, %get3A_393, %get3A_394] {strides = array<i32>} : memref<2x64x2x128xf32, #tpu.memory_space<vmem>>, vector<16xf32>,
          %get3A_396 = arith.constant 1 : i32
          %get3A_397 = arith.index_cast %select_n3A_140 : i32 to index
          %get3A_398 = arith.index_cast %scan3A_224 : i32 to index
          %get3A_399 = arith.index_cast %get3A_396 : i32 to index
          %get3A_400 = arith.constant 64 : index
          %get3A_401 = tpu.vector_load %arg8[%get3A_397, %get3A_398, %get3A_399, %get3A_400] {strides = array<i32>} : memref<2x64x2x128xf32, #tpu.memory_space<vmem>>, vector<16xf32>,
          %rev3A_402 = arith.constant 15 : i32
          %rev3A_403 = vector.broadcast %rev3A_402 : i32 to vector<16xi32>
          %rev3A_404 = tpu.iota {dimensions = array<i32: 0>} : vector<16xi32>
          %rev3A_405 = arith.subi %rev3A_403, %rev3A_404 : vector<16xi32>
          %rev3A_406 = tpu.dynamic_gather %get3A_389[%rev3A_405] in [0] : vector<16xi32>, vector<16xi32> -> vector<16xi32>
          %eq3A_407 = arith.cmpi eq, %rev3A_406, %get3A_389 : vector<16xi32>
          %rev3A_408 = arith.constant 15 : i32
          %rev3A_409 = vector.broadcast %rev3A_408 : i32 to vector<16xi32>
          %rev3A_410 = tpu.iota {dimensions = array<i32: 0>} : vector<16xi32>
          %rev3A_411 = arith.subi %rev3A_409, %rev3A_410 : vector<16xi32>
          %rev3A_412 = tpu.dynamic_gather %get3A_395[%rev3A_411] in [0] : vector<16xf32>, vector<16xi32> -> vector<16xf32>
          %max3A_413 = arith.maximumf %get3A_395, %rev3A_412 : vector<16xf32>
          %select_n3A_414 = arith.select %eq3A_407, %max3A_413, %get3A_395 : vector<16xi1>, vector<16xf32>
          %rev3A_415 = arith.constant 15 : i32
          %rev3A_416 = vector.broadcast %rev3A_415 : i32 to vector<16xi32>
          %rev3A_417 = tpu.iota {dimensions = array<i32: 0>} : vector<16xi32>
          %rev3A_418 = arith.subi %rev3A_416, %rev3A_417 : vector<16xi32>
          %rev3A_419 = tpu.dynamic_gather %get3A_401[%rev3A_418] in [0] : vector<16xf32>, vector<16xi32> -> vector<16xf32>
          %max3A_420 = arith.maximumf %get3A_401, %rev3A_419 : vector<16xf32>
          %select_n3A_421 = arith.select %eq3A_407, %max3A_420, %get3A_401 : vector<16xi1>, vector<16xf32>
          %add3A_422 = arith.addi %get3A_389, %mul3A_39 : vector<16xi32>
          %gather3A_423 = tpu.vector_load_idx %arg5[%add3A_422] : memref<32768xf32, #tpu.memory_space<vmem>>[vector<16xi32>], vector<16xf32>,
          %gather3A_424 = tpu.vector_load_idx %arg6[%add3A_422] : memref<32768xf32, #tpu.memory_space<vmem>>[vector<16xi32>], vector<16xf32>,
          %max3A_425 = arith.maximumf %gather3A_423, %select_n3A_414 : vector<16xf32>
          tpu.vector_store_idx %arg5[%add3A_422], %max3A_425 : memref<32768xf32, #tpu.memory_space<vmem>>[vector<16xi32>], vector<16xf32>,
          %max3A_426 = arith.maximumf %gather3A_424, %select_n3A_421 : vector<16xf32>
          tpu.vector_store_idx %arg6[%add3A_422], %max3A_426 : memref<32768xf32, #tpu.memory_space<vmem>>[vector<16xi32>], vector<16xf32>,
          %get3A_427 = arith.index_cast %select_n3A_140 : i32 to index
          %get3A_428 = arith.index_cast %scan3A_224 : i32 to index
          %get3A_429 = arith.constant 80 : index
          %get3A_430 = tpu.vector_load %arg7[%get3A_427, %get3A_428, %get3A_429] {strides = array<i32>} : memref<2x64x128xi32, #tpu.memory_space<vmem>>, vector<16xi32>,
          %get3A_431 = arith.constant 0 : i32
          %get3A_432 = arith.index_cast %select_n3A_140 : i32 to index
          %get3A_433 = arith.index_cast %scan3A_224 : i32 to index
          %get3A_434 = arith.index_cast %get3A_431 : i32 to index
          %get3A_435 = arith.constant 80 : index
          %get3A_436 = tpu.vector_load %arg8[%get3A_432, %get3A_433, %get3A_434, %get3A_435] {strides = array<i32>} : memref<2x64x2x128xf32, #tpu.memory_space<vmem>>, vector<16xf32>,
          %get3A_437 = arith.constant 1 : i32
          %get3A_438 = arith.index_cast %select_n3A_140 : i32 to index
          %get3A_439 = arith.index_cast %scan3A_224 : i32 to index
          %get3A_440 = arith.index_cast %get3A_437 : i32 to index
          %get3A_441 = arith.constant 80 : index
          %get3A_442 = tpu.vector_load %arg8[%get3A_438, %get3A_439, %get3A_440, %get3A_441] {strides = array<i32>} : memref<2x64x2x128xf32, #tpu.memory_space<vmem>>, vector<16xf32>,
          %rev3A_443 = arith.constant 15 : i32
          %rev3A_444 = vector.broadcast %rev3A_443 : i32 to vector<16xi32>
          %rev3A_445 = tpu.iota {dimensions = array<i32: 0>} : vector<16xi32>
          %rev3A_446 = arith.subi %rev3A_444, %rev3A_445 : vector<16xi32>
          %rev3A_447 = tpu.dynamic_gather %get3A_430[%rev3A_446] in [0] : vector<16xi32>, vector<16xi32> -> vector<16xi32>
          %eq3A_448 = arith.cmpi eq, %rev3A_447, %get3A_430 : vector<16xi32>
          %rev3A_449 = arith.constant 15 : i32
          %rev3A_450 = vector.broadcast %rev3A_449 : i32 to vector<16xi32>
          %rev3A_451 = tpu.iota {dimensions = array<i32: 0>} : vector<16xi32>
          %rev3A_452 = arith.subi %rev3A_450, %rev3A_451 : vector<16xi32>
          %rev3A_453 = tpu.dynamic_gather %get3A_436[%rev3A_452] in [0] : vector<16xf32>, vector<16xi32> -> vector<16xf32>
          %max3A_454 = arith.maximumf %get3A_436, %rev3A_453 : vector<16xf32>
          %select_n3A_455 = arith.select %eq3A_448, %max3A_454, %get3A_436 : vector<16xi1>, vector<16xf32>
          %rev3A_456 = arith.constant 15 : i32
          %rev3A_457 = vector.broadcast %rev3A_456 : i32 to vector<16xi32>
          %rev3A_458 = tpu.iota {dimensions = array<i32: 0>} : vector<16xi32>
          %rev3A_459 = arith.subi %rev3A_457, %rev3A_458 : vector<16xi32>
          %rev3A_460 = tpu.dynamic_gather %get3A_442[%rev3A_459] in [0] : vector<16xf32>, vector<16xi32> -> vector<16xf32>
          %max3A_461 = arith.maximumf %get3A_442, %rev3A_460 : vector<16xf32>
          %select_n3A_462 = arith.select %eq3A_448, %max3A_461, %get3A_442 : vector<16xi1>, vector<16xf32>
          %add3A_463 = arith.addi %get3A_430, %mul3A_39 : vector<16xi32>
          %gather3A_464 = tpu.vector_load_idx %arg5[%add3A_463] : memref<32768xf32, #tpu.memory_space<vmem>>[vector<16xi32>], vector<16xf32>,
          %gather3A_465 = tpu.vector_load_idx %arg6[%add3A_463] : memref<32768xf32, #tpu.memory_space<vmem>>[vector<16xi32>], vector<16xf32>,
          %max3A_466 = arith.maximumf %gather3A_464, %select_n3A_455 : vector<16xf32>
          tpu.vector_store_idx %arg5[%add3A_463], %max3A_466 : memref<32768xf32, #tpu.memory_space<vmem>>[vector<16xi32>], vector<16xf32>,
          %max3A_467 = arith.maximumf %gather3A_465, %select_n3A_462 : vector<16xf32>
          tpu.vector_store_idx %arg6[%add3A_463], %max3A_467 : memref<32768xf32, #tpu.memory_space<vmem>>[vector<16xi32>], vector<16xf32>,
          %get3A_468 = arith.index_cast %select_n3A_140 : i32 to index
          %get3A_469 = arith.index_cast %scan3A_224 : i32 to index
          %get3A_470 = arith.constant 96 : index
          %get3A_471 = tpu.vector_load %arg7[%get3A_468, %get3A_469, %get3A_470] {strides = array<i32>} : memref<2x64x128xi32, #tpu.memory_space<vmem>>, vector<16xi32>,
          %get3A_472 = arith.constant 0 : i32
          %get3A_473 = arith.index_cast %select_n3A_140 : i32 to index
          %get3A_474 = arith.index_cast %scan3A_224 : i32 to index
          %get3A_475 = arith.index_cast %get3A_472 : i32 to index
          %get3A_476 = arith.constant 96 : index
          %get3A_477 = tpu.vector_load %arg8[%get3A_473, %get3A_474, %get3A_475, %get3A_476] {strides = array<i32>} : memref<2x64x2x128xf32, #tpu.memory_space<vmem>>, vector<16xf32>,
          %get3A_478 = arith.constant 1 : i32
          %get3A_479 = arith.index_cast %select_n3A_140 : i32 to index
          %get3A_480 = arith.index_cast %scan3A_224 : i32 to index
          %get3A_481 = arith.index_cast %get3A_478 : i32 to index
          %get3A_482 = arith.constant 96 : index
          %get3A_483 = tpu.vector_load %arg8[%get3A_479, %get3A_480, %get3A_481, %get3A_482] {strides = array<i32>} : memref<2x64x2x128xf32, #tpu.memory_space<vmem>>, vector<16xf32>,
          %rev3A_484 = arith.constant 15 : i32
          %rev3A_485 = vector.broadcast %rev3A_484 : i32 to vector<16xi32>
          %rev3A_486 = tpu.iota {dimensions = array<i32: 0>} : vector<16xi32>
          %rev3A_487 = arith.subi %rev3A_485, %rev3A_486 : vector<16xi32>
          %rev3A_488 = tpu.dynamic_gather %get3A_471[%rev3A_487] in [0] : vector<16xi32>, vector<16xi32> -> vector<16xi32>
          %eq3A_489 = arith.cmpi eq, %rev3A_488, %get3A_471 : vector<16xi32>
          %rev3A_490 = arith.constant 15 : i32
          %rev3A_491 = vector.broadcast %rev3A_490 : i32 to vector<16xi32>
          %rev3A_492 = tpu.iota {dimensions = array<i32: 0>} : vector<16xi32>
          %rev3A_493 = arith.subi %rev3A_491, %rev3A_492 : vector<16xi32>
          %rev3A_494 = tpu.dynamic_gather %get3A_477[%rev3A_493] in [0] : vector<16xf32>, vector<16xi32> -> vector<16xf32>
          %max3A_495 = arith.maximumf %get3A_477, %rev3A_494 : vector<16xf32>
          %select_n3A_496 = arith.select %eq3A_489, %max3A_495, %get3A_477 : vector<16xi1>, vector<16xf32>
          %rev3A_497 = arith.constant 15 : i32
          %rev3A_498 = vector.broadcast %rev3A_497 : i32 to vector<16xi32>
          %rev3A_499 = tpu.iota {dimensions = array<i32: 0>} : vector<16xi32>
          %rev3A_500 = arith.subi %rev3A_498, %rev3A_499 : vector<16xi32>
          %rev3A_501 = tpu.dynamic_gather %get3A_483[%rev3A_500] in [0] : vector<16xf32>, vector<16xi32> -> vector<16xf32>
          %max3A_502 = arith.maximumf %get3A_483, %rev3A_501 : vector<16xf32>
          %select_n3A_503 = arith.select %eq3A_489, %max3A_502, %get3A_483 : vector<16xi1>, vector<16xf32>
          %add3A_504 = arith.addi %get3A_471, %mul3A_39 : vector<16xi32>
          %gather3A_505 = tpu.vector_load_idx %arg5[%add3A_504] : memref<32768xf32, #tpu.memory_space<vmem>>[vector<16xi32>], vector<16xf32>,
          %gather3A_506 = tpu.vector_load_idx %arg6[%add3A_504] : memref<32768xf32, #tpu.memory_space<vmem>>[vector<16xi32>], vector<16xf32>,
          %max3A_507 = arith.maximumf %gather3A_505, %select_n3A_496 : vector<16xf32>
          tpu.vector_store_idx %arg5[%add3A_504], %max3A_507 : memref<32768xf32, #tpu.memory_space<vmem>>[vector<16xi32>], vector<16xf32>,
          %max3A_508 = arith.maximumf %gather3A_506, %select_n3A_503 : vector<16xf32>
          tpu.vector_store_idx %arg6[%add3A_504], %max3A_508 : memref<32768xf32, #tpu.memory_space<vmem>>[vector<16xi32>], vector<16xf32>,
          %get3A_509 = arith.index_cast %select_n3A_140 : i32 to index
          %get3A_510 = arith.index_cast %scan3A_224 : i32 to index
          %get3A_511 = arith.constant 112 : index
          %get3A_512 = tpu.vector_load %arg7[%get3A_509, %get3A_510, %get3A_511] {strides = array<i32>} : memref<2x64x128xi32, #tpu.memory_space<vmem>>, vector<16xi32>,
          %get3A_513 = arith.constant 0 : i32
          %get3A_514 = arith.index_cast %select_n3A_140 : i32 to index
          %get3A_515 = arith.index_cast %scan3A_224 : i32 to index
          %get3A_516 = arith.index_cast %get3A_513 : i32 to index
          %get3A_517 = arith.constant 112 : index
          %get3A_518 = tpu.vector_load %arg8[%get3A_514, %get3A_515, %get3A_516, %get3A_517] {strides = array<i32>} : memref<2x64x2x128xf32, #tpu.memory_space<vmem>>, vector<16xf32>,
          %get3A_519 = arith.constant 1 : i32
          %get3A_520 = arith.index_cast %select_n3A_140 : i32 to index
          %get3A_521 = arith.index_cast %scan3A_224 : i32 to index
          %get3A_522 = arith.index_cast %get3A_519 : i32 to index
          %get3A_523 = arith.constant 112 : index
          %get3A_524 = tpu.vector_load %arg8[%get3A_520, %get3A_521, %get3A_522, %get3A_523] {strides = array<i32>} : memref<2x64x2x128xf32, #tpu.memory_space<vmem>>, vector<16xf32>,
          %rev3A_525 = arith.constant 15 : i32
          %rev3A_526 = vector.broadcast %rev3A_525 : i32 to vector<16xi32>
          %rev3A_527 = tpu.iota {dimensions = array<i32: 0>} : vector<16xi32>
          %rev3A_528 = arith.subi %rev3A_526, %rev3A_527 : vector<16xi32>
          %rev3A_529 = tpu.dynamic_gather %get3A_512[%rev3A_528] in [0] : vector<16xi32>, vector<16xi32> -> vector<16xi32>
          %eq3A_530 = arith.cmpi eq, %rev3A_529, %get3A_512 : vector<16xi32>
          %rev3A_531 = arith.constant 15 : i32
          %rev3A_532 = vector.broadcast %rev3A_531 : i32 to vector<16xi32>
          %rev3A_533 = tpu.iota {dimensions = array<i32: 0>} : vector<16xi32>
          %rev3A_534 = arith.subi %rev3A_532, %rev3A_533 : vector<16xi32>
          %rev3A_535 = tpu.dynamic_gather %get3A_518[%rev3A_534] in [0] : vector<16xf32>, vector<16xi32> -> vector<16xf32>
          %max3A_536 = arith.maximumf %get3A_518, %rev3A_535 : vector<16xf32>
          %select_n3A_537 = arith.select %eq3A_530, %max3A_536, %get3A_518 : vector<16xi1>, vector<16xf32>
          %rev3A_538 = arith.constant 15 : i32
          %rev3A_539 = vector.broadcast %rev3A_538 : i32 to vector<16xi32>
          %rev3A_540 = tpu.iota {dimensions = array<i32: 0>} : vector<16xi32>
          %rev3A_541 = arith.subi %rev3A_539, %rev3A_540 : vector<16xi32>
          %rev3A_542 = tpu.dynamic_gather %get3A_524[%rev3A_541] in [0] : vector<16xf32>, vector<16xi32> -> vector<16xf32>
          %max3A_543 = arith.maximumf %get3A_524, %rev3A_542 : vector<16xf32>
          %select_n3A_544 = arith.select %eq3A_530, %max3A_543, %get3A_524 : vector<16xi1>, vector<16xf32>
          %add3A_545 = arith.addi %get3A_512, %mul3A_39 : vector<16xi32>
          %gather3A_546 = tpu.vector_load_idx %arg5[%add3A_545] : memref<32768xf32, #tpu.memory_space<vmem>>[vector<16xi32>], vector<16xf32>,
          %gather3A_547 = tpu.vector_load_idx %arg6[%add3A_545] : memref<32768xf32, #tpu.memory_space<vmem>>[vector<16xi32>], vector<16xf32>,
          %max3A_548 = arith.maximumf %gather3A_546, %select_n3A_537 : vector<16xf32>
          tpu.vector_store_idx %arg5[%add3A_545], %max3A_548 : memref<32768xf32, #tpu.memory_space<vmem>>[vector<16xi32>], vector<16xf32>,
          %max3A_549 = arith.maximumf %gather3A_547, %select_n3A_544 : vector<16xf32>
          tpu.vector_store_idx %arg6[%add3A_545], %max3A_549 : memref<32768xf32, #tpu.memory_space<vmem>>[vector<16xi32>], vector<16xf32>,
          %scan3A_550 = arith.constant 0 : i32
          scf.yield %scan3A_550 : i32
        }
        %scan3A_222 = arith.constant 64 : i32
        %scan3A_223 = arith.constant 0 : i32
        scf.yield %scan3A_223 : i32
      }
      %scan3A_104 = arith.constant 4 : i32
      %scan3A_105 = arith.constant 0 : i32
      %scan3A_106 = arith.constant 0 : i32
      %scan3A_107 = arith.constant 32 : i32
      %scan3A_108 = arith.addi %scan3A_106, %scan3A_107 : i32
      %scan3A_109 = arith.constant 1 : i32
      %scan3A_110 = scf.for %scan3A_115 = %scan3A_106 to %scan3A_108 step %scan3A_109 iter_args(%scan3A_116 = %scan3A_105) -> (i32)  : i32 {
        %mul3A_117 = arith.constant 128 : i32
        %mul3A_118 = arith.muli %scan3A_115, %mul3A_117 : i32
        %add3A_119 = arith.constant 0 : i32
        %add3A_120 = arith.addi %mul3A_118, %add3A_119 : i32
        %get3A = arith.index_cast %add3A_120 : i32 to index
        %get3A_121 = tpu.vector_load %arg5[%get3A] {strides = array<i32>} : memref<32768xf32, #tpu.memory_space<vmem>>, vector<16xf32>,
        %get3A_122 = arith.index_cast %add3A_120 : i32 to index
        %get3A_123 = tpu.vector_load %arg6[%get3A_122] {strides = array<i32>} : memref<32768xf32, #tpu.memory_space<vmem>>, vector<16xf32>,
        %add3A_124 = arith.constant 4096 : i32
        %add3A_125 = arith.addi %add3A_124, %add3A_120 : i32
        %get3A_126 = arith.index_cast %add3A_125 : i32 to index
        %get3A_127 = tpu.vector_load %arg5[%get3A_126] {strides = array<i32>} : memref<32768xf32, #tpu.memory_space<vmem>>, vector<16xf32>,
        %max3A = arith.maximumf %get3A_121, %get3A_127 : vector<16xf32>
        %add3A_128 = arith.constant 4096 : i32
        %add3A_129 = arith.addi %add3A_128, %add3A_120 : i32
        %get3A_130 = arith.index_cast %add3A_129 : i32 to index
        %get3A_131 = tpu.vector_load %arg6[%get3A_130] {strides = array<i32>} : memref<32768xf32, #tpu.memory_space<vmem>>, vector<16xf32>,
        %max3A_132 = arith.maximumf %get3A_123, %get3A_131 : vector<16xf32>
        %add3A_133 = arith.constant 8192 : i32
        %add3A_134 = arith.addi %add3A_133, %add3A_120 : i32
        %get3A_135 = arith.index_cast %add3A_134 : i32 to index
        %get3A_136 = tpu.vector_load %arg5[%get3A_135] {strides = array<i32>} : memref<32768xf32, #tpu.memory_space<vmem>>, vector<16xf32>,
        %max3A_137 = arith.maximumf %max3A, %get3A_136 : vector<16xf32>
        %add3A_138 = arith.constant 8192 : i32
        %add3A_139 = arith.addi %add3A_138, %add3A_120 : i32
        %get3A_140 = arith.index_cast %add3A_139 : i32 to index
        %get3A_141 = tpu.vector_load %arg6[%get3A_140] {strides = array<i32>} : memref<32768xf32, #tpu.memory_space<vmem>>, vector<16xf32>,
        %max3A_142 = arith.maximumf %max3A_132, %get3A_141 : vector<16xf32>
        %add3A_143 = arith.constant 12288 : i32
        %add3A_144 = arith.addi %add3A_143, %add3A_120 : i32
        %get3A_145 = arith.index_cast %add3A_144 : i32 to index
        %get3A_146 = tpu.vector_load %arg5[%get3A_145] {strides = array<i32>} : memref<32768xf32, #tpu.memory_space<vmem>>, vector<16xf32>,
        %max3A_147 = arith.maximumf %max3A_137, %get3A_146 : vector<16xf32>
        %add3A_148 = arith.constant 12288 : i32
        %add3A_149 = arith.addi %add3A_148, %add3A_120 : i32
        %get3A_150 = arith.index_cast %add3A_149 : i32 to index
        %get3A_151 = tpu.vector_load %arg6[%get3A_150] {strides = array<i32>} : memref<32768xf32, #tpu.memory_space<vmem>>, vector<16xf32>,
        %max3A_152 = arith.maximumf %max3A_142, %get3A_151 : vector<16xf32>
        %add3A_153 = arith.constant 16384 : i32
        %add3A_154 = arith.addi %add3A_153, %add3A_120 : i32
        %get3A_155 = arith.index_cast %add3A_154 : i32 to index
        %get3A_156 = tpu.vector_load %arg5[%get3A_155] {strides = array<i32>} : memref<32768xf32, #tpu.memory_space<vmem>>, vector<16xf32>,
        %max3A_157 = arith.maximumf %max3A_147, %get3A_156 : vector<16xf32>
        %add3A_158 = arith.constant 16384 : i32
        %add3A_159 = arith.addi %add3A_158, %add3A_120 : i32
        %get3A_160 = arith.index_cast %add3A_159 : i32 to index
        %get3A_161 = tpu.vector_load %arg6[%get3A_160] {strides = array<i32>} : memref<32768xf32, #tpu.memory_space<vmem>>, vector<16xf32>,
        %max3A_162 = arith.maximumf %max3A_152, %get3A_161 : vector<16xf32>
        %add3A_163 = arith.constant 20480 : i32
        %add3A_164 = arith.addi %add3A_163, %add3A_120 : i32
        %get3A_165 = arith.index_cast %add3A_164 : i32 to index
        %get3A_166 = tpu.vector_load %arg5[%get3A_165] {strides = array<i32>} : memref<32768xf32, #tpu.memory_space<vmem>>, vector<16xf32>,
        %max3A_167 = arith.maximumf %max3A_157, %get3A_166 : vector<16xf32>
        %add3A_168 = arith.constant 20480 : i32
        %add3A_169 = arith.addi %add3A_168, %add3A_120 : i32
        %get3A_170 = arith.index_cast %add3A_169 : i32 to index
        %get3A_171 = tpu.vector_load %arg6[%get3A_170] {strides = array<i32>} : memref<32768xf32, #tpu.memory_space<vmem>>, vector<16xf32>,
        %max3A_172 = arith.maximumf %max3A_162, %get3A_171 : vector<16xf32>
        %add3A_173 = arith.constant 24576 : i32
        %add3A_174 = arith.addi %add3A_173, %add3A_120 : i32
        %get3A_175 = arith.index_cast %add3A_174 : i32 to index
        %get3A_176 = tpu.vector_load %arg5[%get3A_175] {strides = array<i32>} : memref<32768xf32, #tpu.memory_space<vmem>>, vector<16xf32>,
        %max3A_177 = arith.maximumf %max3A_167, %get3A_176 : vector<16xf32>
        %add3A_178 = arith.constant 24576 : i32
        %add3A_179 = arith.addi %add3A_178, %add3A_120 : i32
        %get3A_180 = arith.index_cast %add3A_179 : i32 to index
        %get3A_181 = tpu.vector_load %arg6[%get3A_180] {strides = array<i32>} : memref<32768xf32, #tpu.memory_space<vmem>>, vector<16xf32>,
        %max3A_182 = arith.maximumf %max3A_172, %get3A_181 : vector<16xf32>
        %add3A_183 = arith.constant 28672 : i32
        %add3A_184 = arith.addi %add3A_183, %add3A_120 : i32
        %get3A_185 = arith.index_cast %add3A_184 : i32 to index
        %get3A_186 = tpu.vector_load %arg5[%get3A_185] {strides = array<i32>} : memref<32768xf32, #tpu.memory_space<vmem>>, vector<16xf32>,
        %max3A_187 = arith.maximumf %max3A_177, %get3A_186 : vector<16xf32>
        %add3A_188 = arith.constant 28672 : i32
        %add3A_189 = arith.addi %add3A_188, %add3A_120 : i32
        %get3A_190 = arith.index_cast %add3A_189 : i32 to index
        %get3A_191 = tpu.vector_load %arg6[%get3A_190] {strides = array<i32>} : memref<32768xf32, #tpu.memory_space<vmem>>, vector<16xf32>,
        %max3A_192 = arith.maximumf %max3A_182, %get3A_191 : vector<16xf32>
        %swap3A = arith.index_cast %scan3A_115 : i32 to index
        %swap3A_193 = arith.constant 0 : index
        %swap3A_194 = tpu.vector_load %arg9[%swap3A, %swap3A_193] {strides = array<i32>} : memref<32x128xf32, #tpu.memory_space<vmem>>, vector<16xf32>,
        tpu.vector_store %arg9[%swap3A, %swap3A_193], %max3A_187 {strides = array<i32>} : memref<32x128xf32, #tpu.memory_space<vmem>>, vector<16xf32>,
        %swap3A_195 = arith.index_cast %scan3A_115 : i32 to index
        %swap3A_196 = arith.constant 0 : index
        %swap3A_197 = tpu.vector_load %arg10[%swap3A_195, %swap3A_196] {strides = array<i32>} : memref<32x128xf32, #tpu.memory_space<vmem>>, vector<16xf32>,
        tpu.vector_store %arg10[%swap3A_195, %swap3A_196], %max3A_192 {strides = array<i32>} : memref<32x128xf32, #tpu.memory_space<vmem>>, vector<16xf32>,
        %mul3A_198 = arith.constant 128 : i32
        %mul3A_199 = arith.muli %scan3A_115, %mul3A_198 : i32
        %add3A_200 = arith.constant 16 : i32
        %add3A_201 = arith.addi %mul3A_199, %add3A_200 : i32
        %get3A_202 = arith.index_cast %add3A_201 : i32 to index
        %get3A_203 = tpu.vector_load %arg5[%get3A_202] {strides = array<i32>} : memref<32768xf32, #tpu.memory_space<vmem>>, vector<16xf32>,
        %get3A_204 = arith.index_cast %add3A_201 : i32 to index
        %get3A_205 = tpu.vector_load %arg6[%get3A_204] {strides = array<i32>} : memref<32768xf32, #tpu.memory_space<vmem>>, vector<16xf32>,
        %add3A_206 = arith.constant 4096 : i32
        %add3A_207 = arith.addi %add3A_206, %add3A_201 : i32
        %get3A_208 = arith.index_cast %add3A_207 : i32 to index
        %get3A_209 = tpu.vector_load %arg5[%get3A_208] {strides = array<i32>} : memref<32768xf32, #tpu.memory_space<vmem>>, vector<16xf32>,
        %max3A_210 = arith.maximumf %get3A_203, %get3A_209 : vector<16xf32>
        %add3A_211 = arith.constant 4096 : i32
        %add3A_212 = arith.addi %add3A_211, %add3A_201 : i32
        %get3A_213 = arith.index_cast %add3A_212 : i32 to index
        %get3A_214 = tpu.vector_load %arg6[%get3A_213] {strides = array<i32>} : memref<32768xf32, #tpu.memory_space<vmem>>, vector<16xf32>,
        %max3A_215 = arith.maximumf %get3A_205, %get3A_214 : vector<16xf32>
        %add3A_216 = arith.constant 8192 : i32
        %add3A_217 = arith.addi %add3A_216, %add3A_201 : i32
        %get3A_218 = arith.index_cast %add3A_217 : i32 to index
        %get3A_219 = tpu.vector_load %arg5[%get3A_218] {strides = array<i32>} : memref<32768xf32, #tpu.memory_space<vmem>>, vector<16xf32>,
        %max3A_220 = arith.maximumf %max3A_210, %get3A_219 : vector<16xf32>
        %add3A_221 = arith.constant 8192 : i32
        %add3A_222 = arith.addi %add3A_221, %add3A_201 : i32
        %get3A_223 = arith.index_cast %add3A_222 : i32 to index
        %get3A_224 = tpu.vector_load %arg6[%get3A_223] {strides = array<i32>} : memref<32768xf32, #tpu.memory_space<vmem>>, vector<16xf32>,
        %max3A_225 = arith.maximumf %max3A_215, %get3A_224 : vector<16xf32>
        %add3A_226 = arith.constant 12288 : i32
        %add3A_227 = arith.addi %add3A_226, %add3A_201 : i32
        %get3A_228 = arith.index_cast %add3A_227 : i32 to index
        %get3A_229 = tpu.vector_load %arg5[%get3A_228] {strides = array<i32>} : memref<32768xf32, #tpu.memory_space<vmem>>, vector<16xf32>,
        %max3A_230 = arith.maximumf %max3A_220, %get3A_229 : vector<16xf32>
        %add3A_231 = arith.constant 12288 : i32
        %add3A_232 = arith.addi %add3A_231, %add3A_201 : i32
        %get3A_233 = arith.index_cast %add3A_232 : i32 to index
        %get3A_234 = tpu.vector_load %arg6[%get3A_233] {strides = array<i32>} : memref<32768xf32, #tpu.memory_space<vmem>>, vector<16xf32>,
        %max3A_235 = arith.maximumf %max3A_225, %get3A_234 : vector<16xf32>
        %add3A_236 = arith.constant 16384 : i32
        %add3A_237 = arith.addi %add3A_236, %add3A_201 : i32
        %get3A_238 = arith.index_cast %add3A_237 : i32 to index
        %get3A_239 = tpu.vector_load %arg5[%get3A_238] {strides = array<i32>} : memref<32768xf32, #tpu.memory_space<vmem>>, vector<16xf32>,
        %max3A_240 = arith.maximumf %max3A_230, %get3A_239 : vector<16xf32>
        %add3A_241 = arith.constant 16384 : i32
        %add3A_242 = arith.addi %add3A_241, %add3A_201 : i32
        %get3A_243 = arith.index_cast %add3A_242 : i32 to index
        %get3A_244 = tpu.vector_load %arg6[%get3A_243] {strides = array<i32>} : memref<32768xf32, #tpu.memory_space<vmem>>, vector<16xf32>,
        %max3A_245 = arith.maximumf %max3A_235, %get3A_244 : vector<16xf32>
        %add3A_246 = arith.constant 20480 : i32
        %add3A_247 = arith.addi %add3A_246, %add3A_201 : i32
        %get3A_248 = arith.index_cast %add3A_247 : i32 to index
        %get3A_249 = tpu.vector_load %arg5[%get3A_248] {strides = array<i32>} : memref<32768xf32, #tpu.memory_space<vmem>>, vector<16xf32>,
        %max3A_250 = arith.maximumf %max3A_240, %get3A_249 : vector<16xf32>
        %add3A_251 = arith.constant 20480 : i32
        %add3A_252 = arith.addi %add3A_251, %add3A_201 : i32
        %get3A_253 = arith.index_cast %add3A_252 : i32 to index
        %get3A_254 = tpu.vector_load %arg6[%get3A_253] {strides = array<i32>} : memref<32768xf32, #tpu.memory_space<vmem>>, vector<16xf32>,
        %max3A_255 = arith.maximumf %max3A_245, %get3A_254 : vector<16xf32>
        %add3A_256 = arith.constant 24576 : i32
        %add3A_257 = arith.addi %add3A_256, %add3A_201 : i32
        %get3A_258 = arith.index_cast %add3A_257 : i32 to index
        %get3A_259 = tpu.vector_load %arg5[%get3A_258] {strides = array<i32>} : memref<32768xf32, #tpu.memory_space<vmem>>, vector<16xf32>,
        %max3A_260 = arith.maximumf %max3A_250, %get3A_259 : vector<16xf32>
        %add3A_261 = arith.constant 24576 : i32
        %add3A_262 = arith.addi %add3A_261, %add3A_201 : i32
        %get3A_263 = arith.index_cast %add3A_262 : i32 to index
        %get3A_264 = tpu.vector_load %arg6[%get3A_263] {strides = array<i32>} : memref<32768xf32, #tpu.memory_space<vmem>>, vector<16xf32>,
        %max3A_265 = arith.maximumf %max3A_255, %get3A_264 : vector<16xf32>
        %add3A_266 = arith.constant 28672 : i32
        %add3A_267 = arith.addi %add3A_266, %add3A_201 : i32
        %get3A_268 = arith.index_cast %add3A_267 : i32 to index
        %get3A_269 = tpu.vector_load %arg5[%get3A_268] {strides = array<i32>} : memref<32768xf32, #tpu.memory_space<vmem>>, vector<16xf32>,
        %max3A_270 = arith.maximumf %max3A_260, %get3A_269 : vector<16xf32>
        %add3A_271 = arith.constant 28672 : i32
        %add3A_272 = arith.addi %add3A_271, %add3A_201 : i32
        %get3A_273 = arith.index_cast %add3A_272 : i32 to index
        %get3A_274 = tpu.vector_load %arg6[%get3A_273] {strides = array<i32>} : memref<32768xf32, #tpu.memory_space<vmem>>, vector<16xf32>,
        %max3A_275 = arith.maximumf %max3A_265, %get3A_274 : vector<16xf32>
        %swap3A_276 = arith.index_cast %scan3A_115 : i32 to index
        %swap3A_277 = arith.constant 16 : index
        %swap3A_278 = tpu.vector_load %arg9[%swap3A_276, %swap3A_277] {strides = array<i32>} : memref<32x128xf32, #tpu.memory_space<vmem>>, vector<16xf32>,
        tpu.vector_store %arg9[%swap3A_276, %swap3A_277], %max3A_270 {strides = array<i32>} : memref<32x128xf32, #tpu.memory_space<vmem>>, vector<16xf32>,
        %swap3A_279 = arith.index_cast %scan3A_115 : i32 to index
        %swap3A_280 = arith.constant 16 : index
        %swap3A_281 = tpu.vector_load %arg10[%swap3A_279, %swap3A_280] {strides = array<i32>} : memref<32x128xf32, #tpu.memory_space<vmem>>, vector<16xf32>,
        tpu.vector_store %arg10[%swap3A_279, %swap3A_280], %max3A_275 {strides = array<i32>} : memref<32x128xf32, #tpu.memory_space<vmem>>, vector<16xf32>,
        %mul3A_282 = arith.constant 128 : i32
        %mul3A_283 = arith.muli %scan3A_115, %mul3A_282 : i32
        %add3A_284 = arith.constant 32 : i32
        %add3A_285 = arith.addi %mul3A_283, %add3A_284 : i32
        %get3A_286 = arith.index_cast %add3A_285 : i32 to index
        %get3A_287 = tpu.vector_load %arg5[%get3A_286] {strides = array<i32>} : memref<32768xf32, #tpu.memory_space<vmem>>, vector<16xf32>,
        %get3A_288 = arith.index_cast %add3A_285 : i32 to index
        %get3A_289 = tpu.vector_load %arg6[%get3A_288] {strides = array<i32>} : memref<32768xf32, #tpu.memory_space<vmem>>, vector<16xf32>,
        %add3A_290 = arith.constant 4096 : i32
        %add3A_291 = arith.addi %add3A_290, %add3A_285 : i32
        %get3A_292 = arith.index_cast %add3A_291 : i32 to index
        %get3A_293 = tpu.vector_load %arg5[%get3A_292] {strides = array<i32>} : memref<32768xf32, #tpu.memory_space<vmem>>, vector<16xf32>,
        %max3A_294 = arith.maximumf %get3A_287, %get3A_293 : vector<16xf32>
        %add3A_295 = arith.constant 4096 : i32
        %add3A_296 = arith.addi %add3A_295, %add3A_285 : i32
        %get3A_297 = arith.index_cast %add3A_296 : i32 to index
        %get3A_298 = tpu.vector_load %arg6[%get3A_297] {strides = array<i32>} : memref<32768xf32, #tpu.memory_space<vmem>>, vector<16xf32>,
        %max3A_299 = arith.maximumf %get3A_289, %get3A_298 : vector<16xf32>
        %add3A_300 = arith.constant 8192 : i32
        %add3A_301 = arith.addi %add3A_300, %add3A_285 : i32
        %get3A_302 = arith.index_cast %add3A_301 : i32 to index
        %get3A_303 = tpu.vector_load %arg5[%get3A_302] {strides = array<i32>} : memref<32768xf32, #tpu.memory_space<vmem>>, vector<16xf32>,
        %max3A_304 = arith.maximumf %max3A_294, %get3A_303 : vector<16xf32>
        %add3A_305 = arith.constant 8192 : i32
        %add3A_306 = arith.addi %add3A_305, %add3A_285 : i32
        %get3A_307 = arith.index_cast %add3A_306 : i32 to index
        %get3A_308 = tpu.vector_load %arg6[%get3A_307] {strides = array<i32>} : memref<32768xf32, #tpu.memory_space<vmem>>, vector<16xf32>,
        %max3A_309 = arith.maximumf %max3A_299, %get3A_308 : vector<16xf32>
        %add3A_310 = arith.constant 12288 : i32
        %add3A_311 = arith.addi %add3A_310, %add3A_285 : i32
        %get3A_312 = arith.index_cast %add3A_311 : i32 to index
        %get3A_313 = tpu.vector_load %arg5[%get3A_312] {strides = array<i32>} : memref<32768xf32, #tpu.memory_space<vmem>>, vector<16xf32>,
        %max3A_314 = arith.maximumf %max3A_304, %get3A_313 : vector<16xf32>
        %add3A_315 = arith.constant 12288 : i32
        %add3A_316 = arith.addi %add3A_315, %add3A_285 : i32
        %get3A_317 = arith.index_cast %add3A_316 : i32 to index
        %get3A_318 = tpu.vector_load %arg6[%get3A_317] {strides = array<i32>} : memref<32768xf32, #tpu.memory_space<vmem>>, vector<16xf32>,
        %max3A_319 = arith.maximumf %max3A_309, %get3A_318 : vector<16xf32>
        %add3A_320 = arith.constant 16384 : i32
        %add3A_321 = arith.addi %add3A_320, %add3A_285 : i32
        %get3A_322 = arith.index_cast %add3A_321 : i32 to index
        %get3A_323 = tpu.vector_load %arg5[%get3A_322] {strides = array<i32>} : memref<32768xf32, #tpu.memory_space<vmem>>, vector<16xf32>,
        %max3A_324 = arith.maximumf %max3A_314, %get3A_323 : vector<16xf32>
        %add3A_325 = arith.constant 16384 : i32
        %add3A_326 = arith.addi %add3A_325, %add3A_285 : i32
        %get3A_327 = arith.index_cast %add3A_326 : i32 to index
        %get3A_328 = tpu.vector_load %arg6[%get3A_327] {strides = array<i32>} : memref<32768xf32, #tpu.memory_space<vmem>>, vector<16xf32>,
        %max3A_329 = arith.maximumf %max3A_319, %get3A_328 : vector<16xf32>
        %add3A_330 = arith.constant 20480 : i32
        %add3A_331 = arith.addi %add3A_330, %add3A_285 : i32
        %get3A_332 = arith.index_cast %add3A_331 : i32 to index
        %get3A_333 = tpu.vector_load %arg5[%get3A_332] {strides = array<i32>} : memref<32768xf32, #tpu.memory_space<vmem>>, vector<16xf32>,
        %max3A_334 = arith.maximumf %max3A_324, %get3A_333 : vector<16xf32>
        %add3A_335 = arith.constant 20480 : i32
        %add3A_336 = arith.addi %add3A_335, %add3A_285 : i32
        %get3A_337 = arith.index_cast %add3A_336 : i32 to index
        %get3A_338 = tpu.vector_load %arg6[%get3A_337] {strides = array<i32>} : memref<32768xf32, #tpu.memory_space<vmem>>, vector<16xf32>,
        %max3A_339 = arith.maximumf %max3A_329, %get3A_338 : vector<16xf32>
        %add3A_340 = arith.constant 24576 : i32
        %add3A_341 = arith.addi %add3A_340, %add3A_285 : i32
        %get3A_342 = arith.index_cast %add3A_341 : i32 to index
        %get3A_343 = tpu.vector_load %arg5[%get3A_342] {strides = array<i32>} : memref<32768xf32, #tpu.memory_space<vmem>>, vector<16xf32>,
        %max3A_344 = arith.maximumf %max3A_334, %get3A_343 : vector<16xf32>
        %add3A_345 = arith.constant 24576 : i32
        %add3A_346 = arith.addi %add3A_345, %add3A_285 : i32
        %get3A_347 = arith.index_cast %add3A_346 : i32 to index
        %get3A_348 = tpu.vector_load %arg6[%get3A_347] {strides = array<i32>} : memref<32768xf32, #tpu.memory_space<vmem>>, vector<16xf32>,
        %max3A_349 = arith.maximumf %max3A_339, %get3A_348 : vector<16xf32>
        %add3A_350 = arith.constant 28672 : i32
        %add3A_351 = arith.addi %add3A_350, %add3A_285 : i32
        %get3A_352 = arith.index_cast %add3A_351 : i32 to index
        %get3A_353 = tpu.vector_load %arg5[%get3A_352] {strides = array<i32>} : memref<32768xf32, #tpu.memory_space<vmem>>, vector<16xf32>,
        %max3A_354 = arith.maximumf %max3A_344, %get3A_353 : vector<16xf32>
        %add3A_355 = arith.constant 28672 : i32
        %add3A_356 = arith.addi %add3A_355, %add3A_285 : i32
        %get3A_357 = arith.index_cast %add3A_356 : i32 to index
        %get3A_358 = tpu.vector_load %arg6[%get3A_357] {strides = array<i32>} : memref<32768xf32, #tpu.memory_space<vmem>>, vector<16xf32>,
        %max3A_359 = arith.maximumf %max3A_349, %get3A_358 : vector<16xf32>
        %swap3A_360 = arith.index_cast %scan3A_115 : i32 to index
        %swap3A_361 = arith.constant 32 : index
        %swap3A_362 = tpu.vector_load %arg9[%swap3A_360, %swap3A_361] {strides = array<i32>} : memref<32x128xf32, #tpu.memory_space<vmem>>, vector<16xf32>,
        tpu.vector_store %arg9[%swap3A_360, %swap3A_361], %max3A_354 {strides = array<i32>} : memref<32x128xf32, #tpu.memory_space<vmem>>, vector<16xf32>,
        %swap3A_363 = arith.index_cast %scan3A_115 : i32 to index
        %swap3A_364 = arith.constant 32 : index
        %swap3A_365 = tpu.vector_load %arg10[%swap3A_363, %swap3A_364] {strides = array<i32>} : memref<32x128xf32, #tpu.memory_space<vmem>>, vector<16xf32>,
        tpu.vector_store %arg10[%swap3A_363, %swap3A_364], %max3A_359 {strides = array<i32>} : memref<32x128xf32, #tpu.memory_space<vmem>>, vector<16xf32>,
        %mul3A_366 = arith.constant 128 : i32
        %mul3A_367 = arith.muli %scan3A_115, %mul3A_366 : i32
        %add3A_368 = arith.constant 48 : i32
        %add3A_369 = arith.addi %mul3A_367, %add3A_368 : i32
        %get3A_370 = arith.index_cast %add3A_369 : i32 to index
        %get3A_371 = tpu.vector_load %arg5[%get3A_370] {strides = array<i32>} : memref<32768xf32, #tpu.memory_space<vmem>>, vector<16xf32>,
        %get3A_372 = arith.index_cast %add3A_369 : i32 to index
        %get3A_373 = tpu.vector_load %arg6[%get3A_372] {strides = array<i32>} : memref<32768xf32, #tpu.memory_space<vmem>>, vector<16xf32>,
        %add3A_374 = arith.constant 4096 : i32
        %add3A_375 = arith.addi %add3A_374, %add3A_369 : i32
        %get3A_376 = arith.index_cast %add3A_375 : i32 to index
        %get3A_377 = tpu.vector_load %arg5[%get3A_376] {strides = array<i32>} : memref<32768xf32, #tpu.memory_space<vmem>>, vector<16xf32>,
        %max3A_378 = arith.maximumf %get3A_371, %get3A_377 : vector<16xf32>
        %add3A_379 = arith.constant 4096 : i32
        %add3A_380 = arith.addi %add3A_379, %add3A_369 : i32
        %get3A_381 = arith.index_cast %add3A_380 : i32 to index
        %get3A_382 = tpu.vector_load %arg6[%get3A_381] {strides = array<i32>} : memref<32768xf32, #tpu.memory_space<vmem>>, vector<16xf32>,
        %max3A_383 = arith.maximumf %get3A_373, %get3A_382 : vector<16xf32>
        %add3A_384 = arith.constant 8192 : i32
        %add3A_385 = arith.addi %add3A_384, %add3A_369 : i32
        %get3A_386 = arith.index_cast %add3A_385 : i32 to index
        %get3A_387 = tpu.vector_load %arg5[%get3A_386] {strides = array<i32>} : memref<32768xf32, #tpu.memory_space<vmem>>, vector<16xf32>,
        %max3A_388 = arith.maximumf %max3A_378, %get3A_387 : vector<16xf32>
        %add3A_389 = arith.constant 8192 : i32
        %add3A_390 = arith.addi %add3A_389, %add3A_369 : i32
        %get3A_391 = arith.index_cast %add3A_390 : i32 to index
        %get3A_392 = tpu.vector_load %arg6[%get3A_391] {strides = array<i32>} : memref<32768xf32, #tpu.memory_space<vmem>>, vector<16xf32>,
        %max3A_393 = arith.maximumf %max3A_383, %get3A_392 : vector<16xf32>
        %add3A_394 = arith.constant 12288 : i32
        %add3A_395 = arith.addi %add3A_394, %add3A_369 : i32
        %get3A_396 = arith.index_cast %add3A_395 : i32 to index
        %get3A_397 = tpu.vector_load %arg5[%get3A_396] {strides = array<i32>} : memref<32768xf32, #tpu.memory_space<vmem>>, vector<16xf32>,
        %max3A_398 = arith.maximumf %max3A_388, %get3A_397 : vector<16xf32>
        %add3A_399 = arith.constant 12288 : i32
        %add3A_400 = arith.addi %add3A_399, %add3A_369 : i32
        %get3A_401 = arith.index_cast %add3A_400 : i32 to index
        %get3A_402 = tpu.vector_load %arg6[%get3A_401] {strides = array<i32>} : memref<32768xf32, #tpu.memory_space<vmem>>, vector<16xf32>,
        %max3A_403 = arith.maximumf %max3A_393, %get3A_402 : vector<16xf32>
        %add3A_404 = arith.constant 16384 : i32
        %add3A_405 = arith.addi %add3A_404, %add3A_369 : i32
        %get3A_406 = arith.index_cast %add3A_405 : i32 to index
        %get3A_407 = tpu.vector_load %arg5[%get3A_406] {strides = array<i32>} : memref<32768xf32, #tpu.memory_space<vmem>>, vector<16xf32>,
        %max3A_408 = arith.maximumf %max3A_398, %get3A_407 : vector<16xf32>
        %add3A_409 = arith.constant 16384 : i32
        %add3A_410 = arith.addi %add3A_409, %add3A_369 : i32
        %get3A_411 = arith.index_cast %add3A_410 : i32 to index
        %get3A_412 = tpu.vector_load %arg6[%get3A_411] {strides = array<i32>} : memref<32768xf32, #tpu.memory_space<vmem>>, vector<16xf32>,
        %max3A_413 = arith.maximumf %max3A_403, %get3A_412 : vector<16xf32>
        %add3A_414 = arith.constant 20480 : i32
        %add3A_415 = arith.addi %add3A_414, %add3A_369 : i32
        %get3A_416 = arith.index_cast %add3A_415 : i32 to index
        %get3A_417 = tpu.vector_load %arg5[%get3A_416] {strides = array<i32>} : memref<32768xf32, #tpu.memory_space<vmem>>, vector<16xf32>,
        %max3A_418 = arith.maximumf %max3A_408, %get3A_417 : vector<16xf32>
        %add3A_419 = arith.constant 20480 : i32
        %add3A_420 = arith.addi %add3A_419, %add3A_369 : i32
        %get3A_421 = arith.index_cast %add3A_420 : i32 to index
        %get3A_422 = tpu.vector_load %arg6[%get3A_421] {strides = array<i32>} : memref<32768xf32, #tpu.memory_space<vmem>>, vector<16xf32>,
        %max3A_423 = arith.maximumf %max3A_413, %get3A_422 : vector<16xf32>
        %add3A_424 = arith.constant 24576 : i32
        %add3A_425 = arith.addi %add3A_424, %add3A_369 : i32
        %get3A_426 = arith.index_cast %add3A_425 : i32 to index
        %get3A_427 = tpu.vector_load %arg5[%get3A_426] {strides = array<i32>} : memref<32768xf32, #tpu.memory_space<vmem>>, vector<16xf32>,
        %max3A_428 = arith.maximumf %max3A_418, %get3A_427 : vector<16xf32>
        %add3A_429 = arith.constant 24576 : i32
        %add3A_430 = arith.addi %add3A_429, %add3A_369 : i32
        %get3A_431 = arith.index_cast %add3A_430 : i32 to index
        %get3A_432 = tpu.vector_load %arg6[%get3A_431] {strides = array<i32>} : memref<32768xf32, #tpu.memory_space<vmem>>, vector<16xf32>,
        %max3A_433 = arith.maximumf %max3A_423, %get3A_432 : vector<16xf32>
        %add3A_434 = arith.constant 28672 : i32
        %add3A_435 = arith.addi %add3A_434, %add3A_369 : i32
        %get3A_436 = arith.index_cast %add3A_435 : i32 to index
        %get3A_437 = tpu.vector_load %arg5[%get3A_436] {strides = array<i32>} : memref<32768xf32, #tpu.memory_space<vmem>>, vector<16xf32>,
        %max3A_438 = arith.maximumf %max3A_428, %get3A_437 : vector<16xf32>
        %add3A_439 = arith.constant 28672 : i32
        %add3A_440 = arith.addi %add3A_439, %add3A_369 : i32
        %get3A_441 = arith.index_cast %add3A_440 : i32 to index
        %get3A_442 = tpu.vector_load %arg6[%get3A_441] {strides = array<i32>} : memref<32768xf32, #tpu.memory_space<vmem>>, vector<16xf32>,
        %max3A_443 = arith.maximumf %max3A_433, %get3A_442 : vector<16xf32>
        %swap3A_444 = arith.index_cast %scan3A_115 : i32 to index
        %swap3A_445 = arith.constant 48 : index
        %swap3A_446 = tpu.vector_load %arg9[%swap3A_444, %swap3A_445] {strides = array<i32>} : memref<32x128xf32, #tpu.memory_space<vmem>>, vector<16xf32>,
        tpu.vector_store %arg9[%swap3A_444, %swap3A_445], %max3A_438 {strides = array<i32>} : memref<32x128xf32, #tpu.memory_space<vmem>>, vector<16xf32>,
        %swap3A_447 = arith.index_cast %scan3A_115 : i32 to index
        %swap3A_448 = arith.constant 48 : index
        %swap3A_449 = tpu.vector_load %arg10[%swap3A_447, %swap3A_448] {strides = array<i32>} : memref<32x128xf32, #tpu.memory_space<vmem>>, vector<16xf32>,
        tpu.vector_store %arg10[%swap3A_447, %swap3A_448], %max3A_443 {strides = array<i32>} : memref<32x128xf32, #tpu.memory_space<vmem>>, vector<16xf32>,
        %mul3A_450 = arith.constant 128 : i32
        %mul3A_451 = arith.muli %scan3A_115, %mul3A_450 : i32
        %add3A_452 = arith.constant 64 : i32
        %add3A_453 = arith.addi %mul3A_451, %add3A_452 : i32
        %get3A_454 = arith.index_cast %add3A_453 : i32 to index
        %get3A_455 = tpu.vector_load %arg5[%get3A_454] {strides = array<i32>} : memref<32768xf32, #tpu.memory_space<vmem>>, vector<16xf32>,
        %get3A_456 = arith.index_cast %add3A_453 : i32 to index
        %get3A_457 = tpu.vector_load %arg6[%get3A_456] {strides = array<i32>} : memref<32768xf32, #tpu.memory_space<vmem>>, vector<16xf32>,
        %add3A_458 = arith.constant 4096 : i32
        %add3A_459 = arith.addi %add3A_458, %add3A_453 : i32
        %get3A_460 = arith.index_cast %add3A_459 : i32 to index
        %get3A_461 = tpu.vector_load %arg5[%get3A_460] {strides = array<i32>} : memref<32768xf32, #tpu.memory_space<vmem>>, vector<16xf32>,
        %max3A_462 = arith.maximumf %get3A_455, %get3A_461 : vector<16xf32>
        %add3A_463 = arith.constant 4096 : i32
        %add3A_464 = arith.addi %add3A_463, %add3A_453 : i32
        %get3A_465 = arith.index_cast %add3A_464 : i32 to index
        %get3A_466 = tpu.vector_load %arg6[%get3A_465] {strides = array<i32>} : memref<32768xf32, #tpu.memory_space<vmem>>, vector<16xf32>,
        %max3A_467 = arith.maximumf %get3A_457, %get3A_466 : vector<16xf32>
        %add3A_468 = arith.constant 8192 : i32
        %add3A_469 = arith.addi %add3A_468, %add3A_453 : i32
        %get3A_470 = arith.index_cast %add3A_469 : i32 to index
        %get3A_471 = tpu.vector_load %arg5[%get3A_470] {strides = array<i32>} : memref<32768xf32, #tpu.memory_space<vmem>>, vector<16xf32>,
        %max3A_472 = arith.maximumf %max3A_462, %get3A_471 : vector<16xf32>
        %add3A_473 = arith.constant 8192 : i32
        %add3A_474 = arith.addi %add3A_473, %add3A_453 : i32
        %get3A_475 = arith.index_cast %add3A_474 : i32 to index
        %get3A_476 = tpu.vector_load %arg6[%get3A_475] {strides = array<i32>} : memref<32768xf32, #tpu.memory_space<vmem>>, vector<16xf32>,
        %max3A_477 = arith.maximumf %max3A_467, %get3A_476 : vector<16xf32>
        %add3A_478 = arith.constant 12288 : i32
        %add3A_479 = arith.addi %add3A_478, %add3A_453 : i32
        %get3A_480 = arith.index_cast %add3A_479 : i32 to index
        %get3A_481 = tpu.vector_load %arg5[%get3A_480] {strides = array<i32>} : memref<32768xf32, #tpu.memory_space<vmem>>, vector<16xf32>,
        %max3A_482 = arith.maximumf %max3A_472, %get3A_481 : vector<16xf32>
        %add3A_483 = arith.constant 12288 : i32
        %add3A_484 = arith.addi %add3A_483, %add3A_453 : i32
        %get3A_485 = arith.index_cast %add3A_484 : i32 to index
        %get3A_486 = tpu.vector_load %arg6[%get3A_485] {strides = array<i32>} : memref<32768xf32, #tpu.memory_space<vmem>>, vector<16xf32>,
        %max3A_487 = arith.maximumf %max3A_477, %get3A_486 : vector<16xf32>
        %add3A_488 = arith.constant 16384 : i32
        %add3A_489 = arith.addi %add3A_488, %add3A_453 : i32
        %get3A_490 = arith.index_cast %add3A_489 : i32 to index
        %get3A_491 = tpu.vector_load %arg5[%get3A_490] {strides = array<i32>} : memref<32768xf32, #tpu.memory_space<vmem>>, vector<16xf32>,
        %max3A_492 = arith.maximumf %max3A_482, %get3A_491 : vector<16xf32>
        %add3A_493 = arith.constant 16384 : i32
        %add3A_494 = arith.addi %add3A_493, %add3A_453 : i32
        %get3A_495 = arith.index_cast %add3A_494 : i32 to index
        %get3A_496 = tpu.vector_load %arg6[%get3A_495] {strides = array<i32>} : memref<32768xf32, #tpu.memory_space<vmem>>, vector<16xf32>,
        %max3A_497 = arith.maximumf %max3A_487, %get3A_496 : vector<16xf32>
        %add3A_498 = arith.constant 20480 : i32
        %add3A_499 = arith.addi %add3A_498, %add3A_453 : i32
        %get3A_500 = arith.index_cast %add3A_499 : i32 to index
        %get3A_501 = tpu.vector_load %arg5[%get3A_500] {strides = array<i32>} : memref<32768xf32, #tpu.memory_space<vmem>>, vector<16xf32>,
        %max3A_502 = arith.maximumf %max3A_492, %get3A_501 : vector<16xf32>
        %add3A_503 = arith.constant 20480 : i32
        %add3A_504 = arith.addi %add3A_503, %add3A_453 : i32
        %get3A_505 = arith.index_cast %add3A_504 : i32 to index
        %get3A_506 = tpu.vector_load %arg6[%get3A_505] {strides = array<i32>} : memref<32768xf32, #tpu.memory_space<vmem>>, vector<16xf32>,
        %max3A_507 = arith.maximumf %max3A_497, %get3A_506 : vector<16xf32>
        %add3A_508 = arith.constant 24576 : i32
        %add3A_509 = arith.addi %add3A_508, %add3A_453 : i32
        %get3A_510 = arith.index_cast %add3A_509 : i32 to index
        %get3A_511 = tpu.vector_load %arg5[%get3A_510] {strides = array<i32>} : memref<32768xf32, #tpu.memory_space<vmem>>, vector<16xf32>,
        %max3A_512 = arith.maximumf %max3A_502, %get3A_511 : vector<16xf32>
        %add3A_513 = arith.constant 24576 : i32
        %add3A_514 = arith.addi %add3A_513, %add3A_453 : i32
        %get3A_515 = arith.index_cast %add3A_514 : i32 to index
        %get3A_516 = tpu.vector_load %arg6[%get3A_515] {strides = array<i32>} : memref<32768xf32, #tpu.memory_space<vmem>>, vector<16xf32>,
        %max3A_517 = arith.maximumf %max3A_507, %get3A_516 : vector<16xf32>
        %add3A_518 = arith.constant 28672 : i32
        %add3A_519 = arith.addi %add3A_518, %add3A_453 : i32
        %get3A_520 = arith.index_cast %add3A_519 : i32 to index
        %get3A_521 = tpu.vector_load %arg5[%get3A_520] {strides = array<i32>} : memref<32768xf32, #tpu.memory_space<vmem>>, vector<16xf32>,
        %max3A_522 = arith.maximumf %max3A_512, %get3A_521 : vector<16xf32>
        %add3A_523 = arith.constant 28672 : i32
        %add3A_524 = arith.addi %add3A_523, %add3A_453 : i32
        %get3A_525 = arith.index_cast %add3A_524 : i32 to index
        %get3A_526 = tpu.vector_load %arg6[%get3A_525] {strides = array<i32>} : memref<32768xf32, #tpu.memory_space<vmem>>, vector<16xf32>,
        %max3A_527 = arith.maximumf %max3A_517, %get3A_526 : vector<16xf32>
        %swap3A_528 = arith.index_cast %scan3A_115 : i32 to index
        %swap3A_529 = arith.constant 64 : index
        %swap3A_530 = tpu.vector_load %arg9[%swap3A_528, %swap3A_529] {strides = array<i32>} : memref<32x128xf32, #tpu.memory_space<vmem>>, vector<16xf32>,
        tpu.vector_store %arg9[%swap3A_528, %swap3A_529], %max3A_522 {strides = array<i32>} : memref<32x128xf32, #tpu.memory_space<vmem>>, vector<16xf32>,
        %swap3A_531 = arith.index_cast %scan3A_115 : i32 to index
        %swap3A_532 = arith.constant 64 : index
        %swap3A_533 = tpu.vector_load %arg10[%swap3A_531, %swap3A_532] {strides = array<i32>} : memref<32x128xf32, #tpu.memory_space<vmem>>, vector<16xf32>,
        tpu.vector_store %arg10[%swap3A_531, %swap3A_532], %max3A_527 {strides = array<i32>} : memref<32x128xf32, #tpu.memory_space<vmem>>, vector<16xf32>,
        %mul3A_534 = arith.constant 128 : i32
        %mul3A_535 = arith.muli %scan3A_115, %mul3A_534 : i32
        %add3A_536 = arith.constant 80 : i32
        %add3A_537 = arith.addi %mul3A_535, %add3A_536 : i32
        %get3A_538 = arith.index_cast %add3A_537 : i32 to index
        %get3A_539 = tpu.vector_load %arg5[%get3A_538] {strides = array<i32>} : memref<32768xf32, #tpu.memory_space<vmem>>, vector<16xf32>,
        %get3A_540 = arith.index_cast %add3A_537 : i32 to index
        %get3A_541 = tpu.vector_load %arg6[%get3A_540] {strides = array<i32>} : memref<32768xf32, #tpu.memory_space<vmem>>, vector<16xf32>,
        %add3A_542 = arith.constant 4096 : i32
        %add3A_543 = arith.addi %add3A_542, %add3A_537 : i32
        %get3A_544 = arith.index_cast %add3A_543 : i32 to index
        %get3A_545 = tpu.vector_load %arg5[%get3A_544] {strides = array<i32>} : memref<32768xf32, #tpu.memory_space<vmem>>, vector<16xf32>,
        %max3A_546 = arith.maximumf %get3A_539, %get3A_545 : vector<16xf32>
        %add3A_547 = arith.constant 4096 : i32
        %add3A_548 = arith.addi %add3A_547, %add3A_537 : i32
        %get3A_549 = arith.index_cast %add3A_548 : i32 to index
        %get3A_550 = tpu.vector_load %arg6[%get3A_549] {strides = array<i32>} : memref<32768xf32, #tpu.memory_space<vmem>>, vector<16xf32>,
        %max3A_551 = arith.maximumf %get3A_541, %get3A_550 : vector<16xf32>
        %add3A_552 = arith.constant 8192 : i32
        %add3A_553 = arith.addi %add3A_552, %add3A_537 : i32
        %get3A_554 = arith.index_cast %add3A_553 : i32 to index
        %get3A_555 = tpu.vector_load %arg5[%get3A_554] {strides = array<i32>} : memref<32768xf32, #tpu.memory_space<vmem>>, vector<16xf32>,
        %max3A_556 = arith.maximumf %max3A_546, %get3A_555 : vector<16xf32>
        %add3A_557 = arith.constant 8192 : i32
        %add3A_558 = arith.addi %add3A_557, %add3A_537 : i32
        %get3A_559 = arith.index_cast %add3A_558 : i32 to index
        %get3A_560 = tpu.vector_load %arg6[%get3A_559] {strides = array<i32>} : memref<32768xf32, #tpu.memory_space<vmem>>, vector<16xf32>,
        %max3A_561 = arith.maximumf %max3A_551, %get3A_560 : vector<16xf32>
        %add3A_562 = arith.constant 12288 : i32
        %add3A_563 = arith.addi %add3A_562, %add3A_537 : i32
        %get3A_564 = arith.index_cast %add3A_563 : i32 to index
        %get3A_565 = tpu.vector_load %arg5[%get3A_564] {strides = array<i32>} : memref<32768xf32, #tpu.memory_space<vmem>>, vector<16xf32>,
        %max3A_566 = arith.maximumf %max3A_556, %get3A_565 : vector<16xf32>
        %add3A_567 = arith.constant 12288 : i32
        %add3A_568 = arith.addi %add3A_567, %add3A_537 : i32
        %get3A_569 = arith.index_cast %add3A_568 : i32 to index
        %get3A_570 = tpu.vector_load %arg6[%get3A_569] {strides = array<i32>} : memref<32768xf32, #tpu.memory_space<vmem>>, vector<16xf32>,
        %max3A_571 = arith.maximumf %max3A_561, %get3A_570 : vector<16xf32>
        %add3A_572 = arith.constant 16384 : i32
        %add3A_573 = arith.addi %add3A_572, %add3A_537 : i32
        %get3A_574 = arith.index_cast %add3A_573 : i32 to index
        %get3A_575 = tpu.vector_load %arg5[%get3A_574] {strides = array<i32>} : memref<32768xf32, #tpu.memory_space<vmem>>, vector<16xf32>,
        %max3A_576 = arith.maximumf %max3A_566, %get3A_575 : vector<16xf32>
        %add3A_577 = arith.constant 16384 : i32
        %add3A_578 = arith.addi %add3A_577, %add3A_537 : i32
        %get3A_579 = arith.index_cast %add3A_578 : i32 to index
        %get3A_580 = tpu.vector_load %arg6[%get3A_579] {strides = array<i32>} : memref<32768xf32, #tpu.memory_space<vmem>>, vector<16xf32>,
        %max3A_581 = arith.maximumf %max3A_571, %get3A_580 : vector<16xf32>
        %add3A_582 = arith.constant 20480 : i32
        %add3A_583 = arith.addi %add3A_582, %add3A_537 : i32
        %get3A_584 = arith.index_cast %add3A_583 : i32 to index
        %get3A_585 = tpu.vector_load %arg5[%get3A_584] {strides = array<i32>} : memref<32768xf32, #tpu.memory_space<vmem>>, vector<16xf32>,
        %max3A_586 = arith.maximumf %max3A_576, %get3A_585 : vector<16xf32>
        %add3A_587 = arith.constant 20480 : i32
        %add3A_588 = arith.addi %add3A_587, %add3A_537 : i32
        %get3A_589 = arith.index_cast %add3A_588 : i32 to index
        %get3A_590 = tpu.vector_load %arg6[%get3A_589] {strides = array<i32>} : memref<32768xf32, #tpu.memory_space<vmem>>, vector<16xf32>,
        %max3A_591 = arith.maximumf %max3A_581, %get3A_590 : vector<16xf32>
        %add3A_592 = arith.constant 24576 : i32
        %add3A_593 = arith.addi %add3A_592, %add3A_537 : i32
        %get3A_594 = arith.index_cast %add3A_593 : i32 to index
        %get3A_595 = tpu.vector_load %arg5[%get3A_594] {strides = array<i32>} : memref<32768xf32, #tpu.memory_space<vmem>>, vector<16xf32>,
        %max3A_596 = arith.maximumf %max3A_586, %get3A_595 : vector<16xf32>
        %add3A_597 = arith.constant 24576 : i32
        %add3A_598 = arith.addi %add3A_597, %add3A_537 : i32
        %get3A_599 = arith.index_cast %add3A_598 : i32 to index
        %get3A_600 = tpu.vector_load %arg6[%get3A_599] {strides = array<i32>} : memref<32768xf32, #tpu.memory_space<vmem>>, vector<16xf32>,
        %max3A_601 = arith.maximumf %max3A_591, %get3A_600 : vector<16xf32>
        %add3A_602 = arith.constant 28672 : i32
        %add3A_603 = arith.addi %add3A_602, %add3A_537 : i32
        %get3A_604 = arith.index_cast %add3A_603 : i32 to index
        %get3A_605 = tpu.vector_load %arg5[%get3A_604] {strides = array<i32>} : memref<32768xf32, #tpu.memory_space<vmem>>, vector<16xf32>,
        %max3A_606 = arith.maximumf %max3A_596, %get3A_605 : vector<16xf32>
        %add3A_607 = arith.constant 28672 : i32
        %add3A_608 = arith.addi %add3A_607, %add3A_537 : i32
        %get3A_609 = arith.index_cast %add3A_608 : i32 to index
        %get3A_610 = tpu.vector_load %arg6[%get3A_609] {strides = array<i32>} : memref<32768xf32, #tpu.memory_space<vmem>>, vector<16xf32>,
        %max3A_611 = arith.maximumf %max3A_601, %get3A_610 : vector<16xf32>
        %swap3A_612 = arith.index_cast %scan3A_115 : i32 to index
        %swap3A_613 = arith.constant 80 : index
        %swap3A_614 = tpu.vector_load %arg9[%swap3A_612, %swap3A_613] {strides = array<i32>} : memref<32x128xf32, #tpu.memory_space<vmem>>, vector<16xf32>,
        tpu.vector_store %arg9[%swap3A_612, %swap3A_613], %max3A_606 {strides = array<i32>} : memref<32x128xf32, #tpu.memory_space<vmem>>, vector<16xf32>,
        %swap3A_615 = arith.index_cast %scan3A_115 : i32 to index
        %swap3A_616 = arith.constant 80 : index
        %swap3A_617 = tpu.vector_load %arg10[%swap3A_615, %swap3A_616] {strides = array<i32>} : memref<32x128xf32, #tpu.memory_space<vmem>>, vector<16xf32>,
        tpu.vector_store %arg10[%swap3A_615, %swap3A_616], %max3A_611 {strides = array<i32>} : memref<32x128xf32, #tpu.memory_space<vmem>>, vector<16xf32>,
        %mul3A_618 = arith.constant 128 : i32
        %mul3A_619 = arith.muli %scan3A_115, %mul3A_618 : i32
        %add3A_620 = arith.constant 96 : i32
        %add3A_621 = arith.addi %mul3A_619, %add3A_620 : i32
        %get3A_622 = arith.index_cast %add3A_621 : i32 to index
        %get3A_623 = tpu.vector_load %arg5[%get3A_622] {strides = array<i32>} : memref<32768xf32, #tpu.memory_space<vmem>>, vector<16xf32>,
        %get3A_624 = arith.index_cast %add3A_621 : i32 to index
        %get3A_625 = tpu.vector_load %arg6[%get3A_624] {strides = array<i32>} : memref<32768xf32, #tpu.memory_space<vmem>>, vector<16xf32>,
        %add3A_626 = arith.constant 4096 : i32
        %add3A_627 = arith.addi %add3A_626, %add3A_621 : i32
        %get3A_628 = arith.index_cast %add3A_627 : i32 to index
        %get3A_629 = tpu.vector_load %arg5[%get3A_628] {strides = array<i32>} : memref<32768xf32, #tpu.memory_space<vmem>>, vector<16xf32>,
        %max3A_630 = arith.maximumf %get3A_623, %get3A_629 : vector<16xf32>
        %add3A_631 = arith.constant 4096 : i32
        %add3A_632 = arith.addi %add3A_631, %add3A_621 : i32
        %get3A_633 = arith.index_cast %add3A_632 : i32 to index
        %get3A_634 = tpu.vector_load %arg6[%get3A_633] {strides = array<i32>} : memref<32768xf32, #tpu.memory_space<vmem>>, vector<16xf32>,
        %max3A_635 = arith.maximumf %get3A_625, %get3A_634 : vector<16xf32>
        %add3A_636 = arith.constant 8192 : i32
        %add3A_637 = arith.addi %add3A_636, %add3A_621 : i32
        %get3A_638 = arith.index_cast %add3A_637 : i32 to index
        %get3A_639 = tpu.vector_load %arg5[%get3A_638] {strides = array<i32>} : memref<32768xf32, #tpu.memory_space<vmem>>, vector<16xf32>,
        %max3A_640 = arith.maximumf %max3A_630, %get3A_639 : vector<16xf32>
        %add3A_641 = arith.constant 8192 : i32
        %add3A_642 = arith.addi %add3A_641, %add3A_621 : i32
        %get3A_643 = arith.index_cast %add3A_642 : i32 to index
        %get3A_644 = tpu.vector_load %arg6[%get3A_643] {strides = array<i32>} : memref<32768xf32, #tpu.memory_space<vmem>>, vector<16xf32>,
        %max3A_645 = arith.maximumf %max3A_635, %get3A_644 : vector<16xf32>
        %add3A_646 = arith.constant 12288 : i32
        %add3A_647 = arith.addi %add3A_646, %add3A_621 : i32
        %get3A_648 = arith.index_cast %add3A_647 : i32 to index
        %get3A_649 = tpu.vector_load %arg5[%get3A_648] {strides = array<i32>} : memref<32768xf32, #tpu.memory_space<vmem>>, vector<16xf32>,
        %max3A_650 = arith.maximumf %max3A_640, %get3A_649 : vector<16xf32>
        %add3A_651 = arith.constant 12288 : i32
        %add3A_652 = arith.addi %add3A_651, %add3A_621 : i32
        %get3A_653 = arith.index_cast %add3A_652 : i32 to index
        %get3A_654 = tpu.vector_load %arg6[%get3A_653] {strides = array<i32>} : memref<32768xf32, #tpu.memory_space<vmem>>, vector<16xf32>,
        %max3A_655 = arith.maximumf %max3A_645, %get3A_654 : vector<16xf32>
        %add3A_656 = arith.constant 16384 : i32
        %add3A_657 = arith.addi %add3A_656, %add3A_621 : i32
        %get3A_658 = arith.index_cast %add3A_657 : i32 to index
        %get3A_659 = tpu.vector_load %arg5[%get3A_658] {strides = array<i32>} : memref<32768xf32, #tpu.memory_space<vmem>>, vector<16xf32>,
        %max3A_660 = arith.maximumf %max3A_650, %get3A_659 : vector<16xf32>
        %add3A_661 = arith.constant 16384 : i32
        %add3A_662 = arith.addi %add3A_661, %add3A_621 : i32
        %get3A_663 = arith.index_cast %add3A_662 : i32 to index
        %get3A_664 = tpu.vector_load %arg6[%get3A_663] {strides = array<i32>} : memref<32768xf32, #tpu.memory_space<vmem>>, vector<16xf32>,
        %max3A_665 = arith.maximumf %max3A_655, %get3A_664 : vector<16xf32>
        %add3A_666 = arith.constant 20480 : i32
        %add3A_667 = arith.addi %add3A_666, %add3A_621 : i32
        %get3A_668 = arith.index_cast %add3A_667 : i32 to index
        %get3A_669 = tpu.vector_load %arg5[%get3A_668] {strides = array<i32>} : memref<32768xf32, #tpu.memory_space<vmem>>, vector<16xf32>,
        %max3A_670 = arith.maximumf %max3A_660, %get3A_669 : vector<16xf32>
        %add3A_671 = arith.constant 20480 : i32
        %add3A_672 = arith.addi %add3A_671, %add3A_621 : i32
        %get3A_673 = arith.index_cast %add3A_672 : i32 to index
        %get3A_674 = tpu.vector_load %arg6[%get3A_673] {strides = array<i32>} : memref<32768xf32, #tpu.memory_space<vmem>>, vector<16xf32>,
        %max3A_675 = arith.maximumf %max3A_665, %get3A_674 : vector<16xf32>
        %add3A_676 = arith.constant 24576 : i32
        %add3A_677 = arith.addi %add3A_676, %add3A_621 : i32
        %get3A_678 = arith.index_cast %add3A_677 : i32 to index
        %get3A_679 = tpu.vector_load %arg5[%get3A_678] {strides = array<i32>} : memref<32768xf32, #tpu.memory_space<vmem>>, vector<16xf32>,
        %max3A_680 = arith.maximumf %max3A_670, %get3A_679 : vector<16xf32>
        %add3A_681 = arith.constant 24576 : i32
        %add3A_682 = arith.addi %add3A_681, %add3A_621 : i32
        %get3A_683 = arith.index_cast %add3A_682 : i32 to index
        %get3A_684 = tpu.vector_load %arg6[%get3A_683] {strides = array<i32>} : memref<32768xf32, #tpu.memory_space<vmem>>, vector<16xf32>,
        %max3A_685 = arith.maximumf %max3A_675, %get3A_684 : vector<16xf32>
        %add3A_686 = arith.constant 28672 : i32
        %add3A_687 = arith.addi %add3A_686, %add3A_621 : i32
        %get3A_688 = arith.index_cast %add3A_687 : i32 to index
        %get3A_689 = tpu.vector_load %arg5[%get3A_688] {strides = array<i32>} : memref<32768xf32, #tpu.memory_space<vmem>>, vector<16xf32>,
        %max3A_690 = arith.maximumf %max3A_680, %get3A_689 : vector<16xf32>
        %add3A_691 = arith.constant 28672 : i32
        %add3A_692 = arith.addi %add3A_691, %add3A_621 : i32
        %get3A_693 = arith.index_cast %add3A_692 : i32 to index
        %get3A_694 = tpu.vector_load %arg6[%get3A_693] {strides = array<i32>} : memref<32768xf32, #tpu.memory_space<vmem>>, vector<16xf32>,
        %max3A_695 = arith.maximumf %max3A_685, %get3A_694 : vector<16xf32>
        %swap3A_696 = arith.index_cast %scan3A_115 : i32 to index
        %swap3A_697 = arith.constant 96 : index
        %swap3A_698 = tpu.vector_load %arg9[%swap3A_696, %swap3A_697] {strides = array<i32>} : memref<32x128xf32, #tpu.memory_space<vmem>>, vector<16xf32>,
        tpu.vector_store %arg9[%swap3A_696, %swap3A_697], %max3A_690 {strides = array<i32>} : memref<32x128xf32, #tpu.memory_space<vmem>>, vector<16xf32>,
        %swap3A_699 = arith.index_cast %scan3A_115 : i32 to index
        %swap3A_700 = arith.constant 96 : index
        %swap3A_701 = tpu.vector_load %arg10[%swap3A_699, %swap3A_700] {strides = array<i32>} : memref<32x128xf32, #tpu.memory_space<vmem>>, vector<16xf32>,
        tpu.vector_store %arg10[%swap3A_699, %swap3A_700], %max3A_695 {strides = array<i32>} : memref<32x128xf32, #tpu.memory_space<vmem>>, vector<16xf32>,
        %mul3A_702 = arith.constant 128 : i32
        %mul3A_703 = arith.muli %scan3A_115, %mul3A_702 : i32
        %add3A_704 = arith.constant 112 : i32
        %add3A_705 = arith.addi %mul3A_703, %add3A_704 : i32
        %get3A_706 = arith.index_cast %add3A_705 : i32 to index
        %get3A_707 = tpu.vector_load %arg5[%get3A_706] {strides = array<i32>} : memref<32768xf32, #tpu.memory_space<vmem>>, vector<16xf32>,
        %get3A_708 = arith.index_cast %add3A_705 : i32 to index
        %get3A_709 = tpu.vector_load %arg6[%get3A_708] {strides = array<i32>} : memref<32768xf32, #tpu.memory_space<vmem>>, vector<16xf32>,
        %add3A_710 = arith.constant 4096 : i32
        %add3A_711 = arith.addi %add3A_710, %add3A_705 : i32
        %get3A_712 = arith.index_cast %add3A_711 : i32 to index
        %get3A_713 = tpu.vector_load %arg5[%get3A_712] {strides = array<i32>} : memref<32768xf32, #tpu.memory_space<vmem>>, vector<16xf32>,
        %max3A_714 = arith.maximumf %get3A_707, %get3A_713 : vector<16xf32>
        %add3A_715 = arith.constant 4096 : i32
        %add3A_716 = arith.addi %add3A_715, %add3A_705 : i32
        %get3A_717 = arith.index_cast %add3A_716 : i32 to index
        %get3A_718 = tpu.vector_load %arg6[%get3A_717] {strides = array<i32>} : memref<32768xf32, #tpu.memory_space<vmem>>, vector<16xf32>,
        %max3A_719 = arith.maximumf %get3A_709, %get3A_718 : vector<16xf32>
        %add3A_720 = arith.constant 8192 : i32
        %add3A_721 = arith.addi %add3A_720, %add3A_705 : i32
        %get3A_722 = arith.index_cast %add3A_721 : i32 to index
        %get3A_723 = tpu.vector_load %arg5[%get3A_722] {strides = array<i32>} : memref<32768xf32, #tpu.memory_space<vmem>>, vector<16xf32>,
        %max3A_724 = arith.maximumf %max3A_714, %get3A_723 : vector<16xf32>
        %add3A_725 = arith.constant 8192 : i32
        %add3A_726 = arith.addi %add3A_725, %add3A_705 : i32
        %get3A_727 = arith.index_cast %add3A_726 : i32 to index
        %get3A_728 = tpu.vector_load %arg6[%get3A_727] {strides = array<i32>} : memref<32768xf32, #tpu.memory_space<vmem>>, vector<16xf32>,
        %max3A_729 = arith.maximumf %max3A_719, %get3A_728 : vector<16xf32>
        %add3A_730 = arith.constant 12288 : i32
        %add3A_731 = arith.addi %add3A_730, %add3A_705 : i32
        %get3A_732 = arith.index_cast %add3A_731 : i32 to index
        %get3A_733 = tpu.vector_load %arg5[%get3A_732] {strides = array<i32>} : memref<32768xf32, #tpu.memory_space<vmem>>, vector<16xf32>,
        %max3A_734 = arith.maximumf %max3A_724, %get3A_733 : vector<16xf32>
        %add3A_735 = arith.constant 12288 : i32
        %add3A_736 = arith.addi %add3A_735, %add3A_705 : i32
        %get3A_737 = arith.index_cast %add3A_736 : i32 to index
        %get3A_738 = tpu.vector_load %arg6[%get3A_737] {strides = array<i32>} : memref<32768xf32, #tpu.memory_space<vmem>>, vector<16xf32>,
        %max3A_739 = arith.maximumf %max3A_729, %get3A_738 : vector<16xf32>
        %add3A_740 = arith.constant 16384 : i32
        %add3A_741 = arith.addi %add3A_740, %add3A_705 : i32
        %get3A_742 = arith.index_cast %add3A_741 : i32 to index
        %get3A_743 = tpu.vector_load %arg5[%get3A_742] {strides = array<i32>} : memref<32768xf32, #tpu.memory_space<vmem>>, vector<16xf32>,
        %max3A_744 = arith.maximumf %max3A_734, %get3A_743 : vector<16xf32>
        %add3A_745 = arith.constant 16384 : i32
        %add3A_746 = arith.addi %add3A_745, %add3A_705 : i32
        %get3A_747 = arith.index_cast %add3A_746 : i32 to index
        %get3A_748 = tpu.vector_load %arg6[%get3A_747] {strides = array<i32>} : memref<32768xf32, #tpu.memory_space<vmem>>, vector<16xf32>,
        %max3A_749 = arith.maximumf %max3A_739, %get3A_748 : vector<16xf32>
        %add3A_750 = arith.constant 20480 : i32
        %add3A_751 = arith.addi %add3A_750, %add3A_705 : i32
        %get3A_752 = arith.index_cast %add3A_751 : i32 to index
        %get3A_753 = tpu.vector_load %arg5[%get3A_752] {strides = array<i32>} : memref<32768xf32, #tpu.memory_space<vmem>>, vector<16xf32>,
        %max3A_754 = arith.maximumf %max3A_744, %get3A_753 : vector<16xf32>
        %add3A_755 = arith.constant 20480 : i32
        %add3A_756 = arith.addi %add3A_755, %add3A_705 : i32
        %get3A_757 = arith.index_cast %add3A_756 : i32 to index
        %get3A_758 = tpu.vector_load %arg6[%get3A_757] {strides = array<i32>} : memref<32768xf32, #tpu.memory_space<vmem>>, vector<16xf32>,
        %max3A_759 = arith.maximumf %max3A_749, %get3A_758 : vector<16xf32>
        %add3A_760 = arith.constant 24576 : i32
        %add3A_761 = arith.addi %add3A_760, %add3A_705 : i32
        %get3A_762 = arith.index_cast %add3A_761 : i32 to index
        %get3A_763 = tpu.vector_load %arg5[%get3A_762] {strides = array<i32>} : memref<32768xf32, #tpu.memory_space<vmem>>, vector<16xf32>,
        %max3A_764 = arith.maximumf %max3A_754, %get3A_763 : vector<16xf32>
        %add3A_765 = arith.constant 24576 : i32
        %add3A_766 = arith.addi %add3A_765, %add3A_705 : i32
        %get3A_767 = arith.index_cast %add3A_766 : i32 to index
        %get3A_768 = tpu.vector_load %arg6[%get3A_767] {strides = array<i32>} : memref<32768xf32, #tpu.memory_space<vmem>>, vector<16xf32>,
        %max3A_769 = arith.maximumf %max3A_759, %get3A_768 : vector<16xf32>
        %add3A_770 = arith.constant 28672 : i32
        %add3A_771 = arith.addi %add3A_770, %add3A_705 : i32
        %get3A_772 = arith.index_cast %add3A_771 : i32 to index
        %get3A_773 = tpu.vector_load %arg5[%get3A_772] {strides = array<i32>} : memref<32768xf32, #tpu.memory_space<vmem>>, vector<16xf32>,
        %max3A_774 = arith.maximumf %max3A_764, %get3A_773 : vector<16xf32>
        %add3A_775 = arith.constant 28672 : i32
        %add3A_776 = arith.addi %add3A_775, %add3A_705 : i32
        %get3A_777 = arith.index_cast %add3A_776 : i32 to index
        %get3A_778 = tpu.vector_load %arg6[%get3A_777] {strides = array<i32>} : memref<32768xf32, #tpu.memory_space<vmem>>, vector<16xf32>,
        %max3A_779 = arith.maximumf %max3A_769, %get3A_778 : vector<16xf32>
        %swap3A_780 = arith.index_cast %scan3A_115 : i32 to index
        %swap3A_781 = arith.constant 112 : index
        %swap3A_782 = tpu.vector_load %arg9[%swap3A_780, %swap3A_781] {strides = array<i32>} : memref<32x128xf32, #tpu.memory_space<vmem>>, vector<16xf32>,
        tpu.vector_store %arg9[%swap3A_780, %swap3A_781], %max3A_774 {strides = array<i32>} : memref<32x128xf32, #tpu.memory_space<vmem>>, vector<16xf32>,
        %swap3A_783 = arith.index_cast %scan3A_115 : i32 to index
        %swap3A_784 = arith.constant 112 : index
        %swap3A_785 = tpu.vector_load %arg10[%swap3A_783, %swap3A_784] {strides = array<i32>} : memref<32x128xf32, #tpu.memory_space<vmem>>, vector<16xf32>,
        tpu.vector_store %arg10[%swap3A_783, %swap3A_784], %max3A_779 {strides = array<i32>} : memref<32x128xf32, #tpu.memory_space<vmem>>, vector<16xf32>,
        %scan3A_786 = arith.constant 0 : i32
        scf.yield %scan3A_786 : i32
      }
      %scan3A_111 = arith.constant 32 : i32
      "tpu.region"() ({
        %run_scoped3A = tpu.sem_alloc : memref<!tpu.dma_semaphore, #tpu.memory_space<semaphore_mem>>
        %dma_start3A_115 = arith.constant 0 : i32
        %dma_start3A_116 = arith.constant 0 : i32
        %dma_start3A_117 = tpu.memref_slice %arg4[%scan3A_89, %select_n3A, %dma_start3A_115, %mul3A_32, %dma_start3A_116] : memref<16x8x32x8x128xf32, #tpu.memory_space<hbm>> -> memref<1x1x32x1x128xf32, #tpu.memory_space<hbm>>
        %dma_start3A_118 = tpu.memref_squeeze %dma_start3A_117 : memref<1x1x32x1x128xf32, #tpu.memory_space<hbm>> -> memref<32x128xf32, #tpu.memory_space<hbm>>
        %dma_start3A_119 = arith.constant 0 : i32
        %dma_start3A_120 = arith.constant 0 : i32
        %dma_start3A_121 = tpu.memref_slice %arg4[%scan3A_89, %select_n3A, %dma_start3A_119, %mul3A_32, %dma_start3A_120] : memref<16x8x32x8x128xf32, #tpu.memory_space<hbm>> -> memref<1x1x32x1x128xf32, #tpu.memory_space<hbm>>
        %dma_start3A_122 = tpu.memref_squeeze %dma_start3A_121 : memref<1x1x32x1x128xf32, #tpu.memory_space<hbm>> -> memref<32x128xf32, #tpu.memory_space<hbm>>
        tpu.enqueue_dma source(%arg9 : memref<32x128xf32, #tpu.memory_space<vmem>>) target(%dma_start3A_122 : memref<32x128xf32, #tpu.memory_space<hbm>>) target_semaphore(%run_scoped3A : memref<!tpu.dma_semaphore, #tpu.memory_space<semaphore_mem>>)
        %dma_wait3A = arith.constant 0 : i32
        %dma_wait3A_123 = arith.constant 0 : i32
        %dma_wait3A_124 = tpu.memref_slice %arg4[%scan3A_89, %select_n3A, %dma_wait3A, %mul3A_32, %dma_wait3A_123] : memref<16x8x32x8x128xf32, #tpu.memory_space<hbm>> -> memref<1x1x32x1x128xf32, #tpu.memory_space<hbm>>
        %dma_wait3A_125 = tpu.memref_squeeze %dma_wait3A_124 : memref<1x1x32x1x128xf32, #tpu.memory_space<hbm>> -> memref<32x128xf32, #tpu.memory_space<hbm>>
        %dma_wait3A_126 = arith.constant 0 : i32
        %dma_wait3A_127 = arith.constant 0 : i32
        %dma_wait3A_128 = tpu.memref_slice %arg4[%scan3A_89, %select_n3A, %dma_wait3A_126, %mul3A_32, %dma_wait3A_127] : memref<16x8x32x8x128xf32, #tpu.memory_space<hbm>> -> memref<1x1x32x1x128xf32, #tpu.memory_space<hbm>>
        %dma_wait3A_129 = tpu.memref_squeeze %dma_wait3A_128 : memref<1x1x32x1x128xf32, #tpu.memory_space<hbm>> -> memref<32x128xf32, #tpu.memory_space<hbm>>
        tpu.wait_dma2 semaphore(%run_scoped3A : memref<!tpu.dma_semaphore, #tpu.memory_space<semaphore_mem>>) src(%arg9 : memref<32x128xf32, #tpu.memory_space<vmem>>) dst(%dma_wait3A_129 : memref<32x128xf32, #tpu.memory_space<hbm>>)
        tpu.yield
      }) : () -> ()
      %add3A_112 = arith.constant 1 : i32
      %add3A_113 = arith.addi %mul3A_32, %add3A_112 : i32
      "tpu.region"() ({
        %run_scoped3A = tpu.sem_alloc : memref<!tpu.dma_semaphore, #tpu.memory_space<semaphore_mem>>
        %dma_start3A_115 = arith.constant 0 : i32
        %dma_start3A_116 = arith.constant 0 : i32
        %dma_start3A_117 = tpu.memref_slice %arg4[%scan3A_89, %select_n3A, %dma_start3A_115, %add3A_113, %dma_start3A_116] : memref<16x8x32x8x128xf32, #tpu.memory_space<hbm>> -> memref<1x1x32x1x128xf32, #tpu.memory_space<hbm>>
        %dma_start3A_118 = tpu.memref_squeeze %dma_start3A_117 : memref<1x1x32x1x128xf32, #tpu.memory_space<hbm>> -> memref<32x128xf32, #tpu.memory_space<hbm>>
        %dma_start3A_119 = arith.constant 0 : i32
        %dma_start3A_120 = arith.constant 0 : i32
        %dma_start3A_121 = tpu.memref_slice %arg4[%scan3A_89, %select_n3A, %dma_start3A_119, %add3A_113, %dma_start3A_120] : memref<16x8x32x8x128xf32, #tpu.memory_space<hbm>> -> memref<1x1x32x1x128xf32, #tpu.memory_space<hbm>>
        %dma_start3A_122 = tpu.memref_squeeze %dma_start3A_121 : memref<1x1x32x1x128xf32, #tpu.memory_space<hbm>> -> memref<32x128xf32, #tpu.memory_space<hbm>>
        tpu.enqueue_dma source(%arg10 : memref<32x128xf32, #tpu.memory_space<vmem>>) target(%dma_start3A_122 : memref<32x128xf32, #tpu.memory_space<hbm>>) target_semaphore(%run_scoped3A : memref<!tpu.dma_semaphore, #tpu.memory_space<semaphore_mem>>)
        %dma_wait3A = arith.constant 0 : i32
        %dma_wait3A_123 = arith.constant 0 : i32
        %dma_wait3A_124 = tpu.memref_slice %arg4[%scan3A_89, %select_n3A, %dma_wait3A, %add3A_113, %dma_wait3A_123] : memref<16x8x32x8x128xf32, #tpu.memory_space<hbm>> -> memref<1x1x32x1x128xf32, #tpu.memory_space<hbm>>
        %dma_wait3A_125 = tpu.memref_squeeze %dma_wait3A_124 : memref<1x1x32x1x128xf32, #tpu.memory_space<hbm>> -> memref<32x128xf32, #tpu.memory_space<hbm>>
        %dma_wait3A_126 = arith.constant 0 : i32
        %dma_wait3A_127 = arith.constant 0 : i32
        %dma_wait3A_128 = tpu.memref_slice %arg4[%scan3A_89, %select_n3A, %dma_wait3A_126, %add3A_113, %dma_wait3A_127] : memref<16x8x32x8x128xf32, #tpu.memory_space<hbm>> -> memref<1x1x32x1x128xf32, #tpu.memory_space<hbm>>
        %dma_wait3A_129 = tpu.memref_squeeze %dma_wait3A_128 : memref<1x1x32x1x128xf32, #tpu.memory_space<hbm>> -> memref<32x128xf32, #tpu.memory_space<hbm>>
        tpu.wait_dma2 semaphore(%run_scoped3A : memref<!tpu.dma_semaphore, #tpu.memory_space<semaphore_mem>>) src(%arg10 : memref<32x128xf32, #tpu.memory_space<vmem>>) dst(%dma_wait3A_129 : memref<32x128xf32, #tpu.memory_space<hbm>>)
        tpu.yield
      }) : () -> ()
      %scan3A_114 = arith.constant 0 : i32
      scf.yield %scan3A_114 : i32
    }
    %scan3A_88 = arith.constant 16 : i32
    return
  }
}

module attributes {stable_mosaic.version = 14 : i64} {
  func.func @_conv_body(%arg0: i32, %arg1: memref<1x8x32x8x128xf32, #tpu.memory_space<vmem>>, %arg2: memref<1x8x32x8x128xf32, #tpu.memory_space<vmem>>, %arg3: memref<32x64xf32, #tpu.memory_space<vmem>>, %arg4: memref<1x32xf32, #tpu.memory_space<vmem>>, %arg5: memref<1x32x4096xf32, #tpu.memory_space<vmem>>) attributes {dimension_semantics = [#tpu.dimension_semantics<arbitrary>], iteration_bounds = array<i64: 16>, scalar_prefetch = 0 : i64, scratch_operands = 0 : i64, tpu.core_type = #tpu.core_type<tc>, window_params = [{transform_indices = @transform_0, window_bounds = array<i64: 1, 8, 32, 8, 128>}, {transform_indices = @transform_1, window_bounds = array<i64: 1, 8, 32, 8, 128>}, {pipeline_mode = #tpu.pipeline_mode<synchronous>, transform_indices = @transform_2, window_bounds = array<i64: 32, 64>}, {pipeline_mode = #tpu.pipeline_mode<synchronous>, transform_indices = @transform_3, window_bounds = array<i64: 1, 32>}, {transform_indices = @transform_4, window_bounds = array<i64: 1, 32, 4096>}]} {
    %get3A = arith.constant 0 : index
    %get3A_0 = arith.constant 0 : index
    %get3A_1 = arith.constant 0 : index
    %get3A_2 = arith.constant 0 : index
    %get3A_3 = arith.constant 0 : index
    %get3A_4 = vector.load %arg1[%get3A, %get3A_0, %get3A_1, %get3A_2, %get3A_3] : memref<1x8x32x8x128xf32, #tpu.memory_space<vmem>>, vector<1x8x32x8x128xf32>
    %get3A_5 = arith.constant 0 : index
    %get3A_6 = arith.constant 0 : index
    %get3A_7 = arith.constant 0 : index
    %get3A_8 = arith.constant 0 : index
    %get3A_9 = arith.constant 0 : index
    %get3A_10 = vector.load %arg2[%get3A_5, %get3A_6, %get3A_7, %get3A_8, %get3A_9] : memref<1x8x32x8x128xf32, #tpu.memory_space<vmem>>, vector<1x8x32x8x128xf32>
    %max3A = arith.maximumf %get3A_4, %get3A_10 : vector<1x8x32x8x128xf32>
    %reshape3A = vector.shape_cast %max3A : vector<1x8x32x8x128xf32> to vector<8x32x8x128xf32>
    %transpose3A = tpu.transpose %reshape3A, [0, 2, 1, 3] : vector<8x32x8x128xf32> -> vector<8x8x32x128xf32>
    %reshape3A_11 = vector.shape_cast %transpose3A : vector<8x8x32x128xf32> to vector<64x4096xf32>
    %eq3A = arith.constant 0xFF800000 : f32
    %eq3A_12 = vector.broadcast %eq3A : f32 to vector<64x4096xf32>
    %eq3A_13 = arith.cmpf oeq, %reshape3A_11, %eq3A_12 : vector<64x4096xf32>
    %jit3A = arith.constant 0.000000e+00 : f32
    %broadcast_in_dim3A = vector.broadcast %jit3A : f32 to vector<64x4096xf32>
    %select_n3A = arith.select %eq3A_13, %broadcast_in_dim3A, %reshape3A_11 : vector<64x4096xi1>, vector<64x4096xf32>
    %get3A_14 = arith.constant 0 : index
    %get3A_15 = arith.constant 0 : index
    %get3A_16 = vector.load %arg3[%get3A_14, %get3A_15] : memref<32x64xf32, #tpu.memory_space<vmem>>, vector<32x64xf32>
    %dot_general3A = arith.constant dense<0.000000e+00> : vector<32x4096xf32>
    %dot_general3A_17 = tpu.matmul %get3A_16, %select_n3A, %dot_general3A {dimension_numbers = #tpu.dot_dimension_numbers<[1], [0], [0], [1], [0, 0, 1, 1], [], []>, precision = #tpu.contract_precision<fp32>, transpose_lhs_hint = false} : vector<32x64xf32>, vector<64x4096xf32>, vector<32x4096xf32> -> vector<32x4096xf32>
    %get3A_18 = arith.constant 0 : index
    %get3A_19 = arith.constant 0 : index
    %get3A_20 = vector.load %arg4[%get3A_18, %get3A_19] : memref<1x32xf32, #tpu.memory_space<vmem>>, vector<1x32xf32>
    %reshape3A_21 = vector.shape_cast %get3A_20 : vector<1x32xf32> to vector<32x1xf32>
    %add3A = vector.broadcast %reshape3A_21 : vector<32x1xf32> to vector<32x4096xf32>
    %add3A_22 = arith.addf %dot_general3A_17, %add3A : vector<32x4096xf32>
    %reshape3A_23 = vector.shape_cast %add3A_22 : vector<32x4096xf32> to vector<1x32x4096xf32>
    %swap3A = arith.constant 0 : index
    %swap3A_24 = arith.constant 0 : index
    %swap3A_25 = arith.constant 0 : index
    %swap3A_26 = vector.load %arg5[%swap3A, %swap3A_24, %swap3A_25] : memref<1x32x4096xf32, #tpu.memory_space<vmem>>, vector<1x32x4096xf32>
    tpu.vector_store %arg5[%swap3A, %swap3A_24, %swap3A_25], %reshape3A_23 {strides = array<i32>} : memref<1x32x4096xf32, #tpu.memory_space<vmem>>, vector<1x32x4096xf32>,
    return
  }
  func.func @transform_0(%arg0: i32) -> (i32, i32, i32, i32, i32) {
    %c0_i32 = arith.constant 0 : i32
    %c0_i32_0 = arith.constant 0 : i32
    %c0_i32_1 = arith.constant 0 : i32
    %c0_i32_2 = arith.constant 0 : i32
    %c0_i32_3 = arith.constant 0 : i32
    return %arg0, %c0_i32, %c0_i32_0, %c0_i32_1, %c0_i32_2 : i32, i32, i32, i32, i32
  }
  func.func @transform_1(%arg0: i32) -> (i32, i32, i32, i32, i32) {
    %c0_i32 = arith.constant 0 : i32
    %c0_i32_0 = arith.constant 0 : i32
    %c0_i32_1 = arith.constant 0 : i32
    %c0_i32_2 = arith.constant 0 : i32
    %c0_i32_3 = arith.constant 0 : i32
    return %arg0, %c0_i32, %c0_i32_0, %c0_i32_1, %c0_i32_2 : i32, i32, i32, i32, i32
  }
  func.func @transform_2(%arg0: i32) -> (i32, i32) {
    %c0_i32 = arith.constant 0 : i32
    %c0_i32_0 = arith.constant 0 : i32
    %c0_i32_1 = arith.constant 0 : i32
    return %c0_i32, %c0_i32_0 : i32, i32
  }
  func.func @transform_3(%arg0: i32) -> (i32, i32) {
    %c0_i32 = arith.constant 0 : i32
    %c0_i32_0 = arith.constant 0 : i32
    %c0_i32_1 = arith.constant 0 : i32
    return %c0_i32, %c0_i32_0 : i32, i32
  }
  func.func @transform_4(%arg0: i32) -> (i32, i32, i32) {
    %c0_i32 = arith.constant 0 : i32
    %c0_i32_0 = arith.constant 0 : i32
    %c0_i32_1 = arith.constant 0 : i32
    return %arg0, %c0_i32, %c0_i32_0 : i32, i32, i32
  }
}

module attributes {stable_mosaic.version = 14 : i64} {
  func.func @_mlp_body(%arg0: i32, %arg1: memref<3x16x128xf32, #tpu.memory_space<vmem>>, %arg2: memref<16x32x128xf32, #tpu.memory_space<vmem>>, %arg3: memref<32x32xf32, #tpu.memory_space<vmem>>, %arg4: memref<1x32xf32, #tpu.memory_space<vmem>>, %arg5: memref<64x32xf32, #tpu.memory_space<vmem>>, %arg6: memref<1x64xf32, #tpu.memory_space<vmem>>, %arg7: memref<64x32xf32, #tpu.memory_space<vmem>>, %arg8: memref<8x1x16x8x128xf32, #tpu.memory_space<vmem>>, %arg9: memref<1x16x128xi32, #tpu.memory_space<vmem>>, %arg10: memref<16x1x128xi32, #tpu.memory_space<vmem>>) attributes {dimension_semantics = [#tpu.dimension_semantics<arbitrary>], iteration_bounds = array<i64: 256>, scalar_prefetch = 0 : i64, scratch_operands = 0 : i64, tpu.core_type = #tpu.core_type<tc>, window_params = [{transform_indices = @transform_0, window_bounds = array<i64: 3, 16, 128>}, {transform_indices = @transform_1, window_bounds = array<i64: 16, 32, 128>}, {pipeline_mode = #tpu.pipeline_mode<synchronous>, transform_indices = @transform_2, window_bounds = array<i64: 32, 32>}, {pipeline_mode = #tpu.pipeline_mode<synchronous>, transform_indices = @transform_3, window_bounds = array<i64: 1, 32>}, {pipeline_mode = #tpu.pipeline_mode<synchronous>, transform_indices = @transform_4, window_bounds = array<i64: 64, 32>}, {pipeline_mode = #tpu.pipeline_mode<synchronous>, transform_indices = @transform_5, window_bounds = array<i64: 1, 64>}, {pipeline_mode = #tpu.pipeline_mode<synchronous>, transform_indices = @transform_6, window_bounds = array<i64: 64, 32>}, {transform_indices = @transform_7, window_bounds = array<i64: 8, 1, 16, 8, 128>}, {transform_indices = @transform_8, window_bounds = array<i64: 1, 16, 128>}, {transform_indices = @transform_9, window_bounds = array<i64: 16, 1, 128>}]} {
    %get3A = arith.constant 0 : index
    %get3A_0 = arith.constant 0 : index
    %get3A_1 = arith.constant 0 : index
    %get3A_2 = vector.load %arg2[%get3A, %get3A_0, %get3A_1] : memref<16x32x128xf32, #tpu.memory_space<vmem>>, vector<16x32x128xf32>
    %transpose3A = tpu.transpose %get3A_2, [1, 0, 2] : vector<16x32x128xf32> -> vector<32x16x128xf32>
    %reshape3A = vector.shape_cast %transpose3A : vector<32x16x128xf32> to vector<32x2048xf32>
    %max3A = arith.constant 0.000000e+00 : f32
    %max3A_3 = vector.broadcast %max3A : f32 to vector<32x2048xf32>
    %max3A_4 = arith.maximumf %reshape3A, %max3A_3 : vector<32x2048xf32>
    %get3A_5 = arith.constant 0 : index
    %get3A_6 = arith.constant 0 : index
    %get3A_7 = vector.load %arg3[%get3A_5, %get3A_6] : memref<32x32xf32, #tpu.memory_space<vmem>>, vector<32x32xf32>
    %dot_general3A = arith.constant dense<0.000000e+00> : vector<32x2048xf32>
    %dot_general3A_8 = tpu.matmul %get3A_7, %max3A_4, %dot_general3A {dimension_numbers = #tpu.dot_dimension_numbers<[1], [0], [0], [1], [0, 0, 1, 1], [], []>, precision = #tpu.contract_precision<fp32>, transpose_lhs_hint = false} : vector<32x32xf32>, vector<32x2048xf32>, vector<32x2048xf32> -> vector<32x2048xf32>
    %get3A_9 = arith.constant 0 : index
    %get3A_10 = arith.constant 0 : index
    %get3A_11 = vector.load %arg4[%get3A_9, %get3A_10] : memref<1x32xf32, #tpu.memory_space<vmem>>, vector<1x32xf32>
    %reshape3A_12 = vector.shape_cast %get3A_11 : vector<1x32xf32> to vector<32x1xf32>
    %add3A = vector.broadcast %reshape3A_12 : vector<32x1xf32> to vector<32x2048xf32>
    %add3A_13 = arith.addf %dot_general3A_8, %add3A : vector<32x2048xf32>
    %max3A_14 = arith.constant 0.000000e+00 : f32
    %max3A_15 = vector.broadcast %max3A_14 : f32 to vector<32x2048xf32>
    %max3A_16 = arith.maximumf %add3A_13, %max3A_15 : vector<32x2048xf32>
    %get3A_17 = arith.constant 0 : index
    %get3A_18 = arith.constant 0 : index
    %get3A_19 = vector.load %arg5[%get3A_17, %get3A_18] : memref<64x32xf32, #tpu.memory_space<vmem>>, vector<64x32xf32>
    %dot_general3A_20 = arith.constant dense<0.000000e+00> : vector<64x2048xf32>
    %dot_general3A_21 = tpu.matmul %get3A_19, %max3A_16, %dot_general3A_20 {dimension_numbers = #tpu.dot_dimension_numbers<[1], [0], [0], [1], [0, 0, 1, 1], [], []>, precision = #tpu.contract_precision<fp32>, transpose_lhs_hint = false} : vector<64x32xf32>, vector<32x2048xf32>, vector<64x2048xf32> -> vector<64x2048xf32>
    %get3A_22 = arith.constant 0 : index
    %get3A_23 = arith.constant 0 : index
    %get3A_24 = vector.load %arg6[%get3A_22, %get3A_23] : memref<1x64xf32, #tpu.memory_space<vmem>>, vector<1x64xf32>
    %reshape3A_25 = vector.shape_cast %get3A_24 : vector<1x64xf32> to vector<64x1xf32>
    %add3A_26 = vector.broadcast %reshape3A_25 : vector<64x1xf32> to vector<64x2048xf32>
    %add3A_27 = arith.addf %dot_general3A_21, %add3A_26 : vector<64x2048xf32>
    %get3A_28 = arith.constant 0 : index
    %get3A_29 = arith.constant 0 : index
    %get3A_30 = vector.load %arg7[%get3A_28, %get3A_29] : memref<64x32xf32, #tpu.memory_space<vmem>>, vector<64x32xf32>
    %dot_general3A_31 = arith.constant dense<0.000000e+00> : vector<64x2048xf32>
    %dot_general3A_32 = tpu.matmul %get3A_30, %reshape3A, %dot_general3A_31 {dimension_numbers = #tpu.dot_dimension_numbers<[1], [0], [0], [1], [0, 0, 1, 1], [], []>, precision = #tpu.contract_precision<fp32>, transpose_lhs_hint = false} : vector<64x32xf32>, vector<32x2048xf32>, vector<64x2048xf32> -> vector<64x2048xf32>
    %add3A_33 = arith.addf %dot_general3A_32, %add3A_27 : vector<64x2048xf32>
    %reshape3A_34 = vector.shape_cast %add3A_33 : vector<64x2048xf32> to vector<8x8x16x128xf32>
    %transpose3A_35 = tpu.transpose %reshape3A_34, [0, 2, 1, 3] : vector<8x8x16x128xf32> -> vector<8x16x8x128xf32>
    %reshape3A_36 = vector.shape_cast %transpose3A_35 : vector<8x16x8x128xf32> to vector<8x1x16x8x128xf32>
    %swap3A = arith.constant 0 : index
    %swap3A_37 = arith.constant 0 : index
    %swap3A_38 = arith.constant 0 : index
    %swap3A_39 = arith.constant 0 : index
    %swap3A_40 = arith.constant 0 : index
    %swap3A_41 = vector.load %arg8[%swap3A, %swap3A_37, %swap3A_38, %swap3A_39, %swap3A_40] : memref<8x1x16x8x128xf32, #tpu.memory_space<vmem>>, vector<8x1x16x8x128xf32>
    tpu.vector_store %arg8[%swap3A, %swap3A_37, %swap3A_38, %swap3A_39, %swap3A_40], %reshape3A_36 {strides = array<i32>} : memref<8x1x16x8x128xf32, #tpu.memory_space<vmem>>, vector<8x1x16x8x128xf32>,
    %get3A_42 = arith.constant 0 : index
    %get3A_43 = arith.constant 0 : index
    %get3A_44 = arith.constant 0 : index
    %get3A_45 = vector.load %arg1[%get3A_42, %get3A_43, %get3A_44] : memref<3x16x128xf32, #tpu.memory_space<vmem>>, vector<3x16x128xf32>
    %sub3A = arith.constant 5.000000e-01 : f32
    %sub3A_46 = vector.broadcast %sub3A : f32 to vector<3x16x128xf32>
    %sub3A_47 = arith.subf %get3A_45, %sub3A_46 : vector<3x16x128xf32>
    %div3A = arith.constant 1.020000e+00 : f32
    %div3A_48 = vector.broadcast %div3A : f32 to vector<3x16x128xf32>
    %div3A_49 = arith.divf %sub3A_47, %div3A_48 : vector<3x16x128xf32>
    %add3A_50 = arith.constant 5.000000e-01 : f32
    %add3A_51 = vector.broadcast %add3A_50 : f32 to vector<3x16x128xf32>
    %add3A_52 = arith.addf %div3A_49, %add3A_51 : vector<3x16x128xf32>
    %jit3A = arith.constant 0.000000e+00 : f32
    %jit3A_53 = arith.constant 0.999998986 : f32
    %max3A_54 = vector.broadcast %jit3A : f32 to vector<3x16x128xf32>
    %max3A_55 = arith.maximumf %max3A_54, %add3A_52 : vector<3x16x128xf32>
    %min3A = vector.broadcast %jit3A_53 : f32 to vector<3x16x128xf32>
    %min3A_56 = arith.minimumf %min3A, %max3A_55 : vector<3x16x128xf32>
    %mul3A = arith.constant 1.600000e+01 : f32
    %mul3A_57 = vector.broadcast %mul3A : f32 to vector<3x16x128xf32>
    %mul3A_58 = arith.mulf %min3A_56, %mul3A_57 : vector<3x16x128xf32>
    %floor3A = math.floor %mul3A_58 : vector<3x16x128xf32>
    %convert_element_type3A = arith.fptosi %floor3A : vector<3x16x128xf32> to vector<3x16x128xi32>
    %jit3A_59 = arith.constant 0 : i32
    %jit3A_60 = arith.constant 15 : i32
    %max3A_61 = vector.broadcast %jit3A_59 : i32 to vector<3x16x128xi32>
    %max3A_62 = arith.maxsi %max3A_61, %convert_element_type3A : vector<3x16x128xi32>
    %min3A_63 = vector.broadcast %jit3A_60 : i32 to vector<3x16x128xi32>
    %min3A_64 = arith.minsi %min3A_63, %max3A_62 : vector<3x16x128xi32>
    %slice3A = vector.extract_strided_slice %min3A_64 {offsets = [0, 0, 0], sizes = [1, 16, 128], strides = [1, 1, 1]} : vector<3x16x128xi32> to vector<1x16x128xi32>
    %slice3A_65 = vector.extract_strided_slice %min3A_64 {offsets = [1, 0, 0], sizes = [1, 16, 128], strides = [1, 1, 1]} : vector<3x16x128xi32> to vector<1x16x128xi32>
    %mul3A_66 = arith.constant 16 : i32
    %mul3A_67 = vector.broadcast %mul3A_66 : i32 to vector<1x16x128xi32>
    %mul3A_68 = arith.muli %mul3A_67, %slice3A_65 : vector<1x16x128xi32>
    %add3A_69 = arith.addi %slice3A, %mul3A_68 : vector<1x16x128xi32>
    %slice3A_70 = vector.extract_strided_slice %min3A_64 {offsets = [2, 0, 0], sizes = [1, 16, 128], strides = [1, 1, 1]} : vector<3x16x128xi32> to vector<1x16x128xi32>
    %mul3A_71 = arith.constant 256 : i32
    %mul3A_72 = vector.broadcast %mul3A_71 : i32 to vector<1x16x128xi32>
    %mul3A_73 = arith.muli %mul3A_72, %slice3A_70 : vector<1x16x128xi32>
    %add3A_74 = arith.addi %add3A_69, %mul3A_73 : vector<1x16x128xi32>
    %swap3A_75 = arith.constant 0 : index
    %swap3A_76 = arith.constant 0 : index
    %swap3A_77 = arith.constant 0 : index
    %swap3A_78 = vector.load %arg9[%swap3A_75, %swap3A_76, %swap3A_77] : memref<1x16x128xi32, #tpu.memory_space<vmem>>, vector<1x16x128xi32>
    tpu.vector_store %arg9[%swap3A_75, %swap3A_76, %swap3A_77], %add3A_74 {strides = array<i32>} : memref<1x16x128xi32, #tpu.memory_space<vmem>>, vector<1x16x128xi32>,
    %reshape3A_79 = vector.shape_cast %add3A_74 : vector<1x16x128xi32> to vector<16x1x128xi32>
    %swap3A_80 = arith.constant 0 : index
    %swap3A_81 = arith.constant 0 : index
    %swap3A_82 = arith.constant 0 : index
    %swap3A_83 = vector.load %arg10[%swap3A_80, %swap3A_81, %swap3A_82] : memref<16x1x128xi32, #tpu.memory_space<vmem>>, vector<16x1x128xi32>
    tpu.vector_store %arg10[%swap3A_80, %swap3A_81, %swap3A_82], %reshape3A_79 {strides = array<i32>} : memref<16x1x128xi32, #tpu.memory_space<vmem>>, vector<16x1x128xi32>,
    return
  }
  func.func @transform_0(%arg0: i32) -> (i32, i32, i32) {
    %add3A = arith.constant 256 : i32
    %add3A_0 = arith.addi %arg0, %add3A : i32
    %c0_i32 = arith.constant 0 : i32
    %c0_i32_1 = arith.constant 0 : i32
    %c0_i32_2 = arith.constant 0 : i32
    return %c0_i32, %c0_i32_1, %add3A_0 : i32, i32, i32
  }
  func.func @transform_1(%arg0: i32) -> (i32, i32, i32) {
    %add3A = arith.constant 256 : i32
    %add3A_0 = arith.addi %arg0, %add3A : i32
    %c0_i32 = arith.constant 0 : i32
    %c0_i32_1 = arith.constant 0 : i32
    %c0_i32_2 = arith.constant 0 : i32
    return %c0_i32, %c0_i32_1, %add3A_0 : i32, i32, i32
  }
  func.func @transform_2(%arg0: i32) -> (i32, i32) {
    %c0_i32 = arith.constant 0 : i32
    %c0_i32_0 = arith.constant 0 : i32
    %c0_i32_1 = arith.constant 0 : i32
    return %c0_i32, %c0_i32_0 : i32, i32
  }
  func.func @transform_3(%arg0: i32) -> (i32, i32) {
    %c0_i32 = arith.constant 0 : i32
    %c0_i32_0 = arith.constant 0 : i32
    %c0_i32_1 = arith.constant 0 : i32
    return %c0_i32, %c0_i32_0 : i32, i32
  }
  func.func @transform_4(%arg0: i32) -> (i32, i32) {
    %c0_i32 = arith.constant 0 : i32
    %c0_i32_0 = arith.constant 0 : i32
    %c0_i32_1 = arith.constant 0 : i32
    return %c0_i32, %c0_i32_0 : i32, i32
  }
  func.func @transform_5(%arg0: i32) -> (i32, i32) {
    %c0_i32 = arith.constant 0 : i32
    %c0_i32_0 = arith.constant 0 : i32
    %c0_i32_1 = arith.constant 0 : i32
    return %c0_i32, %c0_i32_0 : i32, i32
  }
  func.func @transform_6(%arg0: i32) -> (i32, i32) {
    %c0_i32 = arith.constant 0 : i32
    %c0_i32_0 = arith.constant 0 : i32
    %c0_i32_1 = arith.constant 0 : i32
    return %c0_i32, %c0_i32_0 : i32, i32
  }
  func.func @transform_7(%arg0: i32) -> (i32, i32, i32, i32, i32) {
    %c0_i32 = arith.constant 0 : i32
    %c0_i32_0 = arith.constant 0 : i32
    %c0_i32_1 = arith.constant 0 : i32
    %c0_i32_2 = arith.constant 0 : i32
    %c0_i32_3 = arith.constant 0 : i32
    return %c0_i32, %arg0, %c0_i32_0, %c0_i32_1, %c0_i32_2 : i32, i32, i32, i32, i32
  }
  func.func @transform_8(%arg0: i32) -> (i32, i32, i32) {
    %c0_i32 = arith.constant 0 : i32
    %c0_i32_0 = arith.constant 0 : i32
    %c0_i32_1 = arith.constant 0 : i32
    return %arg0, %c0_i32, %c0_i32_0 : i32, i32, i32
  }
  func.func @transform_9(%arg0: i32) -> (i32, i32, i32) {
    %c0_i32 = arith.constant 0 : i32
    %c0_i32_0 = arith.constant 0 : i32
    %c0_i32_1 = arith.constant 0 : i32
    return %c0_i32, %c0_i32_0, %arg0 : i32, i32, i32
  }
}

module attributes {stable_mosaic.version = 14 : i64} {
  func.func @_mlp_body(%arg0: i32, %arg1: memref<3x16x128xf32, #tpu.memory_space<vmem>>, %arg2: memref<16x32x128xf32, #tpu.memory_space<vmem>>, %arg3: memref<32x32xf32, #tpu.memory_space<vmem>>, %arg4: memref<1x32xf32, #tpu.memory_space<vmem>>, %arg5: memref<64x32xf32, #tpu.memory_space<vmem>>, %arg6: memref<1x64xf32, #tpu.memory_space<vmem>>, %arg7: memref<64x32xf32, #tpu.memory_space<vmem>>, %arg8: memref<8x1x16x8x128xf32, #tpu.memory_space<vmem>>, %arg9: memref<1x16x128xi32, #tpu.memory_space<vmem>>, %arg10: memref<16x1x128xi32, #tpu.memory_space<vmem>>) attributes {dimension_semantics = [#tpu.dimension_semantics<arbitrary>], iteration_bounds = array<i64: 256>, scalar_prefetch = 0 : i64, scratch_operands = 0 : i64, tpu.core_type = #tpu.core_type<tc>, window_params = [{transform_indices = @transform_0, window_bounds = array<i64: 3, 16, 128>}, {transform_indices = @transform_1, window_bounds = array<i64: 16, 32, 128>}, {pipeline_mode = #tpu.pipeline_mode<synchronous>, transform_indices = @transform_2, window_bounds = array<i64: 32, 32>}, {pipeline_mode = #tpu.pipeline_mode<synchronous>, transform_indices = @transform_3, window_bounds = array<i64: 1, 32>}, {pipeline_mode = #tpu.pipeline_mode<synchronous>, transform_indices = @transform_4, window_bounds = array<i64: 64, 32>}, {pipeline_mode = #tpu.pipeline_mode<synchronous>, transform_indices = @transform_5, window_bounds = array<i64: 1, 64>}, {pipeline_mode = #tpu.pipeline_mode<synchronous>, transform_indices = @transform_6, window_bounds = array<i64: 64, 32>}, {transform_indices = @transform_7, window_bounds = array<i64: 8, 1, 16, 8, 128>}, {transform_indices = @transform_8, window_bounds = array<i64: 1, 16, 128>}, {transform_indices = @transform_9, window_bounds = array<i64: 16, 1, 128>}]} {
    %get3A = arith.constant 0 : index
    %get3A_0 = arith.constant 0 : index
    %get3A_1 = arith.constant 0 : index
    %get3A_2 = vector.load %arg2[%get3A, %get3A_0, %get3A_1] : memref<16x32x128xf32, #tpu.memory_space<vmem>>, vector<16x32x128xf32>
    %transpose3A = tpu.transpose %get3A_2, [1, 0, 2] : vector<16x32x128xf32> -> vector<32x16x128xf32>
    %reshape3A = vector.shape_cast %transpose3A : vector<32x16x128xf32> to vector<32x2048xf32>
    %max3A = arith.constant 0.000000e+00 : f32
    %max3A_3 = vector.broadcast %max3A : f32 to vector<32x2048xf32>
    %max3A_4 = arith.maximumf %reshape3A, %max3A_3 : vector<32x2048xf32>
    %get3A_5 = arith.constant 0 : index
    %get3A_6 = arith.constant 0 : index
    %get3A_7 = vector.load %arg3[%get3A_5, %get3A_6] : memref<32x32xf32, #tpu.memory_space<vmem>>, vector<32x32xf32>
    %dot_general3A = arith.constant dense<0.000000e+00> : vector<32x2048xf32>
    %dot_general3A_8 = tpu.matmul %get3A_7, %max3A_4, %dot_general3A {dimension_numbers = #tpu.dot_dimension_numbers<[1], [0], [0], [1], [0, 0, 1, 1], [], []>, precision = #tpu.contract_precision<fp32>, transpose_lhs_hint = false} : vector<32x32xf32>, vector<32x2048xf32>, vector<32x2048xf32> -> vector<32x2048xf32>
    %get3A_9 = arith.constant 0 : index
    %get3A_10 = arith.constant 0 : index
    %get3A_11 = vector.load %arg4[%get3A_9, %get3A_10] : memref<1x32xf32, #tpu.memory_space<vmem>>, vector<1x32xf32>
    %reshape3A_12 = vector.shape_cast %get3A_11 : vector<1x32xf32> to vector<32x1xf32>
    %add3A = vector.broadcast %reshape3A_12 : vector<32x1xf32> to vector<32x2048xf32>
    %add3A_13 = arith.addf %dot_general3A_8, %add3A : vector<32x2048xf32>
    %max3A_14 = arith.constant 0.000000e+00 : f32
    %max3A_15 = vector.broadcast %max3A_14 : f32 to vector<32x2048xf32>
    %max3A_16 = arith.maximumf %add3A_13, %max3A_15 : vector<32x2048xf32>
    %get3A_17 = arith.constant 0 : index
    %get3A_18 = arith.constant 0 : index
    %get3A_19 = vector.load %arg5[%get3A_17, %get3A_18] : memref<64x32xf32, #tpu.memory_space<vmem>>, vector<64x32xf32>
    %dot_general3A_20 = arith.constant dense<0.000000e+00> : vector<64x2048xf32>
    %dot_general3A_21 = tpu.matmul %get3A_19, %max3A_16, %dot_general3A_20 {dimension_numbers = #tpu.dot_dimension_numbers<[1], [0], [0], [1], [0, 0, 1, 1], [], []>, precision = #tpu.contract_precision<fp32>, transpose_lhs_hint = false} : vector<64x32xf32>, vector<32x2048xf32>, vector<64x2048xf32> -> vector<64x2048xf32>
    %get3A_22 = arith.constant 0 : index
    %get3A_23 = arith.constant 0 : index
    %get3A_24 = vector.load %arg6[%get3A_22, %get3A_23] : memref<1x64xf32, #tpu.memory_space<vmem>>, vector<1x64xf32>
    %reshape3A_25 = vector.shape_cast %get3A_24 : vector<1x64xf32> to vector<64x1xf32>
    %add3A_26 = vector.broadcast %reshape3A_25 : vector<64x1xf32> to vector<64x2048xf32>
    %add3A_27 = arith.addf %dot_general3A_21, %add3A_26 : vector<64x2048xf32>
    %get3A_28 = arith.constant 0 : index
    %get3A_29 = arith.constant 0 : index
    %get3A_30 = vector.load %arg7[%get3A_28, %get3A_29] : memref<64x32xf32, #tpu.memory_space<vmem>>, vector<64x32xf32>
    %dot_general3A_31 = arith.constant dense<0.000000e+00> : vector<64x2048xf32>
    %dot_general3A_32 = tpu.matmul %get3A_30, %reshape3A, %dot_general3A_31 {dimension_numbers = #tpu.dot_dimension_numbers<[1], [0], [0], [1], [0, 0, 1, 1], [], []>, precision = #tpu.contract_precision<fp32>, transpose_lhs_hint = false} : vector<64x32xf32>, vector<32x2048xf32>, vector<64x2048xf32> -> vector<64x2048xf32>
    %add3A_33 = arith.addf %dot_general3A_32, %add3A_27 : vector<64x2048xf32>
    %reshape3A_34 = vector.shape_cast %add3A_33 : vector<64x2048xf32> to vector<8x8x16x128xf32>
    %transpose3A_35 = tpu.transpose %reshape3A_34, [0, 2, 1, 3] : vector<8x8x16x128xf32> -> vector<8x16x8x128xf32>
    %reshape3A_36 = vector.shape_cast %transpose3A_35 : vector<8x16x8x128xf32> to vector<8x1x16x8x128xf32>
    %swap3A = arith.constant 0 : index
    %swap3A_37 = arith.constant 0 : index
    %swap3A_38 = arith.constant 0 : index
    %swap3A_39 = arith.constant 0 : index
    %swap3A_40 = arith.constant 0 : index
    %swap3A_41 = vector.load %arg8[%swap3A, %swap3A_37, %swap3A_38, %swap3A_39, %swap3A_40] : memref<8x1x16x8x128xf32, #tpu.memory_space<vmem>>, vector<8x1x16x8x128xf32>
    tpu.vector_store %arg8[%swap3A, %swap3A_37, %swap3A_38, %swap3A_39, %swap3A_40], %reshape3A_36 {strides = array<i32>} : memref<8x1x16x8x128xf32, #tpu.memory_space<vmem>>, vector<8x1x16x8x128xf32>,
    %get3A_42 = arith.constant 0 : index
    %get3A_43 = arith.constant 0 : index
    %get3A_44 = arith.constant 0 : index
    %get3A_45 = vector.load %arg1[%get3A_42, %get3A_43, %get3A_44] : memref<3x16x128xf32, #tpu.memory_space<vmem>>, vector<3x16x128xf32>
    %sub3A = arith.constant 5.000000e-01 : f32
    %sub3A_46 = vector.broadcast %sub3A : f32 to vector<3x16x128xf32>
    %sub3A_47 = arith.subf %get3A_45, %sub3A_46 : vector<3x16x128xf32>
    %div3A = arith.constant 1.020000e+00 : f32
    %div3A_48 = vector.broadcast %div3A : f32 to vector<3x16x128xf32>
    %div3A_49 = arith.divf %sub3A_47, %div3A_48 : vector<3x16x128xf32>
    %add3A_50 = arith.constant 5.000000e-01 : f32
    %add3A_51 = vector.broadcast %add3A_50 : f32 to vector<3x16x128xf32>
    %add3A_52 = arith.addf %div3A_49, %add3A_51 : vector<3x16x128xf32>
    %jit3A = arith.constant 0.000000e+00 : f32
    %jit3A_53 = arith.constant 0.999998986 : f32
    %max3A_54 = vector.broadcast %jit3A : f32 to vector<3x16x128xf32>
    %max3A_55 = arith.maximumf %max3A_54, %add3A_52 : vector<3x16x128xf32>
    %min3A = vector.broadcast %jit3A_53 : f32 to vector<3x16x128xf32>
    %min3A_56 = arith.minimumf %min3A, %max3A_55 : vector<3x16x128xf32>
    %mul3A = arith.constant 1.600000e+01 : f32
    %mul3A_57 = vector.broadcast %mul3A : f32 to vector<3x16x128xf32>
    %mul3A_58 = arith.mulf %min3A_56, %mul3A_57 : vector<3x16x128xf32>
    %floor3A = math.floor %mul3A_58 : vector<3x16x128xf32>
    %convert_element_type3A = arith.fptosi %floor3A : vector<3x16x128xf32> to vector<3x16x128xi32>
    %jit3A_59 = arith.constant 0 : i32
    %jit3A_60 = arith.constant 15 : i32
    %max3A_61 = vector.broadcast %jit3A_59 : i32 to vector<3x16x128xi32>
    %max3A_62 = arith.maxsi %max3A_61, %convert_element_type3A : vector<3x16x128xi32>
    %min3A_63 = vector.broadcast %jit3A_60 : i32 to vector<3x16x128xi32>
    %min3A_64 = arith.minsi %min3A_63, %max3A_62 : vector<3x16x128xi32>
    %slice3A = vector.extract_strided_slice %min3A_64 {offsets = [0, 0, 0], sizes = [1, 16, 128], strides = [1, 1, 1]} : vector<3x16x128xi32> to vector<1x16x128xi32>
    %slice3A_65 = vector.extract_strided_slice %min3A_64 {offsets = [1, 0, 0], sizes = [1, 16, 128], strides = [1, 1, 1]} : vector<3x16x128xi32> to vector<1x16x128xi32>
    %mul3A_66 = arith.constant 16 : i32
    %mul3A_67 = vector.broadcast %mul3A_66 : i32 to vector<1x16x128xi32>
    %mul3A_68 = arith.muli %mul3A_67, %slice3A_65 : vector<1x16x128xi32>
    %add3A_69 = arith.addi %slice3A, %mul3A_68 : vector<1x16x128xi32>
    %slice3A_70 = vector.extract_strided_slice %min3A_64 {offsets = [2, 0, 0], sizes = [1, 16, 128], strides = [1, 1, 1]} : vector<3x16x128xi32> to vector<1x16x128xi32>
    %mul3A_71 = arith.constant 256 : i32
    %mul3A_72 = vector.broadcast %mul3A_71 : i32 to vector<1x16x128xi32>
    %mul3A_73 = arith.muli %mul3A_72, %slice3A_70 : vector<1x16x128xi32>
    %add3A_74 = arith.addi %add3A_69, %mul3A_73 : vector<1x16x128xi32>
    %swap3A_75 = arith.constant 0 : index
    %swap3A_76 = arith.constant 0 : index
    %swap3A_77 = arith.constant 0 : index
    %swap3A_78 = vector.load %arg9[%swap3A_75, %swap3A_76, %swap3A_77] : memref<1x16x128xi32, #tpu.memory_space<vmem>>, vector<1x16x128xi32>
    tpu.vector_store %arg9[%swap3A_75, %swap3A_76, %swap3A_77], %add3A_74 {strides = array<i32>} : memref<1x16x128xi32, #tpu.memory_space<vmem>>, vector<1x16x128xi32>,
    %reshape3A_79 = vector.shape_cast %add3A_74 : vector<1x16x128xi32> to vector<16x1x128xi32>
    %swap3A_80 = arith.constant 0 : index
    %swap3A_81 = arith.constant 0 : index
    %swap3A_82 = arith.constant 0 : index
    %swap3A_83 = vector.load %arg10[%swap3A_80, %swap3A_81, %swap3A_82] : memref<16x1x128xi32, #tpu.memory_space<vmem>>, vector<16x1x128xi32>
    tpu.vector_store %arg10[%swap3A_80, %swap3A_81, %swap3A_82], %reshape3A_79 {strides = array<i32>} : memref<16x1x128xi32, #tpu.memory_space<vmem>>, vector<16x1x128xi32>,
    return
  }
  func.func @transform_0(%arg0: i32) -> (i32, i32, i32) {
    %add3A = arith.constant 0 : i32
    %add3A_0 = arith.addi %arg0, %add3A : i32
    %c0_i32 = arith.constant 0 : i32
    %c0_i32_1 = arith.constant 0 : i32
    %c0_i32_2 = arith.constant 0 : i32
    return %c0_i32, %c0_i32_1, %add3A_0 : i32, i32, i32
  }
  func.func @transform_1(%arg0: i32) -> (i32, i32, i32) {
    %add3A = arith.constant 0 : i32
    %add3A_0 = arith.addi %arg0, %add3A : i32
    %c0_i32 = arith.constant 0 : i32
    %c0_i32_1 = arith.constant 0 : i32
    %c0_i32_2 = arith.constant 0 : i32
    return %c0_i32, %c0_i32_1, %add3A_0 : i32, i32, i32
  }
  func.func @transform_2(%arg0: i32) -> (i32, i32) {
    %c0_i32 = arith.constant 0 : i32
    %c0_i32_0 = arith.constant 0 : i32
    %c0_i32_1 = arith.constant 0 : i32
    return %c0_i32, %c0_i32_0 : i32, i32
  }
  func.func @transform_3(%arg0: i32) -> (i32, i32) {
    %c0_i32 = arith.constant 0 : i32
    %c0_i32_0 = arith.constant 0 : i32
    %c0_i32_1 = arith.constant 0 : i32
    return %c0_i32, %c0_i32_0 : i32, i32
  }
  func.func @transform_4(%arg0: i32) -> (i32, i32) {
    %c0_i32 = arith.constant 0 : i32
    %c0_i32_0 = arith.constant 0 : i32
    %c0_i32_1 = arith.constant 0 : i32
    return %c0_i32, %c0_i32_0 : i32, i32
  }
  func.func @transform_5(%arg0: i32) -> (i32, i32) {
    %c0_i32 = arith.constant 0 : i32
    %c0_i32_0 = arith.constant 0 : i32
    %c0_i32_1 = arith.constant 0 : i32
    return %c0_i32, %c0_i32_0 : i32, i32
  }
  func.func @transform_6(%arg0: i32) -> (i32, i32) {
    %c0_i32 = arith.constant 0 : i32
    %c0_i32_0 = arith.constant 0 : i32
    %c0_i32_1 = arith.constant 0 : i32
    return %c0_i32, %c0_i32_0 : i32, i32
  }
  func.func @transform_7(%arg0: i32) -> (i32, i32, i32, i32, i32) {
    %c0_i32 = arith.constant 0 : i32
    %c0_i32_0 = arith.constant 0 : i32
    %c0_i32_1 = arith.constant 0 : i32
    %c0_i32_2 = arith.constant 0 : i32
    %c0_i32_3 = arith.constant 0 : i32
    return %c0_i32, %arg0, %c0_i32_0, %c0_i32_1, %c0_i32_2 : i32, i32, i32, i32, i32
  }
  func.func @transform_8(%arg0: i32) -> (i32, i32, i32) {
    %c0_i32 = arith.constant 0 : i32
    %c0_i32_0 = arith.constant 0 : i32
    %c0_i32_1 = arith.constant 0 : i32
    return %arg0, %c0_i32, %c0_i32_0 : i32, i32, i32
  }
  func.func @transform_9(%arg0: i32) -> (i32, i32, i32) {
    %c0_i32 = arith.constant 0 : i32
    %c0_i32_0 = arith.constant 0 : i32
    %c0_i32_1 = arith.constant 0 : i32
    return %c0_i32, %c0_i32_0, %arg0 : i32, i32, i32
  }
}

</mosaic_0001>

<sc_bundles>
// kernel: kernel.10.cloned.1.call-start
scs
__scs_entry_jumppad:
0x0: {  	(pc) =	sbr.rel $0x88, $3  }
0x1: {  	(tag) =	ssettag $0x0;
	lr =	simm.s32 $0x1  }
0x2: {  	[smem:$0x3F98] =	sst lr;
	_ =	strace $0xD0000000  }
0x3: {  	_ = 	snop  }
0x4: {  	_ = 	snop  }
0x5: {  	_ = 	snop  }
0x6: {  	_ = 	snop  }
0x7: {  	_ = 	snop  }
__scs_overlays_trampoline_lowered:
0x8: {  	[smem:$0x3FA7] =	sst s0  }
0x9: {  	[smem:$0x3FA8] =	sst s1  }
0xa: {  	[smem:$0x3FA9] =	sst s2  }
0xb: {  	[smem:$0x3FAA] =	sst s3  }
0xc: {  	[smem:$0x3FAB] =	sst s4  }
0xd: {  	[smem:$0x3FAC] =	sst s5  }
0xe: {  	[smem:$0x3FAD] =	sst s6  }
0xf: {  	[smem:$0x3FAE] =	sst s7  }
0x10: {  	[smem:$0x3FAF] =	sst s8  }
0x11: {  	[smem:$0x3FB0] =	sst s9;
	s0 =	simm.s32 @!p0 $0x0  }
0x12: {  	s1 =	sld [smem:$0x3F96];
	s0 =	simm.s32 @p0 $0x1  }
0x13: {  	[smem:$0x3FB1] =	sst s0;
	s0 =	simm.s32 @!p1 $0x0  }
0x14: {  	s2 =	sld [smem:$0x3F95];
	s0 =	simm.s32 @p1 $0x1  }
0x15: {  	[smem:$0x3FB2] =	sst s0;
	s0 =	simm.s32 @!p2 $0x0  }
0x16: {  	s3 =	sld [smem:$0x3FDB];
	s0 =	simm.s32 @p2 $0x1  }
0x17: {  	s4 =	simm.s32 $0x1BF5;
	[smem:$0x3FB4] =	sst s0  }
0x18: {  	s0 =	sld [smem:$0x3F97];
	_ =	swait.ge [sflag:s4], $0x0  }
0x19: {  	s7 =	sld [smem:$0x3F98]  }
0x1a: {  	s8 =	sadd.s32 $0xFFFFE003, lr  }
0x1b: {  	s9 =	sadd.s32 $0xFFFFFEF7, lr;
	s5 =	simm.s32 $0xFFFFFFFF;
	p2 =	slt.u32 s8, $0xFFFFF086  }
0x1c: {  	p1 =	slt.u32 s9, $0xF7A;
	s5 =	simm.s32 @!p2 $0x0  }
0x1d: {  	s5 =	simm.s32 @p1 $0x1;
	p0 =	seq.s32 s7, s2  }
0x1e: {  	s7 =	smul.u32 @!p0 $0xF7A, s2;
	p2 =	seq.s32 @!p0 s5, $0x0  }
0x1f: {  	s9 =	smul.u32 $0xF7A, s1;
	s8 =	simm.s32 @!p0 $0x1BF5;
	p2 =	por !p2, p0  }
0x20: {  	[sflag:s8] =	ssyncset.s32 @!p0 $0xFFFFF086;
	s6 =	sadd.s32 @!p0 s3, s7;
	s7 =	simm.s32 @!p0 $0x108  }
0x21: {  	s3 =	sadd.s32 s3, s9;
	s6 =	sadd.s32 @!p0 $0x88, s6;
	s7 =	simm.s32 @p2 $0x1082  }
0x22: {  	[simem:s7], [sflag:s8] =	dma.local @!p0 [hbm:s6], $0xF7A  }
0x23: {  	s9 =	sor.u32 $0xD0000000, s2;
	s6 =	simm.s32 $0x108;
	_ =	swait.ge @!p0 [sflag:s8], $0x0  }
0x24: {  	s3 =	sadd.s32 $0x88, s3;
	s6 =	simm.s32 @!p1 $0x1082;
	[sflag:s4] =	ssyncset.s32 $0xFFFFF086  }
0x25: {  	[simem:s6], [sflag:s4] =	dma.local [hbm:s3], $0xF7A  }
0x26: {  	[smem:$0x3F98] =	sst s1;
	(tag) =	ssettag s2;
	_ =	strace s9  }
0x27: {  	s1 =	sld [smem:$0x3FA8]  }
0x28: {  	s2 =	sld [smem:$0x3FA9]  }
0x29: {  	s4 =	sld [smem:$0x3FAB]  }
0x2a: {  	p0 =	seq.s32 s5, $0x0;
	s5 =	sld [smem:$0x3FAC]  }
0x2b: {  	s6 =	sld [smem:$0x3FAD]  }
0x2c: {  	s7 =	sld [smem:$0x3FAE]  }
0x2d: {  	s3 =	simm.s32 $0x108;
	s8 =	sld [smem:$0x3FAF]  }
0x2e: {  	s3 =	simm.s32 @!p0 $0x1082;
	s9 =	sld [smem:$0x3FB0]  }
0x2f: {  	lr =	sadd.s32 s0, s3;
	s0 =	sld [smem:$0x3FA7]  }
0x30: {  	s3 =	sld [smem:$0x3FAA]  }
0x31: {  	[smem:$0x3FB3] =	sst s10  }
0x32: {  	s10 =	sld [smem:$0x3FB1];
	_ =	sdelay $0x3  }
0x33: {  	p0 =	seq.s32 s10, $0x1;
	s10 =	sld [smem:$0x3FB3];
	_ =	sdelay $0x3  }
0x34: {  	[smem:$0x3FB3] =	sst s10  }
0x35: {  	s10 =	sld [smem:$0x3FB2];
	_ =	sdelay $0x3  }
0x36: {  	p1 =	seq.s32 s10, $0x1;
	s10 =	sld [smem:$0x3FB3];
	_ =	sdelay $0x3  }
0x37: {  	[smem:$0x3FB3] =	sst s10  }
0x38: {  	s10 =	sld [smem:$0x3FB4]  }
0x39: {  	_ = 	snop;
	(pc) =	sbr.ind lr, $3  }
0x3a: {  	_ = 	snop  }
0x3b: {  	_ = 	snop  }
0x3c: {  	p2 =	seq.s32 s10, $0x1;
	s10 =	sld [smem:$0x3FB3]  }
0x3d: {  	_ =	shalt  }
0x3e: {  	_ =	shalt  }
0x3f: {  	_ =	shalt  }
0x40: {  	_ =	shalt  }
0x41: {  	_ =	shalt  }
0x42: {  	_ =	shalt  }
0x43: {  	_ =	shalt  }
0x44: {  	_ =	shalt  }
0x45: {  	_ =	shalt  }
0x46: {  	_ =	shalt  }
0x47: {  	_ =	shalt  }
0x48: {  	_ =	shalt  }
0x49: {  	_ =	shalt  }
0x4a: {  	_ =	shalt  }
0x4b: {  	_ =	shalt  }
0x4c: {  	_ =	shalt  }
0x4d: {  	_ =	shalt  }
0x4e: {  	_ =	shalt  }
0x4f: {  	_ =	shalt  }
0x50: {  	_ =	shalt  }
0x51: {  	_ =	shalt  }
0x52: {  	_ =	shalt  }
0x53: {  	_ =	shalt  }
0x54: {  	_ =	shalt  }
0x55: {  	_ =	shalt  }
0x56: {  	_ =	shalt  }
0x57: {  	_ =	shalt  }
0x58: {  	_ =	shalt  }
0x59: {  	_ =	shalt  }
0x5a: {  	_ =	shalt  }
0x5b: {  	_ =	shalt  }
0x5c: {  	_ =	shalt  }
0x5d: {  	_ =	shalt  }
0x5e: {  	_ =	shalt  }
0x5f: {  	_ =	shalt  }
0x60: {  	_ =	shalt  }
0x61: {  	_ =	shalt  }
0x62: {  	_ =	shalt  }
0x63: {  	_ =	shalt  }
0x64: {  	_ =	shalt  }
0x65: {  	_ =	shalt  }
0x66: {  	_ =	shalt  }
0x67: {  	_ =	shalt  }
0x68: {  	_ =	shalt  }
0x69: {  	_ =	shalt  }
0x6a: {  	_ =	shalt  }
0x6b: {  	_ =	shalt  }
0x6c: {  	_ =	shalt  }
0x6d: {  	_ =	shalt  }
0x6e: {  	_ =	shalt  }
0x6f: {  	_ =	shalt  }
0x70: {  	_ =	shalt  }
0x71: {  	_ =	shalt  }
0x72: {  	_ =	shalt  }
0x73: {  	_ =	shalt  }
0x74: {  	_ =	shalt  }
0x75: {  	_ =	shalt  }
0x76: {  	_ =	shalt  }
0x77: {  	_ =	shalt  }
0x78: {  	_ =	shalt  }
0x79: {  	_ =	shalt  }
0x7a: {  	_ =	shalt  }
0x7b: {  	_ =	shalt  }
0x7c: {  	_ =	shalt  }
0x7d: {  	_ =	shalt  }
0x7e: {  	_ =	shalt  }
0x7f: {  	_ =	shalt  }
0x80: {  	_ =	shalt  }
0x81: {  	_ =	shalt  }
0x82: {  	_ =	shalt  }
0x83: {  	_ =	shalt  }
0x84: {  	_ =	shalt  }
0x85: {  	_ =	shalt  }
0x86: {  	_ =	shalt  }
0x87: {  	_ =	shalt  }
.Lfunc_end0:
.L_simem_size_0:
called_computation.1_lowered:
.L_overlay_start_0:
0x88: {  	s2 =	sld [smem:$0x3FD9]  }
0x89: {  	s3 =	sld [smem:$0x3FFE];
	_ =	sdelay $0x1  }
0x8a: {  	s1 =	srdreg.scid  }
0x8b: {  	s0 =	sand.u32 $0x1, s1  }
0x8c: {  	s16 =	sshll.u32 s0, $0xA;
	s2 =	sadd.s32 s3, s2  }
0x8d: {  	s2 =	sadd.s32 s2, s16  }
0x8e: {  	[smem:$0x3FBF] =	sst s2  }
0x8f: {  	_ = 	snop  }
0x90: {  	(tm) =	ssettm $0x1  }
0x91: {  	s17 =	sld [smem:$0x3FFB];
	_ =	sdelay $0x3  }
0x92: {  	_ =	strace s17  }
0x93: {  	s2 =	sld [smem:$0x3FFC];
	_ =	sdelay $0x3  }
0x94: {  	_ =	strace s2  }
0x95: {  	s2 =	sld [smem:$0x3FFD];
	_ =	sdelay $0x3  }
0x96: {  	_ =	strace s2  }
0x97: {  	_ =	strace $0x8FFFFFFF  }
0x98: {  	s18 =	sld [smem:$0x3FDB];
	_ =	sdelay $0x1  }
0x99: {  	s19 =	simm.s32 $_scs_section_size  }
0x9a: {  	s4 =	simm.s32 $_size__tile_overlayer_lowered;
	s5 =	simm.s32 $_tile_overlayer_lowered  }
0x9b: {  	s22 =	simm.s32 $0x1BFF;
	s21 =	sshll.u32 s5, $0x1;
	s2 =	sadd.s32 s19, s18  }
0x9c: {  	s6 =	simm.s32 $0x0;
	s20 =	sshll.u32 s4, $0x1;
	s4 =	sadd.s32 s21, s2  }
0x9d: {  	[timem:s6], [sflag:s22] =	dma.local [hbm:s4], s20  }
0x9e: {  	_ =	swait.ge [sflag:s22], s20  }
0x9f: {  	s3 =	ssub.s32 $0x0, s20;
	[sflag:s22] =	ssyncset.done $0x0  }
0xa0: {  	[sflag:s22] =	ssyncadd.s32 s3;
	_ =	sdelay $0x1  }
0xa1: {  	s23 =	simm.s32 $0x1B8B  }
0xa2: {  	_ =	swait.ge [sflag:s23], $0x1  }
0xa3: {  	[sflag:s23] =	ssyncset.done $0x0  }
0xa4: {  	s25 =	simm.s32 $0x1B8E;
	s24 =	sld [smem:$0x3FFE];
	[sflag:s23] =	ssyncadd.s32 $0xFFFFFFFF  }
0xa5: {  	s26 =	simm.s32 $execute0_lowered;
	[smem:$0x3FD2] =	sst s25  }
0xa6: {  	s4 =	sshll.u32 s26, $0x1;
	_ =	strace $0x80000046;
	[dreg:$0x1] =	wrdreg $0xFFFFFFFF  }
0xa7: {  	s28 =	simm.s32 $_size_execute0_lowered;
	s2 =	sadd.s32 s2, s4;
	[dreg:$0x0] =	wrdreg $0x0  }
0xa8: {  	s4 =	sshll.u32 s28, $0x1;
	[dreg:$0x2] =	wrdreg s2  }
0xa9: {  	[dreg:$0x3] =	wrdreg s4  }
0xaa: {  	[dreg:$0x4] =	wrdreg $0xC0  }
0xab: {  	_ =	task [dreg:s6], $0x5FFFF  }
0xac: {  	[dreg:$0x1] =	wrdreg $0xFFFFFFFF  }
0xad: {  	[dreg:$0x0] =	wrdreg $0x60  }
0xae: {  	[dreg:$0x2] =	wrdreg s24  }
0xaf: {  	[dreg:$0x3] =	wrdreg $0xA  }
0xb0: {  	_ =	task.clear_ibuf [dreg:s6], $0x4FFFF;
	_ =	strace $0x90000046  }
0xb1: {  	s29 =	simm.s32 $0xA;
	_ =	strace $0x80000048  }
0xb2: {  	_ =	swait.ge [sflag:s29], $0x1  }
0xb3: {  	[sflag:s29] =	ssyncadd.s32 $0xFFFFFFFF  }
0xb4: {  	_ =	strace $0x90000048  }
0xb5: {  	_ =	sfence  }
0xb6: {  	s30 =	sld [smem:$0x0];
	_ =	sdelay $0x2  }
0xb7: {  	s31 =	sshll.u32 s1, $0xD;
	s1 =	sshrl.u32 s1, $0x2  }
0xb8: {  	s3 =	sand.u32 $0x4000, s31;
	s1 =	sadd.s32 s1, s30  }
0xb9: {  	s0 =	sor.u32 s3, s0;
	s1 =	sshll.u32 s1, $0x11  }
0xba: {  	s0 =	sor.u32 s1, s0  }
0xbb: {  	s0 =	sadd.s32 $0x8F2B, s0  }
0xbc: {  	[sflag:s0] =	ssyncadd.remote.s32 $0x1  }
0xbd: {  	_ =	sfence.sel $0xFFFF  }
0xbe: {  	[dreg:$0x0] =	wrdreg $0xFFFFFFFF;
	(pc) =	sbr.abs _section_cstart, $3  }
0xbf: {  	[dreg:$0x1] =	wrdreg $0xFFFFFFFF  }
0xc0: {  	_ =	task.clear_ibuf [dreg:s6], $0x2FFFF;
	_ =	strace $0x9FFFFFFF  }
0xc1: {  	(tm) =	ssettm $0x7FFFFFFF  }
tec
execute0_lowered:
.L_overlay_start_1:
0x0: {  	(tag) =	ssettag $0x1  }
0x1: {  	v0 =	vimm.s32 $0x0;
	vm0 =	vcmask $0x704  }
0x2: {  	vm4 =	vcmask $0xB08;
	v0 =	vsel vm0, $0x1000, v0  }
0x3: {  	s7 =	rddreg [dreg:$0x0];
	s2 =	simm.s32 $0x0;
	vm5 =	vcmask $0xF0C;
	v0 =	vsel vm4, $0x2000, v0  }
0x4: {  	s0 =	stileid.u32;
	s3 =	srdreg.scid;
	vm6 =	vcmask $0x1310;
	s11 =	simm.s32 $0x80;
	v0 =	vsel vm5, $0x3000, v0  }
0x5: {  	vm7 =	vcmask $0x1714;
	s13 =	simm.s32 $0x10000;
	s14 =	simm.s32 $0x100;
	s15 =	simm.s32 $0x4000;
	v0 =	vsel vm6, $0x4000, v0  }
0x6: {  	vm8 =	vcmask $0x1B18;
	s16 =	simm.s32 $0x14000;
	s17 =	simm.s32 $0x8000;
	s18 =	simm.s32 $0x400;
	v0 =	vsel vm7, $0x5000, v0  }
0x7: {  	vm9 =	vcmask $0x231C;
	s19 =	simm.s32 $0x1C000;
	s20 =	simm.s32 $0x3;
	s21 =	simm.s32 $0x1D000;
	v0 =	vsel vm8, $0x6000, v0  }
0x8: {  	vm10 =	vcmask $0x2724;
	s22 =	simm.s32 $0x0;
	[smem:$0x7FF] =	sst s2;
	s4 =	sshll.u32 s0, $0x1;
	v0 =	vsel vm9, $0x7000, v0  }
0x9: {  	vm11 =	vcmask $0x2B28;
	s5 =	sand.u32 $0x1, s3;
	s3 =	sadd.s32 $0x2000, s7;
	s4 =	sand.u32 $0x2, s4;
	v0 =	vsel vm10, $0x6000, v0  }
0xa: {  	vm12 =	vcmask $0x2F2C;
	s9 =	sshrl.u32 s0, $0x1;
	_ =	strace $0x80000047;
	s4 =	sor.u32 s5, s4;
	v0 =	vsel vm11, $0x5000, v0  }
0xb: {  	v1 =	vlaneseq.u32;
	vm13 =	vcmask $0x3330;
	s8 =	ssub.s32 $0x2, s5;
	s6 =	sshll.u32 s9, $0x16;
	s4 =	sshll.u32 s4, $0x8;
	v0 =	vsel vm12, $0x4000, v0  }
0xc: {  	vm14 =	vcmask $0x3734;
	v1 =	vmul.u32 $0xFFFFFFFF, v1;
	s9 =	sshll.u32 s9, $0xF;
	s10 =	sshrl.u32 s8, $0x1;
	s6 =	sor.u32 s6, s4;
	v0 =	vsel vm13, $0x3000, v0  }
0xd: {  	vm15 =	vcmask $0x3B38;
	s5 =	sadd.s32 $0x402000, s7;
	s10 =	ssub.s32 s8, s10;
	s31 =	sshrl.u32 s6, $0x3;
	v2 =	vsel vm14, $0x2000, v0  }
0xe: {  	s7 =	sadd.s32 $0x412000, s7;
	v1 =	vadd.s32 $0xF, v1;
	s10 =	smax.u32 s10, $0x1;
	s8 =	sadd.s32 s3, s31;
	v0 =	vimm.f32 $-Inf;
	v2 =	vsel vm15, $0x1000, v2  }
.LBB2_1:
0xf: {  	s0 =	simm.s32 $0x800  }
0x10: {  	[tilespmem:s13], [sflag:$0x1] =	stream.strided.gather [hbm4b:s5+s11], $0x2000, s0, s11, $0x38;
	[tilespmem:$0x1E000] =	vst v63  }
0x11: {  	s23 =	simm.s32 $0x0  }
0x12: {  	[tilespmem:s16], [sflag:$0x1] =	stream.strided.gather [hbm4b:s8+s14], $0x4000, s15, s14, $0x38;
	[tilespmem:$0x1E000] =	vst v63  }
.LBB2_2:
0x13: {  	s24 =	simm.s32 $0x0;
	s25 =	simm.s32 $0x200  }
.LBB2_3:
0x14: {  	p0 =	seq.s32 s25, $0x1FE00;
	[tilespmem:s24+$0x8070] =	vst v0  }
0x15: {  	[tilespmem:s24+$0x0] =	vst v0  }
0x16: {  	[tilespmem:s24+$0x8000] =	vst v0  }
0x17: {  	[tilespmem:s24+$0x10] =	vst v0  }
0x18: {  	[tilespmem:s24+$0x8010] =	vst v0  }
0x19: {  	[tilespmem:s24+$0x20] =	vst v0  }
0x1a: {  	[tilespmem:s24+$0x8020] =	vst v0  }
0x1b: {  	[tilespmem:s24+$0x30] =	vst v0  }
0x1c: {  	[tilespmem:s24+$0x8030] =	vst v0  }
0x1d: {  	[tilespmem:s24+$0x40] =	vst v0  }
0x1e: {  	[tilespmem:s24+$0x8040] =	vst v0  }
.Ltmp0:
0x1f: {  	[tilespmem:s24+$0x50] =	vst v0;
	(pc) =	sbr.rel @!p0 .LBB2_3-.Ltmp0, $4  }
0x20: {  	[tilespmem:s24+$0x8050] =	vst v0  }
0x21: {  	[tilespmem:s24+$0x60] =	vst v0  }
0x22: {  	[tilespmem:s24+$0x8060] =	vst v0  }
0x23: {  	[tilespmem:s24+$0x70] =	vst v0;
	s24 =	sshra.s32 s25, $0x2;
	s25 =	sadd.s32 $0x200, s25  }
0x24: {  	[tilespmem:s24+$0x8070] =	vst v0  }
0x25: {  	[tilespmem:s24+$0x0] =	vst v0  }
0x26: {  	[tilespmem:s24+$0x8000] =	vst v0  }
0x27: {  	[tilespmem:s24+$0x10] =	vst v0  }
0x28: {  	[tilespmem:s24+$0x8010] =	vst v0  }
0x29: {  	[tilespmem:s24+$0x20] =	vst v0  }
0x2a: {  	[tilespmem:s24+$0x8020] =	vst v0  }
0x2b: {  	[tilespmem:s24+$0x30] =	vst v0  }
0x2c: {  	[tilespmem:s24+$0x8030] =	vst v0  }
0x2d: {  	[tilespmem:s24+$0x40] =	vst v0  }
0x2e: {  	[tilespmem:s24+$0x8040] =	vst v0  }
0x2f: {  	[tilespmem:s24+$0x50] =	vst v0  }
0x30: {  	[tilespmem:s24+$0x8050] =	vst v0  }
0x31: {  	[tilespmem:s24+$0x60] =	vst v0  }
0x32: {  	[tilespmem:s24+$0x8060] =	vst v0  }
0x33: {  	[tilespmem:s24+$0x70] =	vst v0;
	s24 =	sshll.u32 s23, $0x2;
	s25 =	simm.s32 $0x0;
	p0 =	por $0x0, $0x0  }
.LBB2_5:
0x34: {  	s26 =	sadd.s32 s24, s25  }
0x35: {  	p1 =	sgt.u32 s26, $0x3E  }
0x36: {  	s26 =	sadd.s32 @!p1 $0x1, s26  }
0x37: {  	s12 =	simm.s32 @!p1 $0x800;
	s28 =	sand.u32 @!p1 $0x1, s26;
	s30 =	sshrl.u32 @!p1 s26, $0x2  }
0x38: {  	s26 =	sand.u32 @!p1 $0x3, s26;
	s29 =	sadd.s32 @!p1 $0x1, s28;
	s31 =	sshll.u32 @!p1 s30, $0x4  }
0x39: {  	s0 =	sshll.u32 @!p1 s28, $0xD;
	s1 =	sshll.u32 @!p1 s26, $0xE;
	s31 =	sadd.s32 @!p1 s5, s31  }
0x3a: {  	s0 =	sor.u32 @!p1 $0x10000, s0;
	s1 =	sadd.s32 @!p1 s1, s31;
	s31 =	simm.s32 @!p1 $0x80  }
0x3b: {  	[tilespmem:s0], [sflag:s29] =	stream.strided.gather @!p1 [hbm4b:s1+s31], $0x2000, s12, s31, $0x38;
	[tilespmem:$0x1E000] =	vst v63  }
0x3c: {  	s0 =	sshll.u32 @!p1 s26, $0x14;
	s1 =	sshll.u32 @!p1 s30, $0xA  }
0x3d: {  	s0 =	sor.u32 @!p1 s1, s0  }
0x3e: {  	s0 =	sor.u32 @!p1 s6, s0  }
0x3f: {  	s12 =	simm.s32 @!p1 $0x100;
	s1 =	sshll.u32 @!p1 s28, $0xE;
	s0 =	sshrl.u32 @!p1 s0, $0x3  }
0x40: {  	s26 =	simm.s32 @!p1 $0x4000;
	s1 =	sadd.s32 @!p1 $0x14000, s1;
	s0 =	sadd.s32 @!p1 s3, s0  }
0x41: {  	[tilespmem:s1], [sflag:s29] =	stream.strided.gather @!p1 [hbm4b:s0+s12], $0x4000, s26, s12, $0x38;
	[tilespmem:$0x1E000] =	vst v63  }
0x42: {  	s30 =	sand.u32 $0x1, s25;
	s1 =	simm.s32 $0x1  }
0x43: {  	s0 =	sadd.s32 $0x1, s30;
	s1 =	simm.s32 @!p0 $0x0  }
0x44: {  	_ =	swait.ge [sflag:s0], $0x2000;
	s31 =	sshll.u32 s1, $0xD  }
0x45: {  	[sflag:s0] =	ssyncset.done $0x0;
	s12 =	sor.u32 $0x10040, s31  }
0x46: {  	[sflag:s0] =	ssyncadd.s32 $0xFFFFE000;
	v3 =	vmov s12  }
0x47: {  	_ =	swait.ge [sflag:s0], $0x4000  }
0x48: {  	s1 =	sshll.u32 s1, $0xE;
	[sflag:s0] =	ssyncset.done $0x0  }
0x49: {  	s28 =	simm.s32 $0x0;
	s26 =	sadd.s32 $0x14080, s1;
	[sflag:s0] =	ssyncadd.s32 $0xFFFFC000  }
.LBB2_6:
0x4a: {  	s29 =	sshra.s32 s28, $0x2  }
0x4b: {  	v4 =	vld.idx.msk [tilespmem:v3+s29+$0xFFFFFFC0 ss:$0x1], $0xffff;
	_ =	sdelay $0x4  }
0x4c: {  	v5 =	vadd.s32 v2, v4  }
0x4d: {  	v6 =	vld [tilespmem:s26+$0xFFFFFF80]  }
0x4e: {  	v7 =	vld [tilespmem:s26+$0x0];
	_ =	sdelay $0x2  }
0x4f: {  	v8 =	vld.idx.msk [tilespmem:v5+s2+$0x0], $0xffff  }
0x50: {  	v10 =	vperm.xlane v6, v1;
	v9 =	vperm.xlane v4, v1;
	v11 =	vld.idx.msk [tilespmem:v5+s17+$0x0], $0xffff  }
0x51: {  	v12 =	vperm.xlane v7, v1  }
0x52: {  	vm0 =	veq.s32 v9, v4;
	v4 =	vmax.f32 v6, v10  }
0x53: {  	v56 =	vmax.f32 v7, v12;
	v4 =	vsel vm0, v4, v6  }
0x54: {  	v6 =	vsel vm0, v56, v7;
	v4 =	vmax.f32 v8, v4  }
0x55: {  	[tilespmem:v5+s2+$0x0] =	vst.idx.msk $0xffff, v4;
	v4 =	vmax.f32 v11, v6  }
0x56: {  	[tilespmem:v5+s17+$0x0] =	vst.idx.msk $0xffff, v4  }
0x57: {  	v4 =	vld.idx.msk [tilespmem:v3+s29+$0xFFFFFFD0 ss:$0x1], $0xffff;
	_ =	sdelay $0x4  }
0x58: {  	v5 =	vadd.s32 v2, v4  }
0x59: {  	v57 =	vld [tilespmem:s26+$0xFFFFFF90]  }
0x5a: {  	v58 =	vld [tilespmem:s26+$0x10];
	_ =	sdelay $0x2  }
0x5b: {  	v59 =	vld.idx.msk [tilespmem:v5+s2+$0x0], $0xffff  }
0x5c: {  	v60 =	vperm.xlane v4, v1;
	v61 =	vperm.xlane v57, v1;
	v62 =	vld.idx.msk [tilespmem:v5+s17+$0x0], $0xffff  }
0x5d: {  	v63 =	vperm.xlane v58, v1  }
0x5e: {  	vm9 =	veq.s32 v60, v4;
	v4 =	vmax.f32 v57, v61  }
0x5f: {  	v15 =	vmax.f32 v58, v63;
	v4 =	vsel vm9, v4, v57  }
0x60: {  	v6 =	vsel vm9, v15, v58;
	v4 =	vmax.f32 v59, v4  }
0x61: {  	[tilespmem:v5+s2+$0x0] =	vst.idx.msk $0xffff, v4;
	v4 =	vmax.f32 v62, v6  }
0x62: {  	[tilespmem:v5+s17+$0x0] =	vst.idx.msk $0xffff, v4  }
0x63: {  	v4 =	vld.idx.msk [tilespmem:v3+s29+$0xFFFFFFE0 ss:$0x1], $0xffff;
	_ =	sdelay $0x4  }
0x64: {  	v5 =	vadd.s32 v2, v4  }
0x65: {  	v16 =	vld [tilespmem:s26+$0xFFFFFFA0]  }
0x66: {  	v17 =	vld [tilespmem:s26+$0x20];
	_ =	sdelay $0x2  }
0x67: {  	v18 =	vld.idx.msk [tilespmem:v5+s2+$0x0], $0xffff  }
0x68: {  	v19 =	vperm.xlane v4, v1;
	v20 =	vperm.xlane v16, v1;
	v21 =	vld.idx.msk [tilespmem:v5+s17+$0x0], $0xffff  }
0x69: {  	v22 =	vperm.xlane v17, v1  }
0x6a: {  	vm10 =	veq.s32 v19, v4;
	v4 =	vmax.f32 v16, v20  }
0x6b: {  	v23 =	vmax.f32 v17, v22;
	v4 =	vsel vm10, v4, v16  }
0x6c: {  	v6 =	vsel vm10, v23, v17;
	v4 =	vmax.f32 v18, v4  }
0x6d: {  	[tilespmem:v5+s2+$0x0] =	vst.idx.msk $0xffff, v4;
	v4 =	vmax.f32 v21, v6  }
0x6e: {  	[tilespmem:v5+s17+$0x0] =	vst.idx.msk $0xffff, v4  }
0x6f: {  	v4 =	vld.idx.msk [tilespmem:v3+s29+$0xFFFFFFF0 ss:$0x1], $0xffff;
	_ =	sdelay $0x4  }
0x70: {  	v5 =	vadd.s32 v2, v4  }
0x71: {  	v24 =	vld [tilespmem:s26+$0xFFFFFFB0]  }
0x72: {  	v25 =	vld [tilespmem:s26+$0x30];
	_ =	sdelay $0x2  }
0x73: {  	v26 =	vld.idx.msk [tilespmem:v5+s2+$0x0], $0xffff  }
0x74: {  	v27 =	vperm.xlane v4, v1;
	v28 =	vperm.xlane v24, v1;
	v29 =	vld.idx.msk [tilespmem:v5+s17+$0x0], $0xffff  }
0x75: {  	v30 =	vperm.xlane v25, v1  }
0x76: {  	vm11 =	veq.s32 v27, v4;
	v4 =	vmax.f32 v24, v28  }
0x77: {  	v31 =	vmax.f32 v25, v30;
	v4 =	vsel vm11, v4, v24  }
0x78: {  	v6 =	vsel vm11, v31, v25;
	v4 =	vmax.f32 v26, v4  }
0x79: {  	[tilespmem:v5+s2+$0x0] =	vst.idx.msk $0xffff, v4;
	v4 =	vmax.f32 v29, v6  }
0x7a: {  	[tilespmem:v5+s17+$0x0] =	vst.idx.msk $0xffff, v4  }
0x7b: {  	v4 =	vld.idx.msk [tilespmem:v3+s29+$0x0 ss:$0x1], $0xffff;
	_ =	sdelay $0x4  }
0x7c: {  	v5 =	vadd.s32 v2, v4  }
0x7d: {  	v32 =	vld [tilespmem:s26+$0xFFFFFFC0]  }
0x7e: {  	v33 =	vld [tilespmem:s26+$0x40];
	_ =	sdelay $0x2  }
0x7f: {  	v34 =	vld.idx.msk [tilespmem:v5+s2+$0x0], $0xffff  }
0x80: {  	v35 =	vperm.xlane v4, v1;
	v36 =	vperm.xlane v32, v1;
	v37 =	vld.idx.msk [tilespmem:v5+s17+$0x0], $0xffff  }
0x81: {  	v38 =	vperm.xlane v33, v1  }
0x82: {  	vm12 =	veq.s32 v35, v4;
	v4 =	vmax.f32 v32, v36  }
0x83: {  	v39 =	vmax.f32 v33, v38;
	v4 =	vsel vm12, v4, v32  }
0x84: {  	v6 =	vsel vm12, v39, v33;
	v4 =	vmax.f32 v34, v4  }
0x85: {  	[tilespmem:v5+s2+$0x0] =	vst.idx.msk $0xffff, v4;
	v4 =	vmax.f32 v37, v6  }
0x86: {  	[tilespmem:v5+s17+$0x0] =	vst.idx.msk $0xffff, v4  }
0x87: {  	v4 =	vld.idx.msk [tilespmem:v3+s29+$0x10 ss:$0x1], $0xffff;
	_ =	sdelay $0x4  }
0x88: {  	v5 =	vadd.s32 v2, v4  }
0x89: {  	v40 =	vld [tilespmem:s26+$0xFFFFFFD0]  }
0x8a: {  	v41 =	vld [tilespmem:s26+$0x50];
	_ =	sdelay $0x2  }
0x8b: {  	v42 =	vld.idx.msk [tilespmem:v5+s2+$0x0], $0xffff  }
0x8c: {  	v43 =	vperm.xlane v4, v1;
	v44 =	vperm.xlane v40, v1;
	v45 =	vld.idx.msk [tilespmem:v5+s17+$0x0], $0xffff  }
0x8d: {  	v46 =	vperm.xlane v41, v1  }
0x8e: {  	vm13 =	veq.s32 v43, v4;
	v4 =	vmax.f32 v40, v44  }
0x8f: {  	v47 =	vmax.f32 v41, v46;
	v4 =	vsel vm13, v4, v40  }
0x90: {  	v6 =	vsel vm13, v47, v41;
	v4 =	vmax.f32 v42, v4  }
0x91: {  	[tilespmem:v5+s2+$0x0] =	vst.idx.msk $0xffff, v4;
	v4 =	vmax.f32 v45, v6  }
0x92: {  	[tilespmem:v5+s17+$0x0] =	vst.idx.msk $0xffff, v4  }
0x93: {  	v4 =	vld.idx.msk [tilespmem:v3+s29+$0x20 ss:$0x1], $0xffff;
	_ =	sdelay $0x4  }
0x94: {  	v5 =	vadd.s32 v2, v4  }
0x95: {  	v48 =	vld [tilespmem:s26+$0xFFFFFFE0]  }
0x96: {  	v49 =	vld [tilespmem:s26+$0x60];
	_ =	sdelay $0x2  }
0x97: {  	v50 =	vld.idx.msk [tilespmem:v5+s2+$0x0], $0xffff  }
0x98: {  	v51 =	vperm.xlane v4, v1;
	v52 =	vperm.xlane v48, v1;
	v53 =	vld.idx.msk [tilespmem:v5+s17+$0x0], $0xffff  }
0x99: {  	v54 =	vperm.xlane v49, v1  }
0x9a: {  	vm14 =	veq.s32 v51, v4;
	v4 =	vmax.f32 v48, v52  }
0x9b: {  	v55 =	vmax.f32 v49, v54;
	v4 =	vsel vm14, v4, v48  }
0x9c: {  	v6 =	vsel vm14, v55, v49;
	v4 =	vmax.f32 v50, v4  }
0x9d: {  	[tilespmem:v5+s2+$0x0] =	vst.idx.msk $0xffff, v4;
	v4 =	vmax.f32 v53, v6  }
0x9e: {  	[tilespmem:v5+s17+$0x0] =	vst.idx.msk $0xffff, v4  }
0x9f: {  	v4 =	vld.idx.msk [tilespmem:v3+s29+$0x30 ss:$0x1], $0xffff;
	_ =	sdelay $0x4  }
0xa0: {  	v5 =	vadd.s32 v2, v4  }
0xa1: {  	v56 =	vld [tilespmem:s26+$0xFFFFFFF0]  }
0xa2: {  	v57 =	vld [tilespmem:s26+$0x70];
	_ =	sdelay $0x2  }
0xa3: {  	v58 =	vld.idx.msk [tilespmem:v5+s2+$0x0], $0xffff  }
0xa4: {  	v59 =	vperm.xlane v4, v1;
	v60 =	vperm.xlane v56, v1;
	v61 =	vld.idx.msk [tilespmem:v5+s17+$0x0], $0xffff  }
0xa5: {  	p1 =	sne.s32 s28, $0x7E00;
	v62 =	vperm.xlane v57, v1  }
.Ltmp1:
0xa6: {  	vm15 =	veq.s32 v59, v4;
	v4 =	vmax.f32 v56, v60;
	(pc) =	sbr.rel @p1 .LBB2_6-.Ltmp1, $4  }
0xa7: {  	v63 =	vmax.f32 v57, v62;
	v4 =	vsel vm15, v4, v56  }
0xa8: {  	v6 =	vsel vm15, v63, v57;
	v4 =	vmax.f32 v58, v4  }
0xa9: {  	[tilespmem:v5+s2+$0x0] =	vst.idx.msk $0xffff, v4;
	v4 =	vmax.f32 v61, v6  }
0xaa: {  	s28 =	sadd.s32 $0x200, s28;
	s26 =	sadd.s32 $0x100, s26;
	[tilespmem:v5+s17+$0x0] =	vst.idx.msk $0xffff, v4  }
0xab: {  	s25 =	sadd.s32 $0x1, s25  }
0xac: {  	p1 =	sne.s32 s25, $0x4  }
.Ltmp2:
0xad: {  	_ = 	snop;
	(pc) =	sbr.rel @p1 .LBB2_5-.Ltmp2, $2  }
0xae: {  	_ =	sdelay $0x2  }
0xaf: {  	p0 =	por !p0, !p0  }
0xb0: {  	s24 =	simm.s32 $0x0  }
0xb1: {  	v3 =	vld [tilespmem:s24+$0x8070]  }
0xb2: {  	v4 =	vld [tilespmem:s24+$0x9070]  }
0xb3: {  	v5 =	vld [tilespmem:s24+$0xA070]  }
0xb4: {  	v6 =	vld [tilespmem:s24+$0xB070]  }
0xb5: {  	v7 =	vld [tilespmem:s24+$0xC070]  }
0xb6: {  	v8 =	vld [tilespmem:s24+$0xD070]  }
0xb7: {  	v9 =	vld [tilespmem:s24+$0xE070];
	v3 =	vmax.f32 v3, v4  }
0xb8: {  	v4 =	vld [tilespmem:s24+$0xF070];
	v3 =	vmax.f32 v3, v5  }
0xb9: {  	v3 =	vmax.f32 v3, v6  }
0xba: {  	v3 =	vmax.f32 v3, v7  }
0xbb: {  	v3 =	vmax.f32 v3, v8  }
0xbc: {  	v3 =	vmax.f32 v3, v9  }
0xbd: {  	v3 =	vmax.f32 v3, v4  }
0xbe: {  	[tilespmem:s24+$0x1D070] =	vst v3;
	v3 =	vld [tilespmem:s24+$0x3020];
	_ =	sdelay $0x4  }
0xbf: {  	[tilespmem:$0x1FDD0] =	vst v3;
	v3 =	vld [tilespmem:s24+$0xB020];
	_ =	sdelay $0x4  }
0xc0: {  	[tilespmem:$0x1FDE0] =	vst v3;
	v3 =	vld [tilespmem:s24+$0x3030];
	_ =	sdelay $0x4  }
0xc1: {  	[tilespmem:$0x1FDF0] =	vst v3;
	v3 =	vld [tilespmem:s24+$0xB030];
	_ =	sdelay $0x4  }
0xc2: {  	[tilespmem:$0x1FE00] =	vst v3;
	v3 =	vld [tilespmem:s24+$0x3040];
	_ =	sdelay $0x4  }
0xc3: {  	[tilespmem:$0x1FE20] =	vst v3;
	v3 =	vld [tilespmem:s24+$0xB040];
	_ =	sdelay $0x4  }
0xc4: {  	[tilespmem:$0x1FE30] =	vst v3;
	v3 =	vld [tilespmem:s24+$0x3050];
	_ =	sdelay $0x4  }
0xc5: {  	[tilespmem:$0x1FE50] =	vst v3;
	v3 =	vld [tilespmem:s24+$0xB050];
	_ =	sdelay $0x4  }
0xc6: {  	[tilespmem:$0x1FE60] =	vst v3;
	v3 =	vld [tilespmem:s24+$0x3060];
	_ =	sdelay $0x4  }
0xc7: {  	[tilespmem:$0x1FE80] =	vst v3;
	v3 =	vld [tilespmem:s24+$0xB060];
	_ =	sdelay $0x4  }
0xc8: {  	[tilespmem:$0x1FEA0] =	vst v3;
	v3 =	vld [tilespmem:s24+$0x3070];
	_ =	sdelay $0x4  }
0xc9: {  	[tilespmem:$0x1FEC0] =	vst v3;
	v3 =	vld [tilespmem:s24+$0xC010];
	_ =	sdelay $0x4  }
0xca: {  	[tilespmem:$0x1FE10] =	vst v3;
	v3 =	vld [tilespmem:s24+$0x4020];
	_ =	sdelay $0x4  }
0xcb: {  	[tilespmem:$0x1FE40] =	vst v3;
	v3 =	vld [tilespmem:s24+$0xC020];
	_ =	sdelay $0x4  }
0xcc: {  	[tilespmem:$0x1FE70] =	vst v3;
	v3 =	vld [tilespmem:s24+$0x4030];
	_ =	sdelay $0x4  }
0xcd: {  	[tilespmem:$0x1FEB0] =	vst v3;
	v3 =	vld [tilespmem:s24+$0xC030];
	_ =	sdelay $0x4  }
0xce: {  	[tilespmem:$0x1FEE0] =	vst v3;
	v3 =	vld [tilespmem:s24+$0x4040];
	_ =	sdelay $0x4  }
0xcf: {  	[tilespmem:$0x1FEF0] =	vst v3;
	v3 =	vld [tilespmem:s24+$0xC040];
	_ =	sdelay $0x4  }
0xd0: {  	[tilespmem:$0x1FF10] =	vst v3;
	v3 =	vld [tilespmem:s24+$0x4050];
	_ =	sdelay $0x4  }
0xd1: {  	[tilespmem:$0x1FF30] =	vst v3;
	v3 =	vld [tilespmem:s24+$0xC050];
	_ =	sdelay $0x4  }
0xd2: {  	[tilespmem:$0x1FF40] =	vst v3;
	v3 =	vld [tilespmem:s24+$0x4060];
	_ =	sdelay $0x4  }
0xd3: {  	[tilespmem:$0x1FF60] =	vst v3;
	v3 =	vld [tilespmem:s24+$0xC060];
	_ =	sdelay $0x1  }
0xd4: {  	v63 =	vld [tilespmem:s24+$0x9000]  }
0xd5: {  	v18 =	vld [tilespmem:s24+$0x8010]  }
0xd6: {  	v19 =	vld [tilespmem:s24+$0x1010]  }
0xd7: {  	[tilespmem:$0x1FF80] =	vst v3;
	v3 =	vld [tilespmem:s24+$0x4070]  }
0xd8: {  	v20 =	vld [tilespmem:s24+$0x9010]  }
0xd9: {  	v21 =	vld [tilespmem:s24+$0x20]  }
0xda: {  	v22 =	vld [tilespmem:s24+$0x8020]  }
0xdb: {  	v23 =	vld [tilespmem:s24+$0x1020]  }
0xdc: {  	[tilespmem:$0x1FF90] =	vst v3;
	v3 =	vld [tilespmem:s24+$0xD020]  }
0xdd: {  	v24 =	vld [tilespmem:s24+$0x9020]  }
0xde: {  	v25 =	vld [tilespmem:s24+$0x30]  }
0xdf: {  	v26 =	vld [tilespmem:s24+$0x8030]  }
0xe0: {  	v27 =	vld [tilespmem:s24+$0x1030]  }
0xe1: {  	[tilespmem:$0x1FE90] =	vst v3;
	v3 =	vld [tilespmem:s24+$0x5030]  }
0xe2: {  	v28 =	vld [tilespmem:s24+$0x9030]  }
0xe3: {  	v29 =	vld [tilespmem:s24+$0x40]  }
0xe4: {  	v30 =	vld [tilespmem:s24+$0x8040]  }
0xe5: {  	v31 =	vld [tilespmem:s24+$0x1040]  }
0xe6: {  	[tilespmem:$0x1FED0] =	vst v3;
	v3 =	vld [tilespmem:s24+$0xD030]  }
0xe7: {  	v32 =	vld [tilespmem:s24+$0x9040]  }
0xe8: {  	v33 =	vld [tilespmem:s24+$0x50]  }
0xe9: {  	v34 =	vld [tilespmem:s24+$0x8050]  }
0xea: {  	v35 =	vld [tilespmem:s24+$0x1050]  }
0xeb: {  	[tilespmem:$0x1FF20] =	vst v3;
	v3 =	vld [tilespmem:s24+$0x5040]  }
0xec: {  	v36 =	vld [tilespmem:s24+$0x9050]  }
0xed: {  	v37 =	vld [tilespmem:s24+$0x60]  }
0xee: {  	v38 =	vld [tilespmem:s24+$0x8060]  }
0xef: {  	v39 =	vld [tilespmem:s24+$0x1060]  }
0xf0: {  	[tilespmem:$0x1FF70] =	vst v3;
	v3 =	vld [tilespmem:s24+$0xD040]  }
0xf1: {  	v40 =	vld [tilespmem:s24+$0x9060]  }
0xf2: {  	v41 =	vld [tilespmem:s24+$0x70]  }
0xf3: {  	v42 =	vld [tilespmem:s24+$0x1070]  }
0xf4: {  	v43 =	vld [tilespmem:s24+$0x2000]  }
0xf5: {  	[tilespmem:$0x1FFA0] =	vst v3;
	v3 =	vld [tilespmem:s24+$0x5050]  }
0xf6: {  	v44 =	vld [tilespmem:s24+$0xA000]  }
0xf7: {  	v45 =	vld [tilespmem:s24+$0x2010]  }
0xf8: {  	v46 =	vld [tilespmem:s24+$0xA010]  }
0xf9: {  	v47 =	vld [tilespmem:s24+$0x2020]  }
0xfa: {  	[tilespmem:$0x1FFB0] =	vst v3;
	v3 =	vld [tilespmem:s24+$0xD050]  }
0xfb: {  	v48 =	vld [tilespmem:s24+$0xA020]  }
0xfc: {  	v49 =	vld [tilespmem:s24+$0x2030]  }
0xfd: {  	v50 =	vld [tilespmem:s24+$0xA030]  }
0xfe: {  	v51 =	vld [tilespmem:s24+$0x2040]  }
0xff: {  	[tilespmem:$0x1FFC0] =	vst v3;
	v3 =	vld [tilespmem:s24+$0x5060]  }
0x100: {  	v52 =	vld [tilespmem:s24+$0xA040]  }
0x101: {  	v53 =	vld [tilespmem:s24+$0x2050]  }
0x102: {  	v5 =	vld [tilespmem:s24+$0x0]  }
0x103: {  	v54 =	vld [tilespmem:s24+$0xA050]  }
0x104: {  	[tilespmem:$0x1FFD0] =	vst v3;
	v3 =	vld [tilespmem:s24+$0xD060]  }
0x105: {  	v55 =	vld [tilespmem:s24+$0x2060]  }
0x106: {  	v56 =	vld [tilespmem:s24+$0xA060]  }
0x107: {  	[tilespmem:$0x1FD90] =	vst v5;
	v5 =	vld [tilespmem:s24+$0x8000]  }
0x108: {  	v57 =	vld [tilespmem:s24+$0x2070]  }
0x109: {  	[tilespmem:$0x1FFE0] =	vst v3;
	v3 =	vld [tilespmem:s24+$0x5070]  }
0x10a: {  	v58 =	vld [tilespmem:s24+$0x3000]  }
0x10b: {  	v59 =	vld [tilespmem:s24+$0xB000]  }
0x10c: {  	[tilespmem:$0x1FDB0] =	vst v5;
	v5 =	vld [tilespmem:s24+$0x1000]  }
0x10d: {  	v60 =	vld [tilespmem:s24+$0x3010]  }
0x10e: {  	[tilespmem:$0x1FFF0] =	vst v3;
	v3 =	vld [tilespmem:s24+$0x6030]  }
0x10f: {  	v61 =	vld [tilespmem:s24+$0xB010]  }
0x110: {  	v10 =	vld [tilespmem:s24+$0x4000]  }
0x111: {  	v13 =	vld [tilespmem:s24+$0xC000];
	[tilespmem:$0x1FDA0] =	vst v5  }
0x112: {  	v62 =	vld [tilespmem:$0x1FDA0]  }
0x113: {  	[tilespmem:$0x1FF00] =	vst v3;
	v3 =	vld [tilespmem:$0x1FD90]  }
0x114: {  	v16 =	vld [tilespmem:s24+$0x4010]  }
0x115: {  	v11 =	vld [tilespmem:s24+$0x5010]  }
0x116: {  	v14 =	vld [tilespmem:s24+$0xD010]  }
0x117: {  	v17 =	vld [tilespmem:s24+$0x5020]  }
0x118: {  	v3 =	vmax.f32 v3, v62;
	v62 =	vld [tilespmem:$0x1FDB0]  }
0x119: {  	v12 =	vld [tilespmem:s24+$0x6020]  }
0x11a: {  	v15 =	vld [tilespmem:s24+$0xE020]  }
0x11b: {  	v18 =	vmax.f32 v18, v20;
	v20 =	vmax.f32 v21, v23;
	v21 =	vld [tilespmem:s24+$0x6040]  }
0x11c: {  	v5 =	vld [tilespmem:s24+$0x10]  }
0x11d: {  	v63 =	vmax.f32 v62, v63;
	v62 =	vld [tilespmem:s24+$0xE030]  }
0x11e: {  	v23 =	vmax.f32 v25, v27;
	v25 =	vld [tilespmem:s24+$0xE040]  }
0x11f: {  	v22 =	vmax.f32 v22, v24;
	v24 =	vmax.f32 v26, v28;
	v23 =	vmax.f32 v23, v49;
	v49 =	vld [tilespmem:s24+$0x7000]  }
0x120: {  	v26 =	vmax.f32 v29, v31;
	v24 =	vmax.f32 v24, v50;
	v50 =	vld [tilespmem:s24+$0xF000]  }
0x121: {  	v26 =	vmax.f32 v26, v51;
	v51 =	vld [tilespmem:$0x1FDD0];
	[tilespmem:$0x1FDC0] =	vst v5  }
0x122: {  	v27 =	vmax.f32 v30, v32;
	v30 =	vmax.f32 v34, v36;
	[tilespmem:$0x1FF50] =	vst v62;
	v62 =	vld [tilespmem:$0x1FDC0]  }
0x123: {  	v30 =	vmax.f32 v30, v54;
	v54 =	vld [tilespmem:$0x1FE10]  }
0x124: {  	v28 =	vmax.f32 v33, v35;
	v31 =	vmax.f32 v37, v39;
	v7 =	vld [tilespmem:s24+$0x6010]  }
0x125: {  	v18 =	vmax.f32 v18, v46;
	v20 =	vmax.f32 v20, v47;
	v27 =	vmax.f32 v27, v52;
	v8 =	vld [tilespmem:s24+$0xD000]  }
0x126: {  	v28 =	vmax.f32 v28, v53;
	v31 =	vmax.f32 v31, v55;
	v18 =	vmax.f32 v18, v61;
	v5 =	vld [tilespmem:s24+$0xE000]  }
0x127: {  	v20 =	vmax.f32 v20, v51;
	v55 =	vld [tilespmem:$0x1FE40];
	v63 =	vmax.f32 v63, v44;
	v19 =	vmax.f32 v62, v19  }
0x128: {  	v9 =	vld [tilespmem:s24+$0xE010];
	v18 =	vmax.f32 v18, v54;
	v35 =	vmax.f32 v63, v59;
	v19 =	vmax.f32 v19, v45  }
0x129: {  	v6 =	vld [tilespmem:s24+$0x5000];
	v3 =	vmax.f32 v3, v43;
	v13 =	vmax.f32 v35, v13;
	v19 =	vmax.f32 v19, v60  }
0x12a: {  	v4 =	vld [tilespmem:s24+$0x6000];
	v3 =	vmax.f32 v3, v58;
	v8 =	vmax.f32 v13, v8;
	v16 =	vmax.f32 v19, v16  }
0x12b: {  	v52 =	vld [tilespmem:$0x1FDE0];
	v5 =	vmax.f32 v8, v5;
	v62 =	vmax.f32 v41, v42;
	v8 =	vmax.f32 v16, v11  }
0x12c: {  	v53 =	vld [tilespmem:$0x1FE00];
	v7 =	vmax.f32 v8, v7;
	v8 =	vmax.f32 v18, v14;
	v18 =	vmax.f32 v20, v55  }
0x12d: {  	v34 =	vmax.f32 v62, v57;
	v57 =	vld [tilespmem:$0x1FE70];
	v8 =	vmax.f32 v8, v9;
	v9 =	vmax.f32 v18, v17  }
0x12e: {  	v32 =	vmax.f32 v38, v40;
	v3 =	vmax.f32 v3, v10;
	v9 =	vmax.f32 v9, v12;
	v12 =	vld [tilespmem:$0x1FE90]  }
0x12f: {  	v32 =	vmax.f32 v32, v56;
	v56 =	vld [tilespmem:$0x1FE60];
	v3 =	vmax.f32 v3, v6  }
0x130: {  	v22 =	vmax.f32 v22, v48;
	v61 =	vld [tilespmem:$0x1FF00];
	v3 =	vmax.f32 v3, v4  }
0x131: {  	v22 =	vmax.f32 v22, v52;
	v10 =	vld [tilespmem:s24+$0x7010];
	v3 =	vmax.f32 v3, v49  }
0x132: {  	[tilespmem:s24+$0x1C000] =	vst v3;
	v3 =	vld [tilespmem:$0x1FDF0];
	v18 =	vmax.f32 v22, v57  }
0x133: {  	v59 =	vld [tilespmem:$0x1FEB0];
	v12 =	vmax.f32 v18, v12  }
0x134: {  	v12 =	vmax.f32 v12, v15;
	v15 =	vld [tilespmem:$0x1FED0]  }
0x135: {  	v6 =	vld [tilespmem:s24+$0xF010]  }
0x136: {  	v11 =	vld [tilespmem:s24+$0x7030]  }
0x137: {  	v4 =	vld [tilespmem:s24+$0x7020];
	v3 =	vmax.f32 v23, v3  }
0x138: {  	v13 =	vld [tilespmem:s24+$0xF020];
	v5 =	vmax.f32 v5, v50;
	v3 =	vmax.f32 v3, v59  }
0x139: {  	[tilespmem:s24+$0x1D000] =	vst v5;
	v5 =	vld [tilespmem:$0x1FE20];
	v7 =	vmax.f32 v7, v10;
	v3 =	vmax.f32 v3, v15  }
0x13a: {  	[tilespmem:s24+$0x1C010] =	vst v7;
	v7 =	vld [tilespmem:$0x1FE50];
	v3 =	vmax.f32 v3, v61  }
0x13b: {  	v3 =	vmax.f32 v3, v11;
	v11 =	vld [tilespmem:$0x1FF30]  }
0x13c: {  	v60 =	vld [tilespmem:$0x1FEF0]  }
0x13d: {  	v14 =	vld [tilespmem:$0x1FE30];
	v6 =	vmax.f32 v8, v6  }
0x13e: {  	[tilespmem:s24+$0x1D010] =	vst v6;
	v6 =	vld [tilespmem:$0x1FE80];
	v12 =	vmax.f32 v12, v13  }
0x13f: {  	v7 =	vmax.f32 v28, v7;
	[tilespmem:s24+$0x1D020] =	vst v12;
	v12 =	vld [tilespmem:$0x1FF10]  }
0x140: {  	v11 =	vmax.f32 v7, v11;
	v7 =	vld [tilespmem:$0x1FF40]  }
0x141: {  	[tilespmem:s24+$0x1C030] =	vst v3;
	v3 =	vld [tilespmem:$0x1FF60]  }
0x142: {  	v10 =	vld [tilespmem:s24+$0xF030]  }
0x143: {  	v14 =	vmax.f32 v27, v14;
	v15 =	vld [tilespmem:$0x1FEE0]  }
0x144: {  	v17 =	vmax.f32 v30, v56;
	v14 =	vmax.f32 v14, v12;
	v12 =	vld [tilespmem:$0x1FF20]  }
0x145: {  	v6 =	vmax.f32 v31, v6;
	v62 =	vmax.f32 v17, v7;
	v7 =	vld [tilespmem:$0x1FF50]  }
0x146: {  	v3 =	vmax.f32 v6, v3;
	v6 =	vld [tilespmem:$0x1FF70]  }
0x147: {  	v29 =	vld [tilespmem:s24+$0x6050];
	v16 =	vmax.f32 v24, v53  }
0x148: {  	v33 =	vld [tilespmem:s24+$0xE050];
	v15 =	vmax.f32 v16, v15  }
0x149: {  	v47 =	vld [tilespmem:s24+$0xE060];
	v5 =	vmax.f32 v26, v5;
	v15 =	vmax.f32 v15, v12  }
0x14a: {  	v48 =	vld [tilespmem:s24+$0x6070];
	v5 =	vmax.f32 v5, v60;
	v4 =	vmax.f32 v9, v4;
	v7 =	vmax.f32 v15, v7  }
0x14b: {  	[tilespmem:s24+$0x1C020] =	vst v4;
	v4 =	vld [tilespmem:$0x1FEC0];
	v5 =	vmax.f32 v5, v6;
	v6 =	vmax.f32 v7, v10  }
0x14c: {  	[tilespmem:s24+$0x1D030] =	vst v6;
	v6 =	vld [tilespmem:$0x1FFA0]  }
0x14d: {  	v15 =	vld [tilespmem:$0x1FF90]  }
0x14e: {  	v8 =	vld [tilespmem:s24+$0x7040]  }
0x14f: {  	v58 =	vld [tilespmem:$0x1FEA0]  }
0x150: {  	v44 =	vld [tilespmem:s24+$0x6060]  }
0x151: {  	v4 =	vmax.f32 v34, v4;
	v6 =	vmax.f32 v14, v6;
	v14 =	vld [tilespmem:$0x1FFB0]  }
0x152: {  	v5 =	vmax.f32 v5, v21;
	v4 =	vmax.f32 v4, v15;
	v15 =	vld [tilespmem:$0x1FFD0]  }
0x153: {  	v9 =	vld [tilespmem:s24+$0xF040];
	v5 =	vmax.f32 v5, v8  }
0x154: {  	[tilespmem:s24+$0x1C040] =	vst v5;
	v5 =	vld [tilespmem:$0x1FFF0]  }
0x155: {  	v10 =	vld [tilespmem:$0x1FF80]  }
0x156: {  	v11 =	vmax.f32 v11, v14;
	v14 =	vld [tilespmem:$0x1FFC0]  }
0x157: {  	v3 =	vmax.f32 v3, v15;
	v15 =	vld [tilespmem:$0x1FFE0]  }
0x158: {  	v13 =	vld [tilespmem:s24+$0x7050]  }
0x159: {  	v18 =	vmax.f32 v32, v58;
	v12 =	vld [tilespmem:s24+$0xF050]  }
0x15a: {  	v7 =	vld [tilespmem:s24+$0x7060];
	v10 =	vmax.f32 v18, v10;
	v63 =	vmax.f32 v4, v5;
	v5 =	vmax.f32 v6, v25  }
0x15b: {  	v8 =	vld [tilespmem:s24+$0xF060];
	v4 =	vmax.f32 v3, v44;
	v11 =	vmax.f32 v11, v29;
	v14 =	vmax.f32 v62, v14  }
0x15c: {  	s26 =	simm.s32 $0x80;
	v15 =	vmax.f32 v10, v15;
	v10 =	vld [tilespmem:s24+$0x7070];
	v6 =	vmax.f32 v14, v33;
	v14 =	vmax.f32 v5, v9  }
0x15d: {  	s25 =	simm.s32 $0x400;
	v3 =	vmax.f32 v63, v48;
	v11 =	vmax.f32 v11, v13;
	v9 =	vld [tilespmem:s26+$0x8070];
	v5 =	vmax.f32 v15, v47;
	[tilespmem:s24+$0x1D040] =	vst v14  }
.LBB2_9:
0x15e: {  	p0 =	sne.s32 s25, $0x3E00;
	v13 =	vld [tilespmem:s26+$0x9070];
	v6 =	vmax.f32 v6, v12;
	[tilespmem:s24+$0x1C050] =	vst v11  }
0x15f: {  	v11 =	vld [tilespmem:s26+$0xA070];
	[tilespmem:s24+$0x1D050] =	vst v6;
	v4 =	vmax.f32 v4, v7  }
0x160: {  	v6 =	vld [tilespmem:s26+$0xB070];
	v5 =	vmax.f32 v5, v8;
	[tilespmem:s24+$0x1C060] =	vst v4  }
0x161: {  	v4 =	vld [tilespmem:s26+$0xC070];
	[tilespmem:s24+$0x1D060] =	vst v5;
	v3 =	vmax.f32 v3, v10  }
0x162: {  	v5 =	vld [tilespmem:s26+$0xD070];
	[tilespmem:s24+$0x1C070] =	vst v3;
	s24 =	smov.u32 s26  }
0x163: {  	v3 =	vmax.f32 v9, v13;
	v7 =	vld [tilespmem:s24+$0xE070]  }
0x164: {  	v3 =	vmax.f32 v3, v11;
	v8 =	vld [tilespmem:s24+$0xF070]  }
0x165: {  	v9 =	vld [tilespmem:s24+$0x0];
	v3 =	vmax.f32 v3, v6  }
0x166: {  	v6 =	vld [tilespmem:s24+$0x8000];
	v3 =	vmax.f32 v3, v4  }
0x167: {  	v4 =	vld [tilespmem:s24+$0x1000];
	v3 =	vmax.f32 v3, v5  }
0x168: {  	v5 =	vld [tilespmem:s24+$0x9000];
	v3 =	vmax.f32 v3, v7  }
0x169: {  	v7 =	vld [tilespmem:s24+$0x10];
	v3 =	vmax.f32 v3, v8  }
0x16a: {  	v8 =	vld [tilespmem:s24+$0x8010];
	[tilespmem:s24+$0x1D070] =	vst v3  }
0x16b: {  	v3 =	vld [tilespmem:s24+$0x1010]  }
0x16c: {  	v4 =	vmax.f32 v9, v4;
	v9 =	vld [tilespmem:s24+$0x9010]  }
0x16d: {  	v5 =	vmax.f32 v6, v5;
	v6 =	vld [tilespmem:s24+$0x20]  }
0x16e: {  	v10 =	vld [tilespmem:s24+$0x8020]  }
0x16f: {  	v11 =	vld [tilespmem:s24+$0x1020]  }
0x170: {  	v3 =	vmax.f32 v7, v3;
	v7 =	vld [tilespmem:s24+$0x9020]  }
0x171: {  	v8 =	vmax.f32 v8, v9;
	v9 =	vld [tilespmem:s24+$0x30]  }
0x172: {  	v12 =	vld [tilespmem:s24+$0x8030]  }
0x173: {  	v13 =	vld [tilespmem:s24+$0x1030]  }
0x174: {  	v6 =	vmax.f32 v6, v11;
	v11 =	vld [tilespmem:s24+$0x9030]  }
0x175: {  	v7 =	vmax.f32 v10, v7;
	v10 =	vld [tilespmem:s24+$0x40]  }
0x176: {  	v14 =	vld [tilespmem:s24+$0x8040]  }
0x177: {  	v15 =	vld [tilespmem:s24+$0x1040]  }
0x178: {  	v9 =	vmax.f32 v9, v13;
	v13 =	vld [tilespmem:s24+$0x9040]  }
0x179: {  	v11 =	vmax.f32 v12, v11;
	v12 =	vld [tilespmem:s24+$0x50]  }
0x17a: {  	v16 =	vld [tilespmem:s24+$0x8050]  }
0x17b: {  	v17 =	vld [tilespmem:s24+$0x1050]  }
0x17c: {  	v10 =	vmax.f32 v10, v15;
	v15 =	vld [tilespmem:s24+$0x9050]  }
0x17d: {  	v13 =	vmax.f32 v14, v13;
	v14 =	vld [tilespmem:s24+$0x60]  }
0x17e: {  	v18 =	vld [tilespmem:s24+$0x8060]  }
0x17f: {  	v19 =	vld [tilespmem:s24+$0x1060]  }
0x180: {  	v12 =	vmax.f32 v12, v17;
	v17 =	vld [tilespmem:s24+$0x9060]  }
0x181: {  	v15 =	vmax.f32 v16, v15;
	v16 =	vld [tilespmem:s24+$0x70]  }
0x182: {  	v20 =	vld [tilespmem:s24+$0x1070]  }
0x183: {  	v21 =	vld [tilespmem:s24+$0x2000]  }
0x184: {  	v22 =	vld [tilespmem:s24+$0xA000];
	v14 =	vmax.f32 v14, v19  }
0x185: {  	v19 =	vld [tilespmem:s24+$0x2010];
	v17 =	vmax.f32 v18, v17  }
0x186: {  	v18 =	vld [tilespmem:s24+$0xA010]  }
0x187: {  	v23 =	vld [tilespmem:s24+$0x2020];
	v16 =	vmax.f32 v16, v20  }
0x188: {  	v4 =	vmax.f32 v4, v21;
	v20 =	vld [tilespmem:s24+$0xA020]  }
0x189: {  	v5 =	vmax.f32 v5, v22;
	v21 =	vld [tilespmem:s24+$0x2030]  }
0x18a: {  	v3 =	vmax.f32 v3, v19;
	v19 =	vld [tilespmem:s24+$0xA030]  }
0x18b: {  	v8 =	vmax.f32 v8, v18;
	v18 =	vld [tilespmem:s24+$0x2040]  }
0x18c: {  	v6 =	vmax.f32 v6, v23;
	v22 =	vld [tilespmem:s24+$0xA040]  }
0x18d: {  	v7 =	vmax.f32 v7, v20;
	v20 =	vld [tilespmem:s24+$0x2050]  }
0x18e: {  	v9 =	vmax.f32 v9, v21;
	v21 =	vld [tilespmem:s24+$0xA050]  }
0x18f: {  	v11 =	vmax.f32 v11, v19;
	v19 =	vld [tilespmem:s24+$0x2060]  }
0x190: {  	v10 =	vmax.f32 v10, v18;
	v18 =	vld [tilespmem:s24+$0xA060]  }
0x191: {  	v13 =	vmax.f32 v13, v22;
	v22 =	vld [tilespmem:s24+$0x2070]  }
0x192: {  	v23 =	vld [tilespmem:s24+$0x3000];
	v12 =	vmax.f32 v12, v20  }
0x193: {  	v20 =	vld [tilespmem:s24+$0xB000];
	v15 =	vmax.f32 v15, v21  }
0x194: {  	v21 =	vld [tilespmem:s24+$0x3010];
	v14 =	vmax.f32 v14, v19  }
0x195: {  	v19 =	vld [tilespmem:s24+$0xB010];
	v17 =	vmax.f32 v17, v18  }
0x196: {  	v18 =	vld [tilespmem:s24+$0x3020];
	v16 =	vmax.f32 v16, v22  }
0x197: {  	v4 =	vmax.f32 v4, v23;
	v22 =	vld [tilespmem:s24+$0xB020]  }
0x198: {  	v5 =	vmax.f32 v5, v20;
	v20 =	vld [tilespmem:s24+$0x3030]  }
0x199: {  	v3 =	vmax.f32 v3, v21;
	v21 =	vld [tilespmem:s24+$0xB030]  }
0x19a: {  	v8 =	vmax.f32 v8, v19;
	v19 =	vld [tilespmem:s24+$0x3040]  }
0x19b: {  	v6 =	vmax.f32 v6, v18;
	v18 =	vld [tilespmem:s24+$0xB040]  }
0x19c: {  	v7 =	vmax.f32 v7, v22;
	v22 =	vld [tilespmem:s24+$0x3050]  }
0x19d: {  	v9 =	vmax.f32 v9, v20;
	v20 =	vld [tilespmem:s24+$0xB050]  }
0x19e: {  	v11 =	vmax.f32 v11, v21;
	v21 =	vld [tilespmem:s24+$0x3060]  }
0x19f: {  	v10 =	vmax.f32 v10, v19;
	v19 =	vld [tilespmem:s24+$0xB060]  }
0x1a0: {  	v13 =	vmax.f32 v13, v18;
	v18 =	vld [tilespmem:s24+$0x3070]  }
0x1a1: {  	v23 =	vld [tilespmem:s24+$0x4000];
	v12 =	vmax.f32 v12, v22  }
0x1a2: {  	v22 =	vld [tilespmem:s24+$0xC000];
	v15 =	vmax.f32 v15, v20  }
0x1a3: {  	v20 =	vld [tilespmem:s24+$0x4010];
	v14 =	vmax.f32 v14, v21  }
0x1a4: {  	v21 =	vld [tilespmem:s24+$0xC010];
	v17 =	vmax.f32 v17, v19  }
0x1a5: {  	v19 =	vld [tilespmem:s24+$0x4020];
	v16 =	vmax.f32 v16, v18  }
0x1a6: {  	v4 =	vmax.f32 v4, v23;
	v18 =	vld [tilespmem:s24+$0xC020]  }
0x1a7: {  	v5 =	vmax.f32 v5, v22;
	v22 =	vld [tilespmem:s24+$0x4030]  }
0x1a8: {  	v3 =	vmax.f32 v3, v20;
	v20 =	vld [tilespmem:s24+$0xC030]  }
0x1a9: {  	v8 =	vmax.f32 v8, v21;
	v21 =	vld [tilespmem:s24+$0x4040]  }
0x1aa: {  	v6 =	vmax.f32 v6, v19;
	v19 =	vld [tilespmem:s24+$0xC040]  }
0x1ab: {  	v7 =	vmax.f32 v7, v18;
	v18 =	vld [tilespmem:s24+$0x4050]  }
0x1ac: {  	v9 =	vmax.f32 v9, v22;
	v22 =	vld [tilespmem:s24+$0xC050]  }
0x1ad: {  	v11 =	vmax.f32 v11, v20;
	v20 =	vld [tilespmem:s24+$0x4060]  }
0x1ae: {  	v10 =	vmax.f32 v10, v21;
	v21 =	vld [tilespmem:s24+$0xC060]  }
0x1af: {  	v13 =	vmax.f32 v13, v19;
	v19 =	vld [tilespmem:s24+$0x4070]  }
0x1b0: {  	v23 =	vld [tilespmem:s24+$0x5000];
	v12 =	vmax.f32 v12, v18  }
0x1b1: {  	v18 =	vld [tilespmem:s24+$0xD000];
	v15 =	vmax.f32 v15, v22  }
0x1b2: {  	v22 =	vld [tilespmem:s24+$0x5010];
	v14 =	vmax.f32 v14, v20  }
0x1b3: {  	v20 =	vld [tilespmem:s24+$0xD010];
	v17 =	vmax.f32 v17, v21  }
0x1b4: {  	v21 =	vld [tilespmem:s24+$0x5020];
	v16 =	vmax.f32 v16, v19  }
0x1b5: {  	v4 =	vmax.f32 v4, v23;
	v19 =	vld [tilespmem:s24+$0xD020]  }
0x1b6: {  	v5 =	vmax.f32 v5, v18;
	v18 =	vld [tilespmem:s24+$0x5030]  }
0x1b7: {  	v3 =	vmax.f32 v3, v22;
	v22 =	vld [tilespmem:s24+$0xD030]  }
0x1b8: {  	v8 =	vmax.f32 v8, v20;
	v20 =	vld [tilespmem:s24+$0x5040]  }
0x1b9: {  	v6 =	vmax.f32 v6, v21;
	v21 =	vld [tilespmem:s24+$0xD040]  }
0x1ba: {  	v7 =	vmax.f32 v7, v19;
	v19 =	vld [tilespmem:s24+$0x5050]  }
0x1bb: {  	v9 =	vmax.f32 v9, v18;
	v18 =	vld [tilespmem:s24+$0xD050]  }
0x1bc: {  	v11 =	vmax.f32 v11, v22;
	v22 =	vld [tilespmem:s24+$0x5060]  }
0x1bd: {  	v10 =	vmax.f32 v10, v20;
	v20 =	vld [tilespmem:s24+$0xD060]  }
0x1be: {  	v13 =	vmax.f32 v13, v21;
	v21 =	vld [tilespmem:s24+$0x5070]  }
0x1bf: {  	v23 =	vld [tilespmem:s24+$0x6000];
	v12 =	vmax.f32 v12, v19  }
0x1c0: {  	v19 =	vld [tilespmem:s24+$0xE000];
	v15 =	vmax.f32 v15, v18  }
0x1c1: {  	v18 =	vld [tilespmem:s24+$0x6010];
	v14 =	vmax.f32 v14, v22  }
0x1c2: {  	v22 =	vld [tilespmem:s24+$0xE010];
	v17 =	vmax.f32 v17, v20  }
0x1c3: {  	v20 =	vld [tilespmem:s24+$0x6020];
	v16 =	vmax.f32 v16, v21  }
0x1c4: {  	v21 =	vmax.f32 v4, v23;
	v4 =	vld [tilespmem:s24+$0xE020]  }
0x1c5: {  	v19 =	vmax.f32 v5, v19;
	v5 =	vld [tilespmem:s24+$0x6030]  }
0x1c6: {  	v18 =	vmax.f32 v3, v18;
	v3 =	vld [tilespmem:s24+$0xE030]  }
0x1c7: {  	v8 =	vmax.f32 v8, v22;
	v22 =	vld [tilespmem:s24+$0x6040]  }
0x1c8: {  	v20 =	vmax.f32 v6, v20;
	v6 =	vld [tilespmem:s24+$0xE040]  }
0x1c9: {  	v7 =	vmax.f32 v7, v4;
	v4 =	vld [tilespmem:s24+$0x6050]  }
0x1ca: {  	v9 =	vmax.f32 v9, v5;
	v5 =	vld [tilespmem:s24+$0xE050]  }
0x1cb: {  	v11 =	vmax.f32 v11, v3;
	v3 =	vld [tilespmem:s24+$0x6060]  }
0x1cc: {  	v10 =	vmax.f32 v10, v22;
	v22 =	vld [tilespmem:s24+$0xE060]  }
0x1cd: {  	v13 =	vmax.f32 v13, v6;
	v23 =	vld [tilespmem:s24+$0x6070]  }
0x1ce: {  	v24 =	vld [tilespmem:s24+$0x7000];
	v25 =	vmax.f32 v12, v4  }
0x1cf: {  	v12 =	vld [tilespmem:s24+$0xF000];
	v6 =	vmax.f32 v15, v5  }
0x1d0: {  	v15 =	vld [tilespmem:s24+$0x7010];
	v4 =	vmax.f32 v14, v3  }
0x1d1: {  	v14 =	vld [tilespmem:s24+$0xF010];
	v5 =	vmax.f32 v17, v22  }
0x1d2: {  	v17 =	vld [tilespmem:s24+$0x7020];
	v3 =	vmax.f32 v16, v23  }
0x1d3: {  	v16 =	vmax.f32 v21, v24;
	v21 =	vld [tilespmem:s24+$0xF020]  }
0x1d4: {  	v12 =	vmax.f32 v19, v12;
	[tilespmem:s24+$0x1C000] =	vst v16;
	v16 =	vld [tilespmem:s24+$0x7030]  }
0x1d5: {  	[tilespmem:s24+$0x1D000] =	vst v12;
	v12 =	vmax.f32 v18, v15;
	v15 =	vld [tilespmem:s24+$0xF030]  }
0x1d6: {  	v8 =	vmax.f32 v8, v14;
	[tilespmem:s24+$0x1C010] =	vst v12;
	v14 =	vld [tilespmem:s24+$0x7040]  }
0x1d7: {  	[tilespmem:s24+$0x1D010] =	vst v8;
	v8 =	vmax.f32 v20, v17;
	v17 =	vld [tilespmem:s24+$0xF040]  }
0x1d8: {  	v7 =	vmax.f32 v7, v21;
	[tilespmem:s24+$0x1C020] =	vst v8;
	v18 =	vld [tilespmem:s24+$0x7050]  }
.Ltmp3:
0x1d9: {  	[tilespmem:s24+$0x1D020] =	vst v7;
	v7 =	vmax.f32 v9, v16;
	v12 =	vld [tilespmem:s24+$0xF050];
	(pc) =	sbr.rel @p0 .LBB2_9-.Ltmp3, $4  }
0x1da: {  	v8 =	vmax.f32 v11, v15;
	[tilespmem:s24+$0x1C030] =	vst v7;
	v7 =	vld [tilespmem:s24+$0x7060]  }
0x1db: {  	[tilespmem:s24+$0x1D030] =	vst v8;
	v9 =	vmax.f32 v10, v14;
	v8 =	vld [tilespmem:s24+$0xF060]  }
0x1dc: {  	s26 =	sshra.s32 s25, $0x2;
	v11 =	vmax.f32 v13, v17;
	[tilespmem:s24+$0x1C040] =	vst v9;
	v10 =	vld [tilespmem:s24+$0x7070]  }
0x1dd: {  	s25 =	sadd.s32 $0x200, s25;
	v9 =	vld [tilespmem:s26+$0x8070];
	[tilespmem:s24+$0x1D040] =	vst v11;
	v11 =	vmax.f32 v25, v18  }
0x1de: {  	v13 =	vld [tilespmem:s26+$0x9070];
	[tilespmem:s24+$0x1C050] =	vst v11;
	v6 =	vmax.f32 v6, v12  }
0x1df: {  	v11 =	vld [tilespmem:s26+$0xA070];
	[tilespmem:s24+$0x1D050] =	vst v6;
	v4 =	vmax.f32 v4, v7  }
0x1e0: {  	v6 =	vld [tilespmem:s26+$0xB070];
	[tilespmem:s24+$0x1C060] =	vst v4;
	v37 =	vmax.f32 v5, v8  }
0x1e1: {  	v38 =	vld [tilespmem:s26+$0xC070];
	[tilespmem:s24+$0x1D060] =	vst v37;
	v3 =	vmax.f32 v3, v10  }
0x1e2: {  	v4 =	vld [tilespmem:s26+$0xD070];
	[tilespmem:s24+$0x1C070] =	vst v3  }
0x1e3: {  	v3 =	vld [tilespmem:s26+$0xE070];
	v39 =	vmax.f32 v9, v13  }
0x1e4: {  	v40 =	vld [tilespmem:s26+$0xF070];
	v7 =	vmax.f32 v39, v11  }
0x1e5: {  	v6 =	vmax.f32 v7, v6  }
0x1e6: {  	v5 =	vmax.f32 v6, v38  }
0x1e7: {  	v4 =	vmax.f32 v5, v4  }
0x1e8: {  	v3 =	vmax.f32 v4, v3  }
0x1e9: {  	v3 =	vmax.f32 v3, v40  }
0x1ea: {  	[tilespmem:s26+$0x1D070] =	vst v3;
	v3 =	vld [tilespmem:s26+$0x3010];
	_ =	sdelay $0x4  }
0x1eb: {  	[tilespmem:$0x1FB60] =	vst v3;
	v3 =	vld [tilespmem:s26+$0xB010];
	_ =	sdelay $0x4  }
0x1ec: {  	[tilespmem:$0x1FB70] =	vst v3;
	v3 =	vld [tilespmem:s26+$0x3020];
	_ =	sdelay $0x4  }
0x1ed: {  	[tilespmem:$0x1FB80] =	vst v3;
	v3 =	vld [tilespmem:s26+$0xB020];
	_ =	sdelay $0x4  }
0x1ee: {  	[tilespmem:$0x1FB90] =	vst v3;
	v3 =	vld [tilespmem:s26+$0x3030];
	_ =	sdelay $0x4  }
0x1ef: {  	[tilespmem:$0x1FBA0] =	vst v3;
	v3 =	vld [tilespmem:s26+$0xB030];
	_ =	sdelay $0x4  }
0x1f0: {  	[tilespmem:$0x1FBB0] =	vst v3;
	v3 =	vld [tilespmem:s26+$0x3040];
	_ =	sdelay $0x4  }
0x1f1: {  	[tilespmem:$0x1FBD0] =	vst v3;
	v3 =	vld [tilespmem:s26+$0xB040];
	_ =	sdelay $0x4  }
0x1f2: {  	[tilespmem:$0x1FBE0] =	vst v3;
	v3 =	vld [tilespmem:s26+$0x3050];
	_ =	sdelay $0x4  }
0x1f3: {  	[tilespmem:$0x1FC00] =	vst v3;
	v3 =	vld [tilespmem:s26+$0xB050];
	_ =	sdelay $0x4  }
0x1f4: {  	[tilespmem:$0x1FC20] =	vst v3;
	v3 =	vld [tilespmem:s26+$0x3060];
	_ =	sdelay $0x4  }
0x1f5: {  	[tilespmem:$0x1FC40] =	vst v3;
	v3 =	vld [tilespmem:s26+$0xB060];
	_ =	sdelay $0x4  }
0x1f6: {  	[tilespmem:$0x1FC60] =	vst v3;
	v3 =	vld [tilespmem:s26+$0x3070];
	_ =	sdelay $0x4  }
0x1f7: {  	[tilespmem:$0x1FC80] =	vst v3;
	v3 =	vld [tilespmem:s26+$0x4020];
	_ =	sdelay $0x4  }
0x1f8: {  	[tilespmem:$0x1FBC0] =	vst v3;
	v3 =	vld [tilespmem:s26+$0xC020];
	_ =	sdelay $0x4  }
0x1f9: {  	[tilespmem:$0x1FBF0] =	vst v3;
	v3 =	vld [tilespmem:s26+$0x4030];
	_ =	sdelay $0x4  }
0x1fa: {  	[tilespmem:$0x1FC30] =	vst v3;
	v3 =	vld [tilespmem:s26+$0xC030]  }
0x1fb: {  	v41 =	vld [tilespmem:s26+$0x0]  }
0x1fc: {  	v42 =	vld [tilespmem:s26+$0x8000]  }
0x1fd: {  	v21 =	vld [tilespmem:s26+$0x1000]  }
0x1fe: {  	v43 =	vld [tilespmem:s26+$0x9000]  }
0x1ff: {  	[tilespmem:$0x1FC70] =	vst v3;
	v3 =	vld [tilespmem:s26+$0x4040]  }
0x200: {  	v44 =	vld [tilespmem:s26+$0x10]  }
0x201: {  	v23 =	vld [tilespmem:s26+$0x8010]  }
0x202: {  	v24 =	vld [tilespmem:s26+$0x1010]  }
0x203: {  	v25 =	vld [tilespmem:s26+$0x9010]  }
0x204: {  	[tilespmem:$0x1FCA0] =	vst v3;
	v3 =	vld [tilespmem:s26+$0xC040]  }
0x205: {  	v26 =	vld [tilespmem:s26+$0x20]  }
0x206: {  	v27 =	vld [tilespmem:s26+$0x8020]  }
0x207: {  	v28 =	vld [tilespmem:s26+$0x1020]  }
0x208: {  	v29 =	vld [tilespmem:s26+$0x9020]  }
0x209: {  	[tilespmem:$0x1FCB0] =	vst v3;
	v3 =	vld [tilespmem:s26+$0x4050]  }
0x20a: {  	v30 =	vld [tilespmem:s26+$0x30]  }
0x20b: {  	v31 =	vld [tilespmem:s26+$0x8030]  }
0x20c: {  	v32 =	vld [tilespmem:s26+$0x1030]  }
0x20d: {  	v33 =	vld [tilespmem:s26+$0x9030]  }
0x20e: {  	[tilespmem:$0x1FCD0] =	vst v3;
	v3 =	vld [tilespmem:s26+$0xC050]  }
0x20f: {  	v34 =	vld [tilespmem:s26+$0x40]  }
0x210: {  	v35 =	vld [tilespmem:s26+$0x8040]  }
0x211: {  	v36 =	vld [tilespmem:s26+$0x1040]  }
0x212: {  	v37 =	vld [tilespmem:s26+$0x9040]  }
0x213: {  	[tilespmem:$0x1FCF0] =	vst v3;
	v3 =	vld [tilespmem:s26+$0x4060]  }
0x214: {  	v45 =	vld [tilespmem:s26+$0x9060]  }
0x215: {  	v46 =	vld [tilespmem:s26+$0x70]  }
0x216: {  	v47 =	vld [tilespmem:s26+$0x1070]  }
0x217: {  	v48 =	vld [tilespmem:s26+$0x2000]  }
0x218: {  	[tilespmem:$0x1FD00] =	vst v3;
	v3 =	vld [tilespmem:s26+$0xC060]  }
0x219: {  	v49 =	vld [tilespmem:s26+$0xA000]  }
0x21a: {  	v50 =	vld [tilespmem:s26+$0x2010]  }
0x21b: {  	v51 =	vld [tilespmem:s26+$0xA010]  }
0x21c: {  	v52 =	vld [tilespmem:s26+$0x2020]  }
0x21d: {  	[tilespmem:$0x1FD10] =	vst v3;
	v3 =	vld [tilespmem:s26+$0x4070]  }
0x21e: {  	v53 =	vld [tilespmem:s26+$0xA020]  }
0x21f: {  	v54 =	vld [tilespmem:s26+$0x2030]  }
0x220: {  	v55 =	vld [tilespmem:s26+$0xA030]  }
0x221: {  	v56 =	vld [tilespmem:s26+$0x2040]  }
0x222: {  	[tilespmem:$0x1FD30] =	vst v3;
	v3 =	vld [tilespmem:s26+$0xD020]  }
0x223: {  	v57 =	vld [tilespmem:s26+$0xA040]  }
0x224: {  	v58 =	vld [tilespmem:s26+$0x2050]  }
0x225: {  	v59 =	vld [tilespmem:s26+$0xA050]  }
0x226: {  	v60 =	vld [tilespmem:s26+$0x2060]  }
0x227: {  	[tilespmem:$0x1FC10] =	vst v3;
	v3 =	vld [tilespmem:s26+$0x5030]  }
0x228: {  	v61 =	vld [tilespmem:s26+$0xA060]  }
0x229: {  	v62 =	vld [tilespmem:s26+$0x2070]  }
0x22a: {  	v63 =	vld [tilespmem:s26+$0x3000]  }
0x22b: {  	v18 =	vld [tilespmem:s26+$0xB000]  }
0x22c: {  	[tilespmem:$0x1FC50] =	vst v3;
	v3 =	vld [tilespmem:s26+$0xD030]  }
0x22d: {  	v10 =	vld [tilespmem:s26+$0x4000]  }
0x22e: {  	v13 =	vld [tilespmem:s26+$0xC000]  }
0x22f: {  	v16 =	vld [tilespmem:s26+$0x4010]  }
0x230: {  	v20 =	vld [tilespmem:s26+$0xC010]  }
0x231: {  	[tilespmem:$0x1FC90] =	vst v3;
	v3 =	vld [tilespmem:s26+$0x5040]  }
0x232: {  	v8 =	vld [tilespmem:s26+$0xD000]  }
0x233: {  	v14 =	vld [tilespmem:s26+$0xD010]  }
0x234: {  	v17 =	vld [tilespmem:s26+$0x5020]  }
0x235: {  	v9 =	vld [tilespmem:s26+$0xE010]  }
0x236: {  	[tilespmem:$0x1FCE0] =	vst v3;
	v3 =	vld [tilespmem:s26+$0xD040]  }
0x237: {  	v12 =	vld [tilespmem:s26+$0x6020]  }
0x238: {  	v15 =	vld [tilespmem:s26+$0xE020]  }
0x239: {  	v19 =	vld [tilespmem:s26+$0x6030]  }
0x23a: {  	v39 =	vld [tilespmem:s26+$0x8050]  }
0x23b: {  	[tilespmem:$0x1FD20] =	vst v3;
	v3 =	vld [tilespmem:s26+$0x5050]  }
0x23c: {  	v11 =	vld [tilespmem:s26+$0x5010]  }
0x23d: {  	v7 =	vld [tilespmem:s26+$0x6010]  }
0x23e: {  	v38 =	vld [tilespmem:s26+$0x50]  }
0x23f: {  	v6 =	vld [tilespmem:s26+$0x5000]  }
0x240: {  	[tilespmem:$0x1FD40] =	vst v3;
	v3 =	vld [tilespmem:s26+$0xD050]  }
0x241: {  	v5 =	vld [tilespmem:s26+$0xE000]  }
0x242: {  	[tilespmem:$0x1FB20] =	vst v41;
	v41 =	vld [tilespmem:s26+$0x9050]  }
0x243: {  	[tilespmem:$0x1FB30] =	vst v42;
	v42 =	vld [tilespmem:s26+$0x60]  }
0x244: {  	[tilespmem:$0x1FB40] =	vst v43;
	v43 =	vld [tilespmem:s26+$0x8060]  }
0x245: {  	[tilespmem:$0x1FD50] =	vst v3;
	v3 =	vld [tilespmem:s26+$0x5060]  }
0x246: {  	[tilespmem:$0x1FB50] =	vst v44;
	v44 =	vld [tilespmem:s26+$0x1060]  }
0x247: {  	v4 =	vld [tilespmem:s26+$0x6000]  }
0x248: {  	v23 =	vmax.f32 v23, v25;
	v25 =	vmax.f32 v26, v28;
	v26 =	vmax.f32 v27, v29;
	v27 =	vld [tilespmem:s26+$0xE040]  }
0x249: {  	v29 =	vmax.f32 v31, v33;
	v31 =	vld [tilespmem:s26+$0x6050]  }
0x24a: {  	[tilespmem:$0x1FD60] =	vst v3;
	v3 =	vld [tilespmem:s26+$0xD060]  }
0x24b: {  	v28 =	vmax.f32 v30, v32;
	v32 =	vmax.f32 v35, v37;
	v35 =	vld [tilespmem:s26+$0xE050]  }
0x24c: {  	v40 =	vld [tilespmem:s26+$0x1050]  }
0x24d: {  	v22 =	vld [tilespmem:$0x1FB40]  }
0x24e: {  	v23 =	vmax.f32 v23, v51;
	v51 =	vld [tilespmem:s26+$0x7020]  }
0x24f: {  	[tilespmem:$0x1FD70] =	vst v3;
	v3 =	vld [tilespmem:s26+$0x5070]  }
0x250: {  	v30 =	vmax.f32 v34, v36;
	v26 =	vmax.f32 v26, v53;
	v53 =	vld [tilespmem:s26+$0xF020]  }
0x251: {  	v30 =	vmax.f32 v30, v56;
	v56 =	vld [tilespmem:s26+$0x7030]  }
0x252: {  	v34 =	vmax.f32 v39, v41;
	v39 =	vld [tilespmem:s26+$0x6060]  }
0x253: {  	v41 =	vld [tilespmem:s26+$0x6070]  }
0x254: {  	[tilespmem:$0x1FD80] =	vst v3;
	v3 =	vld [tilespmem:s26+$0xE030]  }
0x255: {  	v37 =	vmax.f32 v43, v45;
	v45 =	vmax.f32 v46, v47;
	v46 =	vld [tilespmem:s26+$0x7000]  }
0x256: {  	v47 =	vld [tilespmem:s26+$0xF000]  }
0x257: {  	v33 =	vmax.f32 v38, v40;
	v40 =	vld [tilespmem:s26+$0xE060]  }
0x258: {  	v37 =	vmax.f32 v37, v61;
	v61 =	vld [tilespmem:s26+$0xF030]  }
0x259: {  	[tilespmem:$0x1FCC0] =	vst v3;
	v3 =	vld [tilespmem:$0x1FB20]  }
0x25a: {  	v25 =	vmax.f32 v25, v52;
	v52 =	vld [tilespmem:$0x1FB60]  }
0x25b: {  	v28 =	vmax.f32 v28, v54;
	v54 =	vld [tilespmem:$0x1FB70]  }
0x25c: {  	v32 =	vmax.f32 v32, v57;
	v57 =	vld [tilespmem:$0x1FB90]  }
0x25d: {  	v34 =	vmax.f32 v34, v59;
	v59 =	vld [tilespmem:$0x1FBA0]  }
0x25e: {  	v3 =	vmax.f32 v3, v21;
	v21 =	vld [tilespmem:$0x1FB30]  }
0x25f: {  	v38 =	vld [tilespmem:$0x1FC80]  }
0x260: {  	v36 =	vmax.f32 v42, v44;
	v44 =	vld [tilespmem:$0x1FCA0]  }
0x261: {  	v42 =	vld [tilespmem:$0x1FC90];
	v3 =	vmax.f32 v3, v48  }
0x262: {  	v48 =	vld [tilespmem:s26+$0x7010];
	v3 =	vmax.f32 v3, v63  }
0x263: {  	v3 =	vmax.f32 v3, v10;
	v21 =	vmax.f32 v21, v22;
	v22 =	vld [tilespmem:$0x1FB50]  }
0x264: {  	v63 =	vld [tilespmem:$0x1FBC0];
	v3 =	vmax.f32 v3, v6  }
0x265: {  	v3 =	vmax.f32 v3, v4;
	v21 =	vmax.f32 v21, v49;
	v49 =	vld [tilespmem:s26+$0xF010]  }
0x266: {  	v3 =	vmax.f32 v3, v46;
	v46 =	vld [tilespmem:$0x1FCC0]  }
0x267: {  	v18 =	vmax.f32 v21, v18;
	[tilespmem:s26+$0x1C000] =	vst v3;
	v3 =	vld [tilespmem:$0x1FB80]  }
0x268: {  	v13 =	vmax.f32 v18, v13;
	v22 =	vmax.f32 v22, v24;
	v24 =	vld [tilespmem:s26+$0x6040]  }
0x269: {  	v8 =	vmax.f32 v13, v8;
	v22 =	vmax.f32 v22, v50;
	v50 =	vmax.f32 v45, v62;
	v62 =	vld [tilespmem:$0x1FBB0]  }
0x26a: {  	v5 =	vmax.f32 v8, v5;
	v45 =	vld [tilespmem:$0x1FCB0]  }
0x26b: {  	v5 =	vmax.f32 v5, v47;
	v47 =	vld [tilespmem:$0x1FCD0]  }
0x26c: {  	v18 =	vmax.f32 v22, v52;
	v22 =	vmax.f32 v23, v54;
	v23 =	vld [tilespmem:$0x1FBE0]  }
0x26d: {  	v3 =	vmax.f32 v25, v3;
	v25 =	vld [tilespmem:$0x1FBF0]  }
0x26e: {  	[tilespmem:s26+$0x1D000] =	vst v5;
	v5 =	vmax.f32 v28, v59;
	v28 =	vld [tilespmem:$0x1FC10]  }
0x26f: {  	v52 =	vld [tilespmem:$0x1FD00]  }
0x270: {  	v54 =	vld [tilespmem:$0x1FD20]  }
0x271: {  	v59 =	vld [tilespmem:s26+$0x7070]  }
0x272: {  	v33 =	vmax.f32 v33, v58;
	v58 =	vmax.f32 v22, v20;
	v20 =	vld [tilespmem:$0x1FBD0]  }
0x273: {  	v29 =	vmax.f32 v29, v55;
	v16 =	vmax.f32 v18, v16;
	v3 =	vmax.f32 v3, v63;
	v22 =	vld [tilespmem:s26+$0x7040]  }
0x274: {  	v55 =	vmax.f32 v16, v11;
	v16 =	vmax.f32 v26, v57;
	v3 =	vmax.f32 v3, v17;
	v26 =	vld [tilespmem:$0x1FC00]  }
0x275: {  	v36 =	vmax.f32 v36, v60;
	v63 =	vld [tilespmem:$0x1FD80];
	v60 =	vmax.f32 v58, v14;
	v3 =	vmax.f32 v3, v12  }
0x276: {  	v8 =	vmax.f32 v60, v9;
	v60 =	vld [tilespmem:$0x1FD60];
	v3 =	vmax.f32 v3, v51  }
0x277: {  	[tilespmem:s26+$0x1C020] =	vst v3;
	v3 =	vld [tilespmem:$0x1FC40]  }
0x278: {  	v6 =	vmax.f32 v8, v49;
	v9 =	vmax.f32 v32, v23;
	v32 =	vld [tilespmem:$0x1FC30]  }
0x279: {  	[tilespmem:s26+$0x1D010] =	vst v6;
	v6 =	vmax.f32 v33, v26;
	v33 =	vld [tilespmem:$0x1FC50]  }
0x27a: {  	v7 =	vmax.f32 v55, v7;
	v14 =	vmax.f32 v29, v62;
	v29 =	vld [tilespmem:s26+$0xF040]  }
0x27b: {  	v7 =	vmax.f32 v7, v48;
	v48 =	vld [tilespmem:$0x1FCE0];
	v16 =	vmax.f32 v16, v25  }
0x27c: {  	v12 =	vmax.f32 v16, v28;
	v3 =	vmax.f32 v36, v3;
	v36 =	vld [tilespmem:$0x1FC60]  }
0x27d: {  	[tilespmem:s26+$0x1C010] =	vst v7;
	v7 =	vmax.f32 v30, v20;
	v30 =	vld [tilespmem:$0x1FC20];
	v12 =	vmax.f32 v12, v15;
	v5 =	vmax.f32 v5, v32  }
0x27e: {  	v12 =	vmax.f32 v12, v53;
	v53 =	vld [tilespmem:$0x1FD10];
	v5 =	vmax.f32 v5, v33  }
0x27f: {  	[tilespmem:s26+$0x1D020] =	vst v12;
	v12 =	vmax.f32 v50, v38;
	v50 =	vld [tilespmem:s26+$0x7060];
	v5 =	vmax.f32 v5, v19  }
0x280: {  	v9 =	vmax.f32 v9, v45;
	v5 =	vmax.f32 v5, v56;
	v56 =	vld [tilespmem:$0x1FD30]  }
0x281: {  	v9 =	vmax.f32 v9, v54;
	v15 =	vmax.f32 v37, v36;
	v37 =	vld [tilespmem:$0x1FC70]  }
0x282: {  	v57 =	vld [tilespmem:$0x1FD40];
	v9 =	vmax.f32 v9, v27;
	v3 =	vmax.f32 v3, v52  }
0x283: {  	v51 =	vld [tilespmem:$0x1FCF0];
	v7 =	vmax.f32 v7, v44;
	v4 =	vmax.f32 v9, v29;
	v3 =	vmax.f32 v3, v60  }
0x284: {  	v62 =	vld [tilespmem:$0x1FD70];
	v3 =	vmax.f32 v3, v39;
	[tilespmem:s26+$0x1C030] =	vst v5;
	v5 =	vmax.f32 v6, v47;
	v6 =	vmax.f32 v7, v48  }
0x285: {  	v16 =	vmax.f32 v34, v30;
	v34 =	vld [tilespmem:s26+$0x7050];
	v3 =	vmax.f32 v3, v50;
	v6 =	vmax.f32 v6, v24  }
0x286: {  	v58 =	vld [tilespmem:$0x1FD50];
	v7 =	vmax.f32 v15, v53;
	v12 =	vmax.f32 v12, v56;
	v14 =	vmax.f32 v14, v37  }
0x287: {  	v55 =	vld [tilespmem:s26+$0xF060];
	[tilespmem:s26+$0x1D040] =	vst v4;
	v5 =	vmax.f32 v5, v57;
	v4 =	vmax.f32 v12, v63;
	v14 =	vmax.f32 v14, v42  }
0x288: {  	v43 =	vld [tilespmem:s26+$0xF050];
	[tilespmem:s26+$0x1C060] =	vst v3;
	v6 =	vmax.f32 v6, v22;
	v4 =	vmax.f32 v4, v41;
	v14 =	vmax.f32 v14, v46  }
0x289: {  	v5 =	vmax.f32 v5, v31;
	[tilespmem:s26+$0x1C040] =	vst v6;
	v3 =	vmax.f32 v4, v59;
	v49 =	vmax.f32 v14, v61  }
0x28a: {  	s0 =	sshll.u32 s23, $0x12;
	v14 =	vmax.f32 v16, v51;
	v61 =	vmax.f32 v5, v34;
	v5 =	vmax.f32 v7, v62;
	[tilespmem:s26+$0x1C070] =	vst v3  }
0x28b: {  	s0 =	sor.u32 s0, s9;
	[tilespmem:s26+$0x1D030] =	vst v49;
	v6 =	vmax.f32 v14, v58;
	v5 =	vmax.f32 v5, v40  }
0x28c: {  	s0 =	sor.u32 s4, s0;
	[tilespmem:s26+$0x1C050] =	vst v61;
	v6 =	vmax.f32 v6, v35;
	v5 =	vmax.f32 v5, v55  }
0x28d: {  	s0 =	sshrl.u32 s0, $0x3;
	v6 =	vmax.f32 v6, v43;
	[tilespmem:s26+$0x1D060] =	vst v5  }
0x28e: {  	s0 =	sadd.s32 s7, s0;
	[tilespmem:s26+$0x1D050] =	vst v6  }
0x28f: {  	[hbm4b:s0+s11] =	stream.strided.scatter [tilespmem:s19], [sflag:$0x3], $0x1000, s18, s11, $0x38;
	[tilespmem:$0x1E000] =	vst v63  }
0x290: {  	s23 =	sadd.s32 $0x1, s23;
	_ =	swait.ge [sflag:s20], $0x1000  }
0x291: {  	p0 =	sne.s32 s23, $0x10;
	[sflag:s20] =	ssyncset.done $0x0  }
.Ltmp4:
0x292: {  	s0 =	sadd.s32 $0x10, s0;
	[sflag:s20] =	ssyncadd.s32 $0xFFFFF000;
	(pc) =	sbr.rel @p0 .LBB2_2-.Ltmp4, $4  }
0x293: {  	[hbm4b:s0+s11] =	stream.strided.scatter [tilespmem:s21], [sflag:$0x3], $0x1000, s18, s11, $0x38;
	[tilespmem:$0x1E000] =	vst v63  }
0x294: {  	_ =	swait.ge [sflag:s20], $0x1000  }
0x295: {  	[sflag:s20] =	ssyncset.done $0x0  }
0x296: {  	[sflag:s20] =	ssyncadd.s32 $0xFFFFF000  }
0x297: {  	s22 =	sadd.s32 $0x1, s22  }
0x298: {  	p0 =	sne.s32 s22, s10  }
.Ltmp5:
0x299: {  	_ = 	snop;
	(pc) =	sbr.rel @p0 .LBB2_1-.Ltmp5, $1  }
0x29a: {  	_ =	sdelay $0x3  }
0x29b: {  	_ =	sfence.sel $0x180000  }
0x29c: {  	[bflag:$0x0] =	sbarrier.arrive $0xFFFF  }
0x29d: {  	_ =	strace $0x90000047  }
0x29e: {  	s0 =	stileid.u32;
	[bflag:$0x2] =	sbarrier.arrive $0xFFFF  }
0x29f: {  	p0 =	sne.s32 s0, $0x0;
	s0 =	rddreg [dreg:$0x1]  }
0x2a0: {  	s0 =	sadd.s32 @!p0 $0x100000, s0  }
0x2a1: {  	[sflag:s0] =	ssyncadd.tile.s32 @!p0 $0x1;
	_ =	shalt  }
.Lfunc_end2:
_tile_overlayer_lowered:
.L_overlay_start_2:
0x2a2: {  	(tag) =	ssettag $0x2  }
0x2a3: {  	s0 =	rddreg [dreg:$0x0];
	s2 =	stileid.u32  }
0x2a4: {  	s1 =	rddreg [dreg:$0x1];
	p0 =	sne.s32 s2, $0x0  }
0x2a5: {  	s3 =	rddreg [dreg:$0x2];
	[bflag:$0x3] =	sbarrier.arrive $0xFFFF;
	s2 =	simm.s32 @!p0 $0x1C03  }
0x2a6: {  	[timem:s3], [sflag:s2] =	dma.local @!p0 [hbm:s0], s1  }
0x2a7: {  	s0 =	simm.s32 @!p0 $0x3  }
0x2a8: {  	_ =	swait.ge @!p0 [sflag:s0], s1  }
0x2a9: {  	s1 =	ssub.s32 @!p0 $0x0, s1;
	[sflag:s0] =	ssyncset.done @!p0 $0x0  }
0x2aa: {  	[sflag:s0] =	ssyncadd.s32 @!p0 s1  }
0x2ab: {  	[bflag:$0x3] =	sbarrier.arrive $0xFFFF  }
0x2ac: {  	_ =	shalt  }

// kernel: kernel.7.cloned.1.call-start
scs
__scs_entry_jumppad:
0x0: {  	(pc) =	sbr.rel $0x88, $3  }
0x1: {  	(tag) =	ssettag $0x0;
	lr =	simm.s32 $0x1  }
0x2: {  	[smem:$0x3F98] =	sst lr;
	_ =	strace $0xD0000000  }
0x3: {  	_ = 	snop  }
0x4: {  	_ = 	snop  }
0x5: {  	_ = 	snop  }
0x6: {  	_ = 	snop  }
0x7: {  	_ = 	snop  }
__scs_overlays_trampoline_lowered:
0x8: {  	[smem:$0x3FA7] =	sst s0  }
0x9: {  	[smem:$0x3FA8] =	sst s1  }
0xa: {  	[smem:$0x3FA9] =	sst s2  }
0xb: {  	[smem:$0x3FAA] =	sst s3  }
0xc: {  	[smem:$0x3FAB] =	sst s4  }
0xd: {  	[smem:$0x3FAC] =	sst s5  }
0xe: {  	[smem:$0x3FAD] =	sst s6  }
0xf: {  	[smem:$0x3FAE] =	sst s7  }
0x10: {  	[smem:$0x3FAF] =	sst s8  }
0x11: {  	[smem:$0x3FB0] =	sst s9;
	s0 =	simm.s32 @!p0 $0x0  }
0x12: {  	s1 =	sld [smem:$0x3F96];
	s0 =	simm.s32 @p0 $0x1  }
0x13: {  	[smem:$0x3FB1] =	sst s0;
	s0 =	simm.s32 @!p1 $0x0  }
0x14: {  	s2 =	sld [smem:$0x3F95];
	s0 =	simm.s32 @p1 $0x1  }
0x15: {  	[smem:$0x3FB2] =	sst s0;
	s0 =	simm.s32 @!p2 $0x0  }
0x16: {  	s3 =	sld [smem:$0x3FDB];
	s0 =	simm.s32 @p2 $0x1  }
0x17: {  	s4 =	simm.s32 $0x1BF5;
	[smem:$0x3FB4] =	sst s0  }
0x18: {  	s0 =	sld [smem:$0x3F97];
	_ =	swait.ge [sflag:s4], $0x0  }
0x19: {  	s7 =	sld [smem:$0x3F98]  }
0x1a: {  	s8 =	sadd.s32 $0xFFFFE003, lr  }
0x1b: {  	s9 =	sadd.s32 $0xFFFFFEF7, lr;
	s5 =	simm.s32 $0xFFFFFFFF;
	p2 =	slt.u32 s8, $0xFFFFF086  }
0x1c: {  	p1 =	slt.u32 s9, $0xF7A;
	s5 =	simm.s32 @!p2 $0x0  }
0x1d: {  	s5 =	simm.s32 @p1 $0x1;
	p0 =	seq.s32 s7, s2  }
0x1e: {  	s7 =	smul.u32 @!p0 $0xF7A, s2;
	p2 =	seq.s32 @!p0 s5, $0x0  }
0x1f: {  	s9 =	smul.u32 $0xF7A, s1;
	s8 =	simm.s32 @!p0 $0x1BF5;
	p2 =	por !p2, p0  }
0x20: {  	[sflag:s8] =	ssyncset.s32 @!p0 $0xFFFFF086;
	s6 =	sadd.s32 @!p0 s3, s7;
	s7 =	simm.s32 @!p0 $0x108  }
0x21: {  	s3 =	sadd.s32 s3, s9;
	s6 =	sadd.s32 @!p0 $0x88, s6;
	s7 =	simm.s32 @p2 $0x1082  }
0x22: {  	[simem:s7], [sflag:s8] =	dma.local @!p0 [hbm:s6], $0xF7A  }
0x23: {  	s9 =	sor.u32 $0xD0000000, s2;
	s6 =	simm.s32 $0x108;
	_ =	swait.ge @!p0 [sflag:s8], $0x0  }
0x24: {  	s3 =	sadd.s32 $0x88, s3;
	s6 =	simm.s32 @!p1 $0x1082;
	[sflag:s4] =	ssyncset.s32 $0xFFFFF086  }
0x25: {  	[simem:s6], [sflag:s4] =	dma.local [hbm:s3], $0xF7A  }
0x26: {  	[smem:$0x3F98] =	sst s1;
	(tag) =	ssettag s2;
	_ =	strace s9  }
0x27: {  	s1 =	sld [smem:$0x3FA8]  }
0x28: {  	s2 =	sld [smem:$0x3FA9]  }
0x29: {  	s4 =	sld [smem:$0x3FAB]  }
0x2a: {  	p0 =	seq.s32 s5, $0x0;
	s5 =	sld [smem:$0x3FAC]  }
0x2b: {  	s6 =	sld [smem:$0x3FAD]  }
0x2c: {  	s7 =	sld [smem:$0x3FAE]  }
0x2d: {  	s3 =	simm.s32 $0x108;
	s8 =	sld [smem:$0x3FAF]  }
0x2e: {  	s3 =	simm.s32 @!p0 $0x1082;
	s9 =	sld [smem:$0x3FB0]  }
0x2f: {  	lr =	sadd.s32 s0, s3;
	s0 =	sld [smem:$0x3FA7]  }
0x30: {  	s3 =	sld [smem:$0x3FAA]  }
0x31: {  	[smem:$0x3FB3] =	sst s10  }
0x32: {  	s10 =	sld [smem:$0x3FB1];
	_ =	sdelay $0x3  }
0x33: {  	p0 =	seq.s32 s10, $0x1;
	s10 =	sld [smem:$0x3FB3];
	_ =	sdelay $0x3  }
0x34: {  	[smem:$0x3FB3] =	sst s10  }
0x35: {  	s10 =	sld [smem:$0x3FB2];
	_ =	sdelay $0x3  }
0x36: {  	p1 =	seq.s32 s10, $0x1;
	s10 =	sld [smem:$0x3FB3];
	_ =	sdelay $0x3  }
0x37: {  	[smem:$0x3FB3] =	sst s10  }
0x38: {  	s10 =	sld [smem:$0x3FB4]  }
0x39: {  	_ = 	snop;
	(pc) =	sbr.ind lr, $3  }
0x3a: {  	_ = 	snop  }
0x3b: {  	_ = 	snop  }
0x3c: {  	p2 =	seq.s32 s10, $0x1;
	s10 =	sld [smem:$0x3FB3]  }
0x3d: {  	_ =	shalt  }
0x3e: {  	_ =	shalt  }
0x3f: {  	_ =	shalt  }
0x40: {  	_ =	shalt  }
0x41: {  	_ =	shalt  }
0x42: {  	_ =	shalt  }
0x43: {  	_ =	shalt  }
0x44: {  	_ =	shalt  }
0x45: {  	_ =	shalt  }
0x46: {  	_ =	shalt  }
0x47: {  	_ =	shalt  }
0x48: {  	_ =	shalt  }
0x49: {  	_ =	shalt  }
0x4a: {  	_ =	shalt  }
0x4b: {  	_ =	shalt  }
0x4c: {  	_ =	shalt  }
0x4d: {  	_ =	shalt  }
0x4e: {  	_ =	shalt  }
0x4f: {  	_ =	shalt  }
0x50: {  	_ =	shalt  }
0x51: {  	_ =	shalt  }
0x52: {  	_ =	shalt  }
0x53: {  	_ =	shalt  }
0x54: {  	_ =	shalt  }
0x55: {  	_ =	shalt  }
0x56: {  	_ =	shalt  }
0x57: {  	_ =	shalt  }
0x58: {  	_ =	shalt  }
0x59: {  	_ =	shalt  }
0x5a: {  	_ =	shalt  }
0x5b: {  	_ =	shalt  }
0x5c: {  	_ =	shalt  }
0x5d: {  	_ =	shalt  }
0x5e: {  	_ =	shalt  }
0x5f: {  	_ =	shalt  }
0x60: {  	_ =	shalt  }
0x61: {  	_ =	shalt  }
0x62: {  	_ =	shalt  }
0x63: {  	_ =	shalt  }
0x64: {  	_ =	shalt  }
0x65: {  	_ =	shalt  }
0x66: {  	_ =	shalt  }
0x67: {  	_ =	shalt  }
0x68: {  	_ =	shalt  }
0x69: {  	_ =	shalt  }
0x6a: {  	_ =	shalt  }
0x6b: {  	_ =	shalt  }
0x6c: {  	_ =	shalt  }
0x6d: {  	_ =	shalt  }
0x6e: {  	_ =	shalt  }
0x6f: {  	_ =	shalt  }
0x70: {  	_ =	shalt  }
0x71: {  	_ =	shalt  }
0x72: {  	_ =	shalt  }
0x73: {  	_ =	shalt  }
0x74: {  	_ =	shalt  }
0x75: {  	_ =	shalt  }
0x76: {  	_ =	shalt  }
0x77: {  	_ =	shalt  }
0x78: {  	_ =	shalt  }
0x79: {  	_ =	shalt  }
0x7a: {  	_ =	shalt  }
0x7b: {  	_ =	shalt  }
0x7c: {  	_ =	shalt  }
0x7d: {  	_ =	shalt  }
0x7e: {  	_ =	shalt  }
0x7f: {  	_ =	shalt  }
0x80: {  	_ =	shalt  }
0x81: {  	_ =	shalt  }
0x82: {  	_ =	shalt  }
0x83: {  	_ =	shalt  }
0x84: {  	_ =	shalt  }
0x85: {  	_ =	shalt  }
0x86: {  	_ =	shalt  }
0x87: {  	_ =	shalt  }
.Lfunc_end0:
.L_simem_size_0:
called_computation_lowered:
.L_overlay_start_0:
0x88: {  	s2 =	sld [smem:$0x3FD9]  }
0x89: {  	s3 =	sld [smem:$0x3FFE];
	_ =	sdelay $0x1  }
0x8a: {  	s1 =	srdreg.scid  }
0x8b: {  	s0 =	sand.u32 $0x1, s1  }
0x8c: {  	s15 =	sshll.u32 s0, $0xA;
	s2 =	sadd.s32 s3, s2  }
0x8d: {  	s2 =	sadd.s32 s2, s15  }
0x8e: {  	[smem:$0x3FBF] =	sst s2  }
0x8f: {  	_ = 	snop  }
0x90: {  	s2 =	sld [smem:$0x3FD0];
	_ =	sdelay $0x2  }
0x91: {  	s16 =	simm.s32 $0xB;
	s4 =	simm.s32 $0x10  }
0x92: {  	[smem:s4], [sflag:s16] =	dma.local [hbm:s2], $0x1  }
0x93: {  	_ =	swait.eq [sflag:s16], $0x1  }
0x94: {  	[sflag:s16] =	ssyncset.done $0x0  }
0x95: {  	[sflag:s16] =	ssyncadd.s32 $0xFFFFFFFF  }
0x96: {  	s17 =	sld [smem:$0x11];
	(tm) =	ssettm $0x1  }
0x97: {  	s18 =	sld [smem:$0x3FFB];
	_ =	sdelay $0x3  }
0x98: {  	_ =	strace s18  }
0x99: {  	s2 =	sld [smem:$0x3FFC];
	_ =	sdelay $0x3  }
0x9a: {  	_ =	strace s2  }
0x9b: {  	s2 =	sld [smem:$0x3FFD];
	_ =	sdelay $0x3  }
0x9c: {  	_ =	strace s2  }
0x9d: {  	_ =	strace $0x8FFFFFFF  }
0x9e: {  	s19 =	sld [smem:$0x3FDB];
	_ =	sdelay $0x1  }
0x9f: {  	s20 =	simm.s32 $_scs_section_size  }
0xa0: {  	s5 =	simm.s32 $_size__tile_overlayer_lowered;
	s6 =	simm.s32 $_tile_overlayer_lowered  }
0xa1: {  	s7 =	simm.s32 $0x1BFF;
	s21 =	sshll.u32 s6, $0x1;
	s4 =	sadd.s32 s20, s19  }
0xa2: {  	s22 =	simm.s32 $0x0;
	s5 =	sshll.u32 s5, $0x1;
	s6 =	sadd.s32 s21, s4  }
0xa3: {  	[timem:s22], [sflag:s7] =	dma.local [hbm:s6], s5  }
0xa4: {  	_ =	swait.ge [sflag:s7], s5  }
0xa5: {  	s5 =	ssub.s32 $0x0, s5;
	[sflag:s7] =	ssyncset.done $0x0  }
0xa6: {  	[sflag:s7] =	ssyncadd.s32 s5;
	_ =	sdelay $0x1  }
0xa7: {  	s23 =	simm.s32 $0x1B8B  }
0xa8: {  	_ =	swait.ge [sflag:s23], $0x1  }
0xa9: {  	[sflag:s23] =	ssyncset.done $0x0  }
0xaa: {  	[sflag:s23] =	ssyncadd.s32 $0xFFFFFFFF  }
0xab: {  	s5 =	sld [smem:$0x0]  }
0xac: {  	s6 =	sand.u32 $0xFFFFFFFE, s1  }
0xad: {  	p0 =	sne.s32 s1, s6  }
0xae: {  	s6 =	sshll.u32 @p0 s6, $0xE  }
0xaf: {  	s6 =	sadd.s32 @p0 $0x11B8D, s6;
	s7 =	sshll.u32 @p0 s5, $0x11  }
0xb0: {  	s6 =	sor.u32 @p0 s7, s6  }
0xb1: {  	[sflag:s6] =	ssyncadd.remote.s32 @p0 $0x1;
	_ =	sdelay $0x1  }
0xb2: {  	s6 =	simm.s32 @p0 $0x1B8D  }
0xb3: {  	_ =	swait.eq @p0 [sflag:s6], $0x1  }
0xb4: {  	[sflag:s6] =	ssyncadd.s32 @p0 $0xFFFFFFFF  }
0xb5: {  	s7 =	sshll.u32 @!p0 s1, $0xE  }
0xb6: {  	s7 =	sor.u32 @!p0 $0x4000, s7;
	s6 =	simm.s32 @!p0 $0x1B8D  }
0xb7: {  	s5 =	sshll.u32 @!p0 s5, $0x11;
	s7 =	sadd.s32 @!p0 $0x11B8D, s7;
	_ =	swait.eq @!p0 [sflag:s6], $0x1  }
0xb8: {  	s5 =	sor.u32 @!p0 s5, s7;
	[sflag:s6] =	ssyncadd.s32 @!p0 $0xFFFFFFFF  }
0xb9: {  	s25 =	simm.s32 $0x1B8E;
	s24 =	sld [smem:$0x3FFE];
	[sflag:s5] =	ssyncadd.remote.s32 @!p0 $0x1  }
0xba: {  	s26 =	simm.s32 $execute0_lowered;
	[smem:$0x3FD2] =	sst s25  }
0xbb: {  	s6 =	sshll.u32 s26, $0x1;
	_ =	strace $0x80000049;
	[dreg:$0x1] =	wrdreg $0xFFFFFFFF  }
0xbc: {  	s28 =	simm.s32 $_size_execute0_lowered;
	s4 =	sadd.s32 s4, s6;
	[dreg:$0x0] =	wrdreg $0x0  }
0xbd: {  	s6 =	sshll.u32 s28, $0x1;
	[dreg:$0x2] =	wrdreg s4  }
0xbe: {  	[dreg:$0x3] =	wrdreg s6  }
0xbf: {  	[dreg:$0x4] =	wrdreg $0xC0  }
0xc0: {  	_ =	task [dreg:s22], $0x5FFFF  }
0xc1: {  	[dreg:$0x1] =	wrdreg $0xFFFFFFFF  }
0xc2: {  	[dreg:$0x0] =	wrdreg $0x60  }
0xc3: {  	[dreg:$0x2] =	wrdreg s24  }
0xc4: {  	[dreg:$0x3] =	wrdreg s17  }
0xc5: {  	[dreg:$0x4] =	wrdreg $0x9  }
0xc6: {  	_ =	task.clear_ibuf [dreg:s22], $0x5FFFF;
	_ =	strace $0x90000049  }
0xc7: {  	s29 =	simm.s32 $0x9;
	_ =	strace $0x8000004B  }
0xc8: {  	_ =	swait.ge [sflag:s29], $0x1  }
0xc9: {  	[sflag:s29] =	ssyncadd.s32 $0xFFFFFFFF  }
0xca: {  	_ =	strace $0x9000004B  }
0xcb: {  	_ =	sfence  }
0xcc: {  	s30 =	sld [smem:$0x0];
	_ =	sdelay $0x2  }
0xcd: {  	s31 =	sshll.u32 s1, $0xD;
	s1 =	sshrl.u32 s1, $0x2  }
0xce: {  	s4 =	sand.u32 $0x4000, s31;
	s1 =	sadd.s32 s1, s30  }
0xcf: {  	s0 =	sor.u32 s4, s0;
	s1 =	sshll.u32 s1, $0x11  }
0xd0: {  	s0 =	sor.u32 s1, s0  }
0xd1: {  	s0 =	sadd.s32 $0x8F2B, s0  }
0xd2: {  	[sflag:s0] =	ssyncadd.remote.s32 $0x1  }
0xd3: {  	_ =	sfence.sel $0xFFFF  }
0xd4: {  	[dreg:$0x0] =	wrdreg $0xFFFFFFFF;
	(pc) =	sbr.abs _section_cstart, $3  }
0xd5: {  	[dreg:$0x1] =	wrdreg $0xFFFFFFFF  }
0xd6: {  	_ =	task.clear_ibuf [dreg:s22], $0x2FFFF;
	_ =	strace $0x9FFFFFFF  }
0xd7: {  	(tm) =	ssettm $0x7FFFFFFF  }
tec
execute0_lowered:
.L_overlay_start_1:
0x0: {  	(tag) =	ssettag $0x1  }
0x1: {  	v0 =	vimm.s32 $0x0;
	vm0 =	vcmask $0x704  }
0x2: {  	s7 =	rddreg [dreg:$0x0];
	vm4 =	vcmask $0xB08;
	v0 =	vsel vm0, $0x1000, v0  }
0x3: {  	s2 =	rddreg [dreg:$0x1];
	vm5 =	vcmask $0xF0C;
	v0 =	vsel vm4, $0x2000, v0  }
0x4: {  	s0 =	stileid.u32;
	s3 =	simm.s32 $0x0;
	s4 =	srdreg.scid;
	vm6 =	vcmask $0x1310;
	v0 =	vsel vm5, $0x3000, v0  }
0x5: {  	vm7 =	vcmask $0x1714;
	s11 =	simm.s32 $0x80;
	s13 =	simm.s32 $0x10000;
	s14 =	simm.s32 $0x100;
	v0 =	vsel vm6, $0x4000, v0  }
0x6: {  	vm8 =	vcmask $0x1B18;
	s15 =	simm.s32 $0x4000;
	s16 =	simm.s32 $0x14000;
	s17 =	simm.s32 $0x8000;
	v0 =	vsel vm7, $0x5000, v0  }
0x7: {  	vm9 =	vcmask $0x231C;
	s18 =	simm.s32 $0x400;
	s19 =	simm.s32 $0x1C000;
	s20 =	simm.s32 $0x3;
	v0 =	vsel vm8, $0x6000, v0  }
0x8: {  	vm10 =	vcmask $0x2724;
	s21 =	simm.s32 $0x1D000;
	s22 =	simm.s32 $0x0;
	s5 =	sshll.u32 s0, $0x1;
	v0 =	vsel vm9, $0x7000, v0  }
0x9: {  	vm11 =	vcmask $0x2B28;
	[smem:$0x7FF] =	sst s3;
	s4 =	sand.u32 $0x1, s4;
	s5 =	sand.u32 $0x2, s5;
	v0 =	vsel vm10, $0x6000, v0  }
0xa: {  	vm12 =	vcmask $0x2F2C;
	s9 =	sshrl.u32 s0, $0x1;
	_ =	strace $0x8000004A;
	s5 =	sor.u32 s4, s5;
	v0 =	vsel vm11, $0x5000, v0  }
0xb: {  	v1 =	vlaneseq.u32;
	vm13 =	vcmask $0x3330;
	s8 =	ssub.s32 $0x2, s4;
	s6 =	sshll.u32 s9, $0x16;
	s4 =	sshll.u32 s5, $0x8;
	v0 =	vsel vm12, $0x4000, v0  }
0xc: {  	vm14 =	vcmask $0x3734;
	v1 =	vmul.u32 $0xFFFFFFFF, v1;
	s9 =	sshll.u32 s9, $0xF;
	s10 =	sshrl.u32 s8, $0x1;
	s6 =	sor.u32 s6, s4;
	v0 =	vsel vm13, $0x3000, v0  }
0xd: {  	vm15 =	vcmask $0x3B38;
	s5 =	sadd.s32 $0x492000, s7;
	s10 =	ssub.s32 s8, s10;
	s31 =	sshrl.u32 s6, $0x3;
	v2 =	vsel vm14, $0x2000, v0  }
0xe: {  	v1 =	vadd.s32 $0xF, v1;
	s7 =	sadd.s32 $0x892000, s7;
	s10 =	smax.u32 s10, $0x1;
	s8 =	sadd.s32 s5, s31;
	v0 =	vimm.f32 $-Inf;
	v2 =	vsel vm15, $0x1000, v2  }
.LBB2_1:
0xf: {  	s0 =	simm.s32 $0x800  }
0x10: {  	[tilespmem:s13], [sflag:$0x1] =	stream.strided.gather [hbm4b:s7+s11], $0x2000, s0, s11, $0x38;
	[tilespmem:$0x1E000] =	vst v63  }
0x11: {  	s23 =	simm.s32 $0x0  }
0x12: {  	[tilespmem:s16], [sflag:$0x1] =	stream.strided.gather [hbm4b:s8+s14], $0x4000, s15, s14, $0x38;
	[tilespmem:$0x1E000] =	vst v63  }
.LBB2_2:
0x13: {  	s24 =	simm.s32 $0x0;
	s25 =	simm.s32 $0x200  }
.LBB2_3:
0x14: {  	p0 =	seq.s32 s25, $0x1FE00;
	[tilespmem:s24+$0x8070] =	vst v0  }
0x15: {  	[tilespmem:s24+$0x0] =	vst v0  }
0x16: {  	[tilespmem:s24+$0x8000] =	vst v0  }
0x17: {  	[tilespmem:s24+$0x10] =	vst v0  }
0x18: {  	[tilespmem:s24+$0x8010] =	vst v0  }
0x19: {  	[tilespmem:s24+$0x20] =	vst v0  }
0x1a: {  	[tilespmem:s24+$0x8020] =	vst v0  }
0x1b: {  	[tilespmem:s24+$0x30] =	vst v0  }
0x1c: {  	[tilespmem:s24+$0x8030] =	vst v0  }
0x1d: {  	[tilespmem:s24+$0x40] =	vst v0  }
0x1e: {  	[tilespmem:s24+$0x8040] =	vst v0  }
.Ltmp0:
0x1f: {  	[tilespmem:s24+$0x50] =	vst v0;
	(pc) =	sbr.rel @!p0 .LBB2_3-.Ltmp0, $4  }
0x20: {  	[tilespmem:s24+$0x8050] =	vst v0  }
0x21: {  	[tilespmem:s24+$0x60] =	vst v0  }
0x22: {  	[tilespmem:s24+$0x8060] =	vst v0  }
0x23: {  	[tilespmem:s24+$0x70] =	vst v0;
	s24 =	sshra.s32 s25, $0x2;
	s25 =	sadd.s32 $0x200, s25  }
0x24: {  	[tilespmem:s24+$0x8070] =	vst v0  }
0x25: {  	[tilespmem:s24+$0x0] =	vst v0  }
0x26: {  	[tilespmem:s24+$0x8000] =	vst v0  }
0x27: {  	[tilespmem:s24+$0x10] =	vst v0  }
0x28: {  	[tilespmem:s24+$0x8010] =	vst v0  }
0x29: {  	[tilespmem:s24+$0x20] =	vst v0  }
0x2a: {  	[tilespmem:s24+$0x8020] =	vst v0  }
0x2b: {  	[tilespmem:s24+$0x30] =	vst v0  }
0x2c: {  	[tilespmem:s24+$0x8030] =	vst v0  }
0x2d: {  	[tilespmem:s24+$0x40] =	vst v0  }
0x2e: {  	[tilespmem:s24+$0x8040] =	vst v0  }
0x2f: {  	[tilespmem:s24+$0x50] =	vst v0  }
0x30: {  	[tilespmem:s24+$0x8050] =	vst v0  }
0x31: {  	[tilespmem:s24+$0x60] =	vst v0  }
0x32: {  	[tilespmem:s24+$0x8060] =	vst v0  }
0x33: {  	[tilespmem:s24+$0x70] =	vst v0;
	s24 =	sshll.u32 s23, $0x2;
	s25 =	simm.s32 $0x0;
	p0 =	por $0x0, $0x0  }
.LBB2_5:
0x34: {  	s26 =	sadd.s32 s24, s25  }
0x35: {  	p1 =	sgt.u32 s26, $0x3E  }
0x36: {  	s26 =	sadd.s32 @!p1 $0x1, s26  }
0x37: {  	s12 =	simm.s32 @!p1 $0x800;
	s28 =	sand.u32 @!p1 $0x1, s26;
	s30 =	sshrl.u32 @!p1 s26, $0x2  }
0x38: {  	s26 =	sand.u32 @!p1 $0x3, s26;
	s29 =	sadd.s32 @!p1 $0x1, s28;
	s31 =	sshll.u32 @!p1 s30, $0x4  }
0x39: {  	s0 =	sshll.u32 @!p1 s28, $0xD;
	s1 =	sshll.u32 @!p1 s26, $0xE;
	s31 =	sadd.s32 @!p1 s7, s31  }
0x3a: {  	s0 =	sor.u32 @!p1 $0x10000, s0;
	s1 =	sadd.s32 @!p1 s1, s31;
	s31 =	simm.s32 @!p1 $0x80  }
0x3b: {  	[tilespmem:s0], [sflag:s29] =	stream.strided.gather @!p1 [hbm4b:s1+s31], $0x2000, s12, s31, $0x38;
	[tilespmem:$0x1E000] =	vst v63  }
0x3c: {  	s0 =	sshll.u32 @!p1 s26, $0x14;
	s1 =	sshll.u32 @!p1 s30, $0xA  }
0x3d: {  	s0 =	sor.u32 @!p1 s1, s0  }
0x3e: {  	s0 =	sor.u32 @!p1 s6, s0  }
0x3f: {  	s12 =	simm.s32 @!p1 $0x100;
	s1 =	sshll.u32 @!p1 s28, $0xE;
	s0 =	sshrl.u32 @!p1 s0, $0x3  }
0x40: {  	s26 =	simm.s32 @!p1 $0x4000;
	s1 =	sadd.s32 @!p1 $0x14000, s1;
	s0 =	sadd.s32 @!p1 s5, s0  }
0x41: {  	[tilespmem:s1], [sflag:s29] =	stream.strided.gather @!p1 [hbm4b:s0+s12], $0x4000, s26, s12, $0x38;
	[tilespmem:$0x1E000] =	vst v63  }
0x42: {  	s30 =	sand.u32 $0x1, s25;
	s1 =	simm.s32 $0x1  }
0x43: {  	s0 =	sadd.s32 $0x1, s30;
	s1 =	simm.s32 @!p0 $0x0  }
0x44: {  	_ =	swait.ge [sflag:s0], $0x2000;
	s31 =	sshll.u32 s1, $0xD  }
0x45: {  	[sflag:s0] =	ssyncset.done $0x0;
	s12 =	sor.u32 $0x10040, s31  }
0x46: {  	[sflag:s0] =	ssyncadd.s32 $0xFFFFE000;
	v3 =	vmov s12  }
0x47: {  	_ =	swait.ge [sflag:s0], $0x4000  }
0x48: {  	s1 =	sshll.u32 s1, $0xE;
	[sflag:s0] =	ssyncset.done $0x0  }
0x49: {  	s28 =	simm.s32 $0x0;
	s26 =	sadd.s32 $0x14080, s1;
	[sflag:s0] =	ssyncadd.s32 $0xFFFFC000  }
.LBB2_6:
0x4a: {  	s29 =	sshra.s32 s28, $0x2  }
0x4b: {  	v4 =	vld.idx.msk [tilespmem:v3+s29+$0xFFFFFFC0 ss:$0x1], $0xffff;
	_ =	sdelay $0x4  }
0x4c: {  	v5 =	vadd.s32 v2, v4  }
0x4d: {  	v6 =	vld [tilespmem:s26+$0xFFFFFF80]  }
0x4e: {  	v7 =	vld [tilespmem:s26+$0x0];
	_ =	sdelay $0x2  }
0x4f: {  	v8 =	vld.idx.msk [tilespmem:v5+s3+$0x0], $0xffff  }
0x50: {  	v10 =	vperm.xlane v6, v1;
	v9 =	vperm.xlane v4, v1;
	v11 =	vld.idx.msk [tilespmem:v5+s17+$0x0], $0xffff  }
0x51: {  	v12 =	vperm.xlane v7, v1  }
0x52: {  	vm0 =	veq.s32 v9, v4;
	v4 =	vmax.f32 v6, v10  }
0x53: {  	v56 =	vmax.f32 v7, v12;
	v4 =	vsel vm0, v4, v6  }
0x54: {  	v6 =	vsel vm0, v56, v7;
	v4 =	vmax.f32 v8, v4  }
0x55: {  	[tilespmem:v5+s3+$0x0] =	vst.idx.msk $0xffff, v4;
	v4 =	vmax.f32 v11, v6  }
0x56: {  	[tilespmem:v5+s17+$0x0] =	vst.idx.msk $0xffff, v4  }
0x57: {  	v4 =	vld.idx.msk [tilespmem:v3+s29+$0xFFFFFFD0 ss:$0x1], $0xffff;
	_ =	sdelay $0x4  }
0x58: {  	v5 =	vadd.s32 v2, v4  }
0x59: {  	v57 =	vld [tilespmem:s26+$0xFFFFFF90]  }
0x5a: {  	v58 =	vld [tilespmem:s26+$0x10];
	_ =	sdelay $0x2  }
0x5b: {  	v59 =	vld.idx.msk [tilespmem:v5+s3+$0x0], $0xffff  }
0x5c: {  	v60 =	vperm.xlane v4, v1;
	v61 =	vperm.xlane v57, v1;
	v62 =	vld.idx.msk [tilespmem:v5+s17+$0x0], $0xffff  }
0x5d: {  	v63 =	vperm.xlane v58, v1  }
0x5e: {  	vm9 =	veq.s32 v60, v4;
	v4 =	vmax.f32 v57, v61  }
0x5f: {  	v15 =	vmax.f32 v58, v63;
	v4 =	vsel vm9, v4, v57  }
0x60: {  	v6 =	vsel vm9, v15, v58;
	v4 =	vmax.f32 v59, v4  }
0x61: {  	[tilespmem:v5+s3+$0x0] =	vst.idx.msk $0xffff, v4;
	v4 =	vmax.f32 v62, v6  }
0x62: {  	[tilespmem:v5+s17+$0x0] =	vst.idx.msk $0xffff, v4  }
0x63: {  	v4 =	vld.idx.msk [tilespmem:v3+s29+$0xFFFFFFE0 ss:$0x1], $0xffff;
	_ =	sdelay $0x4  }
0x64: {  	v5 =	vadd.s32 v2, v4  }
0x65: {  	v16 =	vld [tilespmem:s26+$0xFFFFFFA0]  }
0x66: {  	v17 =	vld [tilespmem:s26+$0x20];
	_ =	sdelay $0x2  }
0x67: {  	v18 =	vld.idx.msk [tilespmem:v5+s3+$0x0], $0xffff  }
0x68: {  	v19 =	vperm.xlane v4, v1;
	v20 =	vperm.xlane v16, v1;
	v21 =	vld.idx.msk [tilespmem:v5+s17+$0x0], $0xffff  }
0x69: {  	v22 =	vperm.xlane v17, v1  }
0x6a: {  	vm10 =	veq.s32 v19, v4;
	v4 =	vmax.f32 v16, v20  }
0x6b: {  	v23 =	vmax.f32 v17, v22;
	v4 =	vsel vm10, v4, v16  }
0x6c: {  	v6 =	vsel vm10, v23, v17;
	v4 =	vmax.f32 v18, v4  }
0x6d: {  	[tilespmem:v5+s3+$0x0] =	vst.idx.msk $0xffff, v4;
	v4 =	vmax.f32 v21, v6  }
0x6e: {  	[tilespmem:v5+s17+$0x0] =	vst.idx.msk $0xffff, v4  }
0x6f: {  	v4 =	vld.idx.msk [tilespmem:v3+s29+$0xFFFFFFF0 ss:$0x1], $0xffff;
	_ =	sdelay $0x4  }
0x70: {  	v5 =	vadd.s32 v2, v4  }
0x71: {  	v24 =	vld [tilespmem:s26+$0xFFFFFFB0]  }
0x72: {  	v25 =	vld [tilespmem:s26+$0x30];
	_ =	sdelay $0x2  }
0x73: {  	v26 =	vld.idx.msk [tilespmem:v5+s3+$0x0], $0xffff  }
0x74: {  	v27 =	vperm.xlane v4, v1;
	v28 =	vperm.xlane v24, v1;
	v29 =	vld.idx.msk [tilespmem:v5+s17+$0x0], $0xffff  }
0x75: {  	v30 =	vperm.xlane v25, v1  }
0x76: {  	vm11 =	veq.s32 v27, v4;
	v4 =	vmax.f32 v24, v28  }
0x77: {  	v31 =	vmax.f32 v25, v30;
	v4 =	vsel vm11, v4, v24  }
0x78: {  	v6 =	vsel vm11, v31, v25;
	v4 =	vmax.f32 v26, v4  }
0x79: {  	[tilespmem:v5+s3+$0x0] =	vst.idx.msk $0xffff, v4;
	v4 =	vmax.f32 v29, v6  }
0x7a: {  	[tilespmem:v5+s17+$0x0] =	vst.idx.msk $0xffff, v4  }
0x7b: {  	v4 =	vld.idx.msk [tilespmem:v3+s29+$0x0 ss:$0x1], $0xffff;
	_ =	sdelay $0x4  }
0x7c: {  	v5 =	vadd.s32 v2, v4  }
0x7d: {  	v32 =	vld [tilespmem:s26+$0xFFFFFFC0]  }
0x7e: {  	v33 =	vld [tilespmem:s26+$0x40];
	_ =	sdelay $0x2  }
0x7f: {  	v34 =	vld.idx.msk [tilespmem:v5+s3+$0x0], $0xffff  }
0x80: {  	v35 =	vperm.xlane v4, v1;
	v36 =	vperm.xlane v32, v1;
	v37 =	vld.idx.msk [tilespmem:v5+s17+$0x0], $0xffff  }
0x81: {  	v38 =	vperm.xlane v33, v1  }
0x82: {  	vm12 =	veq.s32 v35, v4;
	v4 =	vmax.f32 v32, v36  }
0x83: {  	v39 =	vmax.f32 v33, v38;
	v4 =	vsel vm12, v4, v32  }
0x84: {  	v6 =	vsel vm12, v39, v33;
	v4 =	vmax.f32 v34, v4  }
0x85: {  	[tilespmem:v5+s3+$0x0] =	vst.idx.msk $0xffff, v4;
	v4 =	vmax.f32 v37, v6  }
0x86: {  	[tilespmem:v5+s17+$0x0] =	vst.idx.msk $0xffff, v4  }
0x87: {  	v4 =	vld.idx.msk [tilespmem:v3+s29+$0x10 ss:$0x1], $0xffff;
	_ =	sdelay $0x4  }
0x88: {  	v5 =	vadd.s32 v2, v4  }
0x89: {  	v40 =	vld [tilespmem:s26+$0xFFFFFFD0]  }
0x8a: {  	v41 =	vld [tilespmem:s26+$0x50];
	_ =	sdelay $0x2  }
0x8b: {  	v42 =	vld.idx.msk [tilespmem:v5+s3+$0x0], $0xffff  }
0x8c: {  	v43 =	vperm.xlane v4, v1;
	v44 =	vperm.xlane v40, v1;
	v45 =	vld.idx.msk [tilespmem:v5+s17+$0x0], $0xffff  }
0x8d: {  	v46 =	vperm.xlane v41, v1  }
0x8e: {  	vm13 =	veq.s32 v43, v4;
	v4 =	vmax.f32 v40, v44  }
0x8f: {  	v47 =	vmax.f32 v41, v46;
	v4 =	vsel vm13, v4, v40  }
0x90: {  	v6 =	vsel vm13, v47, v41;
	v4 =	vmax.f32 v42, v4  }
0x91: {  	[tilespmem:v5+s3+$0x0] =	vst.idx.msk $0xffff, v4;
	v4 =	vmax.f32 v45, v6  }
0x92: {  	[tilespmem:v5+s17+$0x0] =	vst.idx.msk $0xffff, v4  }
0x93: {  	v4 =	vld.idx.msk [tilespmem:v3+s29+$0x20 ss:$0x1], $0xffff;
	_ =	sdelay $0x4  }
0x94: {  	v5 =	vadd.s32 v2, v4  }
0x95: {  	v48 =	vld [tilespmem:s26+$0xFFFFFFE0]  }
0x96: {  	v49 =	vld [tilespmem:s26+$0x60];
	_ =	sdelay $0x2  }
0x97: {  	v50 =	vld.idx.msk [tilespmem:v5+s3+$0x0], $0xffff  }
0x98: {  	v51 =	vperm.xlane v4, v1;
	v52 =	vperm.xlane v48, v1;
	v53 =	vld.idx.msk [tilespmem:v5+s17+$0x0], $0xffff  }
0x99: {  	v54 =	vperm.xlane v49, v1  }
0x9a: {  	vm14 =	veq.s32 v51, v4;
	v4 =	vmax.f32 v48, v52  }
0x9b: {  	v55 =	vmax.f32 v49, v54;
	v4 =	vsel vm14, v4, v48  }
0x9c: {  	v6 =	vsel vm14, v55, v49;
	v4 =	vmax.f32 v50, v4  }
0x9d: {  	[tilespmem:v5+s3+$0x0] =	vst.idx.msk $0xffff, v4;
	v4 =	vmax.f32 v53, v6  }
0x9e: {  	[tilespmem:v5+s17+$0x0] =	vst.idx.msk $0xffff, v4  }
0x9f: {  	v4 =	vld.idx.msk [tilespmem:v3+s29+$0x30 ss:$0x1], $0xffff;
	_ =	sdelay $0x4  }
0xa0: {  	v5 =	vadd.s32 v2, v4  }
0xa1: {  	v56 =	vld [tilespmem:s26+$0xFFFFFFF0]  }
0xa2: {  	v57 =	vld [tilespmem:s26+$0x70];
	_ =	sdelay $0x2  }
0xa3: {  	v58 =	vld.idx.msk [tilespmem:v5+s3+$0x0], $0xffff  }
0xa4: {  	v59 =	vperm.xlane v4, v1;
	v60 =	vperm.xlane v56, v1;
	v61 =	vld.idx.msk [tilespmem:v5+s17+$0x0], $0xffff  }
0xa5: {  	p1 =	sne.s32 s28, $0x7E00;
	v62 =	vperm.xlane v57, v1  }
.Ltmp1:
0xa6: {  	vm15 =	veq.s32 v59, v4;
	v4 =	vmax.f32 v56, v60;
	(pc) =	sbr.rel @p1 .LBB2_6-.Ltmp1, $4  }
0xa7: {  	v63 =	vmax.f32 v57, v62;
	v4 =	vsel vm15, v4, v56  }
0xa8: {  	v6 =	vsel vm15, v63, v57;
	v4 =	vmax.f32 v58, v4  }
0xa9: {  	[tilespmem:v5+s3+$0x0] =	vst.idx.msk $0xffff, v4;
	v4 =	vmax.f32 v61, v6  }
0xaa: {  	s28 =	sadd.s32 $0x200, s28;
	s26 =	sadd.s32 $0x100, s26;
	[tilespmem:v5+s17+$0x0] =	vst.idx.msk $0xffff, v4  }
0xab: {  	s25 =	sadd.s32 $0x1, s25  }
0xac: {  	p1 =	sne.s32 s25, $0x4  }
.Ltmp2:
0xad: {  	_ = 	snop;
	(pc) =	sbr.rel @p1 .LBB2_5-.Ltmp2, $2  }
0xae: {  	_ =	sdelay $0x2  }
0xaf: {  	p0 =	por !p0, !p0  }
0xb0: {  	s24 =	simm.s32 $0x0  }
0xb1: {  	v3 =	vld [tilespmem:s24+$0x8070]  }
0xb2: {  	v4 =	vld [tilespmem:s24+$0x9070]  }
0xb3: {  	v5 =	vld [tilespmem:s24+$0xA070]  }
0xb4: {  	v6 =	vld [tilespmem:s24+$0xB070]  }
0xb5: {  	v7 =	vld [tilespmem:s24+$0xC070]  }
0xb6: {  	v8 =	vld [tilespmem:s24+$0xD070]  }
0xb7: {  	v9 =	vld [tilespmem:s24+$0xE070];
	v3 =	vmax.f32 v3, v4  }
0xb8: {  	v4 =	vld [tilespmem:s24+$0xF070];
	v3 =	vmax.f32 v3, v5  }
0xb9: {  	v3 =	vmax.f32 v3, v6  }
0xba: {  	v3 =	vmax.f32 v3, v7  }
0xbb: {  	v3 =	vmax.f32 v3, v8  }
0xbc: {  	v3 =	vmax.f32 v3, v9  }
0xbd: {  	v3 =	vmax.f32 v3, v4  }
0xbe: {  	[tilespmem:s24+$0x1D070] =	vst v3;
	v3 =	vld [tilespmem:s24+$0x3020];
	_ =	sdelay $0x4  }
0xbf: {  	[tilespmem:$0x1FDD0] =	vst v3;
	v3 =	vld [tilespmem:s24+$0xB020];
	_ =	sdelay $0x4  }
0xc0: {  	[tilespmem:$0x1FDE0] =	vst v3;
	v3 =	vld [tilespmem:s24+$0x3030];
	_ =	sdelay $0x4  }
0xc1: {  	[tilespmem:$0x1FDF0] =	vst v3;
	v3 =	vld [tilespmem:s24+$0xB030];
	_ =	sdelay $0x4  }
0xc2: {  	[tilespmem:$0x1FE00] =	vst v3;
	v3 =	vld [tilespmem:s24+$0x3040];
	_ =	sdelay $0x4  }
0xc3: {  	[tilespmem:$0x1FE20] =	vst v3;
	v3 =	vld [tilespmem:s24+$0xB040];
	_ =	sdelay $0x4  }
0xc4: {  	[tilespmem:$0x1FE30] =	vst v3;
	v3 =	vld [tilespmem:s24+$0x3050];
	_ =	sdelay $0x4  }
0xc5: {  	[tilespmem:$0x1FE50] =	vst v3;
	v3 =	vld [tilespmem:s24+$0xB050];
	_ =	sdelay $0x4  }
0xc6: {  	[tilespmem:$0x1FE60] =	vst v3;
	v3 =	vld [tilespmem:s24+$0x3060];
	_ =	sdelay $0x4  }
0xc7: {  	[tilespmem:$0x1FE80] =	vst v3;
	v3 =	vld [tilespmem:s24+$0xB060];
	_ =	sdelay $0x4  }
0xc8: {  	[tilespmem:$0x1FEA0] =	vst v3;
	v3 =	vld [tilespmem:s24+$0x3070];
	_ =	sdelay $0x4  }
0xc9: {  	[tilespmem:$0x1FEC0] =	vst v3;
	v3 =	vld [tilespmem:s24+$0xC010];
	_ =	sdelay $0x4  }
0xca: {  	[tilespmem:$0x1FE10] =	vst v3;
	v3 =	vld [tilespmem:s24+$0x4020];
	_ =	sdelay $0x4  }
0xcb: {  	[tilespmem:$0x1FE40] =	vst v3;
	v3 =	vld [tilespmem:s24+$0xC020];
	_ =	sdelay $0x4  }
0xcc: {  	[tilespmem:$0x1FE70] =	vst v3;
	v3 =	vld [tilespmem:s24+$0x4030];
	_ =	sdelay $0x4  }
0xcd: {  	[tilespmem:$0x1FEB0] =	vst v3;
	v3 =	vld [tilespmem:s24+$0xC030];
	_ =	sdelay $0x4  }
0xce: {  	[tilespmem:$0x1FEE0] =	vst v3;
	v3 =	vld [tilespmem:s24+$0x4040];
	_ =	sdelay $0x4  }
0xcf: {  	[tilespmem:$0x1FEF0] =	vst v3;
	v3 =	vld [tilespmem:s24+$0xC040];
	_ =	sdelay $0x4  }
0xd0: {  	[tilespmem:$0x1FF10] =	vst v3;
	v3 =	vld [tilespmem:s24+$0x4050];
	_ =	sdelay $0x4  }
0xd1: {  	[tilespmem:$0x1FF30] =	vst v3;
	v3 =	vld [tilespmem:s24+$0xC050];
	_ =	sdelay $0x4  }
0xd2: {  	[tilespmem:$0x1FF40] =	vst v3;
	v3 =	vld [tilespmem:s24+$0x4060];
	_ =	sdelay $0x4  }
0xd3: {  	[tilespmem:$0x1FF60] =	vst v3;
	v3 =	vld [tilespmem:s24+$0xC060];
	_ =	sdelay $0x1  }
0xd4: {  	v63 =	vld [tilespmem:s24+$0x9000]  }
0xd5: {  	v18 =	vld [tilespmem:s24+$0x8010]  }
0xd6: {  	v19 =	vld [tilespmem:s24+$0x1010]  }
0xd7: {  	[tilespmem:$0x1FF80] =	vst v3;
	v3 =	vld [tilespmem:s24+$0x4070]  }
0xd8: {  	v20 =	vld [tilespmem:s24+$0x9010]  }
0xd9: {  	v21 =	vld [tilespmem:s24+$0x20]  }
0xda: {  	v22 =	vld [tilespmem:s24+$0x8020]  }
0xdb: {  	v23 =	vld [tilespmem:s24+$0x1020]  }
0xdc: {  	[tilespmem:$0x1FF90] =	vst v3;
	v3 =	vld [tilespmem:s24+$0xD020]  }
0xdd: {  	v24 =	vld [tilespmem:s24+$0x9020]  }
0xde: {  	v25 =	vld [tilespmem:s24+$0x30]  }
0xdf: {  	v26 =	vld [tilespmem:s24+$0x8030]  }
0xe0: {  	v27 =	vld [tilespmem:s24+$0x1030]  }
0xe1: {  	[tilespmem:$0x1FE90] =	vst v3;
	v3 =	vld [tilespmem:s24+$0x5030]  }
0xe2: {  	v28 =	vld [tilespmem:s24+$0x9030]  }
0xe3: {  	v29 =	vld [tilespmem:s24+$0x40]  }
0xe4: {  	v30 =	vld [tilespmem:s24+$0x8040]  }
0xe5: {  	v31 =	vld [tilespmem:s24+$0x1040]  }
0xe6: {  	[tilespmem:$0x1FED0] =	vst v3;
	v3 =	vld [tilespmem:s24+$0xD030]  }
0xe7: {  	v32 =	vld [tilespmem:s24+$0x9040]  }
0xe8: {  	v33 =	vld [tilespmem:s24+$0x50]  }
0xe9: {  	v34 =	vld [tilespmem:s24+$0x8050]  }
0xea: {  	v35 =	vld [tilespmem:s24+$0x1050]  }
0xeb: {  	[tilespmem:$0x1FF20] =	vst v3;
	v3 =	vld [tilespmem:s24+$0x5040]  }
0xec: {  	v36 =	vld [tilespmem:s24+$0x9050]  }
0xed: {  	v37 =	vld [tilespmem:s24+$0x60]  }
0xee: {  	v38 =	vld [tilespmem:s24+$0x8060]  }
0xef: {  	v39 =	vld [tilespmem:s24+$0x1060]  }
0xf0: {  	[tilespmem:$0x1FF70] =	vst v3;
	v3 =	vld [tilespmem:s24+$0xD040]  }
0xf1: {  	v40 =	vld [tilespmem:s24+$0x9060]  }
0xf2: {  	v41 =	vld [tilespmem:s24+$0x70]  }
0xf3: {  	v42 =	vld [tilespmem:s24+$0x1070]  }
0xf4: {  	v43 =	vld [tilespmem:s24+$0x2000]  }
0xf5: {  	[tilespmem:$0x1FFA0] =	vst v3;
	v3 =	vld [tilespmem:s24+$0x5050]  }
0xf6: {  	v44 =	vld [tilespmem:s24+$0xA000]  }
0xf7: {  	v45 =	vld [tilespmem:s24+$0x2010]  }
0xf8: {  	v46 =	vld [tilespmem:s24+$0xA010]  }
0xf9: {  	v47 =	vld [tilespmem:s24+$0x2020]  }
0xfa: {  	[tilespmem:$0x1FFB0] =	vst v3;
	v3 =	vld [tilespmem:s24+$0xD050]  }
0xfb: {  	v48 =	vld [tilespmem:s24+$0xA020]  }
0xfc: {  	v49 =	vld [tilespmem:s24+$0x2030]  }
0xfd: {  	v50 =	vld [tilespmem:s24+$0xA030]  }
0xfe: {  	v51 =	vld [tilespmem:s24+$0x2040]  }
0xff: {  	[tilespmem:$0x1FFC0] =	vst v3;
	v3 =	vld [tilespmem:s24+$0x5060]  }
0x100: {  	v52 =	vld [tilespmem:s24+$0xA040]  }
0x101: {  	v53 =	vld [tilespmem:s24+$0x2050]  }
0x102: {  	v5 =	vld [tilespmem:s24+$0x0]  }
0x103: {  	v54 =	vld [tilespmem:s24+$0xA050]  }
0x104: {  	[tilespmem:$0x1FFD0] =	vst v3;
	v3 =	vld [tilespmem:s24+$0xD060]  }
0x105: {  	v55 =	vld [tilespmem:s24+$0x2060]  }
0x106: {  	v56 =	vld [tilespmem:s24+$0xA060]  }
0x107: {  	[tilespmem:$0x1FD90] =	vst v5;
	v5 =	vld [tilespmem:s24+$0x8000]  }
0x108: {  	v57 =	vld [tilespmem:s24+$0x2070]  }
0x109: {  	[tilespmem:$0x1FFE0] =	vst v3;
	v3 =	vld [tilespmem:s24+$0x5070]  }
0x10a: {  	v58 =	vld [tilespmem:s24+$0x3000]  }
0x10b: {  	v59 =	vld [tilespmem:s24+$0xB000]  }
0x10c: {  	[tilespmem:$0x1FDB0] =	vst v5;
	v5 =	vld [tilespmem:s24+$0x1000]  }
0x10d: {  	v60 =	vld [tilespmem:s24+$0x3010]  }
0x10e: {  	[tilespmem:$0x1FFF0] =	vst v3;
	v3 =	vld [tilespmem:s24+$0x6030]  }
0x10f: {  	v61 =	vld [tilespmem:s24+$0xB010]  }
0x110: {  	v10 =	vld [tilespmem:s24+$0x4000]  }
0x111: {  	v13 =	vld [tilespmem:s24+$0xC000];
	[tilespmem:$0x1FDA0] =	vst v5  }
0x112: {  	v62 =	vld [tilespmem:$0x1FDA0]  }
0x113: {  	[tilespmem:$0x1FF00] =	vst v3;
	v3 =	vld [tilespmem:$0x1FD90]  }
0x114: {  	v16 =	vld [tilespmem:s24+$0x4010]  }
0x115: {  	v11 =	vld [tilespmem:s24+$0x5010]  }
0x116: {  	v14 =	vld [tilespmem:s24+$0xD010]  }
0x117: {  	v17 =	vld [tilespmem:s24+$0x5020]  }
0x118: {  	v3 =	vmax.f32 v3, v62;
	v62 =	vld [tilespmem:$0x1FDB0]  }
0x119: {  	v12 =	vld [tilespmem:s24+$0x6020]  }
0x11a: {  	v15 =	vld [tilespmem:s24+$0xE020]  }
0x11b: {  	v18 =	vmax.f32 v18, v20;
	v20 =	vmax.f32 v21, v23;
	v21 =	vld [tilespmem:s24+$0x6040]  }
0x11c: {  	v5 =	vld [tilespmem:s24+$0x10]  }
0x11d: {  	v63 =	vmax.f32 v62, v63;
	v62 =	vld [tilespmem:s24+$0xE030]  }
0x11e: {  	v23 =	vmax.f32 v25, v27;
	v25 =	vld [tilespmem:s24+$0xE040]  }
0x11f: {  	v22 =	vmax.f32 v22, v24;
	v24 =	vmax.f32 v26, v28;
	v23 =	vmax.f32 v23, v49;
	v49 =	vld [tilespmem:s24+$0x7000]  }
0x120: {  	v26 =	vmax.f32 v29, v31;
	v24 =	vmax.f32 v24, v50;
	v50 =	vld [tilespmem:s24+$0xF000]  }
0x121: {  	v26 =	vmax.f32 v26, v51;
	v51 =	vld [tilespmem:$0x1FDD0];
	[tilespmem:$0x1FDC0] =	vst v5  }
0x122: {  	v27 =	vmax.f32 v30, v32;
	v30 =	vmax.f32 v34, v36;
	[tilespmem:$0x1FF50] =	vst v62;
	v62 =	vld [tilespmem:$0x1FDC0]  }
0x123: {  	v30 =	vmax.f32 v30, v54;
	v54 =	vld [tilespmem:$0x1FE10]  }
0x124: {  	v28 =	vmax.f32 v33, v35;
	v31 =	vmax.f32 v37, v39;
	v7 =	vld [tilespmem:s24+$0x6010]  }
0x125: {  	v18 =	vmax.f32 v18, v46;
	v20 =	vmax.f32 v20, v47;
	v27 =	vmax.f32 v27, v52;
	v8 =	vld [tilespmem:s24+$0xD000]  }
0x126: {  	v28 =	vmax.f32 v28, v53;
	v31 =	vmax.f32 v31, v55;
	v18 =	vmax.f32 v18, v61;
	v5 =	vld [tilespmem:s24+$0xE000]  }
0x127: {  	v20 =	vmax.f32 v20, v51;
	v55 =	vld [tilespmem:$0x1FE40];
	v63 =	vmax.f32 v63, v44;
	v19 =	vmax.f32 v62, v19  }
0x128: {  	v9 =	vld [tilespmem:s24+$0xE010];
	v18 =	vmax.f32 v18, v54;
	v35 =	vmax.f32 v63, v59;
	v19 =	vmax.f32 v19, v45  }
0x129: {  	v6 =	vld [tilespmem:s24+$0x5000];
	v3 =	vmax.f32 v3, v43;
	v13 =	vmax.f32 v35, v13;
	v19 =	vmax.f32 v19, v60  }
0x12a: {  	v4 =	vld [tilespmem:s24+$0x6000];
	v3 =	vmax.f32 v3, v58;
	v8 =	vmax.f32 v13, v8;
	v16 =	vmax.f32 v19, v16  }
0x12b: {  	v52 =	vld [tilespmem:$0x1FDE0];
	v5 =	vmax.f32 v8, v5;
	v62 =	vmax.f32 v41, v42;
	v8 =	vmax.f32 v16, v11  }
0x12c: {  	v53 =	vld [tilespmem:$0x1FE00];
	v7 =	vmax.f32 v8, v7;
	v8 =	vmax.f32 v18, v14;
	v18 =	vmax.f32 v20, v55  }
0x12d: {  	v34 =	vmax.f32 v62, v57;
	v57 =	vld [tilespmem:$0x1FE70];
	v8 =	vmax.f32 v8, v9;
	v9 =	vmax.f32 v18, v17  }
0x12e: {  	v32 =	vmax.f32 v38, v40;
	v3 =	vmax.f32 v3, v10;
	v9 =	vmax.f32 v9, v12;
	v12 =	vld [tilespmem:$0x1FE90]  }
0x12f: {  	v32 =	vmax.f32 v32, v56;
	v56 =	vld [tilespmem:$0x1FE60];
	v3 =	vmax.f32 v3, v6  }
0x130: {  	v22 =	vmax.f32 v22, v48;
	v61 =	vld [tilespmem:$0x1FF00];
	v3 =	vmax.f32 v3, v4  }
0x131: {  	v22 =	vmax.f32 v22, v52;
	v10 =	vld [tilespmem:s24+$0x7010];
	v3 =	vmax.f32 v3, v49  }
0x132: {  	[tilespmem:s24+$0x1C000] =	vst v3;
	v3 =	vld [tilespmem:$0x1FDF0];
	v18 =	vmax.f32 v22, v57  }
0x133: {  	v59 =	vld [tilespmem:$0x1FEB0];
	v12 =	vmax.f32 v18, v12  }
0x134: {  	v12 =	vmax.f32 v12, v15;
	v15 =	vld [tilespmem:$0x1FED0]  }
0x135: {  	v6 =	vld [tilespmem:s24+$0xF010]  }
0x136: {  	v11 =	vld [tilespmem:s24+$0x7030]  }
0x137: {  	v4 =	vld [tilespmem:s24+$0x7020];
	v3 =	vmax.f32 v23, v3  }
0x138: {  	v13 =	vld [tilespmem:s24+$0xF020];
	v5 =	vmax.f32 v5, v50;
	v3 =	vmax.f32 v3, v59  }
0x139: {  	[tilespmem:s24+$0x1D000] =	vst v5;
	v5 =	vld [tilespmem:$0x1FE20];
	v7 =	vmax.f32 v7, v10;
	v3 =	vmax.f32 v3, v15  }
0x13a: {  	[tilespmem:s24+$0x1C010] =	vst v7;
	v7 =	vld [tilespmem:$0x1FE50];
	v3 =	vmax.f32 v3, v61  }
0x13b: {  	v3 =	vmax.f32 v3, v11;
	v11 =	vld [tilespmem:$0x1FF30]  }
0x13c: {  	v60 =	vld [tilespmem:$0x1FEF0]  }
0x13d: {  	v14 =	vld [tilespmem:$0x1FE30];
	v6 =	vmax.f32 v8, v6  }
0x13e: {  	[tilespmem:s24+$0x1D010] =	vst v6;
	v6 =	vld [tilespmem:$0x1FE80];
	v12 =	vmax.f32 v12, v13  }
0x13f: {  	v7 =	vmax.f32 v28, v7;
	[tilespmem:s24+$0x1D020] =	vst v12;
	v12 =	vld [tilespmem:$0x1FF10]  }
0x140: {  	v11 =	vmax.f32 v7, v11;
	v7 =	vld [tilespmem:$0x1FF40]  }
0x141: {  	[tilespmem:s24+$0x1C030] =	vst v3;
	v3 =	vld [tilespmem:$0x1FF60]  }
0x142: {  	v10 =	vld [tilespmem:s24+$0xF030]  }
0x143: {  	v14 =	vmax.f32 v27, v14;
	v15 =	vld [tilespmem:$0x1FEE0]  }
0x144: {  	v17 =	vmax.f32 v30, v56;
	v14 =	vmax.f32 v14, v12;
	v12 =	vld [tilespmem:$0x1FF20]  }
0x145: {  	v6 =	vmax.f32 v31, v6;
	v62 =	vmax.f32 v17, v7;
	v7 =	vld [tilespmem:$0x1FF50]  }
0x146: {  	v3 =	vmax.f32 v6, v3;
	v6 =	vld [tilespmem:$0x1FF70]  }
0x147: {  	v29 =	vld [tilespmem:s24+$0x6050];
	v16 =	vmax.f32 v24, v53  }
0x148: {  	v33 =	vld [tilespmem:s24+$0xE050];
	v15 =	vmax.f32 v16, v15  }
0x149: {  	v47 =	vld [tilespmem:s24+$0xE060];
	v5 =	vmax.f32 v26, v5;
	v15 =	vmax.f32 v15, v12  }
0x14a: {  	v48 =	vld [tilespmem:s24+$0x6070];
	v5 =	vmax.f32 v5, v60;
	v4 =	vmax.f32 v9, v4;
	v7 =	vmax.f32 v15, v7  }
0x14b: {  	[tilespmem:s24+$0x1C020] =	vst v4;
	v4 =	vld [tilespmem:$0x1FEC0];
	v5 =	vmax.f32 v5, v6;
	v6 =	vmax.f32 v7, v10  }
0x14c: {  	[tilespmem:s24+$0x1D030] =	vst v6;
	v6 =	vld [tilespmem:$0x1FFA0]  }
0x14d: {  	v15 =	vld [tilespmem:$0x1FF90]  }
0x14e: {  	v8 =	vld [tilespmem:s24+$0x7040]  }
0x14f: {  	v58 =	vld [tilespmem:$0x1FEA0]  }
0x150: {  	v44 =	vld [tilespmem:s24+$0x6060]  }
0x151: {  	v4 =	vmax.f32 v34, v4;
	v6 =	vmax.f32 v14, v6;
	v14 =	vld [tilespmem:$0x1FFB0]  }
0x152: {  	v5 =	vmax.f32 v5, v21;
	v4 =	vmax.f32 v4, v15;
	v15 =	vld [tilespmem:$0x1FFD0]  }
0x153: {  	v9 =	vld [tilespmem:s24+$0xF040];
	v5 =	vmax.f32 v5, v8  }
0x154: {  	[tilespmem:s24+$0x1C040] =	vst v5;
	v5 =	vld [tilespmem:$0x1FFF0]  }
0x155: {  	v10 =	vld [tilespmem:$0x1FF80]  }
0x156: {  	v11 =	vmax.f32 v11, v14;
	v14 =	vld [tilespmem:$0x1FFC0]  }
0x157: {  	v3 =	vmax.f32 v3, v15;
	v15 =	vld [tilespmem:$0x1FFE0]  }
0x158: {  	v13 =	vld [tilespmem:s24+$0x7050]  }
0x159: {  	v18 =	vmax.f32 v32, v58;
	v12 =	vld [tilespmem:s24+$0xF050]  }
0x15a: {  	v7 =	vld [tilespmem:s24+$0x7060];
	v10 =	vmax.f32 v18, v10;
	v63 =	vmax.f32 v4, v5;
	v5 =	vmax.f32 v6, v25  }
0x15b: {  	v8 =	vld [tilespmem:s24+$0xF060];
	v4 =	vmax.f32 v3, v44;
	v11 =	vmax.f32 v11, v29;
	v14 =	vmax.f32 v62, v14  }
0x15c: {  	s26 =	simm.s32 $0x80;
	v15 =	vmax.f32 v10, v15;
	v10 =	vld [tilespmem:s24+$0x7070];
	v6 =	vmax.f32 v14, v33;
	v14 =	vmax.f32 v5, v9  }
0x15d: {  	s25 =	simm.s32 $0x400;
	v3 =	vmax.f32 v63, v48;
	v11 =	vmax.f32 v11, v13;
	v9 =	vld [tilespmem:s26+$0x8070];
	v5 =	vmax.f32 v15, v47;
	[tilespmem:s24+$0x1D040] =	vst v14  }
.LBB2_9:
0x15e: {  	p0 =	sne.s32 s25, $0x3E00;
	v13 =	vld [tilespmem:s26+$0x9070];
	v6 =	vmax.f32 v6, v12;
	[tilespmem:s24+$0x1C050] =	vst v11  }
0x15f: {  	v11 =	vld [tilespmem:s26+$0xA070];
	[tilespmem:s24+$0x1D050] =	vst v6;
	v4 =	vmax.f32 v4, v7  }
0x160: {  	v6 =	vld [tilespmem:s26+$0xB070];
	v5 =	vmax.f32 v5, v8;
	[tilespmem:s24+$0x1C060] =	vst v4  }
0x161: {  	v4 =	vld [tilespmem:s26+$0xC070];
	[tilespmem:s24+$0x1D060] =	vst v5;
	v3 =	vmax.f32 v3, v10  }
0x162: {  	v5 =	vld [tilespmem:s26+$0xD070];
	[tilespmem:s24+$0x1C070] =	vst v3;
	s24 =	smov.u32 s26  }
0x163: {  	v3 =	vmax.f32 v9, v13;
	v7 =	vld [tilespmem:s24+$0xE070]  }
0x164: {  	v3 =	vmax.f32 v3, v11;
	v8 =	vld [tilespmem:s24+$0xF070]  }
0x165: {  	v9 =	vld [tilespmem:s24+$0x0];
	v3 =	vmax.f32 v3, v6  }
0x166: {  	v6 =	vld [tilespmem:s24+$0x8000];
	v3 =	vmax.f32 v3, v4  }
0x167: {  	v4 =	vld [tilespmem:s24+$0x1000];
	v3 =	vmax.f32 v3, v5  }
0x168: {  	v5 =	vld [tilespmem:s24+$0x9000];
	v3 =	vmax.f32 v3, v7  }
0x169: {  	v7 =	vld [tilespmem:s24+$0x10];
	v3 =	vmax.f32 v3, v8  }
0x16a: {  	v8 =	vld [tilespmem:s24+$0x8010];
	[tilespmem:s24+$0x1D070] =	vst v3  }
0x16b: {  	v3 =	vld [tilespmem:s24+$0x1010]  }
0x16c: {  	v4 =	vmax.f32 v9, v4;
	v9 =	vld [tilespmem:s24+$0x9010]  }
0x16d: {  	v5 =	vmax.f32 v6, v5;
	v6 =	vld [tilespmem:s24+$0x20]  }
0x16e: {  	v10 =	vld [tilespmem:s24+$0x8020]  }
0x16f: {  	v11 =	vld [tilespmem:s24+$0x1020]  }
0x170: {  	v3 =	vmax.f32 v7, v3;
	v7 =	vld [tilespmem:s24+$0x9020]  }
0x171: {  	v8 =	vmax.f32 v8, v9;
	v9 =	vld [tilespmem:s24+$0x30]  }
0x172: {  	v12 =	vld [tilespmem:s24+$0x8030]  }
0x173: {  	v13 =	vld [tilespmem:s24+$0x1030]  }
0x174: {  	v6 =	vmax.f32 v6, v11;
	v11 =	vld [tilespmem:s24+$0x9030]  }
0x175: {  	v7 =	vmax.f32 v10, v7;
	v10 =	vld [tilespmem:s24+$0x40]  }
0x176: {  	v14 =	vld [tilespmem:s24+$0x8040]  }
0x177: {  	v15 =	vld [tilespmem:s24+$0x1040]  }
0x178: {  	v9 =	vmax.f32 v9, v13;
	v13 =	vld [tilespmem:s24+$0x9040]  }
0x179: {  	v11 =	vmax.f32 v12, v11;
	v12 =	vld [tilespmem:s24+$0x50]  }
0x17a: {  	v16 =	vld [tilespmem:s24+$0x8050]  }
0x17b: {  	v17 =	vld [tilespmem:s24+$0x1050]  }
0x17c: {  	v10 =	vmax.f32 v10, v15;
	v15 =	vld [tilespmem:s24+$0x9050]  }
0x17d: {  	v13 =	vmax.f32 v14, v13;
	v14 =	vld [tilespmem:s24+$0x60]  }
0x17e: {  	v18 =	vld [tilespmem:s24+$0x8060]  }
0x17f: {  	v19 =	vld [tilespmem:s24+$0x1060]  }
0x180: {  	v12 =	vmax.f32 v12, v17;
	v17 =	vld [tilespmem:s24+$0x9060]  }
0x181: {  	v15 =	vmax.f32 v16, v15;
	v16 =	vld [tilespmem:s24+$0x70]  }
0x182: {  	v20 =	vld [tilespmem:s24+$0x1070]  }
0x183: {  	v21 =	vld [tilespmem:s24+$0x2000]  }
0x184: {  	v22 =	vld [tilespmem:s24+$0xA000];
	v14 =	vmax.f32 v14, v19  }
0x185: {  	v19 =	vld [tilespmem:s24+$0x2010];
	v17 =	vmax.f32 v18, v17  }
0x186: {  	v18 =	vld [tilespmem:s24+$0xA010]  }
0x187: {  	v23 =	vld [tilespmem:s24+$0x2020];
	v16 =	vmax.f32 v16, v20  }
0x188: {  	v4 =	vmax.f32 v4, v21;
	v20 =	vld [tilespmem:s24+$0xA020]  }
0x189: {  	v5 =	vmax.f32 v5, v22;
	v21 =	vld [tilespmem:s24+$0x2030]  }
0x18a: {  	v3 =	vmax.f32 v3, v19;
	v19 =	vld [tilespmem:s24+$0xA030]  }
0x18b: {  	v8 =	vmax.f32 v8, v18;
	v18 =	vld [tilespmem:s24+$0x2040]  }
0x18c: {  	v6 =	vmax.f32 v6, v23;
	v22 =	vld [tilespmem:s24+$0xA040]  }
0x18d: {  	v7 =	vmax.f32 v7, v20;
	v20 =	vld [tilespmem:s24+$0x2050]  }
0x18e: {  	v9 =	vmax.f32 v9, v21;
	v21 =	vld [tilespmem:s24+$0xA050]  }
0x18f: {  	v11 =	vmax.f32 v11, v19;
	v19 =	vld [tilespmem:s24+$0x2060]  }
0x190: {  	v10 =	vmax.f32 v10, v18;
	v18 =	vld [tilespmem:s24+$0xA060]  }
0x191: {  	v13 =	vmax.f32 v13, v22;
	v22 =	vld [tilespmem:s24+$0x2070]  }
0x192: {  	v23 =	vld [tilespmem:s24+$0x3000];
	v12 =	vmax.f32 v12, v20  }
0x193: {  	v20 =	vld [tilespmem:s24+$0xB000];
	v15 =	vmax.f32 v15, v21  }
0x194: {  	v21 =	vld [tilespmem:s24+$0x3010];
	v14 =	vmax.f32 v14, v19  }
0x195: {  	v19 =	vld [tilespmem:s24+$0xB010];
	v17 =	vmax.f32 v17, v18  }
0x196: {  	v18 =	vld [tilespmem:s24+$0x3020];
	v16 =	vmax.f32 v16, v22  }
0x197: {  	v4 =	vmax.f32 v4, v23;
	v22 =	vld [tilespmem:s24+$0xB020]  }
0x198: {  	v5 =	vmax.f32 v5, v20;
	v20 =	vld [tilespmem:s24+$0x3030]  }
0x199: {  	v3 =	vmax.f32 v3, v21;
	v21 =	vld [tilespmem:s24+$0xB030]  }
0x19a: {  	v8 =	vmax.f32 v8, v19;
	v19 =	vld [tilespmem:s24+$0x3040]  }
0x19b: {  	v6 =	vmax.f32 v6, v18;
	v18 =	vld [tilespmem:s24+$0xB040]  }
0x19c: {  	v7 =	vmax.f32 v7, v22;
	v22 =	vld [tilespmem:s24+$0x3050]  }
0x19d: {  	v9 =	vmax.f32 v9, v20;
	v20 =	vld [tilespmem:s24+$0xB050]  }
0x19e: {  	v11 =	vmax.f32 v11, v21;
	v21 =	vld [tilespmem:s24+$0x3060]  }
0x19f: {  	v10 =	vmax.f32 v10, v19;
	v19 =	vld [tilespmem:s24+$0xB060]  }
0x1a0: {  	v13 =	vmax.f32 v13, v18;
	v18 =	vld [tilespmem:s24+$0x3070]  }
0x1a1: {  	v23 =	vld [tilespmem:s24+$0x4000];
	v12 =	vmax.f32 v12, v22  }
0x1a2: {  	v22 =	vld [tilespmem:s24+$0xC000];
	v15 =	vmax.f32 v15, v20  }
0x1a3: {  	v20 =	vld [tilespmem:s24+$0x4010];
	v14 =	vmax.f32 v14, v21  }
0x1a4: {  	v21 =	vld [tilespmem:s24+$0xC010];
	v17 =	vmax.f32 v17, v19  }
0x1a5: {  	v19 =	vld [tilespmem:s24+$0x4020];
	v16 =	vmax.f32 v16, v18  }
0x1a6: {  	v4 =	vmax.f32 v4, v23;
	v18 =	vld [tilespmem:s24+$0xC020]  }
0x1a7: {  	v5 =	vmax.f32 v5, v22;
	v22 =	vld [tilespmem:s24+$0x4030]  }
0x1a8: {  	v3 =	vmax.f32 v3, v20;
	v20 =	vld [tilespmem:s24+$0xC030]  }
0x1a9: {  	v8 =	vmax.f32 v8, v21;
	v21 =	vld [tilespmem:s24+$0x4040]  }
0x1aa: {  	v6 =	vmax.f32 v6, v19;
	v19 =	vld [tilespmem:s24+$0xC040]  }
0x1ab: {  	v7 =	vmax.f32 v7, v18;
	v18 =	vld [tilespmem:s24+$0x4050]  }
0x1ac: {  	v9 =	vmax.f32 v9, v22;
	v22 =	vld [tilespmem:s24+$0xC050]  }
0x1ad: {  	v11 =	vmax.f32 v11, v20;
	v20 =	vld [tilespmem:s24+$0x4060]  }
0x1ae: {  	v10 =	vmax.f32 v10, v21;
	v21 =	vld [tilespmem:s24+$0xC060]  }
0x1af: {  	v13 =	vmax.f32 v13, v19;
	v19 =	vld [tilespmem:s24+$0x4070]  }
0x1b0: {  	v23 =	vld [tilespmem:s24+$0x5000];
	v12 =	vmax.f32 v12, v18  }
0x1b1: {  	v18 =	vld [tilespmem:s24+$0xD000];
	v15 =	vmax.f32 v15, v22  }
0x1b2: {  	v22 =	vld [tilespmem:s24+$0x5010];
	v14 =	vmax.f32 v14, v20  }
0x1b3: {  	v20 =	vld [tilespmem:s24+$0xD010];
	v17 =	vmax.f32 v17, v21  }
0x1b4: {  	v21 =	vld [tilespmem:s24+$0x5020];
	v16 =	vmax.f32 v16, v19  }
0x1b5: {  	v4 =	vmax.f32 v4, v23;
	v19 =	vld [tilespmem:s24+$0xD020]  }
0x1b6: {  	v5 =	vmax.f32 v5, v18;
	v18 =	vld [tilespmem:s24+$0x5030]  }
0x1b7: {  	v3 =	vmax.f32 v3, v22;
	v22 =	vld [tilespmem:s24+$0xD030]  }
0x1b8: {  	v8 =	vmax.f32 v8, v20;
	v20 =	vld [tilespmem:s24+$0x5040]  }
0x1b9: {  	v6 =	vmax.f32 v6, v21;
	v21 =	vld [tilespmem:s24+$0xD040]  }
0x1ba: {  	v7 =	vmax.f32 v7, v19;
	v19 =	vld [tilespmem:s24+$0x5050]  }
0x1bb: {  	v9 =	vmax.f32 v9, v18;
	v18 =	vld [tilespmem:s24+$0xD050]  }
0x1bc: {  	v11 =	vmax.f32 v11, v22;
	v22 =	vld [tilespmem:s24+$0x5060]  }
0x1bd: {  	v10 =	vmax.f32 v10, v20;
	v20 =	vld [tilespmem:s24+$0xD060]  }
0x1be: {  	v13 =	vmax.f32 v13, v21;
	v21 =	vld [tilespmem:s24+$0x5070]  }
0x1bf: {  	v23 =	vld [tilespmem:s24+$0x6000];
	v12 =	vmax.f32 v12, v19  }
0x1c0: {  	v19 =	vld [tilespmem:s24+$0xE000];
	v15 =	vmax.f32 v15, v18  }
0x1c1: {  	v18 =	vld [tilespmem:s24+$0x6010];
	v14 =	vmax.f32 v14, v22  }
0x1c2: {  	v22 =	vld [tilespmem:s24+$0xE010];
	v17 =	vmax.f32 v17, v20  }
0x1c3: {  	v20 =	vld [tilespmem:s24+$0x6020];
	v16 =	vmax.f32 v16, v21  }
0x1c4: {  	v21 =	vmax.f32 v4, v23;
	v4 =	vld [tilespmem:s24+$0xE020]  }
0x1c5: {  	v19 =	vmax.f32 v5, v19;
	v5 =	vld [tilespmem:s24+$0x6030]  }
0x1c6: {  	v18 =	vmax.f32 v3, v18;
	v3 =	vld [tilespmem:s24+$0xE030]  }
0x1c7: {  	v8 =	vmax.f32 v8, v22;
	v22 =	vld [tilespmem:s24+$0x6040]  }
0x1c8: {  	v20 =	vmax.f32 v6, v20;
	v6 =	vld [tilespmem:s24+$0xE040]  }
0x1c9: {  	v7 =	vmax.f32 v7, v4;
	v4 =	vld [tilespmem:s24+$0x6050]  }
0x1ca: {  	v9 =	vmax.f32 v9, v5;
	v5 =	vld [tilespmem:s24+$0xE050]  }
0x1cb: {  	v11 =	vmax.f32 v11, v3;
	v3 =	vld [tilespmem:s24+$0x6060]  }
0x1cc: {  	v10 =	vmax.f32 v10, v22;
	v22 =	vld [tilespmem:s24+$0xE060]  }
0x1cd: {  	v13 =	vmax.f32 v13, v6;
	v23 =	vld [tilespmem:s24+$0x6070]  }
0x1ce: {  	v24 =	vld [tilespmem:s24+$0x7000];
	v25 =	vmax.f32 v12, v4  }
0x1cf: {  	v12 =	vld [tilespmem:s24+$0xF000];
	v6 =	vmax.f32 v15, v5  }
0x1d0: {  	v15 =	vld [tilespmem:s24+$0x7010];
	v4 =	vmax.f32 v14, v3  }
0x1d1: {  	v14 =	vld [tilespmem:s24+$0xF010];
	v5 =	vmax.f32 v17, v22  }
0x1d2: {  	v17 =	vld [tilespmem:s24+$0x7020];
	v3 =	vmax.f32 v16, v23  }
0x1d3: {  	v16 =	vmax.f32 v21, v24;
	v21 =	vld [tilespmem:s24+$0xF020]  }
0x1d4: {  	v12 =	vmax.f32 v19, v12;
	[tilespmem:s24+$0x1C000] =	vst v16;
	v16 =	vld [tilespmem:s24+$0x7030]  }
0x1d5: {  	[tilespmem:s24+$0x1D000] =	vst v12;
	v12 =	vmax.f32 v18, v15;
	v15 =	vld [tilespmem:s24+$0xF030]  }
0x1d6: {  	v8 =	vmax.f32 v8, v14;
	[tilespmem:s24+$0x1C010] =	vst v12;
	v14 =	vld [tilespmem:s24+$0x7040]  }
0x1d7: {  	[tilespmem:s24+$0x1D010] =	vst v8;
	v8 =	vmax.f32 v20, v17;
	v17 =	vld [tilespmem:s24+$0xF040]  }
0x1d8: {  	v7 =	vmax.f32 v7, v21;
	[tilespmem:s24+$0x1C020] =	vst v8;
	v18 =	vld [tilespmem:s24+$0x7050]  }
.Ltmp3:
0x1d9: {  	[tilespmem:s24+$0x1D020] =	vst v7;
	v7 =	vmax.f32 v9, v16;
	v12 =	vld [tilespmem:s24+$0xF050];
	(pc) =	sbr.rel @p0 .LBB2_9-.Ltmp3, $4  }
0x1da: {  	v8 =	vmax.f32 v11, v15;
	[tilespmem:s24+$0x1C030] =	vst v7;
	v7 =	vld [tilespmem:s24+$0x7060]  }
0x1db: {  	[tilespmem:s24+$0x1D030] =	vst v8;
	v9 =	vmax.f32 v10, v14;
	v8 =	vld [tilespmem:s24+$0xF060]  }
0x1dc: {  	s26 =	sshra.s32 s25, $0x2;
	v11 =	vmax.f32 v13, v17;
	[tilespmem:s24+$0x1C040] =	vst v9;
	v10 =	vld [tilespmem:s24+$0x7070]  }
0x1dd: {  	s25 =	sadd.s32 $0x200, s25;
	v9 =	vld [tilespmem:s26+$0x8070];
	[tilespmem:s24+$0x1D040] =	vst v11;
	v11 =	vmax.f32 v25, v18  }
0x1de: {  	v13 =	vld [tilespmem:s26+$0x9070];
	[tilespmem:s24+$0x1C050] =	vst v11;
	v6 =	vmax.f32 v6, v12  }
0x1df: {  	v11 =	vld [tilespmem:s26+$0xA070];
	[tilespmem:s24+$0x1D050] =	vst v6;
	v4 =	vmax.f32 v4, v7  }
0x1e0: {  	v6 =	vld [tilespmem:s26+$0xB070];
	[tilespmem:s24+$0x1C060] =	vst v4;
	v37 =	vmax.f32 v5, v8  }
0x1e1: {  	v38 =	vld [tilespmem:s26+$0xC070];
	[tilespmem:s24+$0x1D060] =	vst v37;
	v3 =	vmax.f32 v3, v10  }
0x1e2: {  	v4 =	vld [tilespmem:s26+$0xD070];
	[tilespmem:s24+$0x1C070] =	vst v3  }
0x1e3: {  	v3 =	vld [tilespmem:s26+$0xE070];
	v39 =	vmax.f32 v9, v13  }
0x1e4: {  	v40 =	vld [tilespmem:s26+$0xF070];
	v7 =	vmax.f32 v39, v11  }
0x1e5: {  	v6 =	vmax.f32 v7, v6  }
0x1e6: {  	v5 =	vmax.f32 v6, v38  }
0x1e7: {  	v4 =	vmax.f32 v5, v4  }
0x1e8: {  	v3 =	vmax.f32 v4, v3  }
0x1e9: {  	v3 =	vmax.f32 v3, v40  }
0x1ea: {  	[tilespmem:s26+$0x1D070] =	vst v3;
	v3 =	vld [tilespmem:s26+$0x3010];
	_ =	sdelay $0x4  }
0x1eb: {  	[tilespmem:$0x1FB60] =	vst v3;
	v3 =	vld [tilespmem:s26+$0xB010];
	_ =	sdelay $0x4  }
0x1ec: {  	[tilespmem:$0x1FB70] =	vst v3;
	v3 =	vld [tilespmem:s26+$0x3020];
	_ =	sdelay $0x4  }
0x1ed: {  	[tilespmem:$0x1FB80] =	vst v3;
	v3 =	vld [tilespmem:s26+$0xB020];
	_ =	sdelay $0x4  }
0x1ee: {  	[tilespmem:$0x1FB90] =	vst v3;
	v3 =	vld [tilespmem:s26+$0x3030];
	_ =	sdelay $0x4  }
0x1ef: {  	[tilespmem:$0x1FBA0] =	vst v3;
	v3 =	vld [tilespmem:s26+$0xB030];
	_ =	sdelay $0x4  }
0x1f0: {  	[tilespmem:$0x1FBB0] =	vst v3;
	v3 =	vld [tilespmem:s26+$0x3040];
	_ =	sdelay $0x4  }
0x1f1: {  	[tilespmem:$0x1FBD0] =	vst v3;
	v3 =	vld [tilespmem:s26+$0xB040];
	_ =	sdelay $0x4  }
0x1f2: {  	[tilespmem:$0x1FBE0] =	vst v3;
	v3 =	vld [tilespmem:s26+$0x3050];
	_ =	sdelay $0x4  }
0x1f3: {  	[tilespmem:$0x1FC00] =	vst v3;
	v3 =	vld [tilespmem:s26+$0xB050];
	_ =	sdelay $0x4  }
0x1f4: {  	[tilespmem:$0x1FC20] =	vst v3;
	v3 =	vld [tilespmem:s26+$0x3060];
	_ =	sdelay $0x4  }
0x1f5: {  	[tilespmem:$0x1FC40] =	vst v3;
	v3 =	vld [tilespmem:s26+$0xB060];
	_ =	sdelay $0x4  }
0x1f6: {  	[tilespmem:$0x1FC60] =	vst v3;
	v3 =	vld [tilespmem:s26+$0x3070];
	_ =	sdelay $0x4  }
0x1f7: {  	[tilespmem:$0x1FC80] =	vst v3;
	v3 =	vld [tilespmem:s26+$0x4020];
	_ =	sdelay $0x4  }
0x1f8: {  	[tilespmem:$0x1FBC0] =	vst v3;
	v3 =	vld [tilespmem:s26+$0xC020];
	_ =	sdelay $0x4  }
0x1f9: {  	[tilespmem:$0x1FBF0] =	vst v3;
	v3 =	vld [tilespmem:s26+$0x4030];
	_ =	sdelay $0x4  }
0x1fa: {  	[tilespmem:$0x1FC30] =	vst v3;
	v3 =	vld [tilespmem:s26+$0xC030]  }
0x1fb: {  	v41 =	vld [tilespmem:s26+$0x0]  }
0x1fc: {  	v42 =	vld [tilespmem:s26+$0x8000]  }
0x1fd: {  	v21 =	vld [tilespmem:s26+$0x1000]  }
0x1fe: {  	v43 =	vld [tilespmem:s26+$0x9000]  }
0x1ff: {  	[tilespmem:$0x1FC70] =	vst v3;
	v3 =	vld [tilespmem:s26+$0x4040]  }
0x200: {  	v44 =	vld [tilespmem:s26+$0x10]  }
0x201: {  	v23 =	vld [tilespmem:s26+$0x8010]  }
0x202: {  	v24 =	vld [tilespmem:s26+$0x1010]  }
0x203: {  	v25 =	vld [tilespmem:s26+$0x9010]  }
0x204: {  	[tilespmem:$0x1FCA0] =	vst v3;
	v3 =	vld [tilespmem:s26+$0xC040]  }
0x205: {  	v26 =	vld [tilespmem:s26+$0x20]  }
0x206: {  	v27 =	vld [tilespmem:s26+$0x8020]  }
0x207: {  	v28 =	vld [tilespmem:s26+$0x1020]  }
0x208: {  	v29 =	vld [tilespmem:s26+$0x9020]  }
0x209: {  	[tilespmem:$0x1FCB0] =	vst v3;
	v3 =	vld [tilespmem:s26+$0x4050]  }
0x20a: {  	v30 =	vld [tilespmem:s26+$0x30]  }
0x20b: {  	v31 =	vld [tilespmem:s26+$0x8030]  }
0x20c: {  	v32 =	vld [tilespmem:s26+$0x1030]  }
0x20d: {  	v33 =	vld [tilespmem:s26+$0x9030]  }
0x20e: {  	[tilespmem:$0x1FCD0] =	vst v3;
	v3 =	vld [tilespmem:s26+$0xC050]  }
0x20f: {  	v34 =	vld [tilespmem:s26+$0x40]  }
0x210: {  	v35 =	vld [tilespmem:s26+$0x8040]  }
0x211: {  	v36 =	vld [tilespmem:s26+$0x1040]  }
0x212: {  	v37 =	vld [tilespmem:s26+$0x9040]  }
0x213: {  	[tilespmem:$0x1FCF0] =	vst v3;
	v3 =	vld [tilespmem:s26+$0x4060]  }
0x214: {  	v45 =	vld [tilespmem:s26+$0x9060]  }
0x215: {  	v46 =	vld [tilespmem:s26+$0x70]  }
0x216: {  	v47 =	vld [tilespmem:s26+$0x1070]  }
0x217: {  	v48 =	vld [tilespmem:s26+$0x2000]  }
0x218: {  	[tilespmem:$0x1FD00] =	vst v3;
	v3 =	vld [tilespmem:s26+$0xC060]  }
0x219: {  	v49 =	vld [tilespmem:s26+$0xA000]  }
0x21a: {  	v50 =	vld [tilespmem:s26+$0x2010]  }
0x21b: {  	v51 =	vld [tilespmem:s26+$0xA010]  }
0x21c: {  	v52 =	vld [tilespmem:s26+$0x2020]  }
0x21d: {  	[tilespmem:$0x1FD10] =	vst v3;
	v3 =	vld [tilespmem:s26+$0x4070]  }
0x21e: {  	v53 =	vld [tilespmem:s26+$0xA020]  }
0x21f: {  	v54 =	vld [tilespmem:s26+$0x2030]  }
0x220: {  	v55 =	vld [tilespmem:s26+$0xA030]  }
0x221: {  	v56 =	vld [tilespmem:s26+$0x2040]  }
0x222: {  	[tilespmem:$0x1FD30] =	vst v3;
	v3 =	vld [tilespmem:s26+$0xD020]  }
0x223: {  	v57 =	vld [tilespmem:s26+$0xA040]  }
0x224: {  	v58 =	vld [tilespmem:s26+$0x2050]  }
0x225: {  	v59 =	vld [tilespmem:s26+$0xA050]  }
0x226: {  	v60 =	vld [tilespmem:s26+$0x2060]  }
0x227: {  	[tilespmem:$0x1FC10] =	vst v3;
	v3 =	vld [tilespmem:s26+$0x5030]  }
0x228: {  	v61 =	vld [tilespmem:s26+$0xA060]  }
0x229: {  	v62 =	vld [tilespmem:s26+$0x2070]  }
0x22a: {  	v63 =	vld [tilespmem:s26+$0x3000]  }
0x22b: {  	v18 =	vld [tilespmem:s26+$0xB000]  }
0x22c: {  	[tilespmem:$0x1FC50] =	vst v3;
	v3 =	vld [tilespmem:s26+$0xD030]  }
0x22d: {  	v10 =	vld [tilespmem:s26+$0x4000]  }
0x22e: {  	v13 =	vld [tilespmem:s26+$0xC000]  }
0x22f: {  	v16 =	vld [tilespmem:s26+$0x4010]  }
0x230: {  	v20 =	vld [tilespmem:s26+$0xC010]  }
0x231: {  	[tilespmem:$0x1FC90] =	vst v3;
	v3 =	vld [tilespmem:s26+$0x5040]  }
0x232: {  	v8 =	vld [tilespmem:s26+$0xD000]  }
0x233: {  	v14 =	vld [tilespmem:s26+$0xD010]  }
0x234: {  	v17 =	vld [tilespmem:s26+$0x5020]  }
0x235: {  	v9 =	vld [tilespmem:s26+$0xE010]  }
0x236: {  	[tilespmem:$0x1FCE0] =	vst v3;
	v3 =	vld [tilespmem:s26+$0xD040]  }
0x237: {  	v12 =	vld [tilespmem:s26+$0x6020]  }
0x238: {  	v15 =	vld [tilespmem:s26+$0xE020]  }
0x239: {  	v19 =	vld [tilespmem:s26+$0x6030]  }
0x23a: {  	v39 =	vld [tilespmem:s26+$0x8050]  }
0x23b: {  	[tilespmem:$0x1FD20] =	vst v3;
	v3 =	vld [tilespmem:s26+$0x5050]  }
0x23c: {  	v11 =	vld [tilespmem:s26+$0x5010]  }
0x23d: {  	v7 =	vld [tilespmem:s26+$0x6010]  }
0x23e: {  	v38 =	vld [tilespmem:s26+$0x50]  }
0x23f: {  	v6 =	vld [tilespmem:s26+$0x5000]  }
0x240: {  	[tilespmem:$0x1FD40] =	vst v3;
	v3 =	vld [tilespmem:s26+$0xD050]  }
0x241: {  	v5 =	vld [tilespmem:s26+$0xE000]  }
0x242: {  	[tilespmem:$0x1FB20] =	vst v41;
	v41 =	vld [tilespmem:s26+$0x9050]  }
0x243: {  	[tilespmem:$0x1FB30] =	vst v42;
	v42 =	vld [tilespmem:s26+$0x60]  }
0x244: {  	[tilespmem:$0x1FB40] =	vst v43;
	v43 =	vld [tilespmem:s26+$0x8060]  }
0x245: {  	[tilespmem:$0x1FD50] =	vst v3;
	v3 =	vld [tilespmem:s26+$0x5060]  }
0x246: {  	[tilespmem:$0x1FB50] =	vst v44;
	v44 =	vld [tilespmem:s26+$0x1060]  }
0x247: {  	v4 =	vld [tilespmem:s26+$0x6000]  }
0x248: {  	v23 =	vmax.f32 v23, v25;
	v25 =	vmax.f32 v26, v28;
	v26 =	vmax.f32 v27, v29;
	v27 =	vld [tilespmem:s26+$0xE040]  }
0x249: {  	v29 =	vmax.f32 v31, v33;
	v31 =	vld [tilespmem:s26+$0x6050]  }
0x24a: {  	[tilespmem:$0x1FD60] =	vst v3;
	v3 =	vld [tilespmem:s26+$0xD060]  }
0x24b: {  	v28 =	vmax.f32 v30, v32;
	v32 =	vmax.f32 v35, v37;
	v35 =	vld [tilespmem:s26+$0xE050]  }
0x24c: {  	v40 =	vld [tilespmem:s26+$0x1050]  }
0x24d: {  	v22 =	vld [tilespmem:$0x1FB40]  }
0x24e: {  	v23 =	vmax.f32 v23, v51;
	v51 =	vld [tilespmem:s26+$0x7020]  }
0x24f: {  	[tilespmem:$0x1FD70] =	vst v3;
	v3 =	vld [tilespmem:s26+$0x5070]  }
0x250: {  	v30 =	vmax.f32 v34, v36;
	v26 =	vmax.f32 v26, v53;
	v53 =	vld [tilespmem:s26+$0xF020]  }
0x251: {  	v30 =	vmax.f32 v30, v56;
	v56 =	vld [tilespmem:s26+$0x7030]  }
0x252: {  	v34 =	vmax.f32 v39, v41;
	v39 =	vld [tilespmem:s26+$0x6060]  }
0x253: {  	v41 =	vld [tilespmem:s26+$0x6070]  }
0x254: {  	[tilespmem:$0x1FD80] =	vst v3;
	v3 =	vld [tilespmem:s26+$0xE030]  }
0x255: {  	v37 =	vmax.f32 v43, v45;
	v45 =	vmax.f32 v46, v47;
	v46 =	vld [tilespmem:s26+$0x7000]  }
0x256: {  	v47 =	vld [tilespmem:s26+$0xF000]  }
0x257: {  	v33 =	vmax.f32 v38, v40;
	v40 =	vld [tilespmem:s26+$0xE060]  }
0x258: {  	v37 =	vmax.f32 v37, v61;
	v61 =	vld [tilespmem:s26+$0xF030]  }
0x259: {  	[tilespmem:$0x1FCC0] =	vst v3;
	v3 =	vld [tilespmem:$0x1FB20]  }
0x25a: {  	v25 =	vmax.f32 v25, v52;
	v52 =	vld [tilespmem:$0x1FB60]  }
0x25b: {  	v28 =	vmax.f32 v28, v54;
	v54 =	vld [tilespmem:$0x1FB70]  }
0x25c: {  	v32 =	vmax.f32 v32, v57;
	v57 =	vld [tilespmem:$0x1FB90]  }
0x25d: {  	v34 =	vmax.f32 v34, v59;
	v59 =	vld [tilespmem:$0x1FBA0]  }
0x25e: {  	v3 =	vmax.f32 v3, v21;
	v21 =	vld [tilespmem:$0x1FB30]  }
0x25f: {  	v38 =	vld [tilespmem:$0x1FC80]  }
0x260: {  	v36 =	vmax.f32 v42, v44;
	v44 =	vld [tilespmem:$0x1FCA0]  }
0x261: {  	v42 =	vld [tilespmem:$0x1FC90];
	v3 =	vmax.f32 v3, v48  }
0x262: {  	v48 =	vld [tilespmem:s26+$0x7010];
	v3 =	vmax.f32 v3, v63  }
0x263: {  	v3 =	vmax.f32 v3, v10;
	v21 =	vmax.f32 v21, v22;
	v22 =	vld [tilespmem:$0x1FB50]  }
0x264: {  	v63 =	vld [tilespmem:$0x1FBC0];
	v3 =	vmax.f32 v3, v6  }
0x265: {  	v3 =	vmax.f32 v3, v4;
	v21 =	vmax.f32 v21, v49;
	v49 =	vld [tilespmem:s26+$0xF010]  }
0x266: {  	v3 =	vmax.f32 v3, v46;
	v46 =	vld [tilespmem:$0x1FCC0]  }
0x267: {  	v18 =	vmax.f32 v21, v18;
	[tilespmem:s26+$0x1C000] =	vst v3;
	v3 =	vld [tilespmem:$0x1FB80]  }
0x268: {  	v13 =	vmax.f32 v18, v13;
	v22 =	vmax.f32 v22, v24;
	v24 =	vld [tilespmem:s26+$0x6040]  }
0x269: {  	v8 =	vmax.f32 v13, v8;
	v22 =	vmax.f32 v22, v50;
	v50 =	vmax.f32 v45, v62;
	v62 =	vld [tilespmem:$0x1FBB0]  }
0x26a: {  	v5 =	vmax.f32 v8, v5;
	v45 =	vld [tilespmem:$0x1FCB0]  }
0x26b: {  	v5 =	vmax.f32 v5, v47;
	v47 =	vld [tilespmem:$0x1FCD0]  }
0x26c: {  	v18 =	vmax.f32 v22, v52;
	v22 =	vmax.f32 v23, v54;
	v23 =	vld [tilespmem:$0x1FBE0]  }
0x26d: {  	v3 =	vmax.f32 v25, v3;
	v25 =	vld [tilespmem:$0x1FBF0]  }
0x26e: {  	[tilespmem:s26+$0x1D000] =	vst v5;
	v5 =	vmax.f32 v28, v59;
	v28 =	vld [tilespmem:$0x1FC10]  }
0x26f: {  	v52 =	vld [tilespmem:$0x1FD00]  }
0x270: {  	v54 =	vld [tilespmem:$0x1FD20]  }
0x271: {  	v59 =	vld [tilespmem:s26+$0x7070]  }
0x272: {  	v33 =	vmax.f32 v33, v58;
	v58 =	vmax.f32 v22, v20;
	v20 =	vld [tilespmem:$0x1FBD0]  }
0x273: {  	v29 =	vmax.f32 v29, v55;
	v16 =	vmax.f32 v18, v16;
	v3 =	vmax.f32 v3, v63;
	v22 =	vld [tilespmem:s26+$0x7040]  }
0x274: {  	v55 =	vmax.f32 v16, v11;
	v16 =	vmax.f32 v26, v57;
	v3 =	vmax.f32 v3, v17;
	v26 =	vld [tilespmem:$0x1FC00]  }
0x275: {  	v36 =	vmax.f32 v36, v60;
	v63 =	vld [tilespmem:$0x1FD80];
	v60 =	vmax.f32 v58, v14;
	v3 =	vmax.f32 v3, v12  }
0x276: {  	v8 =	vmax.f32 v60, v9;
	v60 =	vld [tilespmem:$0x1FD60];
	v3 =	vmax.f32 v3, v51  }
0x277: {  	[tilespmem:s26+$0x1C020] =	vst v3;
	v3 =	vld [tilespmem:$0x1FC40]  }
0x278: {  	v6 =	vmax.f32 v8, v49;
	v9 =	vmax.f32 v32, v23;
	v32 =	vld [tilespmem:$0x1FC30]  }
0x279: {  	[tilespmem:s26+$0x1D010] =	vst v6;
	v6 =	vmax.f32 v33, v26;
	v33 =	vld [tilespmem:$0x1FC50]  }
0x27a: {  	v7 =	vmax.f32 v55, v7;
	v14 =	vmax.f32 v29, v62;
	v29 =	vld [tilespmem:s26+$0xF040]  }
0x27b: {  	v7 =	vmax.f32 v7, v48;
	v48 =	vld [tilespmem:$0x1FCE0];
	v16 =	vmax.f32 v16, v25  }
0x27c: {  	v12 =	vmax.f32 v16, v28;
	v3 =	vmax.f32 v36, v3;
	v36 =	vld [tilespmem:$0x1FC60]  }
0x27d: {  	[tilespmem:s26+$0x1C010] =	vst v7;
	v7 =	vmax.f32 v30, v20;
	v30 =	vld [tilespmem:$0x1FC20];
	v12 =	vmax.f32 v12, v15;
	v5 =	vmax.f32 v5, v32  }
0x27e: {  	v12 =	vmax.f32 v12, v53;
	v53 =	vld [tilespmem:$0x1FD10];
	v5 =	vmax.f32 v5, v33  }
0x27f: {  	[tilespmem:s26+$0x1D020] =	vst v12;
	v12 =	vmax.f32 v50, v38;
	v50 =	vld [tilespmem:s26+$0x7060];
	v5 =	vmax.f32 v5, v19  }
0x280: {  	v9 =	vmax.f32 v9, v45;
	v5 =	vmax.f32 v5, v56;
	v56 =	vld [tilespmem:$0x1FD30]  }
0x281: {  	v9 =	vmax.f32 v9, v54;
	v15 =	vmax.f32 v37, v36;
	v37 =	vld [tilespmem:$0x1FC70]  }
0x282: {  	v57 =	vld [tilespmem:$0x1FD40];
	v9 =	vmax.f32 v9, v27;
	v3 =	vmax.f32 v3, v52  }
0x283: {  	v51 =	vld [tilespmem:$0x1FCF0];
	v7 =	vmax.f32 v7, v44;
	v4 =	vmax.f32 v9, v29;
	v3 =	vmax.f32 v3, v60  }
0x284: {  	v62 =	vld [tilespmem:$0x1FD70];
	v3 =	vmax.f32 v3, v39;
	[tilespmem:s26+$0x1C030] =	vst v5;
	v5 =	vmax.f32 v6, v47;
	v6 =	vmax.f32 v7, v48  }
0x285: {  	v16 =	vmax.f32 v34, v30;
	v34 =	vld [tilespmem:s26+$0x7050];
	v3 =	vmax.f32 v3, v50;
	v6 =	vmax.f32 v6, v24  }
0x286: {  	v58 =	vld [tilespmem:$0x1FD50];
	v7 =	vmax.f32 v15, v53;
	v12 =	vmax.f32 v12, v56;
	v14 =	vmax.f32 v14, v37  }
0x287: {  	v55 =	vld [tilespmem:s26+$0xF060];
	[tilespmem:s26+$0x1D040] =	vst v4;
	v5 =	vmax.f32 v5, v57;
	v4 =	vmax.f32 v12, v63;
	v14 =	vmax.f32 v14, v42  }
0x288: {  	v43 =	vld [tilespmem:s26+$0xF050];
	[tilespmem:s26+$0x1C060] =	vst v3;
	v6 =	vmax.f32 v6, v22;
	v4 =	vmax.f32 v4, v41;
	v14 =	vmax.f32 v14, v46  }
0x289: {  	v5 =	vmax.f32 v5, v31;
	[tilespmem:s26+$0x1C040] =	vst v6;
	v3 =	vmax.f32 v4, v59;
	v49 =	vmax.f32 v14, v61  }
0x28a: {  	s0 =	sshll.u32 s23, $0x12;
	v14 =	vmax.f32 v16, v51;
	v61 =	vmax.f32 v5, v34;
	v5 =	vmax.f32 v7, v62;
	[tilespmem:s26+$0x1C070] =	vst v3  }
0x28b: {  	s0 =	sor.u32 s0, s9;
	[tilespmem:s26+$0x1D030] =	vst v49;
	v6 =	vmax.f32 v14, v58;
	v5 =	vmax.f32 v5, v40  }
0x28c: {  	s0 =	sor.u32 s4, s0;
	[tilespmem:s26+$0x1C050] =	vst v61;
	v6 =	vmax.f32 v6, v35;
	v5 =	vmax.f32 v5, v55  }
0x28d: {  	s0 =	sshrl.u32 s0, $0x3;
	v6 =	vmax.f32 v6, v43;
	[tilespmem:s26+$0x1D060] =	vst v5  }
0x28e: {  	s0 =	sadd.s32 s2, s0;
	[tilespmem:s26+$0x1D050] =	vst v6  }
0x28f: {  	[hbm4b:s0+s11] =	stream.strided.scatter [tilespmem:s19], [sflag:$0x3], $0x1000, s18, s11, $0x38;
	[tilespmem:$0x1E000] =	vst v63  }
0x290: {  	s23 =	sadd.s32 $0x1, s23;
	_ =	swait.ge [sflag:s20], $0x1000  }
0x291: {  	p0 =	sne.s32 s23, $0x10;
	[sflag:s20] =	ssyncset.done $0x0  }
.Ltmp4:
0x292: {  	s0 =	sadd.s32 $0x10, s0;
	[sflag:s20] =	ssyncadd.s32 $0xFFFFF000;
	(pc) =	sbr.rel @p0 .LBB2_2-.Ltmp4, $4  }
0x293: {  	[hbm4b:s0+s11] =	stream.strided.scatter [tilespmem:s21], [sflag:$0x3], $0x1000, s18, s11, $0x38;
	[tilespmem:$0x1E000] =	vst v63  }
0x294: {  	_ =	swait.ge [sflag:s20], $0x1000  }
0x295: {  	[sflag:s20] =	ssyncset.done $0x0  }
0x296: {  	[sflag:s20] =	ssyncadd.s32 $0xFFFFF000  }
0x297: {  	s22 =	sadd.s32 $0x1, s22  }
0x298: {  	p0 =	sne.s32 s22, s10  }
.Ltmp5:
0x299: {  	_ = 	snop;
	(pc) =	sbr.rel @p0 .LBB2_1-.Ltmp5, $1  }
0x29a: {  	_ =	sdelay $0x3  }
0x29b: {  	_ =	sfence.sel $0x180000  }
0x29c: {  	[bflag:$0x0] =	sbarrier.arrive $0xFFFF  }
0x29d: {  	_ =	strace $0x9000004A  }
0x29e: {  	s0 =	stileid.u32;
	[bflag:$0x2] =	sbarrier.arrive $0xFFFF  }
0x29f: {  	p0 =	sne.s32 s0, $0x0;
	s0 =	rddreg [dreg:$0x2]  }
0x2a0: {  	s0 =	sadd.s32 @!p0 $0x100000, s0  }
0x2a1: {  	[sflag:s0] =	ssyncadd.tile.s32 @!p0 $0x1;
	_ =	shalt  }
.Lfunc_end2:
_tile_overlayer_lowered:
.L_overlay_start_2:
0x2a2: {  	(tag) =	ssettag $0x2  }
0x2a3: {  	s0 =	rddreg [dreg:$0x0];
	s2 =	stileid.u32  }
0x2a4: {  	s1 =	rddreg [dreg:$0x1];
	p0 =	sne.s32 s2, $0x0  }
0x2a5: {  	s3 =	rddreg [dreg:$0x2];
	[bflag:$0x3] =	sbarrier.arrive $0xFFFF;
	s2 =	simm.s32 @!p0 $0x1C03  }
0x2a6: {  	[timem:s3], [sflag:s2] =	dma.local @!p0 [hbm:s0], s1  }
0x2a7: {  	s0 =	simm.s32 @!p0 $0x3  }
0x2a8: {  	_ =	swait.ge @!p0 [sflag:s0], s1  }
0x2a9: {  	s1 =	ssub.s32 @!p0 $0x0, s1;
	[sflag:s0] =	ssyncset.done @!p0 $0x0  }
0x2aa: {  	[sflag:s0] =	ssyncadd.s32 @!p0 s1  }
0x2ab: {  	[bflag:$0x3] =	sbarrier.arrive $0xFFFF  }
0x2ac: {  	_ =	shalt  }

</sc_bundles>
